<compile_context>
chip_gen: v7x
topology: tpu7x:2x2x1
jax: 0.10.2.dev20260603
libtpu: 0.0.44.dev20260713+nightly
codegen_flags: <defaults>
</compile_context>

<pallas_src>
import functools

import jax
import jax.numpy as jnp
from jax import lax
from jax.experimental import pallas as pl
from jax.experimental.pallas import tpu as pltpu
from jax.experimental.pallas import tpu_sc as plsc

N = 10000
E = 320000
D = 128
NUM_REL = 10
NUM_LAYERS = 3
NUM_HEADS = 4
HEAD_DIM = D // NUM_HEADS

NC = 2
NS = 16
NW = NC * NS
CHUNK = 128
EPW = 10240
EPAD = NW * EPW
NPAD = 10112
BM = 2000


def _ln(x, g, b):
    m = jnp.mean(x, axis=-1, keepdims=True)
    v = jnp.mean((x - m) ** 2, axis=-1, keepdims=True)
    return (x - m) * lax.rsqrt(v + 1e-5) * g + b



def _transform(x, rW_ref, rb_ref, sW_ref, sb_ref, h_ref, self_ref):
    for r in range(NUM_REL):
        h_ref[r] = (
            jnp.dot(x, rW_ref[r], preferred_element_type=jnp.float32)
            + rb_ref[r][None, :]
        )
    self_ref[...] = (
        jnp.dot(x, sW_ref[...], preferred_element_type=jnp.float32)
        + sb_ref[0][None, :]
    )


def _t0_body(types_ref, nemb_ref, temb_ref, rW_ref, rb_ref, sW_ref, sb_ref,
             h_ref, self_ref):
    t = types_ref[0]
    x = nemb_ref[...]
    for tt in range(10):
        row = temb_ref[tt][None, :]
        x = x + jnp.where(t == tt, 1.0, 0.0) * row
    _transform(x, rW_ref, rb_ref, sW_ref, sb_ref, h_ref, self_ref)


def _t0(node_types, node_emb, type_emb, rW, rb, sW, sb):
    types3 = node_types.astype(jnp.int32).reshape(N // BM, BM, 1)
    h, self_out = pl.pallas_call(
        _t0_body,
        grid=(N // BM,),
        in_specs=[
            pl.BlockSpec((1, BM, 1), lambda i: (i, 0, 0)),
            pl.BlockSpec((BM, D), lambda i: (i, 0)),
            pl.BlockSpec((10, D), lambda i: (0, 0)),
            pl.BlockSpec((NUM_REL, D, D), lambda i: (0, 0, 0)),
            pl.BlockSpec((NUM_REL, D), lambda i: (0, 0)),
            pl.BlockSpec((D, D), lambda i: (0, 0)),
            pl.BlockSpec((1, D), lambda i: (0, 0)),
        ],
        out_specs=[
            pl.BlockSpec((NUM_REL, BM, D), lambda i: (0, i, 0)),
            pl.BlockSpec((BM, D), lambda i: (i, 0)),
        ],
        out_shape=[
            jax.ShapeDtypeStruct((NUM_REL, N, D), jnp.float32),
            jax.ShapeDtypeStruct((N, D), jnp.float32),
        ],
    )(types3, node_emb, type_emb, rW, rb, sW.reshape(D, D), sb.reshape(1, D))
    return h.reshape(NUM_REL * N, D), self_out


def _cidx_body(rel_ref, src_ref, out_ref):
    out_ref[...] = rel_ref[...] * N + src_ref[...]


def _make_cidx(rel_p, src_p):
    rel2 = rel_p.reshape(EPAD // 128, 128)
    src2 = src_p.reshape(EPAD // 128, 128)
    return pl.pallas_call(
        _cidx_body,
        in_specs=[pl.BlockSpec(rel2.shape, lambda: (0, 0)),
                  pl.BlockSpec(src2.shape, lambda: (0, 0))],
        out_specs=pl.BlockSpec(rel2.shape, lambda: (0, 0)),
        out_shape=jax.ShapeDtypeStruct(rel2.shape, jnp.int32),
    )(rel2, src2)


def _post_val(s_ref, p_ref, xp, g1_ref, b1_ref, g2_ref, b2_ref):
    out = s_ref[...] + p_ref[0] + p_ref[1]
    h = jnp.maximum(_ln(out, g1_ref[...], b1_ref[...]), 0.0)
    if xp is not None:
        h = h + xp
    return _ln(h, g2_ref[...], b2_ref[...])


def _fmid_body_resid(s_ref, p_ref, xp_ref, g1_ref, b1_ref, g2_ref, b2_ref,
                     rW_ref, rb_ref, sW_ref, sb_ref, x_ref, h_ref, self_ref):
    x = _post_val(s_ref, p_ref, xp_ref[...], g1_ref, b1_ref, g2_ref, b2_ref)
    x_ref[...] = x
    _transform(x, rW_ref, rb_ref, sW_ref, sb_ref, h_ref, self_ref)


def _fmid_body_noresid(s_ref, p_ref, g1_ref, b1_ref, g2_ref, b2_ref,
                       rW_ref, rb_ref, sW_ref, sb_ref, x_ref, h_ref,
                       self_ref):
    x = _post_val(s_ref, p_ref, None, g1_ref, b1_ref, g2_ref, b2_ref)
    x_ref[...] = x
    _transform(x, rW_ref, rb_ref, sW_ref, sb_ref, h_ref, self_ref)


def _fmid(self_out, parts, x_prev, g1, b1, g2, b2, rW, rb, sW, sb,
          with_resid):
    row = pl.BlockSpec((BM, D), lambda i: (i, 0))
    pspec = pl.BlockSpec((NC, BM, D), lambda i: (0, i, 0))
    vec = pl.BlockSpec((1, D), lambda i: (0, 0))
    if with_resid:
        body = _fmid_body_resid
        ops = [self_out, parts, x_prev]
        specs = [row, pspec, row]
    else:
        body = _fmid_body_noresid
        ops = [self_out, parts]
        specs = [row, pspec]
    wspecs = [
        pl.BlockSpec((NUM_REL, D, D), lambda i: (0, 0, 0)),
        pl.BlockSpec((NUM_REL, D), lambda i: (0, 0)),
        pl.BlockSpec((D, D), lambda i: (0, 0)),
        pl.BlockSpec((1, D), lambda i: (0, 0)),
    ]
    x, h, self_o = pl.pallas_call(
        body,
        grid=(N // BM,),
        in_specs=specs + [vec] * 4 + wspecs,
        out_specs=[
            row,
            pl.BlockSpec((NUM_REL, BM, D), lambda i: (0, i, 0)),
            row,
        ],
        out_shape=[
            jax.ShapeDtypeStruct((N, D), jnp.float32),
            jax.ShapeDtypeStruct((NUM_REL, N, D), jnp.float32),
            jax.ShapeDtypeStruct((N, D), jnp.float32),
        ],
    )(*ops, g1.reshape(1, D), b1.reshape(1, D), g2.reshape(1, D),
      b2.reshape(1, D), rW, rb, sW.reshape(D, D), sb.reshape(1, D))
    return x, h.reshape(NUM_REL * N, D), self_o


def _proj_body(x_ref, qW_ref, qb_ref, kW_ref, kb_ref, vW_ref, vb_ref,
               q_ref, k_ref, v_ref):
    x = x_ref[...]
    q_ref[...] = jnp.dot(x, qW_ref[...],
                         preferred_element_type=jnp.float32) + qb_ref[...]
    k_ref[...] = jnp.dot(x, kW_ref[...],
                         preferred_element_type=jnp.float32) + kb_ref[...]
    v_ref[...] = jnp.dot(x, vW_ref[...],
                         preferred_element_type=jnp.float32) + vb_ref[...]


def _proj(x, qW, qb, kW, kb, vW, vb):
    row = pl.BlockSpec((BM, D), lambda i: (i, 0))
    mat = pl.BlockSpec((D, D), lambda i: (0, 0))
    vec = pl.BlockSpec((1, D), lambda i: (0, 0))
    return pl.pallas_call(
        _proj_body,
        grid=(N // BM,),
        in_specs=[row, mat, vec, mat, vec, mat, vec],
        out_specs=[row, row, row],
        out_shape=[jax.ShapeDtypeStruct((N, D), jnp.float32)] * 3,
    )(x, qW, qb.reshape(1, D), kW, kb.reshape(1, D), vW, vb.reshape(1, D))


def _readout_body(s_ref, p_ref, x2_ref, q1_ref, k1_ref, v1_ref, q2_ref,
                  k2_ref, v2_ref, g1_ref, b1_ref, g2_ref,
                  b2_ref, qW_ref, qb_ref, kW_ref, kb_ref,
                  vW_ref, vb_ref, oW_ref, ob_ref, p1W_ref, p1b_ref, lg_ref,
                  lb_ref, p2W_ref, p2b_ref, out_ref):
    x3 = _post_val(s_ref, p_ref, x2_ref[...], g1_ref, b1_ref, g2_ref, b2_ref)
    q = [q1_ref[...], q2_ref[...],
         jnp.dot(x3, qW_ref[...], preferred_element_type=jnp.float32)
         + qb_ref[...]]
    k = [k1_ref[...], k2_ref[...],
         jnp.dot(x3, kW_ref[...], preferred_element_type=jnp.float32)
         + kb_ref[...]]
    v = [v1_ref[...], v2_ref[...],
         jnp.dot(x3, vW_ref[...], preferred_element_type=jnp.float32)
         + vb_ref[...]]
    di = lax.broadcasted_iota(jnp.int32, (D, D), 0) // HEAD_DIM
    ei = lax.broadcasted_iota(jnp.int32, (D, D), 1) // HEAD_DIM
    msum = jnp.where(di == ei, 1.0 / (HEAD_DIM ** 0.5), 0.0)
    logit = [[jnp.dot(q[i] * k[j], msum, preferred_element_type=jnp.float32)
              for j in range(NUM_LAYERS)] for i in range(NUM_LAYERS)]
    om = jnp.zeros_like(q[0])
    for i in range(NUM_LAYERS):
        li = logit[i]
        m = jnp.maximum(jnp.maximum(li[0], li[1]), li[2])
        e = [jnp.exp(l - m) for l in li]
        inv = 1.0 / (e[0] + e[1] + e[2])
        om = om + (e[0] * v[0] + e[1] * v[1] + e[2] * v[2]) * inv
    om = om * (1.0 / NUM_LAYERS)
    xm = jnp.dot(om, oW_ref[...], preferred_element_type=jnp.float32) + ob_ref[...]
    h1 = jnp.dot(xm, p1W_ref[...], preferred_element_type=jnp.float32) + p1b_ref[...]
    h1 = jnp.maximum(_ln(h1, lg_ref[...], lb_ref[...]), 0.0)
    out_ref[...] = jnp.dot(h1, p2W_ref[...],
                           preferred_element_type=jnp.float32) + p2b_ref[...]


def _readout(self_out, parts, x2, qkv1, qkv2, g1, b1, g2, b2, qW, qb, kW, kb,
             vW, vb, oW, ob, p1W, p1b, lg, lb, p2W, p2b):
    row = pl.BlockSpec((BM, D), lambda i: (i, 0))
    pspec = pl.BlockSpec((NC, BM, D), lambda i: (0, i, 0))
    mat = pl.BlockSpec((D, D), lambda i: (0, 0))
    vec = pl.BlockSpec((1, D), lambda i: (0, 0))
    return pl.pallas_call(
        _readout_body,
        grid=(N // BM,),
        in_specs=[row, pspec, row] + [row] * 6 + [vec, vec, vec, vec,
                  mat, vec, mat, vec, mat, vec, mat, vec, mat,
                  vec, vec, vec, mat, vec],
        out_specs=row,
        out_shape=jax.ShapeDtypeStruct((N, D), jnp.float32),
    )(self_out, parts, x2, *qkv1, *qkv2, g1.reshape(1, D), b1.reshape(1, D),
      g2.reshape(1, D), b2.reshape(1, D),
      qW, qb.reshape(1, D), kW, kb.reshape(1, D), vW,
      vb.reshape(1, D), oW, ob.reshape(1, D), p1W, p1b.reshape(1, D),
      lg.reshape(1, D), lb.reshape(1, D), p2W, p2b.reshape(1, D))



NCH = EPW // CHUNK


def _sc_scatter(h_flat, cidx2, dst2, zeros):
    mesh = plsc.VectorSubcoreMesh(core_axis_name="c", subcore_axis_name="s")

    @functools.partial(
        pl.kernel,
        out_type=jax.ShapeDtypeStruct((NC, NPAD, D), jnp.float32),
        mesh=mesh,
        scratch_types=[
            pltpu.VMEM_SHARED((NPAD, D), jnp.float32),
            pltpu.VMEM((NCH // 2, CHUNK), jnp.int32),
            pltpu.VMEM((NCH // 2, CHUNK), jnp.int32),
            pltpu.VMEM((CHUNK, D), jnp.float32),
            pltpu.VMEM((CHUNK, D), jnp.float32),
            pltpu.SemaphoreType.DMA,
            pltpu.SemaphoreType.DMA,
        ],
    )
    def k(h_hbm, ci_hbm, di_hbm, z_hbm, out_hbm, acc, gi_all, di_all,
          rows0, rows1, sem0, sem1):
        c = lax.axis_index("c")
        s = lax.axis_index("s")
        zr = NPAD // NS
        pltpu.sync_copy(z_hbm.at[pl.ds(s * zr, zr)], acc.at[pl.ds(s * zr, zr)])
        wrow = (c * NS + s) * NCH
        plsc.subcore_barrier()

        nh = NCH // 2
        for half in range(2):
            pltpu.sync_copy(ci_hbm.at[pl.ds(wrow + half * nh, nh)], gi_all)
            pltpu.sync_copy(di_hbm.at[pl.ds(wrow + half * nh, nh)], di_all)
            pltpu.async_copy(h_hbm.at[gi_all.at[0]], rows0, sem0)

            @pl.loop(0, nh // 2)
            def _(jj):
                j = jj * 2
                pltpu.async_copy(h_hbm.at[gi_all.at[j + 1]], rows1, sem1)
                pltpu.make_async_copy(h_hbm.at[gi_all.at[0]], rows0,
                                      sem0).wait()
                pltpu.sync_copy(rows0, acc.at[di_all.at[j]], add=True)

                @pl.when(jj < nh // 2 - 1)
                def _():
                    pltpu.async_copy(h_hbm.at[gi_all.at[j + 2]], rows0, sem0)

                pltpu.make_async_copy(h_hbm.at[gi_all.at[0]], rows1,
                                      sem1).wait()
                pltpu.sync_copy(rows1, acc.at[di_all.at[j + 1]], add=True)

        plsc.subcore_barrier()
        pltpu.sync_copy(acc.at[pl.ds(s * zr, zr)],
                        out_hbm.at[c].at[pl.ds(s * zr, zr)])

    return k(h_flat, cidx2, dst2, zeros)



def kernel(node_ids, node_types, edge_index, edge_type, node_emb, type_emb,
           rel_W, rel_b, self_W, self_b, conv_ln_g, conv_ln_b, norm_g, norm_b,
           qW, qb, kW, kb, vW, vb, oW, ob, op1_W, op1_b, op_ln_g, op_ln_b,
           op2_W, op2_b):
    src = edge_index[0].astype(jnp.int32)
    dst = edge_index[1].astype(jnp.int32)
    rel = edge_type.astype(jnp.int32)

    pad = EPAD - E
    pad_ar = jnp.arange(pad, dtype=jnp.int32)
    src_p = jnp.concatenate([src, pad_ar % 128])
    rel_p = jnp.concatenate([rel, jnp.zeros((pad,), jnp.int32)])
    dst_p = jnp.concatenate([dst, N + pad_ar % (NPAD - N)]).reshape(
        EPAD // CHUNK, CHUNK)
    cidx = _make_cidx(rel_p, src_p)
    zeros = jnp.zeros((NPAD, D), jnp.float32)

    h0, self0 = _t0(node_types, node_emb, type_emb, rel_W[0], rel_b[0],
                    self_W[0], self_b[0])
    parts0 = _sc_scatter(h0, cidx, dst_p, zeros)
    x1, h1, self1 = _fmid(self0, parts0, None, conv_ln_g[0], conv_ln_b[0],
                          norm_g[0], norm_b[0], rel_W[1], rel_b[1],
                          self_W[1], self_b[1], with_resid=False)
    parts1 = _sc_scatter(h1, cidx, dst_p, zeros)
    qkv1 = _proj(x1, qW, qb, kW, kb, vW, vb)
    x2, h2, self2 = _fmid(self1, parts1, x1, conv_ln_g[1], conv_ln_b[1],
                          norm_g[1], norm_b[1], rel_W[2], rel_b[2],
                          self_W[2], self_b[2], with_resid=True)
    parts2 = _sc_scatter(h2, cidx, dst_p, zeros)
    qkv2 = _proj(x2, qW, qb, kW, kb, vW, vb)
    return _readout(self2, parts2, x2, qkv1, qkv2, conv_ln_g[2],
                    conv_ln_b[2], norm_g[2], norm_b[2], qW, qb, kW, kb, vW,
                    vb, oW, ob, op1_W, op1_b, op_ln_g, op_ln_b, op2_W, op2_b)

# --- scband reference (transcript-rebuilt; emitter-appended) ---
"""Pipeline reference for scband-drug-repurposing-gnn-15659450761599 (READ-ONLY COPY).

The authoritative reference and input builder live on the scoring server;
editing this copy changes nothing except your own understanding.
"""

import jax, jax.numpy as jnp
import numpy as np
import math

N_NODES = 10000
N_EDGES = 320000
D = 128
NUM_REL = 10
NUM_LAYERS = 3
NUM_HEADS = 4
HEAD_DIM = D // NUM_HEADS


def setup_inputs(seed: int = 0) -> dict:
    key = jax.random.key(seed)
    ks = [jax.random.fold_in(key, i) for i in range(40)]
    inp = {}
    inp['node_ids'] = jnp.arange(N_NODES, dtype=jnp.int64) if jax.config.jax_enable_x64 else jnp.arange(N_NODES, dtype=jnp.int32)
    inp['node_types'] = jax.random.randint(ks[0], (N_NODES,), 0, 10)
    inp['edge_index'] = jax.random.randint(ks[1], (2, N_EDGES), 0, N_NODES)
    inp['edge_type'] = jax.random.randint(ks[2], (N_EDGES,), 0, NUM_REL)
    s = 0.1
    inp['node_emb'] = jax.random.normal(ks[3], (N_NODES, D), dtype=jnp.float32) * s
    inp['type_emb'] = jax.random.normal(ks[4], (10, D), dtype=jnp.float32) * s
    inp['rel_W'] = jax.random.normal(ks[5], (NUM_LAYERS, NUM_REL, D, D), dtype=jnp.float32) * s
    inp['rel_b'] = jnp.zeros((NUM_LAYERS, NUM_REL, D), dtype=jnp.float32)
    inp['self_W'] = jax.random.normal(ks[6], (NUM_LAYERS, D, D), dtype=jnp.float32) * s
    inp['self_b'] = jnp.zeros((NUM_LAYERS, D), dtype=jnp.float32)
    inp['conv_ln_g'] = jnp.ones((NUM_LAYERS, D), dtype=jnp.float32)
    inp['conv_ln_b'] = jnp.zeros((NUM_LAYERS, D), dtype=jnp.float32)
    inp['norm_g'] = jnp.ones((NUM_LAYERS, D), dtype=jnp.float32)
    inp['norm_b'] = jnp.zeros((NUM_LAYERS, D), dtype=jnp.float32)
    inp['qW'] = jax.random.normal(ks[7], (D, D), dtype=jnp.float32) * s
    inp['qb'] = jnp.zeros((D,), dtype=jnp.float32)
    inp['kW'] = jax.random.normal(ks[8], (D, D), dtype=jnp.float32) * s
    inp['kb'] = jnp.zeros((D,), dtype=jnp.float32)
    inp['vW'] = jax.random.normal(ks[9], (D, D), dtype=jnp.float32) * s
    inp['vb'] = jnp.zeros((D,), dtype=jnp.float32)
    inp['oW'] = jax.random.normal(ks[10], (D, D), dtype=jnp.float32) * s
    inp['ob'] = jnp.zeros((D,), dtype=jnp.float32)
    inp['op1_W'] = jax.random.normal(ks[11], (D, D), dtype=jnp.float32) * s
    inp['op1_b'] = jnp.zeros((D,), dtype=jnp.float32)
    inp['op_ln_g'] = jnp.ones((D,), dtype=jnp.float32)
    inp['op_ln_b'] = jnp.zeros((D,), dtype=jnp.float32)
    inp['op2_W'] = jax.random.normal(ks[12], (D, D), dtype=jnp.float32) * s
    inp['op2_b'] = jnp.zeros((D,), dtype=jnp.float32)
    return inp


def _ln(x, g, b):
    m = x.mean(axis=-1, keepdims=True)
    v = ((x - m) ** 2).mean(axis=-1, keepdims=True)
    return (x - m) / jnp.sqrt(v + 1e-5) * g + b


def reference(node_ids, node_types, edge_index, edge_type, node_emb, type_emb, rel_W, rel_b, self_W, self_b, conv_ln_g, conv_ln_b, norm_g, norm_b, qW, qb, kW, kb, vW, vb, oW, ob, op1_W, op1_b, op_ln_g, op_ln_b, op2_W, op2_b):
    src = edge_index[0]
    dst = edge_index[1]
    x = node_emb[node_ids] + type_emb[node_types]
    layer_outputs = []
    for i in range(NUM_LAYERS):
        out = x @ self_W[i] + self_b[i]
        for rel in range(NUM_REL):
            # matmul-then-gather == gather-then-matmul (exact same math as torch x[rel_src] @ W[rel])
            h = x @ rel_W[i, rel] + rel_b[i, rel]
            msg = h[src] * (edge_type == rel).astype(x.dtype)[:, None]
            out = out.at[dst].add(msg)
        x_new = _ln(out, conv_ln_g[i], conv_ln_b[i])
        x_new = jax.nn.relu(x_new)
        if i > 0:
            x_new = x_new + x
        x_new = _ln(x_new, norm_g[i], norm_b[i])
        x = x_new
        layer_outputs.append(x)
    stacked = jnp.stack(layer_outputs, axis=1)  # [N, L, D]
    N = stacked.shape[0]
    L = stacked.shape[1]
    q = (stacked @ qW + qb).reshape(N, L, NUM_HEADS, HEAD_DIM).transpose(0, 2, 1, 3)
    k = (stacked @ kW + kb).reshape(N, L, NUM_HEADS, HEAD_DIM).transpose(0, 2, 1, 3)
    v = (stacked @ vW + vb).reshape(N, L, NUM_HEADS, HEAD_DIM).transpose(0, 2, 1, 3)
    attn = (q @ k.transpose(0, 1, 3, 2)) / math.sqrt(HEAD_DIM)
    attn = jax.nn.softmax(attn, axis=-1)
    o = (attn @ v).transpose(0, 2, 1, 3).reshape(N, L, D)
    attended = o @ oW + ob
    xm = attended.mean(axis=1)
    h = xm @ op1_W + op1_b
    h = _ln(h, op_ln_g, op_ln_b)
    h = jax.nn.relu(h)
    out = h @ op2_W + op2_b
    return out

if __name__ == "__main__":
    import jax
    _d = setup_inputs()
    print(jax.jit(kernel)(*tuple(_d.values())))

</pallas_src>

<mosaic_0001>
#map = affine_map<(d0, d1) -> (0, 0)>
#map1 = affine_map<(d0, d1) -> (0, 0, 0)>
module attributes {stable_mosaic.version = 14 : i64} {
  func.func @k(%arg0: i32, %arg1: i32, %arg2: memref<100000x128xf32, #tpu.memory_space<hbm>>, %arg3: memref<2560x128xi32, #tpu.memory_space<hbm>>, %arg4: memref<2560x128xi32, #tpu.memory_space<hbm>>, %arg5: memref<10112x128xf32, #tpu.memory_space<hbm>>, %arg6: memref<2x10112x128xf32, #tpu.memory_space<hbm>>, %arg7: memref<10112x128xf32, #tpu.memory_space<vmem_shared>>, %arg8: memref<40x128xi32, #tpu.memory_space<vmem>>, %arg9: memref<40x128xi32, #tpu.memory_space<vmem>>, %arg10: memref<128x128xf32, #tpu.memory_space<vmem>>, %arg11: memref<128x128xf32, #tpu.memory_space<vmem>>, %arg12: memref<!tpu.dma_semaphore, #tpu.memory_space<semaphore_mem>>, %arg13: memref<!tpu.dma_semaphore, #tpu.memory_space<semaphore_mem>>) attributes {dimension_semantics = [#tpu.dimension_semantics<core_parallel>, #tpu.dimension_semantics<subcore_parallel>], iteration_bounds = array<i64: 2, 16>, scalar_prefetch = 0 : i64, scratch_operands = 7 : i64, tpu.core_type = #tpu.core_type<sc_vector_subcore>, window_params = [{transform_indices = #map}, {transform_indices = #map}, {transform_indices = #map}, {transform_indices = #map}, {transform_indices = #map1}]} {
    %mul3A = arith.constant 632 : i32
    %mul3A_0 = arith.muli %arg1, %mul3A : i32
    %mul3A_1 = arith.constant 632 : i32
    %mul3A_2 = arith.muli %arg1, %mul3A_1 : i32
    "tpu.region"() ({
      %run_scoped3A = tpu.sem_alloc : memref<!tpu.dma_semaphore, #tpu.memory_space<semaphore_mem>>
      %dma_start3A_42 = arith.constant 0 : i32
      %dma_start3A_43 = tpu.memref_slice %arg7[%mul3A_2, %dma_start3A_42] : memref<10112x128xf32, #tpu.memory_space<vmem_shared>> -> memref<632x128xf32, #tpu.memory_space<vmem_shared>>
      %dma_start3A_44 = arith.constant 0 : i32
      %dma_start3A_45 = tpu.memref_slice %arg5[%mul3A_0, %dma_start3A_44] : memref<10112x128xf32, #tpu.memory_space<hbm>> -> memref<632x128xf32, #tpu.memory_space<hbm>>
      tpu.enqueue_dma source(%dma_start3A_45 : memref<632x128xf32, #tpu.memory_space<hbm>>) target(%dma_start3A_43 : memref<632x128xf32, #tpu.memory_space<vmem_shared>>) target_semaphore(%run_scoped3A : memref<!tpu.dma_semaphore, #tpu.memory_space<semaphore_mem>>)
      %dma_wait3A = arith.constant 0 : i32
      %dma_wait3A_46 = tpu.memref_slice %arg7[%mul3A_2, %dma_wait3A] : memref<10112x128xf32, #tpu.memory_space<vmem_shared>> -> memref<632x128xf32, #tpu.memory_space<vmem_shared>>
      %dma_wait3A_47 = arith.constant 0 : i32
      %dma_wait3A_48 = tpu.memref_slice %arg5[%mul3A_0, %dma_wait3A_47] : memref<10112x128xf32, #tpu.memory_space<hbm>> -> memref<632x128xf32, #tpu.memory_space<hbm>>
      tpu.wait_dma2 semaphore(%run_scoped3A : memref<!tpu.dma_semaphore, #tpu.memory_space<semaphore_mem>>) src(%dma_wait3A_48 : memref<632x128xf32, #tpu.memory_space<hbm>>) dst(%dma_wait3A_46 : memref<632x128xf32, #tpu.memory_space<vmem_shared>>)
      tpu.yield
    }) : () -> ()
    %mul3A_3 = arith.constant 16 : i32
    %mul3A_4 = arith.muli %arg0, %mul3A_3 : i32
    %add3A = arith.addi %mul3A_4, %arg1 : i32
    %mul3A_5 = arith.constant 80 : i32
    %mul3A_6 = arith.muli %add3A, %mul3A_5 : i32
    %barrier3A = arith.constant 0 : index
    tpu.barrier barrier_id(%barrier3A)
    %add3A_7 = arith.constant 0 : i32
    %add3A_8 = arith.addi %mul3A_6, %add3A_7 : i32
    "tpu.region"() ({
      %run_scoped3A = tpu.sem_alloc : memref<!tpu.dma_semaphore, #tpu.memory_space<semaphore_mem>>
      %dma_start3A_42 = arith.constant 0 : i32
      %dma_start3A_43 = tpu.memref_slice %arg3[%add3A_8, %dma_start3A_42] : memref<2560x128xi32, #tpu.memory_space<hbm>> -> memref<40x128xi32, #tpu.memory_space<hbm>>
      %dma_start3A_44 = arith.constant 0 : i32
      %dma_start3A_45 = tpu.memref_slice %arg3[%add3A_8, %dma_start3A_44] : memref<2560x128xi32, #tpu.memory_space<hbm>> -> memref<40x128xi32, #tpu.memory_space<hbm>>
      tpu.enqueue_dma source(%dma_start3A_45 : memref<40x128xi32, #tpu.memory_space<hbm>>) target(%arg8 : memref<40x128xi32, #tpu.memory_space<vmem>>) target_semaphore(%run_scoped3A : memref<!tpu.dma_semaphore, #tpu.memory_space<semaphore_mem>>)
      %dma_wait3A = arith.constant 0 : i32
      %dma_wait3A_46 = tpu.memref_slice %arg3[%add3A_8, %dma_wait3A] : memref<2560x128xi32, #tpu.memory_space<hbm>> -> memref<40x128xi32, #tpu.memory_space<hbm>>
      %dma_wait3A_47 = arith.constant 0 : i32
      %dma_wait3A_48 = tpu.memref_slice %arg3[%add3A_8, %dma_wait3A_47] : memref<2560x128xi32, #tpu.memory_space<hbm>> -> memref<40x128xi32, #tpu.memory_space<hbm>>
      tpu.wait_dma2 semaphore(%run_scoped3A : memref<!tpu.dma_semaphore, #tpu.memory_space<semaphore_mem>>) src(%dma_wait3A_48 : memref<40x128xi32, #tpu.memory_space<hbm>>) dst(%arg8 : memref<40x128xi32, #tpu.memory_space<vmem>>)
      tpu.yield
    }) : () -> ()
    %add3A_9 = arith.constant 0 : i32
    %add3A_10 = arith.addi %mul3A_6, %add3A_9 : i32
    "tpu.region"() ({
      %run_scoped3A = tpu.sem_alloc : memref<!tpu.dma_semaphore, #tpu.memory_space<semaphore_mem>>
      %dma_start3A_42 = arith.constant 0 : i32
      %dma_start3A_43 = tpu.memref_slice %arg4[%add3A_10, %dma_start3A_42] : memref<2560x128xi32, #tpu.memory_space<hbm>> -> memref<40x128xi32, #tpu.memory_space<hbm>>
      %dma_start3A_44 = arith.constant 0 : i32
      %dma_start3A_45 = tpu.memref_slice %arg4[%add3A_10, %dma_start3A_44] : memref<2560x128xi32, #tpu.memory_space<hbm>> -> memref<40x128xi32, #tpu.memory_space<hbm>>
      tpu.enqueue_dma source(%dma_start3A_45 : memref<40x128xi32, #tpu.memory_space<hbm>>) target(%arg9 : memref<40x128xi32, #tpu.memory_space<vmem>>) target_semaphore(%run_scoped3A : memref<!tpu.dma_semaphore, #tpu.memory_space<semaphore_mem>>)
      %dma_wait3A = arith.constant 0 : i32
      %dma_wait3A_46 = tpu.memref_slice %arg4[%add3A_10, %dma_wait3A] : memref<2560x128xi32, #tpu.memory_space<hbm>> -> memref<40x128xi32, #tpu.memory_space<hbm>>
      %dma_wait3A_47 = arith.constant 0 : i32
      %dma_wait3A_48 = tpu.memref_slice %arg4[%add3A_10, %dma_wait3A_47] : memref<2560x128xi32, #tpu.memory_space<hbm>> -> memref<40x128xi32, #tpu.memory_space<hbm>>
      tpu.wait_dma2 semaphore(%run_scoped3A : memref<!tpu.dma_semaphore, #tpu.memory_space<semaphore_mem>>) src(%dma_wait3A_48 : memref<40x128xi32, #tpu.memory_space<hbm>>) dst(%arg9 : memref<40x128xi32, #tpu.memory_space<vmem>>)
      tpu.yield
    }) : () -> ()
    %dma_start3A = arith.constant 0 : i32
    %dma_start3A_11 = arith.constant 0 : i32
    %dma_start3A_12 = tpu.memref_slice %arg8[%dma_start3A, %dma_start3A_11] : memref<40x128xi32, #tpu.memory_space<vmem>> -> memref<1x128xi32, #tpu.memory_space<vmem>>
    %dma_start3A_13 = tpu.memref_squeeze %dma_start3A_12 : memref<1x128xi32, #tpu.memory_space<vmem>> -> memref<128xi32, #tpu.memory_space<vmem>>
    %dma_start3A_14 = arith.constant 0 : i32
    %dma_start3A_15 = arith.constant 0 : i32
    %dma_start3A_16 = tpu.memref_slice %arg2[%dma_start3A_14, %dma_start3A_15] : memref<100000x128xf32, #tpu.memory_space<hbm>> -> memref<100000x128xf32, #tpu.memory_space<hbm>>
    tpu.enqueue_indirect_dma source(%dma_start3A_16 : memref<100000x128xf32, #tpu.memory_space<hbm>>) target(%arg10 : memref<128x128xf32, #tpu.memory_space<vmem>>) offsets(%dma_start3A_13 : memref<128xi32, #tpu.memory_space<vmem>>) semaphore(%arg12 : memref<!tpu.dma_semaphore, #tpu.memory_space<semaphore_mem>>)
    %scan3A = arith.constant 0 : i32
    %scan3A_17 = arith.constant 20 : i32
    %scan3A_18 = arith.addi %scan3A, %scan3A_17 : i32
    %scan3A_19 = arith.constant 1 : i32
    scf.for %scan3A_42 = %scan3A to %scan3A_18 step %scan3A_19  : i32 {
      %mul3A_43 = arith.constant 1 : i32
      %mul3A_44 = arith.muli %scan3A_42, %mul3A_43 : i32
      %add3A_45 = arith.constant 0 : i32
      %add3A_46 = arith.addi %add3A_45, %mul3A_44 : i32
      %mul3A_47 = arith.constant 2 : i32
      %mul3A_48 = arith.muli %add3A_46, %mul3A_47 : i32
      %add3A_49 = arith.constant 1 : i32
      %add3A_50 = arith.addi %mul3A_48, %add3A_49 : i32
      %dma_start3A_51 = arith.constant 0 : i32
      %dma_start3A_52 = tpu.memref_slice %arg8[%add3A_50, %dma_start3A_51] : memref<40x128xi32, #tpu.memory_space<vmem>> -> memref<1x128xi32, #tpu.memory_space<vmem>>
      %dma_start3A_53 = tpu.memref_squeeze %dma_start3A_52 : memref<1x128xi32, #tpu.memory_space<vmem>> -> memref<128xi32, #tpu.memory_space<vmem>>
      %dma_start3A_54 = arith.constant 0 : i32
      %dma_start3A_55 = arith.constant 0 : i32
      %dma_start3A_56 = tpu.memref_slice %arg2[%dma_start3A_54, %dma_start3A_55] : memref<100000x128xf32, #tpu.memory_space<hbm>> -> memref<100000x128xf32, #tpu.memory_space<hbm>>
      tpu.enqueue_indirect_dma source(%dma_start3A_56 : memref<100000x128xf32, #tpu.memory_space<hbm>>) target(%arg11 : memref<128x128xf32, #tpu.memory_space<vmem>>) offsets(%dma_start3A_53 : memref<128xi32, #tpu.memory_space<vmem>>) semaphore(%arg13 : memref<!tpu.dma_semaphore, #tpu.memory_space<semaphore_mem>>)
      %dma_wait3A = arith.constant 0 : i32
      %dma_wait3A_57 = arith.constant 0 : i32
      %dma_wait3A_58 = tpu.memref_slice %arg8[%dma_wait3A, %dma_wait3A_57] : memref<40x128xi32, #tpu.memory_space<vmem>> -> memref<1x128xi32, #tpu.memory_space<vmem>>
      %dma_wait3A_59 = tpu.memref_squeeze %dma_wait3A_58 : memref<1x128xi32, #tpu.memory_space<vmem>> -> memref<128xi32, #tpu.memory_space<vmem>>
      %dma_wait3A_60 = arith.constant 0 : i32
      %dma_wait3A_61 = arith.constant 0 : i32
      %dma_wait3A_62 = tpu.memref_slice %arg2[%dma_wait3A_60, %dma_wait3A_61] : memref<100000x128xf32, #tpu.memory_space<hbm>> -> memref<100000x128xf32, #tpu.memory_space<hbm>>
      tpu.wait_indirect_dma semaphore(%arg12 : memref<!tpu.dma_semaphore, #tpu.memory_space<semaphore_mem>>) src(%dma_wait3A_62 : memref<100000x128xf32, #tpu.memory_space<hbm>>) dst(%arg10 : memref<128x128xf32, #tpu.memory_space<vmem>>)
      "tpu.region"() ({
        %run_scoped3A = tpu.sem_alloc : memref<!tpu.dma_semaphore, #tpu.memory_space<semaphore_mem>>
        %dma_start3A_74 = arith.constant 0 : i32
        %dma_start3A_75 = tpu.memref_slice %arg9[%mul3A_48, %dma_start3A_74] : memref<40x128xi32, #tpu.memory_space<vmem>> -> memref<1x128xi32, #tpu.memory_space<vmem>>
        %dma_start3A_76 = tpu.memref_squeeze %dma_start3A_75 : memref<1x128xi32, #tpu.memory_space<vmem>> -> memref<128xi32, #tpu.memory_space<vmem>>
        %dma_start3A_77 = arith.constant 0 : i32
        %dma_start3A_78 = arith.constant 0 : i32
        %dma_start3A_79 = tpu.memref_slice %arg7[%dma_start3A_77, %dma_start3A_78] : memref<10112x128xf32, #tpu.memory_space<vmem_shared>> -> memref<10112x128xf32, #tpu.memory_space<vmem_shared>>
        tpu.enqueue_indirect_dma source(%arg10 : memref<128x128xf32, #tpu.memory_space<vmem>>) target(%dma_start3A_79 : memref<10112x128xf32, #tpu.memory_space<vmem_shared>>) offsets(%dma_start3A_76 : memref<128xi32, #tpu.memory_space<vmem>>) semaphore(%run_scoped3A : memref<!tpu.dma_semaphore, #tpu.memory_space<semaphore_mem>>) {add = true}
        %dma_wait3A_80 = arith.constant 0 : i32
        %dma_wait3A_81 = tpu.memref_slice %arg9[%mul3A_48, %dma_wait3A_80] : memref<40x128xi32, #tpu.memory_space<vmem>> -> memref<1x128xi32, #tpu.memory_space<vmem>>
        %dma_wait3A_82 = tpu.memref_squeeze %dma_wait3A_81 : memref<1x128xi32, #tpu.memory_space<vmem>> -> memref<128xi32, #tpu.memory_space<vmem>>
        %dma_wait3A_83 = arith.constant 0 : i32
        %dma_wait3A_84 = arith.constant 0 : i32
        %dma_wait3A_85 = tpu.memref_slice %arg7[%dma_wait3A_83, %dma_wait3A_84] : memref<10112x128xf32, #tpu.memory_space<vmem_shared>> -> memref<10112x128xf32, #tpu.memory_space<vmem_shared>>
        tpu.wait_indirect_dma semaphore(%run_scoped3A : memref<!tpu.dma_semaphore, #tpu.memory_space<semaphore_mem>>) src(%arg10 : memref<128x128xf32, #tpu.memory_space<vmem>>) dst(%dma_wait3A_85 : memref<10112x128xf32, #tpu.memory_space<vmem_shared>>)
        tpu.yield
      }) : () -> ()
      %lt3A = arith.constant 19 : i32
      %lt3A_63 = arith.cmpi slt, %add3A_46, %lt3A : i32
      %convert_element_type3A = arith.extui %lt3A_63 : i1 to i32
      %cond3A = arith.constant 0 : i32
      %cond3A_64 = arith.cmpi ne, %convert_element_type3A, %cond3A : i32
      scf.if %cond3A_64 {
        %add3A_74 = arith.constant 2 : i32
        %add3A_75 = arith.addi %mul3A_48, %add3A_74 : i32
        %dma_start3A_76 = arith.constant 0 : i32
        %dma_start3A_77 = tpu.memref_slice %arg8[%add3A_75, %dma_start3A_76] : memref<40x128xi32, #tpu.memory_space<vmem>> -> memref<1x128xi32, #tpu.memory_space<vmem>>
        %dma_start3A_78 = tpu.memref_squeeze %dma_start3A_77 : memref<1x128xi32, #tpu.memory_space<vmem>> -> memref<128xi32, #tpu.memory_space<vmem>>
        %dma_start3A_79 = arith.constant 0 : i32
        %dma_start3A_80 = arith.constant 0 : i32
        %dma_start3A_81 = tpu.memref_slice %arg2[%dma_start3A_79, %dma_start3A_80] : memref<100000x128xf32, #tpu.memory_space<hbm>> -> memref<100000x128xf32, #tpu.memory_space<hbm>>
        tpu.enqueue_indirect_dma source(%dma_start3A_81 : memref<100000x128xf32, #tpu.memory_space<hbm>>) target(%arg10 : memref<128x128xf32, #tpu.memory_space<vmem>>) offsets(%dma_start3A_78 : memref<128xi32, #tpu.memory_space<vmem>>) semaphore(%arg12 : memref<!tpu.dma_semaphore, #tpu.memory_space<semaphore_mem>>)
      } else {
      }
      %dma_wait3A_65 = arith.constant 0 : i32
      %dma_wait3A_66 = arith.constant 0 : i32
      %dma_wait3A_67 = tpu.memref_slice %arg8[%dma_wait3A_65, %dma_wait3A_66] : memref<40x128xi32, #tpu.memory_space<vmem>> -> memref<1x128xi32, #tpu.memory_space<vmem>>
      %dma_wait3A_68 = tpu.memref_squeeze %dma_wait3A_67 : memref<1x128xi32, #tpu.memory_space<vmem>> -> memref<128xi32, #tpu.memory_space<vmem>>
      %dma_wait3A_69 = arith.constant 0 : i32
      %dma_wait3A_70 = arith.constant 0 : i32
      %dma_wait3A_71 = tpu.memref_slice %arg2[%dma_wait3A_69, %dma_wait3A_70] : memref<100000x128xf32, #tpu.memory_space<hbm>> -> memref<100000x128xf32, #tpu.memory_space<hbm>>
      tpu.wait_indirect_dma semaphore(%arg13 : memref<!tpu.dma_semaphore, #tpu.memory_space<semaphore_mem>>) src(%dma_wait3A_71 : memref<100000x128xf32, #tpu.memory_space<hbm>>) dst(%arg11 : memref<128x128xf32, #tpu.memory_space<vmem>>)
      %add3A_72 = arith.constant 1 : i32
      %add3A_73 = arith.addi %mul3A_48, %add3A_72 : i32
      "tpu.region"() ({
        %run_scoped3A = tpu.sem_alloc : memref<!tpu.dma_semaphore, #tpu.memory_space<semaphore_mem>>
        %dma_start3A_74 = arith.constant 0 : i32
        %dma_start3A_75 = tpu.memref_slice %arg9[%add3A_73, %dma_start3A_74] : memref<40x128xi32, #tpu.memory_space<vmem>> -> memref<1x128xi32, #tpu.memory_space<vmem>>
        %dma_start3A_76 = tpu.memref_squeeze %dma_start3A_75 : memref<1x128xi32, #tpu.memory_space<vmem>> -> memref<128xi32, #tpu.memory_space<vmem>>
        %dma_start3A_77 = arith.constant 0 : i32
        %dma_start3A_78 = arith.constant 0 : i32
        %dma_start3A_79 = tpu.memref_slice %arg7[%dma_start3A_77, %dma_start3A_78] : memref<10112x128xf32, #tpu.memory_space<vmem_shared>> -> memref<10112x128xf32, #tpu.memory_space<vmem_shared>>
        tpu.enqueue_indirect_dma source(%arg11 : memref<128x128xf32, #tpu.memory_space<vmem>>) target(%dma_start3A_79 : memref<10112x128xf32, #tpu.memory_space<vmem_shared>>) offsets(%dma_start3A_76 : memref<128xi32, #tpu.memory_space<vmem>>) semaphore(%run_scoped3A : memref<!tpu.dma_semaphore, #tpu.memory_space<semaphore_mem>>) {add = true}
        %dma_wait3A_80 = arith.constant 0 : i32
        %dma_wait3A_81 = tpu.memref_slice %arg9[%add3A_73, %dma_wait3A_80] : memref<40x128xi32, #tpu.memory_space<vmem>> -> memref<1x128xi32, #tpu.memory_space<vmem>>
        %dma_wait3A_82 = tpu.memref_squeeze %dma_wait3A_81 : memref<1x128xi32, #tpu.memory_space<vmem>> -> memref<128xi32, #tpu.memory_space<vmem>>
        %dma_wait3A_83 = arith.constant 0 : i32
        %dma_wait3A_84 = arith.constant 0 : i32
        %dma_wait3A_85 = tpu.memref_slice %arg7[%dma_wait3A_83, %dma_wait3A_84] : memref<10112x128xf32, #tpu.memory_space<vmem_shared>> -> memref<10112x128xf32, #tpu.memory_space<vmem_shared>>
        tpu.wait_indirect_dma semaphore(%run_scoped3A : memref<!tpu.dma_semaphore, #tpu.memory_space<semaphore_mem>>) src(%arg11 : memref<128x128xf32, #tpu.memory_space<vmem>>) dst(%dma_wait3A_85 : memref<10112x128xf32, #tpu.memory_space<vmem_shared>>)
        tpu.yield
      }) : () -> ()
    }
    %scan3A_20 = arith.constant 20 : i32
    %add3A_21 = arith.constant 40 : i32
    %add3A_22 = arith.addi %mul3A_6, %add3A_21 : i32
    "tpu.region"() ({
      %run_scoped3A = tpu.sem_alloc : memref<!tpu.dma_semaphore, #tpu.memory_space<semaphore_mem>>
      %dma_start3A_42 = arith.constant 0 : i32
      %dma_start3A_43 = tpu.memref_slice %arg3[%add3A_22, %dma_start3A_42] : memref<2560x128xi32, #tpu.memory_space<hbm>> -> memref<40x128xi32, #tpu.memory_space<hbm>>
      %dma_start3A_44 = arith.constant 0 : i32
      %dma_start3A_45 = tpu.memref_slice %arg3[%add3A_22, %dma_start3A_44] : memref<2560x128xi32, #tpu.memory_space<hbm>> -> memref<40x128xi32, #tpu.memory_space<hbm>>
      tpu.enqueue_dma source(%dma_start3A_45 : memref<40x128xi32, #tpu.memory_space<hbm>>) target(%arg8 : memref<40x128xi32, #tpu.memory_space<vmem>>) target_semaphore(%run_scoped3A : memref<!tpu.dma_semaphore, #tpu.memory_space<semaphore_mem>>)
      %dma_wait3A = arith.constant 0 : i32
      %dma_wait3A_46 = tpu.memref_slice %arg3[%add3A_22, %dma_wait3A] : memref<2560x128xi32, #tpu.memory_space<hbm>> -> memref<40x128xi32, #tpu.memory_space<hbm>>
      %dma_wait3A_47 = arith.constant 0 : i32
      %dma_wait3A_48 = tpu.memref_slice %arg3[%add3A_22, %dma_wait3A_47] : memref<2560x128xi32, #tpu.memory_space<hbm>> -> memref<40x128xi32, #tpu.memory_space<hbm>>
      tpu.wait_dma2 semaphore(%run_scoped3A : memref<!tpu.dma_semaphore, #tpu.memory_space<semaphore_mem>>) src(%dma_wait3A_48 : memref<40x128xi32, #tpu.memory_space<hbm>>) dst(%arg8 : memref<40x128xi32, #tpu.memory_space<vmem>>)
      tpu.yield
    }) : () -> ()
    %add3A_23 = arith.constant 40 : i32
    %add3A_24 = arith.addi %mul3A_6, %add3A_23 : i32
    "tpu.region"() ({
      %run_scoped3A = tpu.sem_alloc : memref<!tpu.dma_semaphore, #tpu.memory_space<semaphore_mem>>
      %dma_start3A_42 = arith.constant 0 : i32
      %dma_start3A_43 = tpu.memref_slice %arg4[%add3A_24, %dma_start3A_42] : memref<2560x128xi32, #tpu.memory_space<hbm>> -> memref<40x128xi32, #tpu.memory_space<hbm>>
      %dma_start3A_44 = arith.constant 0 : i32
      %dma_start3A_45 = tpu.memref_slice %arg4[%add3A_24, %dma_start3A_44] : memref<2560x128xi32, #tpu.memory_space<hbm>> -> memref<40x128xi32, #tpu.memory_space<hbm>>
      tpu.enqueue_dma source(%dma_start3A_45 : memref<40x128xi32, #tpu.memory_space<hbm>>) target(%arg9 : memref<40x128xi32, #tpu.memory_space<vmem>>) target_semaphore(%run_scoped3A : memref<!tpu.dma_semaphore, #tpu.memory_space<semaphore_mem>>)
      %dma_wait3A = arith.constant 0 : i32
      %dma_wait3A_46 = tpu.memref_slice %arg4[%add3A_24, %dma_wait3A] : memref<2560x128xi32, #tpu.memory_space<hbm>> -> memref<40x128xi32, #tpu.memory_space<hbm>>
      %dma_wait3A_47 = arith.constant 0 : i32
      %dma_wait3A_48 = tpu.memref_slice %arg4[%add3A_24, %dma_wait3A_47] : memref<2560x128xi32, #tpu.memory_space<hbm>> -> memref<40x128xi32, #tpu.memory_space<hbm>>
      tpu.wait_dma2 semaphore(%run_scoped3A : memref<!tpu.dma_semaphore, #tpu.memory_space<semaphore_mem>>) src(%dma_wait3A_48 : memref<40x128xi32, #tpu.memory_space<hbm>>) dst(%arg9 : memref<40x128xi32, #tpu.memory_space<vmem>>)
      tpu.yield
    }) : () -> ()
    %dma_start3A_25 = arith.constant 0 : i32
    %dma_start3A_26 = arith.constant 0 : i32
    %dma_start3A_27 = tpu.memref_slice %arg8[%dma_start3A_25, %dma_start3A_26] : memref<40x128xi32, #tpu.memory_space<vmem>> -> memref<1x128xi32, #tpu.memory_space<vmem>>
    %dma_start3A_28 = tpu.memref_squeeze %dma_start3A_27 : memref<1x128xi32, #tpu.memory_space<vmem>> -> memref<128xi32, #tpu.memory_space<vmem>>
    %dma_start3A_29 = arith.constant 0 : i32
    %dma_start3A_30 = arith.constant 0 : i32
    %dma_start3A_31 = tpu.memref_slice %arg2[%dma_start3A_29, %dma_start3A_30] : memref<100000x128xf32, #tpu.memory_space<hbm>> -> memref<100000x128xf32, #tpu.memory_space<hbm>>
    tpu.enqueue_indirect_dma source(%dma_start3A_31 : memref<100000x128xf32, #tpu.memory_space<hbm>>) target(%arg10 : memref<128x128xf32, #tpu.memory_space<vmem>>) offsets(%dma_start3A_28 : memref<128xi32, #tpu.memory_space<vmem>>) semaphore(%arg12 : memref<!tpu.dma_semaphore, #tpu.memory_space<semaphore_mem>>)
    %scan3A_32 = arith.constant 0 : i32
    %scan3A_33 = arith.constant 20 : i32
    %scan3A_34 = arith.addi %scan3A_32, %scan3A_33 : i32
    %scan3A_35 = arith.constant 1 : i32
    scf.for %scan3A_42 = %scan3A_32 to %scan3A_34 step %scan3A_35  : i32 {
      %mul3A_43 = arith.constant 1 : i32
      %mul3A_44 = arith.muli %scan3A_42, %mul3A_43 : i32
      %add3A_45 = arith.constant 0 : i32
      %add3A_46 = arith.addi %add3A_45, %mul3A_44 : i32
      %mul3A_47 = arith.constant 2 : i32
      %mul3A_48 = arith.muli %add3A_46, %mul3A_47 : i32
      %add3A_49 = arith.constant 1 : i32
      %add3A_50 = arith.addi %mul3A_48, %add3A_49 : i32
      %dma_start3A_51 = arith.constant 0 : i32
      %dma_start3A_52 = tpu.memref_slice %arg8[%add3A_50, %dma_start3A_51] : memref<40x128xi32, #tpu.memory_space<vmem>> -> memref<1x128xi32, #tpu.memory_space<vmem>>
      %dma_start3A_53 = tpu.memref_squeeze %dma_start3A_52 : memref<1x128xi32, #tpu.memory_space<vmem>> -> memref<128xi32, #tpu.memory_space<vmem>>
      %dma_start3A_54 = arith.constant 0 : i32
      %dma_start3A_55 = arith.constant 0 : i32
      %dma_start3A_56 = tpu.memref_slice %arg2[%dma_start3A_54, %dma_start3A_55] : memref<100000x128xf32, #tpu.memory_space<hbm>> -> memref<100000x128xf32, #tpu.memory_space<hbm>>
      tpu.enqueue_indirect_dma source(%dma_start3A_56 : memref<100000x128xf32, #tpu.memory_space<hbm>>) target(%arg11 : memref<128x128xf32, #tpu.memory_space<vmem>>) offsets(%dma_start3A_53 : memref<128xi32, #tpu.memory_space<vmem>>) semaphore(%arg13 : memref<!tpu.dma_semaphore, #tpu.memory_space<semaphore_mem>>)
      %dma_wait3A = arith.constant 0 : i32
      %dma_wait3A_57 = arith.constant 0 : i32
      %dma_wait3A_58 = tpu.memref_slice %arg8[%dma_wait3A, %dma_wait3A_57] : memref<40x128xi32, #tpu.memory_space<vmem>> -> memref<1x128xi32, #tpu.memory_space<vmem>>
      %dma_wait3A_59 = tpu.memref_squeeze %dma_wait3A_58 : memref<1x128xi32, #tpu.memory_space<vmem>> -> memref<128xi32, #tpu.memory_space<vmem>>
      %dma_wait3A_60 = arith.constant 0 : i32
      %dma_wait3A_61 = arith.constant 0 : i32
      %dma_wait3A_62 = tpu.memref_slice %arg2[%dma_wait3A_60, %dma_wait3A_61] : memref<100000x128xf32, #tpu.memory_space<hbm>> -> memref<100000x128xf32, #tpu.memory_space<hbm>>
      tpu.wait_indirect_dma semaphore(%arg12 : memref<!tpu.dma_semaphore, #tpu.memory_space<semaphore_mem>>) src(%dma_wait3A_62 : memref<100000x128xf32, #tpu.memory_space<hbm>>) dst(%arg10 : memref<128x128xf32, #tpu.memory_space<vmem>>)
      "tpu.region"() ({
        %run_scoped3A = tpu.sem_alloc : memref<!tpu.dma_semaphore, #tpu.memory_space<semaphore_mem>>
        %dma_start3A_74 = arith.constant 0 : i32
        %dma_start3A_75 = tpu.memref_slice %arg9[%mul3A_48, %dma_start3A_74] : memref<40x128xi32, #tpu.memory_space<vmem>> -> memref<1x128xi32, #tpu.memory_space<vmem>>
        %dma_start3A_76 = tpu.memref_squeeze %dma_start3A_75 : memref<1x128xi32, #tpu.memory_space<vmem>> -> memref<128xi32, #tpu.memory_space<vmem>>
        %dma_start3A_77 = arith.constant 0 : i32
        %dma_start3A_78 = arith.constant 0 : i32
        %dma_start3A_79 = tpu.memref_slice %arg7[%dma_start3A_77, %dma_start3A_78] : memref<10112x128xf32, #tpu.memory_space<vmem_shared>> -> memref<10112x128xf32, #tpu.memory_space<vmem_shared>>
        tpu.enqueue_indirect_dma source(%arg10 : memref<128x128xf32, #tpu.memory_space<vmem>>) target(%dma_start3A_79 : memref<10112x128xf32, #tpu.memory_space<vmem_shared>>) offsets(%dma_start3A_76 : memref<128xi32, #tpu.memory_space<vmem>>) semaphore(%run_scoped3A : memref<!tpu.dma_semaphore, #tpu.memory_space<semaphore_mem>>) {add = true}
        %dma_wait3A_80 = arith.constant 0 : i32
        %dma_wait3A_81 = tpu.memref_slice %arg9[%mul3A_48, %dma_wait3A_80] : memref<40x128xi32, #tpu.memory_space<vmem>> -> memref<1x128xi32, #tpu.memory_space<vmem>>
        %dma_wait3A_82 = tpu.memref_squeeze %dma_wait3A_81 : memref<1x128xi32, #tpu.memory_space<vmem>> -> memref<128xi32, #tpu.memory_space<vmem>>
        %dma_wait3A_83 = arith.constant 0 : i32
        %dma_wait3A_84 = arith.constant 0 : i32
        %dma_wait3A_85 = tpu.memref_slice %arg7[%dma_wait3A_83, %dma_wait3A_84] : memref<10112x128xf32, #tpu.memory_space<vmem_shared>> -> memref<10112x128xf32, #tpu.memory_space<vmem_shared>>
        tpu.wait_indirect_dma semaphore(%run_scoped3A : memref<!tpu.dma_semaphore, #tpu.memory_space<semaphore_mem>>) src(%arg10 : memref<128x128xf32, #tpu.memory_space<vmem>>) dst(%dma_wait3A_85 : memref<10112x128xf32, #tpu.memory_space<vmem_shared>>)
        tpu.yield
      }) : () -> ()
      %lt3A = arith.constant 19 : i32
      %lt3A_63 = arith.cmpi slt, %add3A_46, %lt3A : i32
      %convert_element_type3A = arith.extui %lt3A_63 : i1 to i32
      %cond3A = arith.constant 0 : i32
      %cond3A_64 = arith.cmpi ne, %convert_element_type3A, %cond3A : i32
      scf.if %cond3A_64 {
        %add3A_74 = arith.constant 2 : i32
        %add3A_75 = arith.addi %mul3A_48, %add3A_74 : i32
        %dma_start3A_76 = arith.constant 0 : i32
        %dma_start3A_77 = tpu.memref_slice %arg8[%add3A_75, %dma_start3A_76] : memref<40x128xi32, #tpu.memory_space<vmem>> -> memref<1x128xi32, #tpu.memory_space<vmem>>
        %dma_start3A_78 = tpu.memref_squeeze %dma_start3A_77 : memref<1x128xi32, #tpu.memory_space<vmem>> -> memref<128xi32, #tpu.memory_space<vmem>>
        %dma_start3A_79 = arith.constant 0 : i32
        %dma_start3A_80 = arith.constant 0 : i32
        %dma_start3A_81 = tpu.memref_slice %arg2[%dma_start3A_79, %dma_start3A_80] : memref<100000x128xf32, #tpu.memory_space<hbm>> -> memref<100000x128xf32, #tpu.memory_space<hbm>>
        tpu.enqueue_indirect_dma source(%dma_start3A_81 : memref<100000x128xf32, #tpu.memory_space<hbm>>) target(%arg10 : memref<128x128xf32, #tpu.memory_space<vmem>>) offsets(%dma_start3A_78 : memref<128xi32, #tpu.memory_space<vmem>>) semaphore(%arg12 : memref<!tpu.dma_semaphore, #tpu.memory_space<semaphore_mem>>)
      } else {
      }
      %dma_wait3A_65 = arith.constant 0 : i32
      %dma_wait3A_66 = arith.constant 0 : i32
      %dma_wait3A_67 = tpu.memref_slice %arg8[%dma_wait3A_65, %dma_wait3A_66] : memref<40x128xi32, #tpu.memory_space<vmem>> -> memref<1x128xi32, #tpu.memory_space<vmem>>
      %dma_wait3A_68 = tpu.memref_squeeze %dma_wait3A_67 : memref<1x128xi32, #tpu.memory_space<vmem>> -> memref<128xi32, #tpu.memory_space<vmem>>
      %dma_wait3A_69 = arith.constant 0 : i32
      %dma_wait3A_70 = arith.constant 0 : i32
      %dma_wait3A_71 = tpu.memref_slice %arg2[%dma_wait3A_69, %dma_wait3A_70] : memref<100000x128xf32, #tpu.memory_space<hbm>> -> memref<100000x128xf32, #tpu.memory_space<hbm>>
      tpu.wait_indirect_dma semaphore(%arg13 : memref<!tpu.dma_semaphore, #tpu.memory_space<semaphore_mem>>) src(%dma_wait3A_71 : memref<100000x128xf32, #tpu.memory_space<hbm>>) dst(%arg11 : memref<128x128xf32, #tpu.memory_space<vmem>>)
      %add3A_72 = arith.constant 1 : i32
      %add3A_73 = arith.addi %mul3A_48, %add3A_72 : i32
      "tpu.region"() ({
        %run_scoped3A = tpu.sem_alloc : memref<!tpu.dma_semaphore, #tpu.memory_space<semaphore_mem>>
        %dma_start3A_74 = arith.constant 0 : i32
        %dma_start3A_75 = tpu.memref_slice %arg9[%add3A_73, %dma_start3A_74] : memref<40x128xi32, #tpu.memory_space<vmem>> -> memref<1x128xi32, #tpu.memory_space<vmem>>
        %dma_start3A_76 = tpu.memref_squeeze %dma_start3A_75 : memref<1x128xi32, #tpu.memory_space<vmem>> -> memref<128xi32, #tpu.memory_space<vmem>>
        %dma_start3A_77 = arith.constant 0 : i32
        %dma_start3A_78 = arith.constant 0 : i32
        %dma_start3A_79 = tpu.memref_slice %arg7[%dma_start3A_77, %dma_start3A_78] : memref<10112x128xf32, #tpu.memory_space<vmem_shared>> -> memref<10112x128xf32, #tpu.memory_space<vmem_shared>>
        tpu.enqueue_indirect_dma source(%arg11 : memref<128x128xf32, #tpu.memory_space<vmem>>) target(%dma_start3A_79 : memref<10112x128xf32, #tpu.memory_space<vmem_shared>>) offsets(%dma_start3A_76 : memref<128xi32, #tpu.memory_space<vmem>>) semaphore(%run_scoped3A : memref<!tpu.dma_semaphore, #tpu.memory_space<semaphore_mem>>) {add = true}
        %dma_wait3A_80 = arith.constant 0 : i32
        %dma_wait3A_81 = tpu.memref_slice %arg9[%add3A_73, %dma_wait3A_80] : memref<40x128xi32, #tpu.memory_space<vmem>> -> memref<1x128xi32, #tpu.memory_space<vmem>>
        %dma_wait3A_82 = tpu.memref_squeeze %dma_wait3A_81 : memref<1x128xi32, #tpu.memory_space<vmem>> -> memref<128xi32, #tpu.memory_space<vmem>>
        %dma_wait3A_83 = arith.constant 0 : i32
        %dma_wait3A_84 = arith.constant 0 : i32
        %dma_wait3A_85 = tpu.memref_slice %arg7[%dma_wait3A_83, %dma_wait3A_84] : memref<10112x128xf32, #tpu.memory_space<vmem_shared>> -> memref<10112x128xf32, #tpu.memory_space<vmem_shared>>
        tpu.wait_indirect_dma semaphore(%run_scoped3A : memref<!tpu.dma_semaphore, #tpu.memory_space<semaphore_mem>>) src(%arg11 : memref<128x128xf32, #tpu.memory_space<vmem>>) dst(%dma_wait3A_85 : memref<10112x128xf32, #tpu.memory_space<vmem_shared>>)
        tpu.yield
      }) : () -> ()
    }
    %scan3A_36 = arith.constant 20 : i32
    %barrier3A_37 = arith.constant 0 : index
    tpu.barrier barrier_id(%barrier3A_37)
    %mul3A_38 = arith.constant 632 : i32
    %mul3A_39 = arith.muli %arg1, %mul3A_38 : i32
    %mul3A_40 = arith.constant 632 : i32
    %mul3A_41 = arith.muli %arg1, %mul3A_40 : i32
    "tpu.region"() ({
      %run_scoped3A = tpu.sem_alloc : memref<!tpu.dma_semaphore, #tpu.memory_space<semaphore_mem>>
      %dma_start3A_42 = arith.constant 0 : i32
      %dma_start3A_43 = arith.constant 0 : i32
      %dma_start3A_44 = tpu.memref_slice %arg6[%arg0, %dma_start3A_42, %dma_start3A_43] : memref<2x10112x128xf32, #tpu.memory_space<hbm>> -> memref<1x10112x128xf32, #tpu.memory_space<hbm>>
      %dma_start3A_45 = tpu.memref_squeeze %dma_start3A_44 : memref<1x10112x128xf32, #tpu.memory_space<hbm>> -> memref<10112x128xf32, #tpu.memory_space<hbm>>
      %dma_start3A_46 = arith.constant 0 : i32
      %dma_start3A_47 = tpu.memref_slice %dma_start3A_45[%mul3A_41, %dma_start3A_46] : memref<10112x128xf32, #tpu.memory_space<hbm>> -> memref<632x128xf32, #tpu.memory_space<hbm>>
      %dma_start3A_48 = arith.constant 0 : i32
      %dma_start3A_49 = tpu.memref_slice %arg7[%mul3A_39, %dma_start3A_48] : memref<10112x128xf32, #tpu.memory_space<vmem_shared>> -> memref<632x128xf32, #tpu.memory_space<vmem_shared>>
      tpu.enqueue_dma source(%dma_start3A_49 : memref<632x128xf32, #tpu.memory_space<vmem_shared>>) target(%dma_start3A_47 : memref<632x128xf32, #tpu.memory_space<hbm>>) target_semaphore(%run_scoped3A : memref<!tpu.dma_semaphore, #tpu.memory_space<semaphore_mem>>)
      %dma_wait3A = arith.constant 0 : i32
      %dma_wait3A_50 = arith.constant 0 : i32
      %dma_wait3A_51 = tpu.memref_slice %arg6[%arg0, %dma_wait3A, %dma_wait3A_50] : memref<2x10112x128xf32, #tpu.memory_space<hbm>> -> memref<1x10112x128xf32, #tpu.memory_space<hbm>>
      %dma_wait3A_52 = tpu.memref_squeeze %dma_wait3A_51 : memref<1x10112x128xf32, #tpu.memory_space<hbm>> -> memref<10112x128xf32, #tpu.memory_space<hbm>>
      %dma_wait3A_53 = arith.constant 0 : i32
      %dma_wait3A_54 = tpu.memref_slice %dma_wait3A_52[%mul3A_41, %dma_wait3A_53] : memref<10112x128xf32, #tpu.memory_space<hbm>> -> memref<632x128xf32, #tpu.memory_space<hbm>>
      %dma_wait3A_55 = arith.constant 0 : i32
      %dma_wait3A_56 = tpu.memref_slice %arg7[%mul3A_39, %dma_wait3A_55] : memref<10112x128xf32, #tpu.memory_space<vmem_shared>> -> memref<632x128xf32, #tpu.memory_space<vmem_shared>>
      tpu.wait_dma2 semaphore(%run_scoped3A : memref<!tpu.dma_semaphore, #tpu.memory_space<semaphore_mem>>) src(%dma_wait3A_56 : memref<632x128xf32, #tpu.memory_space<vmem_shared>>) dst(%dma_wait3A_54 : memref<632x128xf32, #tpu.memory_space<hbm>>)
      tpu.yield
    }) : () -> ()
    return
  }
}

#map = affine_map<(d0, d1) -> (0, 0)>
#map1 = affine_map<(d0, d1) -> (0, 0, 0)>
module attributes {stable_mosaic.version = 14 : i64} {
  func.func @k(%arg0: i32, %arg1: i32, %arg2: memref<100000x128xf32, #tpu.memory_space<hbm>>, %arg3: memref<2560x128xi32, #tpu.memory_space<hbm>>, %arg4: memref<2560x128xi32, #tpu.memory_space<hbm>>, %arg5: memref<10112x128xf32, #tpu.memory_space<hbm>>, %arg6: memref<2x10112x128xf32, #tpu.memory_space<hbm>>, %arg7: memref<10112x128xf32, #tpu.memory_space<vmem_shared>>, %arg8: memref<40x128xi32, #tpu.memory_space<vmem>>, %arg9: memref<40x128xi32, #tpu.memory_space<vmem>>, %arg10: memref<128x128xf32, #tpu.memory_space<vmem>>, %arg11: memref<128x128xf32, #tpu.memory_space<vmem>>, %arg12: memref<!tpu.dma_semaphore, #tpu.memory_space<semaphore_mem>>, %arg13: memref<!tpu.dma_semaphore, #tpu.memory_space<semaphore_mem>>) attributes {dimension_semantics = [#tpu.dimension_semantics<core_parallel>, #tpu.dimension_semantics<subcore_parallel>], iteration_bounds = array<i64: 2, 16>, scalar_prefetch = 0 : i64, scratch_operands = 7 : i64, tpu.core_type = #tpu.core_type<sc_vector_subcore>, window_params = [{transform_indices = #map}, {transform_indices = #map}, {transform_indices = #map}, {transform_indices = #map}, {transform_indices = #map1}]} {
    %mul3A = arith.constant 632 : i32
    %mul3A_0 = arith.muli %arg1, %mul3A : i32
    %mul3A_1 = arith.constant 632 : i32
    %mul3A_2 = arith.muli %arg1, %mul3A_1 : i32
    "tpu.region"() ({
      %run_scoped3A = tpu.sem_alloc : memref<!tpu.dma_semaphore, #tpu.memory_space<semaphore_mem>>
      %dma_start3A_42 = arith.constant 0 : i32
      %dma_start3A_43 = tpu.memref_slice %arg7[%mul3A_2, %dma_start3A_42] : memref<10112x128xf32, #tpu.memory_space<vmem_shared>> -> memref<632x128xf32, #tpu.memory_space<vmem_shared>>
      %dma_start3A_44 = arith.constant 0 : i32
      %dma_start3A_45 = tpu.memref_slice %arg5[%mul3A_0, %dma_start3A_44] : memref<10112x128xf32, #tpu.memory_space<hbm>> -> memref<632x128xf32, #tpu.memory_space<hbm>>
      tpu.enqueue_dma source(%dma_start3A_45 : memref<632x128xf32, #tpu.memory_space<hbm>>) target(%dma_start3A_43 : memref<632x128xf32, #tpu.memory_space<vmem_shared>>) target_semaphore(%run_scoped3A : memref<!tpu.dma_semaphore, #tpu.memory_space<semaphore_mem>>)
      %dma_wait3A = arith.constant 0 : i32
      %dma_wait3A_46 = tpu.memref_slice %arg7[%mul3A_2, %dma_wait3A] : memref<10112x128xf32, #tpu.memory_space<vmem_shared>> -> memref<632x128xf32, #tpu.memory_space<vmem_shared>>
      %dma_wait3A_47 = arith.constant 0 : i32
      %dma_wait3A_48 = tpu.memref_slice %arg5[%mul3A_0, %dma_wait3A_47] : memref<10112x128xf32, #tpu.memory_space<hbm>> -> memref<632x128xf32, #tpu.memory_space<hbm>>
      tpu.wait_dma2 semaphore(%run_scoped3A : memref<!tpu.dma_semaphore, #tpu.memory_space<semaphore_mem>>) src(%dma_wait3A_48 : memref<632x128xf32, #tpu.memory_space<hbm>>) dst(%dma_wait3A_46 : memref<632x128xf32, #tpu.memory_space<vmem_shared>>)
      tpu.yield
    }) : () -> ()
    %mul3A_3 = arith.constant 16 : i32
    %mul3A_4 = arith.muli %arg0, %mul3A_3 : i32
    %add3A = arith.addi %mul3A_4, %arg1 : i32
    %mul3A_5 = arith.constant 80 : i32
    %mul3A_6 = arith.muli %add3A, %mul3A_5 : i32
    %barrier3A = arith.constant 0 : index
    tpu.barrier barrier_id(%barrier3A)
    %add3A_7 = arith.constant 0 : i32
    %add3A_8 = arith.addi %mul3A_6, %add3A_7 : i32
    "tpu.region"() ({
      %run_scoped3A = tpu.sem_alloc : memref<!tpu.dma_semaphore, #tpu.memory_space<semaphore_mem>>
      %dma_start3A_42 = arith.constant 0 : i32
      %dma_start3A_43 = tpu.memref_slice %arg3[%add3A_8, %dma_start3A_42] : memref<2560x128xi32, #tpu.memory_space<hbm>> -> memref<40x128xi32, #tpu.memory_space<hbm>>
      %dma_start3A_44 = arith.constant 0 : i32
      %dma_start3A_45 = tpu.memref_slice %arg3[%add3A_8, %dma_start3A_44] : memref<2560x128xi32, #tpu.memory_space<hbm>> -> memref<40x128xi32, #tpu.memory_space<hbm>>
      tpu.enqueue_dma source(%dma_start3A_45 : memref<40x128xi32, #tpu.memory_space<hbm>>) target(%arg8 : memref<40x128xi32, #tpu.memory_space<vmem>>) target_semaphore(%run_scoped3A : memref<!tpu.dma_semaphore, #tpu.memory_space<semaphore_mem>>)
      %dma_wait3A = arith.constant 0 : i32
      %dma_wait3A_46 = tpu.memref_slice %arg3[%add3A_8, %dma_wait3A] : memref<2560x128xi32, #tpu.memory_space<hbm>> -> memref<40x128xi32, #tpu.memory_space<hbm>>
      %dma_wait3A_47 = arith.constant 0 : i32
      %dma_wait3A_48 = tpu.memref_slice %arg3[%add3A_8, %dma_wait3A_47] : memref<2560x128xi32, #tpu.memory_space<hbm>> -> memref<40x128xi32, #tpu.memory_space<hbm>>
      tpu.wait_dma2 semaphore(%run_scoped3A : memref<!tpu.dma_semaphore, #tpu.memory_space<semaphore_mem>>) src(%dma_wait3A_48 : memref<40x128xi32, #tpu.memory_space<hbm>>) dst(%arg8 : memref<40x128xi32, #tpu.memory_space<vmem>>)
      tpu.yield
    }) : () -> ()
    %add3A_9 = arith.constant 0 : i32
    %add3A_10 = arith.addi %mul3A_6, %add3A_9 : i32
    "tpu.region"() ({
      %run_scoped3A = tpu.sem_alloc : memref<!tpu.dma_semaphore, #tpu.memory_space<semaphore_mem>>
      %dma_start3A_42 = arith.constant 0 : i32
      %dma_start3A_43 = tpu.memref_slice %arg4[%add3A_10, %dma_start3A_42] : memref<2560x128xi32, #tpu.memory_space<hbm>> -> memref<40x128xi32, #tpu.memory_space<hbm>>
      %dma_start3A_44 = arith.constant 0 : i32
      %dma_start3A_45 = tpu.memref_slice %arg4[%add3A_10, %dma_start3A_44] : memref<2560x128xi32, #tpu.memory_space<hbm>> -> memref<40x128xi32, #tpu.memory_space<hbm>>
      tpu.enqueue_dma source(%dma_start3A_45 : memref<40x128xi32, #tpu.memory_space<hbm>>) target(%arg9 : memref<40x128xi32, #tpu.memory_space<vmem>>) target_semaphore(%run_scoped3A : memref<!tpu.dma_semaphore, #tpu.memory_space<semaphore_mem>>)
      %dma_wait3A = arith.constant 0 : i32
      %dma_wait3A_46 = tpu.memref_slice %arg4[%add3A_10, %dma_wait3A] : memref<2560x128xi32, #tpu.memory_space<hbm>> -> memref<40x128xi32, #tpu.memory_space<hbm>>
      %dma_wait3A_47 = arith.constant 0 : i32
      %dma_wait3A_48 = tpu.memref_slice %arg4[%add3A_10, %dma_wait3A_47] : memref<2560x128xi32, #tpu.memory_space<hbm>> -> memref<40x128xi32, #tpu.memory_space<hbm>>
      tpu.wait_dma2 semaphore(%run_scoped3A : memref<!tpu.dma_semaphore, #tpu.memory_space<semaphore_mem>>) src(%dma_wait3A_48 : memref<40x128xi32, #tpu.memory_space<hbm>>) dst(%arg9 : memref<40x128xi32, #tpu.memory_space<vmem>>)
      tpu.yield
    }) : () -> ()
    %dma_start3A = arith.constant 0 : i32
    %dma_start3A_11 = arith.constant 0 : i32
    %dma_start3A_12 = tpu.memref_slice %arg8[%dma_start3A, %dma_start3A_11] : memref<40x128xi32, #tpu.memory_space<vmem>> -> memref<1x128xi32, #tpu.memory_space<vmem>>
    %dma_start3A_13 = tpu.memref_squeeze %dma_start3A_12 : memref<1x128xi32, #tpu.memory_space<vmem>> -> memref<128xi32, #tpu.memory_space<vmem>>
    %dma_start3A_14 = arith.constant 0 : i32
    %dma_start3A_15 = arith.constant 0 : i32
    %dma_start3A_16 = tpu.memref_slice %arg2[%dma_start3A_14, %dma_start3A_15] : memref<100000x128xf32, #tpu.memory_space<hbm>> -> memref<100000x128xf32, #tpu.memory_space<hbm>>
    tpu.enqueue_indirect_dma source(%dma_start3A_16 : memref<100000x128xf32, #tpu.memory_space<hbm>>) target(%arg10 : memref<128x128xf32, #tpu.memory_space<vmem>>) offsets(%dma_start3A_13 : memref<128xi32, #tpu.memory_space<vmem>>) semaphore(%arg12 : memref<!tpu.dma_semaphore, #tpu.memory_space<semaphore_mem>>)
    %scan3A = arith.constant 0 : i32
    %scan3A_17 = arith.constant 20 : i32
    %scan3A_18 = arith.addi %scan3A, %scan3A_17 : i32
    %scan3A_19 = arith.constant 1 : i32
    scf.for %scan3A_42 = %scan3A to %scan3A_18 step %scan3A_19  : i32 {
      %mul3A_43 = arith.constant 1 : i32
      %mul3A_44 = arith.muli %scan3A_42, %mul3A_43 : i32
      %add3A_45 = arith.constant 0 : i32
      %add3A_46 = arith.addi %add3A_45, %mul3A_44 : i32
      %mul3A_47 = arith.constant 2 : i32
      %mul3A_48 = arith.muli %add3A_46, %mul3A_47 : i32
      %add3A_49 = arith.constant 1 : i32
      %add3A_50 = arith.addi %mul3A_48, %add3A_49 : i32
      %dma_start3A_51 = arith.constant 0 : i32
      %dma_start3A_52 = tpu.memref_slice %arg8[%add3A_50, %dma_start3A_51] : memref<40x128xi32, #tpu.memory_space<vmem>> -> memref<1x128xi32, #tpu.memory_space<vmem>>
      %dma_start3A_53 = tpu.memref_squeeze %dma_start3A_52 : memref<1x128xi32, #tpu.memory_space<vmem>> -> memref<128xi32, #tpu.memory_space<vmem>>
      %dma_start3A_54 = arith.constant 0 : i32
      %dma_start3A_55 = arith.constant 0 : i32
      %dma_start3A_56 = tpu.memref_slice %arg2[%dma_start3A_54, %dma_start3A_55] : memref<100000x128xf32, #tpu.memory_space<hbm>> -> memref<100000x128xf32, #tpu.memory_space<hbm>>
      tpu.enqueue_indirect_dma source(%dma_start3A_56 : memref<100000x128xf32, #tpu.memory_space<hbm>>) target(%arg11 : memref<128x128xf32, #tpu.memory_space<vmem>>) offsets(%dma_start3A_53 : memref<128xi32, #tpu.memory_space<vmem>>) semaphore(%arg13 : memref<!tpu.dma_semaphore, #tpu.memory_space<semaphore_mem>>)
      %dma_wait3A = arith.constant 0 : i32
      %dma_wait3A_57 = arith.constant 0 : i32
      %dma_wait3A_58 = tpu.memref_slice %arg8[%dma_wait3A, %dma_wait3A_57] : memref<40x128xi32, #tpu.memory_space<vmem>> -> memref<1x128xi32, #tpu.memory_space<vmem>>
      %dma_wait3A_59 = tpu.memref_squeeze %dma_wait3A_58 : memref<1x128xi32, #tpu.memory_space<vmem>> -> memref<128xi32, #tpu.memory_space<vmem>>
      %dma_wait3A_60 = arith.constant 0 : i32
      %dma_wait3A_61 = arith.constant 0 : i32
      %dma_wait3A_62 = tpu.memref_slice %arg2[%dma_wait3A_60, %dma_wait3A_61] : memref<100000x128xf32, #tpu.memory_space<hbm>> -> memref<100000x128xf32, #tpu.memory_space<hbm>>
      tpu.wait_indirect_dma semaphore(%arg12 : memref<!tpu.dma_semaphore, #tpu.memory_space<semaphore_mem>>) src(%dma_wait3A_62 : memref<100000x128xf32, #tpu.memory_space<hbm>>) dst(%arg10 : memref<128x128xf32, #tpu.memory_space<vmem>>)
      "tpu.region"() ({
        %run_scoped3A = tpu.sem_alloc : memref<!tpu.dma_semaphore, #tpu.memory_space<semaphore_mem>>
        %dma_start3A_74 = arith.constant 0 : i32
        %dma_start3A_75 = tpu.memref_slice %arg9[%mul3A_48, %dma_start3A_74] : memref<40x128xi32, #tpu.memory_space<vmem>> -> memref<1x128xi32, #tpu.memory_space<vmem>>
        %dma_start3A_76 = tpu.memref_squeeze %dma_start3A_75 : memref<1x128xi32, #tpu.memory_space<vmem>> -> memref<128xi32, #tpu.memory_space<vmem>>
        %dma_start3A_77 = arith.constant 0 : i32
        %dma_start3A_78 = arith.constant 0 : i32
        %dma_start3A_79 = tpu.memref_slice %arg7[%dma_start3A_77, %dma_start3A_78] : memref<10112x128xf32, #tpu.memory_space<vmem_shared>> -> memref<10112x128xf32, #tpu.memory_space<vmem_shared>>
        tpu.enqueue_indirect_dma source(%arg10 : memref<128x128xf32, #tpu.memory_space<vmem>>) target(%dma_start3A_79 : memref<10112x128xf32, #tpu.memory_space<vmem_shared>>) offsets(%dma_start3A_76 : memref<128xi32, #tpu.memory_space<vmem>>) semaphore(%run_scoped3A : memref<!tpu.dma_semaphore, #tpu.memory_space<semaphore_mem>>) {add = true}
        %dma_wait3A_80 = arith.constant 0 : i32
        %dma_wait3A_81 = tpu.memref_slice %arg9[%mul3A_48, %dma_wait3A_80] : memref<40x128xi32, #tpu.memory_space<vmem>> -> memref<1x128xi32, #tpu.memory_space<vmem>>
        %dma_wait3A_82 = tpu.memref_squeeze %dma_wait3A_81 : memref<1x128xi32, #tpu.memory_space<vmem>> -> memref<128xi32, #tpu.memory_space<vmem>>
        %dma_wait3A_83 = arith.constant 0 : i32
        %dma_wait3A_84 = arith.constant 0 : i32
        %dma_wait3A_85 = tpu.memref_slice %arg7[%dma_wait3A_83, %dma_wait3A_84] : memref<10112x128xf32, #tpu.memory_space<vmem_shared>> -> memref<10112x128xf32, #tpu.memory_space<vmem_shared>>
        tpu.wait_indirect_dma semaphore(%run_scoped3A : memref<!tpu.dma_semaphore, #tpu.memory_space<semaphore_mem>>) src(%arg10 : memref<128x128xf32, #tpu.memory_space<vmem>>) dst(%dma_wait3A_85 : memref<10112x128xf32, #tpu.memory_space<vmem_shared>>)
        tpu.yield
      }) : () -> ()
      %lt3A = arith.constant 19 : i32
      %lt3A_63 = arith.cmpi slt, %add3A_46, %lt3A : i32
      %convert_element_type3A = arith.extui %lt3A_63 : i1 to i32
      %cond3A = arith.constant 0 : i32
      %cond3A_64 = arith.cmpi ne, %convert_element_type3A, %cond3A : i32
      scf.if %cond3A_64 {
        %add3A_74 = arith.constant 2 : i32
        %add3A_75 = arith.addi %mul3A_48, %add3A_74 : i32
        %dma_start3A_76 = arith.constant 0 : i32
        %dma_start3A_77 = tpu.memref_slice %arg8[%add3A_75, %dma_start3A_76] : memref<40x128xi32, #tpu.memory_space<vmem>> -> memref<1x128xi32, #tpu.memory_space<vmem>>
        %dma_start3A_78 = tpu.memref_squeeze %dma_start3A_77 : memref<1x128xi32, #tpu.memory_space<vmem>> -> memref<128xi32, #tpu.memory_space<vmem>>
        %dma_start3A_79 = arith.constant 0 : i32
        %dma_start3A_80 = arith.constant 0 : i32
        %dma_start3A_81 = tpu.memref_slice %arg2[%dma_start3A_79, %dma_start3A_80] : memref<100000x128xf32, #tpu.memory_space<hbm>> -> memref<100000x128xf32, #tpu.memory_space<hbm>>
        tpu.enqueue_indirect_dma source(%dma_start3A_81 : memref<100000x128xf32, #tpu.memory_space<hbm>>) target(%arg10 : memref<128x128xf32, #tpu.memory_space<vmem>>) offsets(%dma_start3A_78 : memref<128xi32, #tpu.memory_space<vmem>>) semaphore(%arg12 : memref<!tpu.dma_semaphore, #tpu.memory_space<semaphore_mem>>)
      } else {
      }
      %dma_wait3A_65 = arith.constant 0 : i32
      %dma_wait3A_66 = arith.constant 0 : i32
      %dma_wait3A_67 = tpu.memref_slice %arg8[%dma_wait3A_65, %dma_wait3A_66] : memref<40x128xi32, #tpu.memory_space<vmem>> -> memref<1x128xi32, #tpu.memory_space<vmem>>
      %dma_wait3A_68 = tpu.memref_squeeze %dma_wait3A_67 : memref<1x128xi32, #tpu.memory_space<vmem>> -> memref<128xi32, #tpu.memory_space<vmem>>
      %dma_wait3A_69 = arith.constant 0 : i32
      %dma_wait3A_70 = arith.constant 0 : i32
      %dma_wait3A_71 = tpu.memref_slice %arg2[%dma_wait3A_69, %dma_wait3A_70] : memref<100000x128xf32, #tpu.memory_space<hbm>> -> memref<100000x128xf32, #tpu.memory_space<hbm>>
      tpu.wait_indirect_dma semaphore(%arg13 : memref<!tpu.dma_semaphore, #tpu.memory_space<semaphore_mem>>) src(%dma_wait3A_71 : memref<100000x128xf32, #tpu.memory_space<hbm>>) dst(%arg11 : memref<128x128xf32, #tpu.memory_space<vmem>>)
      %add3A_72 = arith.constant 1 : i32
      %add3A_73 = arith.addi %mul3A_48, %add3A_72 : i32
      "tpu.region"() ({
        %run_scoped3A = tpu.sem_alloc : memref<!tpu.dma_semaphore, #tpu.memory_space<semaphore_mem>>
        %dma_start3A_74 = arith.constant 0 : i32
        %dma_start3A_75 = tpu.memref_slice %arg9[%add3A_73, %dma_start3A_74] : memref<40x128xi32, #tpu.memory_space<vmem>> -> memref<1x128xi32, #tpu.memory_space<vmem>>
        %dma_start3A_76 = tpu.memref_squeeze %dma_start3A_75 : memref<1x128xi32, #tpu.memory_space<vmem>> -> memref<128xi32, #tpu.memory_space<vmem>>
        %dma_start3A_77 = arith.constant 0 : i32
        %dma_start3A_78 = arith.constant 0 : i32
        %dma_start3A_79 = tpu.memref_slice %arg7[%dma_start3A_77, %dma_start3A_78] : memref<10112x128xf32, #tpu.memory_space<vmem_shared>> -> memref<10112x128xf32, #tpu.memory_space<vmem_shared>>
        tpu.enqueue_indirect_dma source(%arg11 : memref<128x128xf32, #tpu.memory_space<vmem>>) target(%dma_start3A_79 : memref<10112x128xf32, #tpu.memory_space<vmem_shared>>) offsets(%dma_start3A_76 : memref<128xi32, #tpu.memory_space<vmem>>) semaphore(%run_scoped3A : memref<!tpu.dma_semaphore, #tpu.memory_space<semaphore_mem>>) {add = true}
        %dma_wait3A_80 = arith.constant 0 : i32
        %dma_wait3A_81 = tpu.memref_slice %arg9[%add3A_73, %dma_wait3A_80] : memref<40x128xi32, #tpu.memory_space<vmem>> -> memref<1x128xi32, #tpu.memory_space<vmem>>
        %dma_wait3A_82 = tpu.memref_squeeze %dma_wait3A_81 : memref<1x128xi32, #tpu.memory_space<vmem>> -> memref<128xi32, #tpu.memory_space<vmem>>
        %dma_wait3A_83 = arith.constant 0 : i32
        %dma_wait3A_84 = arith.constant 0 : i32
        %dma_wait3A_85 = tpu.memref_slice %arg7[%dma_wait3A_83, %dma_wait3A_84] : memref<10112x128xf32, #tpu.memory_space<vmem_shared>> -> memref<10112x128xf32, #tpu.memory_space<vmem_shared>>
        tpu.wait_indirect_dma semaphore(%run_scoped3A : memref<!tpu.dma_semaphore, #tpu.memory_space<semaphore_mem>>) src(%arg11 : memref<128x128xf32, #tpu.memory_space<vmem>>) dst(%dma_wait3A_85 : memref<10112x128xf32, #tpu.memory_space<vmem_shared>>)
        tpu.yield
      }) : () -> ()
    }
    %scan3A_20 = arith.constant 20 : i32
    %add3A_21 = arith.constant 40 : i32
    %add3A_22 = arith.addi %mul3A_6, %add3A_21 : i32
    "tpu.region"() ({
      %run_scoped3A = tpu.sem_alloc : memref<!tpu.dma_semaphore, #tpu.memory_space<semaphore_mem>>
      %dma_start3A_42 = arith.constant 0 : i32
      %dma_start3A_43 = tpu.memref_slice %arg3[%add3A_22, %dma_start3A_42] : memref<2560x128xi32, #tpu.memory_space<hbm>> -> memref<40x128xi32, #tpu.memory_space<hbm>>
      %dma_start3A_44 = arith.constant 0 : i32
      %dma_start3A_45 = tpu.memref_slice %arg3[%add3A_22, %dma_start3A_44] : memref<2560x128xi32, #tpu.memory_space<hbm>> -> memref<40x128xi32, #tpu.memory_space<hbm>>
      tpu.enqueue_dma source(%dma_start3A_45 : memref<40x128xi32, #tpu.memory_space<hbm>>) target(%arg8 : memref<40x128xi32, #tpu.memory_space<vmem>>) target_semaphore(%run_scoped3A : memref<!tpu.dma_semaphore, #tpu.memory_space<semaphore_mem>>)
      %dma_wait3A = arith.constant 0 : i32
      %dma_wait3A_46 = tpu.memref_slice %arg3[%add3A_22, %dma_wait3A] : memref<2560x128xi32, #tpu.memory_space<hbm>> -> memref<40x128xi32, #tpu.memory_space<hbm>>
      %dma_wait3A_47 = arith.constant 0 : i32
      %dma_wait3A_48 = tpu.memref_slice %arg3[%add3A_22, %dma_wait3A_47] : memref<2560x128xi32, #tpu.memory_space<hbm>> -> memref<40x128xi32, #tpu.memory_space<hbm>>
      tpu.wait_dma2 semaphore(%run_scoped3A : memref<!tpu.dma_semaphore, #tpu.memory_space<semaphore_mem>>) src(%dma_wait3A_48 : memref<40x128xi32, #tpu.memory_space<hbm>>) dst(%arg8 : memref<40x128xi32, #tpu.memory_space<vmem>>)
      tpu.yield
    }) : () -> ()
    %add3A_23 = arith.constant 40 : i32
    %add3A_24 = arith.addi %mul3A_6, %add3A_23 : i32
    "tpu.region"() ({
      %run_scoped3A = tpu.sem_alloc : memref<!tpu.dma_semaphore, #tpu.memory_space<semaphore_mem>>
      %dma_start3A_42 = arith.constant 0 : i32
      %dma_start3A_43 = tpu.memref_slice %arg4[%add3A_24, %dma_start3A_42] : memref<2560x128xi32, #tpu.memory_space<hbm>> -> memref<40x128xi32, #tpu.memory_space<hbm>>
      %dma_start3A_44 = arith.constant 0 : i32
      %dma_start3A_45 = tpu.memref_slice %arg4[%add3A_24, %dma_start3A_44] : memref<2560x128xi32, #tpu.memory_space<hbm>> -> memref<40x128xi32, #tpu.memory_space<hbm>>
      tpu.enqueue_dma source(%dma_start3A_45 : memref<40x128xi32, #tpu.memory_space<hbm>>) target(%arg9 : memref<40x128xi32, #tpu.memory_space<vmem>>) target_semaphore(%run_scoped3A : memref<!tpu.dma_semaphore, #tpu.memory_space<semaphore_mem>>)
      %dma_wait3A = arith.constant 0 : i32
      %dma_wait3A_46 = tpu.memref_slice %arg4[%add3A_24, %dma_wait3A] : memref<2560x128xi32, #tpu.memory_space<hbm>> -> memref<40x128xi32, #tpu.memory_space<hbm>>
      %dma_wait3A_47 = arith.constant 0 : i32
      %dma_wait3A_48 = tpu.memref_slice %arg4[%add3A_24, %dma_wait3A_47] : memref<2560x128xi32, #tpu.memory_space<hbm>> -> memref<40x128xi32, #tpu.memory_space<hbm>>
      tpu.wait_dma2 semaphore(%run_scoped3A : memref<!tpu.dma_semaphore, #tpu.memory_space<semaphore_mem>>) src(%dma_wait3A_48 : memref<40x128xi32, #tpu.memory_space<hbm>>) dst(%arg9 : memref<40x128xi32, #tpu.memory_space<vmem>>)
      tpu.yield
    }) : () -> ()
    %dma_start3A_25 = arith.constant 0 : i32
    %dma_start3A_26 = arith.constant 0 : i32
    %dma_start3A_27 = tpu.memref_slice %arg8[%dma_start3A_25, %dma_start3A_26] : memref<40x128xi32, #tpu.memory_space<vmem>> -> memref<1x128xi32, #tpu.memory_space<vmem>>
    %dma_start3A_28 = tpu.memref_squeeze %dma_start3A_27 : memref<1x128xi32, #tpu.memory_space<vmem>> -> memref<128xi32, #tpu.memory_space<vmem>>
    %dma_start3A_29 = arith.constant 0 : i32
    %dma_start3A_30 = arith.constant 0 : i32
    %dma_start3A_31 = tpu.memref_slice %arg2[%dma_start3A_29, %dma_start3A_30] : memref<100000x128xf32, #tpu.memory_space<hbm>> -> memref<100000x128xf32, #tpu.memory_space<hbm>>
    tpu.enqueue_indirect_dma source(%dma_start3A_31 : memref<100000x128xf32, #tpu.memory_space<hbm>>) target(%arg10 : memref<128x128xf32, #tpu.memory_space<vmem>>) offsets(%dma_start3A_28 : memref<128xi32, #tpu.memory_space<vmem>>) semaphore(%arg12 : memref<!tpu.dma_semaphore, #tpu.memory_space<semaphore_mem>>)
    %scan3A_32 = arith.constant 0 : i32
    %scan3A_33 = arith.constant 20 : i32
    %scan3A_34 = arith.addi %scan3A_32, %scan3A_33 : i32
    %scan3A_35 = arith.constant 1 : i32
    scf.for %scan3A_42 = %scan3A_32 to %scan3A_34 step %scan3A_35  : i32 {
      %mul3A_43 = arith.constant 1 : i32
      %mul3A_44 = arith.muli %scan3A_42, %mul3A_43 : i32
      %add3A_45 = arith.constant 0 : i32
      %add3A_46 = arith.addi %add3A_45, %mul3A_44 : i32
      %mul3A_47 = arith.constant 2 : i32
      %mul3A_48 = arith.muli %add3A_46, %mul3A_47 : i32
      %add3A_49 = arith.constant 1 : i32
      %add3A_50 = arith.addi %mul3A_48, %add3A_49 : i32
      %dma_start3A_51 = arith.constant 0 : i32
      %dma_start3A_52 = tpu.memref_slice %arg8[%add3A_50, %dma_start3A_51] : memref<40x128xi32, #tpu.memory_space<vmem>> -> memref<1x128xi32, #tpu.memory_space<vmem>>
      %dma_start3A_53 = tpu.memref_squeeze %dma_start3A_52 : memref<1x128xi32, #tpu.memory_space<vmem>> -> memref<128xi32, #tpu.memory_space<vmem>>
      %dma_start3A_54 = arith.constant 0 : i32
      %dma_start3A_55 = arith.constant 0 : i32
      %dma_start3A_56 = tpu.memref_slice %arg2[%dma_start3A_54, %dma_start3A_55] : memref<100000x128xf32, #tpu.memory_space<hbm>> -> memref<100000x128xf32, #tpu.memory_space<hbm>>
      tpu.enqueue_indirect_dma source(%dma_start3A_56 : memref<100000x128xf32, #tpu.memory_space<hbm>>) target(%arg11 : memref<128x128xf32, #tpu.memory_space<vmem>>) offsets(%dma_start3A_53 : memref<128xi32, #tpu.memory_space<vmem>>) semaphore(%arg13 : memref<!tpu.dma_semaphore, #tpu.memory_space<semaphore_mem>>)
      %dma_wait3A = arith.constant 0 : i32
      %dma_wait3A_57 = arith.constant 0 : i32
      %dma_wait3A_58 = tpu.memref_slice %arg8[%dma_wait3A, %dma_wait3A_57] : memref<40x128xi32, #tpu.memory_space<vmem>> -> memref<1x128xi32, #tpu.memory_space<vmem>>
      %dma_wait3A_59 = tpu.memref_squeeze %dma_wait3A_58 : memref<1x128xi32, #tpu.memory_space<vmem>> -> memref<128xi32, #tpu.memory_space<vmem>>
      %dma_wait3A_60 = arith.constant 0 : i32
      %dma_wait3A_61 = arith.constant 0 : i32
      %dma_wait3A_62 = tpu.memref_slice %arg2[%dma_wait3A_60, %dma_wait3A_61] : memref<100000x128xf32, #tpu.memory_space<hbm>> -> memref<100000x128xf32, #tpu.memory_space<hbm>>
      tpu.wait_indirect_dma semaphore(%arg12 : memref<!tpu.dma_semaphore, #tpu.memory_space<semaphore_mem>>) src(%dma_wait3A_62 : memref<100000x128xf32, #tpu.memory_space<hbm>>) dst(%arg10 : memref<128x128xf32, #tpu.memory_space<vmem>>)
      "tpu.region"() ({
        %run_scoped3A = tpu.sem_alloc : memref<!tpu.dma_semaphore, #tpu.memory_space<semaphore_mem>>
        %dma_start3A_74 = arith.constant 0 : i32
        %dma_start3A_75 = tpu.memref_slice %arg9[%mul3A_48, %dma_start3A_74] : memref<40x128xi32, #tpu.memory_space<vmem>> -> memref<1x128xi32, #tpu.memory_space<vmem>>
        %dma_start3A_76 = tpu.memref_squeeze %dma_start3A_75 : memref<1x128xi32, #tpu.memory_space<vmem>> -> memref<128xi32, #tpu.memory_space<vmem>>
        %dma_start3A_77 = arith.constant 0 : i32
        %dma_start3A_78 = arith.constant 0 : i32
        %dma_start3A_79 = tpu.memref_slice %arg7[%dma_start3A_77, %dma_start3A_78] : memref<10112x128xf32, #tpu.memory_space<vmem_shared>> -> memref<10112x128xf32, #tpu.memory_space<vmem_shared>>
        tpu.enqueue_indirect_dma source(%arg10 : memref<128x128xf32, #tpu.memory_space<vmem>>) target(%dma_start3A_79 : memref<10112x128xf32, #tpu.memory_space<vmem_shared>>) offsets(%dma_start3A_76 : memref<128xi32, #tpu.memory_space<vmem>>) semaphore(%run_scoped3A : memref<!tpu.dma_semaphore, #tpu.memory_space<semaphore_mem>>) {add = true}
        %dma_wait3A_80 = arith.constant 0 : i32
        %dma_wait3A_81 = tpu.memref_slice %arg9[%mul3A_48, %dma_wait3A_80] : memref<40x128xi32, #tpu.memory_space<vmem>> -> memref<1x128xi32, #tpu.memory_space<vmem>>
        %dma_wait3A_82 = tpu.memref_squeeze %dma_wait3A_81 : memref<1x128xi32, #tpu.memory_space<vmem>> -> memref<128xi32, #tpu.memory_space<vmem>>
        %dma_wait3A_83 = arith.constant 0 : i32
        %dma_wait3A_84 = arith.constant 0 : i32
        %dma_wait3A_85 = tpu.memref_slice %arg7[%dma_wait3A_83, %dma_wait3A_84] : memref<10112x128xf32, #tpu.memory_space<vmem_shared>> -> memref<10112x128xf32, #tpu.memory_space<vmem_shared>>
        tpu.wait_indirect_dma semaphore(%run_scoped3A : memref<!tpu.dma_semaphore, #tpu.memory_space<semaphore_mem>>) src(%arg10 : memref<128x128xf32, #tpu.memory_space<vmem>>) dst(%dma_wait3A_85 : memref<10112x128xf32, #tpu.memory_space<vmem_shared>>)
        tpu.yield
      }) : () -> ()
      %lt3A = arith.constant 19 : i32
      %lt3A_63 = arith.cmpi slt, %add3A_46, %lt3A : i32
      %convert_element_type3A = arith.extui %lt3A_63 : i1 to i32
      %cond3A = arith.constant 0 : i32
      %cond3A_64 = arith.cmpi ne, %convert_element_type3A, %cond3A : i32
      scf.if %cond3A_64 {
        %add3A_74 = arith.constant 2 : i32
        %add3A_75 = arith.addi %mul3A_48, %add3A_74 : i32
        %dma_start3A_76 = arith.constant 0 : i32
        %dma_start3A_77 = tpu.memref_slice %arg8[%add3A_75, %dma_start3A_76] : memref<40x128xi32, #tpu.memory_space<vmem>> -> memref<1x128xi32, #tpu.memory_space<vmem>>
        %dma_start3A_78 = tpu.memref_squeeze %dma_start3A_77 : memref<1x128xi32, #tpu.memory_space<vmem>> -> memref<128xi32, #tpu.memory_space<vmem>>
        %dma_start3A_79 = arith.constant 0 : i32
        %dma_start3A_80 = arith.constant 0 : i32
        %dma_start3A_81 = tpu.memref_slice %arg2[%dma_start3A_79, %dma_start3A_80] : memref<100000x128xf32, #tpu.memory_space<hbm>> -> memref<100000x128xf32, #tpu.memory_space<hbm>>
        tpu.enqueue_indirect_dma source(%dma_start3A_81 : memref<100000x128xf32, #tpu.memory_space<hbm>>) target(%arg10 : memref<128x128xf32, #tpu.memory_space<vmem>>) offsets(%dma_start3A_78 : memref<128xi32, #tpu.memory_space<vmem>>) semaphore(%arg12 : memref<!tpu.dma_semaphore, #tpu.memory_space<semaphore_mem>>)
      } else {
      }
      %dma_wait3A_65 = arith.constant 0 : i32
      %dma_wait3A_66 = arith.constant 0 : i32
      %dma_wait3A_67 = tpu.memref_slice %arg8[%dma_wait3A_65, %dma_wait3A_66] : memref<40x128xi32, #tpu.memory_space<vmem>> -> memref<1x128xi32, #tpu.memory_space<vmem>>
      %dma_wait3A_68 = tpu.memref_squeeze %dma_wait3A_67 : memref<1x128xi32, #tpu.memory_space<vmem>> -> memref<128xi32, #tpu.memory_space<vmem>>
      %dma_wait3A_69 = arith.constant 0 : i32
      %dma_wait3A_70 = arith.constant 0 : i32
      %dma_wait3A_71 = tpu.memref_slice %arg2[%dma_wait3A_69, %dma_wait3A_70] : memref<100000x128xf32, #tpu.memory_space<hbm>> -> memref<100000x128xf32, #tpu.memory_space<hbm>>
      tpu.wait_indirect_dma semaphore(%arg13 : memref<!tpu.dma_semaphore, #tpu.memory_space<semaphore_mem>>) src(%dma_wait3A_71 : memref<100000x128xf32, #tpu.memory_space<hbm>>) dst(%arg11 : memref<128x128xf32, #tpu.memory_space<vmem>>)
      %add3A_72 = arith.constant 1 : i32
      %add3A_73 = arith.addi %mul3A_48, %add3A_72 : i32
      "tpu.region"() ({
        %run_scoped3A = tpu.sem_alloc : memref<!tpu.dma_semaphore, #tpu.memory_space<semaphore_mem>>
        %dma_start3A_74 = arith.constant 0 : i32
        %dma_start3A_75 = tpu.memref_slice %arg9[%add3A_73, %dma_start3A_74] : memref<40x128xi32, #tpu.memory_space<vmem>> -> memref<1x128xi32, #tpu.memory_space<vmem>>
        %dma_start3A_76 = tpu.memref_squeeze %dma_start3A_75 : memref<1x128xi32, #tpu.memory_space<vmem>> -> memref<128xi32, #tpu.memory_space<vmem>>
        %dma_start3A_77 = arith.constant 0 : i32
        %dma_start3A_78 = arith.constant 0 : i32
        %dma_start3A_79 = tpu.memref_slice %arg7[%dma_start3A_77, %dma_start3A_78] : memref<10112x128xf32, #tpu.memory_space<vmem_shared>> -> memref<10112x128xf32, #tpu.memory_space<vmem_shared>>
        tpu.enqueue_indirect_dma source(%arg11 : memref<128x128xf32, #tpu.memory_space<vmem>>) target(%dma_start3A_79 : memref<10112x128xf32, #tpu.memory_space<vmem_shared>>) offsets(%dma_start3A_76 : memref<128xi32, #tpu.memory_space<vmem>>) semaphore(%run_scoped3A : memref<!tpu.dma_semaphore, #tpu.memory_space<semaphore_mem>>) {add = true}
        %dma_wait3A_80 = arith.constant 0 : i32
        %dma_wait3A_81 = tpu.memref_slice %arg9[%add3A_73, %dma_wait3A_80] : memref<40x128xi32, #tpu.memory_space<vmem>> -> memref<1x128xi32, #tpu.memory_space<vmem>>
        %dma_wait3A_82 = tpu.memref_squeeze %dma_wait3A_81 : memref<1x128xi32, #tpu.memory_space<vmem>> -> memref<128xi32, #tpu.memory_space<vmem>>
        %dma_wait3A_83 = arith.constant 0 : i32
        %dma_wait3A_84 = arith.constant 0 : i32
        %dma_wait3A_85 = tpu.memref_slice %arg7[%dma_wait3A_83, %dma_wait3A_84] : memref<10112x128xf32, #tpu.memory_space<vmem_shared>> -> memref<10112x128xf32, #tpu.memory_space<vmem_shared>>
        tpu.wait_indirect_dma semaphore(%run_scoped3A : memref<!tpu.dma_semaphore, #tpu.memory_space<semaphore_mem>>) src(%arg11 : memref<128x128xf32, #tpu.memory_space<vmem>>) dst(%dma_wait3A_85 : memref<10112x128xf32, #tpu.memory_space<vmem_shared>>)
        tpu.yield
      }) : () -> ()
    }
    %scan3A_36 = arith.constant 20 : i32
    %barrier3A_37 = arith.constant 0 : index
    tpu.barrier barrier_id(%barrier3A_37)
    %mul3A_38 = arith.constant 632 : i32
    %mul3A_39 = arith.muli %arg1, %mul3A_38 : i32
    %mul3A_40 = arith.constant 632 : i32
    %mul3A_41 = arith.muli %arg1, %mul3A_40 : i32
    "tpu.region"() ({
      %run_scoped3A = tpu.sem_alloc : memref<!tpu.dma_semaphore, #tpu.memory_space<semaphore_mem>>
      %dma_start3A_42 = arith.constant 0 : i32
      %dma_start3A_43 = arith.constant 0 : i32
      %dma_start3A_44 = tpu.memref_slice %arg6[%arg0, %dma_start3A_42, %dma_start3A_43] : memref<2x10112x128xf32, #tpu.memory_space<hbm>> -> memref<1x10112x128xf32, #tpu.memory_space<hbm>>
      %dma_start3A_45 = tpu.memref_squeeze %dma_start3A_44 : memref<1x10112x128xf32, #tpu.memory_space<hbm>> -> memref<10112x128xf32, #tpu.memory_space<hbm>>
      %dma_start3A_46 = arith.constant 0 : i32
      %dma_start3A_47 = tpu.memref_slice %dma_start3A_45[%mul3A_41, %dma_start3A_46] : memref<10112x128xf32, #tpu.memory_space<hbm>> -> memref<632x128xf32, #tpu.memory_space<hbm>>
      %dma_start3A_48 = arith.constant 0 : i32
      %dma_start3A_49 = tpu.memref_slice %arg7[%mul3A_39, %dma_start3A_48] : memref<10112x128xf32, #tpu.memory_space<vmem_shared>> -> memref<632x128xf32, #tpu.memory_space<vmem_shared>>
      tpu.enqueue_dma source(%dma_start3A_49 : memref<632x128xf32, #tpu.memory_space<vmem_shared>>) target(%dma_start3A_47 : memref<632x128xf32, #tpu.memory_space<hbm>>) target_semaphore(%run_scoped3A : memref<!tpu.dma_semaphore, #tpu.memory_space<semaphore_mem>>)
      %dma_wait3A = arith.constant 0 : i32
      %dma_wait3A_50 = arith.constant 0 : i32
      %dma_wait3A_51 = tpu.memref_slice %arg6[%arg0, %dma_wait3A, %dma_wait3A_50] : memref<2x10112x128xf32, #tpu.memory_space<hbm>> -> memref<1x10112x128xf32, #tpu.memory_space<hbm>>
      %dma_wait3A_52 = tpu.memref_squeeze %dma_wait3A_51 : memref<1x10112x128xf32, #tpu.memory_space<hbm>> -> memref<10112x128xf32, #tpu.memory_space<hbm>>
      %dma_wait3A_53 = arith.constant 0 : i32
      %dma_wait3A_54 = tpu.memref_slice %dma_wait3A_52[%mul3A_41, %dma_wait3A_53] : memref<10112x128xf32, #tpu.memory_space<hbm>> -> memref<632x128xf32, #tpu.memory_space<hbm>>
      %dma_wait3A_55 = arith.constant 0 : i32
      %dma_wait3A_56 = tpu.memref_slice %arg7[%mul3A_39, %dma_wait3A_55] : memref<10112x128xf32, #tpu.memory_space<vmem_shared>> -> memref<632x128xf32, #tpu.memory_space<vmem_shared>>
      tpu.wait_dma2 semaphore(%run_scoped3A : memref<!tpu.dma_semaphore, #tpu.memory_space<semaphore_mem>>) src(%dma_wait3A_56 : memref<632x128xf32, #tpu.memory_space<vmem_shared>>) dst(%dma_wait3A_54 : memref<632x128xf32, #tpu.memory_space<hbm>>)
      tpu.yield
    }) : () -> ()
    return
  }
}

#map = affine_map<(d0, d1) -> (0, 0)>
#map1 = affine_map<(d0, d1) -> (0, 0, 0)>
module attributes {stable_mosaic.version = 14 : i64} {
  func.func @k(%arg0: i32, %arg1: i32, %arg2: memref<100000x128xf32, #tpu.memory_space<hbm>>, %arg3: memref<2560x128xi32, #tpu.memory_space<hbm>>, %arg4: memref<2560x128xi32, #tpu.memory_space<hbm>>, %arg5: memref<10112x128xf32, #tpu.memory_space<hbm>>, %arg6: memref<2x10112x128xf32, #tpu.memory_space<hbm>>, %arg7: memref<10112x128xf32, #tpu.memory_space<vmem_shared>>, %arg8: memref<40x128xi32, #tpu.memory_space<vmem>>, %arg9: memref<40x128xi32, #tpu.memory_space<vmem>>, %arg10: memref<128x128xf32, #tpu.memory_space<vmem>>, %arg11: memref<128x128xf32, #tpu.memory_space<vmem>>, %arg12: memref<!tpu.dma_semaphore, #tpu.memory_space<semaphore_mem>>, %arg13: memref<!tpu.dma_semaphore, #tpu.memory_space<semaphore_mem>>) attributes {dimension_semantics = [#tpu.dimension_semantics<core_parallel>, #tpu.dimension_semantics<subcore_parallel>], iteration_bounds = array<i64: 2, 16>, scalar_prefetch = 0 : i64, scratch_operands = 7 : i64, tpu.core_type = #tpu.core_type<sc_vector_subcore>, window_params = [{transform_indices = #map}, {transform_indices = #map}, {transform_indices = #map}, {transform_indices = #map}, {transform_indices = #map1}]} {
    %mul3A = arith.constant 632 : i32
    %mul3A_0 = arith.muli %arg1, %mul3A : i32
    %mul3A_1 = arith.constant 632 : i32
    %mul3A_2 = arith.muli %arg1, %mul3A_1 : i32
    "tpu.region"() ({
      %run_scoped3A = tpu.sem_alloc : memref<!tpu.dma_semaphore, #tpu.memory_space<semaphore_mem>>
      %dma_start3A_42 = arith.constant 0 : i32
      %dma_start3A_43 = tpu.memref_slice %arg7[%mul3A_2, %dma_start3A_42] : memref<10112x128xf32, #tpu.memory_space<vmem_shared>> -> memref<632x128xf32, #tpu.memory_space<vmem_shared>>
      %dma_start3A_44 = arith.constant 0 : i32
      %dma_start3A_45 = tpu.memref_slice %arg5[%mul3A_0, %dma_start3A_44] : memref<10112x128xf32, #tpu.memory_space<hbm>> -> memref<632x128xf32, #tpu.memory_space<hbm>>
      tpu.enqueue_dma source(%dma_start3A_45 : memref<632x128xf32, #tpu.memory_space<hbm>>) target(%dma_start3A_43 : memref<632x128xf32, #tpu.memory_space<vmem_shared>>) target_semaphore(%run_scoped3A : memref<!tpu.dma_semaphore, #tpu.memory_space<semaphore_mem>>)
      %dma_wait3A = arith.constant 0 : i32
      %dma_wait3A_46 = tpu.memref_slice %arg7[%mul3A_2, %dma_wait3A] : memref<10112x128xf32, #tpu.memory_space<vmem_shared>> -> memref<632x128xf32, #tpu.memory_space<vmem_shared>>
      %dma_wait3A_47 = arith.constant 0 : i32
      %dma_wait3A_48 = tpu.memref_slice %arg5[%mul3A_0, %dma_wait3A_47] : memref<10112x128xf32, #tpu.memory_space<hbm>> -> memref<632x128xf32, #tpu.memory_space<hbm>>
      tpu.wait_dma2 semaphore(%run_scoped3A : memref<!tpu.dma_semaphore, #tpu.memory_space<semaphore_mem>>) src(%dma_wait3A_48 : memref<632x128xf32, #tpu.memory_space<hbm>>) dst(%dma_wait3A_46 : memref<632x128xf32, #tpu.memory_space<vmem_shared>>)
      tpu.yield
    }) : () -> ()
    %mul3A_3 = arith.constant 16 : i32
    %mul3A_4 = arith.muli %arg0, %mul3A_3 : i32
    %add3A = arith.addi %mul3A_4, %arg1 : i32
    %mul3A_5 = arith.constant 80 : i32
    %mul3A_6 = arith.muli %add3A, %mul3A_5 : i32
    %barrier3A = arith.constant 0 : index
    tpu.barrier barrier_id(%barrier3A)
    %add3A_7 = arith.constant 0 : i32
    %add3A_8 = arith.addi %mul3A_6, %add3A_7 : i32
    "tpu.region"() ({
      %run_scoped3A = tpu.sem_alloc : memref<!tpu.dma_semaphore, #tpu.memory_space<semaphore_mem>>
      %dma_start3A_42 = arith.constant 0 : i32
      %dma_start3A_43 = tpu.memref_slice %arg3[%add3A_8, %dma_start3A_42] : memref<2560x128xi32, #tpu.memory_space<hbm>> -> memref<40x128xi32, #tpu.memory_space<hbm>>
      %dma_start3A_44 = arith.constant 0 : i32
      %dma_start3A_45 = tpu.memref_slice %arg3[%add3A_8, %dma_start3A_44] : memref<2560x128xi32, #tpu.memory_space<hbm>> -> memref<40x128xi32, #tpu.memory_space<hbm>>
      tpu.enqueue_dma source(%dma_start3A_45 : memref<40x128xi32, #tpu.memory_space<hbm>>) target(%arg8 : memref<40x128xi32, #tpu.memory_space<vmem>>) target_semaphore(%run_scoped3A : memref<!tpu.dma_semaphore, #tpu.memory_space<semaphore_mem>>)
      %dma_wait3A = arith.constant 0 : i32
      %dma_wait3A_46 = tpu.memref_slice %arg3[%add3A_8, %dma_wait3A] : memref<2560x128xi32, #tpu.memory_space<hbm>> -> memref<40x128xi32, #tpu.memory_space<hbm>>
      %dma_wait3A_47 = arith.constant 0 : i32
      %dma_wait3A_48 = tpu.memref_slice %arg3[%add3A_8, %dma_wait3A_47] : memref<2560x128xi32, #tpu.memory_space<hbm>> -> memref<40x128xi32, #tpu.memory_space<hbm>>
      tpu.wait_dma2 semaphore(%run_scoped3A : memref<!tpu.dma_semaphore, #tpu.memory_space<semaphore_mem>>) src(%dma_wait3A_48 : memref<40x128xi32, #tpu.memory_space<hbm>>) dst(%arg8 : memref<40x128xi32, #tpu.memory_space<vmem>>)
      tpu.yield
    }) : () -> ()
    %add3A_9 = arith.constant 0 : i32
    %add3A_10 = arith.addi %mul3A_6, %add3A_9 : i32
    "tpu.region"() ({
      %run_scoped3A = tpu.sem_alloc : memref<!tpu.dma_semaphore, #tpu.memory_space<semaphore_mem>>
      %dma_start3A_42 = arith.constant 0 : i32
      %dma_start3A_43 = tpu.memref_slice %arg4[%add3A_10, %dma_start3A_42] : memref<2560x128xi32, #tpu.memory_space<hbm>> -> memref<40x128xi32, #tpu.memory_space<hbm>>
      %dma_start3A_44 = arith.constant 0 : i32
      %dma_start3A_45 = tpu.memref_slice %arg4[%add3A_10, %dma_start3A_44] : memref<2560x128xi32, #tpu.memory_space<hbm>> -> memref<40x128xi32, #tpu.memory_space<hbm>>
      tpu.enqueue_dma source(%dma_start3A_45 : memref<40x128xi32, #tpu.memory_space<hbm>>) target(%arg9 : memref<40x128xi32, #tpu.memory_space<vmem>>) target_semaphore(%run_scoped3A : memref<!tpu.dma_semaphore, #tpu.memory_space<semaphore_mem>>)
      %dma_wait3A = arith.constant 0 : i32
      %dma_wait3A_46 = tpu.memref_slice %arg4[%add3A_10, %dma_wait3A] : memref<2560x128xi32, #tpu.memory_space<hbm>> -> memref<40x128xi32, #tpu.memory_space<hbm>>
      %dma_wait3A_47 = arith.constant 0 : i32
      %dma_wait3A_48 = tpu.memref_slice %arg4[%add3A_10, %dma_wait3A_47] : memref<2560x128xi32, #tpu.memory_space<hbm>> -> memref<40x128xi32, #tpu.memory_space<hbm>>
      tpu.wait_dma2 semaphore(%run_scoped3A : memref<!tpu.dma_semaphore, #tpu.memory_space<semaphore_mem>>) src(%dma_wait3A_48 : memref<40x128xi32, #tpu.memory_space<hbm>>) dst(%arg9 : memref<40x128xi32, #tpu.memory_space<vmem>>)
      tpu.yield
    }) : () -> ()
    %dma_start3A = arith.constant 0 : i32
    %dma_start3A_11 = arith.constant 0 : i32
    %dma_start3A_12 = tpu.memref_slice %arg8[%dma_start3A, %dma_start3A_11] : memref<40x128xi32, #tpu.memory_space<vmem>> -> memref<1x128xi32, #tpu.memory_space<vmem>>
    %dma_start3A_13 = tpu.memref_squeeze %dma_start3A_12 : memref<1x128xi32, #tpu.memory_space<vmem>> -> memref<128xi32, #tpu.memory_space<vmem>>
    %dma_start3A_14 = arith.constant 0 : i32
    %dma_start3A_15 = arith.constant 0 : i32
    %dma_start3A_16 = tpu.memref_slice %arg2[%dma_start3A_14, %dma_start3A_15] : memref<100000x128xf32, #tpu.memory_space<hbm>> -> memref<100000x128xf32, #tpu.memory_space<hbm>>
    tpu.enqueue_indirect_dma source(%dma_start3A_16 : memref<100000x128xf32, #tpu.memory_space<hbm>>) target(%arg10 : memref<128x128xf32, #tpu.memory_space<vmem>>) offsets(%dma_start3A_13 : memref<128xi32, #tpu.memory_space<vmem>>) semaphore(%arg12 : memref<!tpu.dma_semaphore, #tpu.memory_space<semaphore_mem>>)
    %scan3A = arith.constant 0 : i32
    %scan3A_17 = arith.constant 20 : i32
    %scan3A_18 = arith.addi %scan3A, %scan3A_17 : i32
    %scan3A_19 = arith.constant 1 : i32
    scf.for %scan3A_42 = %scan3A to %scan3A_18 step %scan3A_19  : i32 {
      %mul3A_43 = arith.constant 1 : i32
      %mul3A_44 = arith.muli %scan3A_42, %mul3A_43 : i32
      %add3A_45 = arith.constant 0 : i32
      %add3A_46 = arith.addi %add3A_45, %mul3A_44 : i32
      %mul3A_47 = arith.constant 2 : i32
      %mul3A_48 = arith.muli %add3A_46, %mul3A_47 : i32
      %add3A_49 = arith.constant 1 : i32
      %add3A_50 = arith.addi %mul3A_48, %add3A_49 : i32
      %dma_start3A_51 = arith.constant 0 : i32
      %dma_start3A_52 = tpu.memref_slice %arg8[%add3A_50, %dma_start3A_51] : memref<40x128xi32, #tpu.memory_space<vmem>> -> memref<1x128xi32, #tpu.memory_space<vmem>>
      %dma_start3A_53 = tpu.memref_squeeze %dma_start3A_52 : memref<1x128xi32, #tpu.memory_space<vmem>> -> memref<128xi32, #tpu.memory_space<vmem>>
      %dma_start3A_54 = arith.constant 0 : i32
      %dma_start3A_55 = arith.constant 0 : i32
      %dma_start3A_56 = tpu.memref_slice %arg2[%dma_start3A_54, %dma_start3A_55] : memref<100000x128xf32, #tpu.memory_space<hbm>> -> memref<100000x128xf32, #tpu.memory_space<hbm>>
      tpu.enqueue_indirect_dma source(%dma_start3A_56 : memref<100000x128xf32, #tpu.memory_space<hbm>>) target(%arg11 : memref<128x128xf32, #tpu.memory_space<vmem>>) offsets(%dma_start3A_53 : memref<128xi32, #tpu.memory_space<vmem>>) semaphore(%arg13 : memref<!tpu.dma_semaphore, #tpu.memory_space<semaphore_mem>>)
      %dma_wait3A = arith.constant 0 : i32
      %dma_wait3A_57 = arith.constant 0 : i32
      %dma_wait3A_58 = tpu.memref_slice %arg8[%dma_wait3A, %dma_wait3A_57] : memref<40x128xi32, #tpu.memory_space<vmem>> -> memref<1x128xi32, #tpu.memory_space<vmem>>
      %dma_wait3A_59 = tpu.memref_squeeze %dma_wait3A_58 : memref<1x128xi32, #tpu.memory_space<vmem>> -> memref<128xi32, #tpu.memory_space<vmem>>
      %dma_wait3A_60 = arith.constant 0 : i32
      %dma_wait3A_61 = arith.constant 0 : i32
      %dma_wait3A_62 = tpu.memref_slice %arg2[%dma_wait3A_60, %dma_wait3A_61] : memref<100000x128xf32, #tpu.memory_space<hbm>> -> memref<100000x128xf32, #tpu.memory_space<hbm>>
      tpu.wait_indirect_dma semaphore(%arg12 : memref<!tpu.dma_semaphore, #tpu.memory_space<semaphore_mem>>) src(%dma_wait3A_62 : memref<100000x128xf32, #tpu.memory_space<hbm>>) dst(%arg10 : memref<128x128xf32, #tpu.memory_space<vmem>>)
      "tpu.region"() ({
        %run_scoped3A = tpu.sem_alloc : memref<!tpu.dma_semaphore, #tpu.memory_space<semaphore_mem>>
        %dma_start3A_74 = arith.constant 0 : i32
        %dma_start3A_75 = tpu.memref_slice %arg9[%mul3A_48, %dma_start3A_74] : memref<40x128xi32, #tpu.memory_space<vmem>> -> memref<1x128xi32, #tpu.memory_space<vmem>>
        %dma_start3A_76 = tpu.memref_squeeze %dma_start3A_75 : memref<1x128xi32, #tpu.memory_space<vmem>> -> memref<128xi32, #tpu.memory_space<vmem>>
        %dma_start3A_77 = arith.constant 0 : i32
        %dma_start3A_78 = arith.constant 0 : i32
        %dma_start3A_79 = tpu.memref_slice %arg7[%dma_start3A_77, %dma_start3A_78] : memref<10112x128xf32, #tpu.memory_space<vmem_shared>> -> memref<10112x128xf32, #tpu.memory_space<vmem_shared>>
        tpu.enqueue_indirect_dma source(%arg10 : memref<128x128xf32, #tpu.memory_space<vmem>>) target(%dma_start3A_79 : memref<10112x128xf32, #tpu.memory_space<vmem_shared>>) offsets(%dma_start3A_76 : memref<128xi32, #tpu.memory_space<vmem>>) semaphore(%run_scoped3A : memref<!tpu.dma_semaphore, #tpu.memory_space<semaphore_mem>>) {add = true}
        %dma_wait3A_80 = arith.constant 0 : i32
        %dma_wait3A_81 = tpu.memref_slice %arg9[%mul3A_48, %dma_wait3A_80] : memref<40x128xi32, #tpu.memory_space<vmem>> -> memref<1x128xi32, #tpu.memory_space<vmem>>
        %dma_wait3A_82 = tpu.memref_squeeze %dma_wait3A_81 : memref<1x128xi32, #tpu.memory_space<vmem>> -> memref<128xi32, #tpu.memory_space<vmem>>
        %dma_wait3A_83 = arith.constant 0 : i32
        %dma_wait3A_84 = arith.constant 0 : i32
        %dma_wait3A_85 = tpu.memref_slice %arg7[%dma_wait3A_83, %dma_wait3A_84] : memref<10112x128xf32, #tpu.memory_space<vmem_shared>> -> memref<10112x128xf32, #tpu.memory_space<vmem_shared>>
        tpu.wait_indirect_dma semaphore(%run_scoped3A : memref<!tpu.dma_semaphore, #tpu.memory_space<semaphore_mem>>) src(%arg10 : memref<128x128xf32, #tpu.memory_space<vmem>>) dst(%dma_wait3A_85 : memref<10112x128xf32, #tpu.memory_space<vmem_shared>>)
        tpu.yield
      }) : () -> ()
      %lt3A = arith.constant 19 : i32
      %lt3A_63 = arith.cmpi slt, %add3A_46, %lt3A : i32
      %convert_element_type3A = arith.extui %lt3A_63 : i1 to i32
      %cond3A = arith.constant 0 : i32
      %cond3A_64 = arith.cmpi ne, %convert_element_type3A, %cond3A : i32
      scf.if %cond3A_64 {
        %add3A_74 = arith.constant 2 : i32
        %add3A_75 = arith.addi %mul3A_48, %add3A_74 : i32
        %dma_start3A_76 = arith.constant 0 : i32
        %dma_start3A_77 = tpu.memref_slice %arg8[%add3A_75, %dma_start3A_76] : memref<40x128xi32, #tpu.memory_space<vmem>> -> memref<1x128xi32, #tpu.memory_space<vmem>>
        %dma_start3A_78 = tpu.memref_squeeze %dma_start3A_77 : memref<1x128xi32, #tpu.memory_space<vmem>> -> memref<128xi32, #tpu.memory_space<vmem>>
        %dma_start3A_79 = arith.constant 0 : i32
        %dma_start3A_80 = arith.constant 0 : i32
        %dma_start3A_81 = tpu.memref_slice %arg2[%dma_start3A_79, %dma_start3A_80] : memref<100000x128xf32, #tpu.memory_space<hbm>> -> memref<100000x128xf32, #tpu.memory_space<hbm>>
        tpu.enqueue_indirect_dma source(%dma_start3A_81 : memref<100000x128xf32, #tpu.memory_space<hbm>>) target(%arg10 : memref<128x128xf32, #tpu.memory_space<vmem>>) offsets(%dma_start3A_78 : memref<128xi32, #tpu.memory_space<vmem>>) semaphore(%arg12 : memref<!tpu.dma_semaphore, #tpu.memory_space<semaphore_mem>>)
      } else {
      }
      %dma_wait3A_65 = arith.constant 0 : i32
      %dma_wait3A_66 = arith.constant 0 : i32
      %dma_wait3A_67 = tpu.memref_slice %arg8[%dma_wait3A_65, %dma_wait3A_66] : memref<40x128xi32, #tpu.memory_space<vmem>> -> memref<1x128xi32, #tpu.memory_space<vmem>>
      %dma_wait3A_68 = tpu.memref_squeeze %dma_wait3A_67 : memref<1x128xi32, #tpu.memory_space<vmem>> -> memref<128xi32, #tpu.memory_space<vmem>>
      %dma_wait3A_69 = arith.constant 0 : i32
      %dma_wait3A_70 = arith.constant 0 : i32
      %dma_wait3A_71 = tpu.memref_slice %arg2[%dma_wait3A_69, %dma_wait3A_70] : memref<100000x128xf32, #tpu.memory_space<hbm>> -> memref<100000x128xf32, #tpu.memory_space<hbm>>
      tpu.wait_indirect_dma semaphore(%arg13 : memref<!tpu.dma_semaphore, #tpu.memory_space<semaphore_mem>>) src(%dma_wait3A_71 : memref<100000x128xf32, #tpu.memory_space<hbm>>) dst(%arg11 : memref<128x128xf32, #tpu.memory_space<vmem>>)
      %add3A_72 = arith.constant 1 : i32
      %add3A_73 = arith.addi %mul3A_48, %add3A_72 : i32
      "tpu.region"() ({
        %run_scoped3A = tpu.sem_alloc : memref<!tpu.dma_semaphore, #tpu.memory_space<semaphore_mem>>
        %dma_start3A_74 = arith.constant 0 : i32
        %dma_start3A_75 = tpu.memref_slice %arg9[%add3A_73, %dma_start3A_74] : memref<40x128xi32, #tpu.memory_space<vmem>> -> memref<1x128xi32, #tpu.memory_space<vmem>>
        %dma_start3A_76 = tpu.memref_squeeze %dma_start3A_75 : memref<1x128xi32, #tpu.memory_space<vmem>> -> memref<128xi32, #tpu.memory_space<vmem>>
        %dma_start3A_77 = arith.constant 0 : i32
        %dma_start3A_78 = arith.constant 0 : i32
        %dma_start3A_79 = tpu.memref_slice %arg7[%dma_start3A_77, %dma_start3A_78] : memref<10112x128xf32, #tpu.memory_space<vmem_shared>> -> memref<10112x128xf32, #tpu.memory_space<vmem_shared>>
        tpu.enqueue_indirect_dma source(%arg11 : memref<128x128xf32, #tpu.memory_space<vmem>>) target(%dma_start3A_79 : memref<10112x128xf32, #tpu.memory_space<vmem_shared>>) offsets(%dma_start3A_76 : memref<128xi32, #tpu.memory_space<vmem>>) semaphore(%run_scoped3A : memref<!tpu.dma_semaphore, #tpu.memory_space<semaphore_mem>>) {add = true}
        %dma_wait3A_80 = arith.constant 0 : i32
        %dma_wait3A_81 = tpu.memref_slice %arg9[%add3A_73, %dma_wait3A_80] : memref<40x128xi32, #tpu.memory_space<vmem>> -> memref<1x128xi32, #tpu.memory_space<vmem>>
        %dma_wait3A_82 = tpu.memref_squeeze %dma_wait3A_81 : memref<1x128xi32, #tpu.memory_space<vmem>> -> memref<128xi32, #tpu.memory_space<vmem>>
        %dma_wait3A_83 = arith.constant 0 : i32
        %dma_wait3A_84 = arith.constant 0 : i32
        %dma_wait3A_85 = tpu.memref_slice %arg7[%dma_wait3A_83, %dma_wait3A_84] : memref<10112x128xf32, #tpu.memory_space<vmem_shared>> -> memref<10112x128xf32, #tpu.memory_space<vmem_shared>>
        tpu.wait_indirect_dma semaphore(%run_scoped3A : memref<!tpu.dma_semaphore, #tpu.memory_space<semaphore_mem>>) src(%arg11 : memref<128x128xf32, #tpu.memory_space<vmem>>) dst(%dma_wait3A_85 : memref<10112x128xf32, #tpu.memory_space<vmem_shared>>)
        tpu.yield
      }) : () -> ()
    }
    %scan3A_20 = arith.constant 20 : i32
    %add3A_21 = arith.constant 40 : i32
    %add3A_22 = arith.addi %mul3A_6, %add3A_21 : i32
    "tpu.region"() ({
      %run_scoped3A = tpu.sem_alloc : memref<!tpu.dma_semaphore, #tpu.memory_space<semaphore_mem>>
      %dma_start3A_42 = arith.constant 0 : i32
      %dma_start3A_43 = tpu.memref_slice %arg3[%add3A_22, %dma_start3A_42] : memref<2560x128xi32, #tpu.memory_space<hbm>> -> memref<40x128xi32, #tpu.memory_space<hbm>>
      %dma_start3A_44 = arith.constant 0 : i32
      %dma_start3A_45 = tpu.memref_slice %arg3[%add3A_22, %dma_start3A_44] : memref<2560x128xi32, #tpu.memory_space<hbm>> -> memref<40x128xi32, #tpu.memory_space<hbm>>
      tpu.enqueue_dma source(%dma_start3A_45 : memref<40x128xi32, #tpu.memory_space<hbm>>) target(%arg8 : memref<40x128xi32, #tpu.memory_space<vmem>>) target_semaphore(%run_scoped3A : memref<!tpu.dma_semaphore, #tpu.memory_space<semaphore_mem>>)
      %dma_wait3A = arith.constant 0 : i32
      %dma_wait3A_46 = tpu.memref_slice %arg3[%add3A_22, %dma_wait3A] : memref<2560x128xi32, #tpu.memory_space<hbm>> -> memref<40x128xi32, #tpu.memory_space<hbm>>
      %dma_wait3A_47 = arith.constant 0 : i32
      %dma_wait3A_48 = tpu.memref_slice %arg3[%add3A_22, %dma_wait3A_47] : memref<2560x128xi32, #tpu.memory_space<hbm>> -> memref<40x128xi32, #tpu.memory_space<hbm>>
      tpu.wait_dma2 semaphore(%run_scoped3A : memref<!tpu.dma_semaphore, #tpu.memory_space<semaphore_mem>>) src(%dma_wait3A_48 : memref<40x128xi32, #tpu.memory_space<hbm>>) dst(%arg8 : memref<40x128xi32, #tpu.memory_space<vmem>>)
      tpu.yield
    }) : () -> ()
    %add3A_23 = arith.constant 40 : i32
    %add3A_24 = arith.addi %mul3A_6, %add3A_23 : i32
    "tpu.region"() ({
      %run_scoped3A = tpu.sem_alloc : memref<!tpu.dma_semaphore, #tpu.memory_space<semaphore_mem>>
      %dma_start3A_42 = arith.constant 0 : i32
      %dma_start3A_43 = tpu.memref_slice %arg4[%add3A_24, %dma_start3A_42] : memref<2560x128xi32, #tpu.memory_space<hbm>> -> memref<40x128xi32, #tpu.memory_space<hbm>>
      %dma_start3A_44 = arith.constant 0 : i32
      %dma_start3A_45 = tpu.memref_slice %arg4[%add3A_24, %dma_start3A_44] : memref<2560x128xi32, #tpu.memory_space<hbm>> -> memref<40x128xi32, #tpu.memory_space<hbm>>
      tpu.enqueue_dma source(%dma_start3A_45 : memref<40x128xi32, #tpu.memory_space<hbm>>) target(%arg9 : memref<40x128xi32, #tpu.memory_space<vmem>>) target_semaphore(%run_scoped3A : memref<!tpu.dma_semaphore, #tpu.memory_space<semaphore_mem>>)
      %dma_wait3A = arith.constant 0 : i32
      %dma_wait3A_46 = tpu.memref_slice %arg4[%add3A_24, %dma_wait3A] : memref<2560x128xi32, #tpu.memory_space<hbm>> -> memref<40x128xi32, #tpu.memory_space<hbm>>
      %dma_wait3A_47 = arith.constant 0 : i32
      %dma_wait3A_48 = tpu.memref_slice %arg4[%add3A_24, %dma_wait3A_47] : memref<2560x128xi32, #tpu.memory_space<hbm>> -> memref<40x128xi32, #tpu.memory_space<hbm>>
      tpu.wait_dma2 semaphore(%run_scoped3A : memref<!tpu.dma_semaphore, #tpu.memory_space<semaphore_mem>>) src(%dma_wait3A_48 : memref<40x128xi32, #tpu.memory_space<hbm>>) dst(%arg9 : memref<40x128xi32, #tpu.memory_space<vmem>>)
      tpu.yield
    }) : () -> ()
    %dma_start3A_25 = arith.constant 0 : i32
    %dma_start3A_26 = arith.constant 0 : i32
    %dma_start3A_27 = tpu.memref_slice %arg8[%dma_start3A_25, %dma_start3A_26] : memref<40x128xi32, #tpu.memory_space<vmem>> -> memref<1x128xi32, #tpu.memory_space<vmem>>
    %dma_start3A_28 = tpu.memref_squeeze %dma_start3A_27 : memref<1x128xi32, #tpu.memory_space<vmem>> -> memref<128xi32, #tpu.memory_space<vmem>>
    %dma_start3A_29 = arith.constant 0 : i32
    %dma_start3A_30 = arith.constant 0 : i32
    %dma_start3A_31 = tpu.memref_slice %arg2[%dma_start3A_29, %dma_start3A_30] : memref<100000x128xf32, #tpu.memory_space<hbm>> -> memref<100000x128xf32, #tpu.memory_space<hbm>>
    tpu.enqueue_indirect_dma source(%dma_start3A_31 : memref<100000x128xf32, #tpu.memory_space<hbm>>) target(%arg10 : memref<128x128xf32, #tpu.memory_space<vmem>>) offsets(%dma_start3A_28 : memref<128xi32, #tpu.memory_space<vmem>>) semaphore(%arg12 : memref<!tpu.dma_semaphore, #tpu.memory_space<semaphore_mem>>)
    %scan3A_32 = arith.constant 0 : i32
    %scan3A_33 = arith.constant 20 : i32
    %scan3A_34 = arith.addi %scan3A_32, %scan3A_33 : i32
    %scan3A_35 = arith.constant 1 : i32
    scf.for %scan3A_42 = %scan3A_32 to %scan3A_34 step %scan3A_35  : i32 {
      %mul3A_43 = arith.constant 1 : i32
      %mul3A_44 = arith.muli %scan3A_42, %mul3A_43 : i32
      %add3A_45 = arith.constant 0 : i32
      %add3A_46 = arith.addi %add3A_45, %mul3A_44 : i32
      %mul3A_47 = arith.constant 2 : i32
      %mul3A_48 = arith.muli %add3A_46, %mul3A_47 : i32
      %add3A_49 = arith.constant 1 : i32
      %add3A_50 = arith.addi %mul3A_48, %add3A_49 : i32
      %dma_start3A_51 = arith.constant 0 : i32
      %dma_start3A_52 = tpu.memref_slice %arg8[%add3A_50, %dma_start3A_51] : memref<40x128xi32, #tpu.memory_space<vmem>> -> memref<1x128xi32, #tpu.memory_space<vmem>>
      %dma_start3A_53 = tpu.memref_squeeze %dma_start3A_52 : memref<1x128xi32, #tpu.memory_space<vmem>> -> memref<128xi32, #tpu.memory_space<vmem>>
      %dma_start3A_54 = arith.constant 0 : i32
      %dma_start3A_55 = arith.constant 0 : i32
      %dma_start3A_56 = tpu.memref_slice %arg2[%dma_start3A_54, %dma_start3A_55] : memref<100000x128xf32, #tpu.memory_space<hbm>> -> memref<100000x128xf32, #tpu.memory_space<hbm>>
      tpu.enqueue_indirect_dma source(%dma_start3A_56 : memref<100000x128xf32, #tpu.memory_space<hbm>>) target(%arg11 : memref<128x128xf32, #tpu.memory_space<vmem>>) offsets(%dma_start3A_53 : memref<128xi32, #tpu.memory_space<vmem>>) semaphore(%arg13 : memref<!tpu.dma_semaphore, #tpu.memory_space<semaphore_mem>>)
      %dma_wait3A = arith.constant 0 : i32
      %dma_wait3A_57 = arith.constant 0 : i32
      %dma_wait3A_58 = tpu.memref_slice %arg8[%dma_wait3A, %dma_wait3A_57] : memref<40x128xi32, #tpu.memory_space<vmem>> -> memref<1x128xi32, #tpu.memory_space<vmem>>
      %dma_wait3A_59 = tpu.memref_squeeze %dma_wait3A_58 : memref<1x128xi32, #tpu.memory_space<vmem>> -> memref<128xi32, #tpu.memory_space<vmem>>
      %dma_wait3A_60 = arith.constant 0 : i32
      %dma_wait3A_61 = arith.constant 0 : i32
      %dma_wait3A_62 = tpu.memref_slice %arg2[%dma_wait3A_60, %dma_wait3A_61] : memref<100000x128xf32, #tpu.memory_space<hbm>> -> memref<100000x128xf32, #tpu.memory_space<hbm>>
      tpu.wait_indirect_dma semaphore(%arg12 : memref<!tpu.dma_semaphore, #tpu.memory_space<semaphore_mem>>) src(%dma_wait3A_62 : memref<100000x128xf32, #tpu.memory_space<hbm>>) dst(%arg10 : memref<128x128xf32, #tpu.memory_space<vmem>>)
      "tpu.region"() ({
        %run_scoped3A = tpu.sem_alloc : memref<!tpu.dma_semaphore, #tpu.memory_space<semaphore_mem>>
        %dma_start3A_74 = arith.constant 0 : i32
        %dma_start3A_75 = tpu.memref_slice %arg9[%mul3A_48, %dma_start3A_74] : memref<40x128xi32, #tpu.memory_space<vmem>> -> memref<1x128xi32, #tpu.memory_space<vmem>>
        %dma_start3A_76 = tpu.memref_squeeze %dma_start3A_75 : memref<1x128xi32, #tpu.memory_space<vmem>> -> memref<128xi32, #tpu.memory_space<vmem>>
        %dma_start3A_77 = arith.constant 0 : i32
        %dma_start3A_78 = arith.constant 0 : i32
        %dma_start3A_79 = tpu.memref_slice %arg7[%dma_start3A_77, %dma_start3A_78] : memref<10112x128xf32, #tpu.memory_space<vmem_shared>> -> memref<10112x128xf32, #tpu.memory_space<vmem_shared>>
        tpu.enqueue_indirect_dma source(%arg10 : memref<128x128xf32, #tpu.memory_space<vmem>>) target(%dma_start3A_79 : memref<10112x128xf32, #tpu.memory_space<vmem_shared>>) offsets(%dma_start3A_76 : memref<128xi32, #tpu.memory_space<vmem>>) semaphore(%run_scoped3A : memref<!tpu.dma_semaphore, #tpu.memory_space<semaphore_mem>>) {add = true}
        %dma_wait3A_80 = arith.constant 0 : i32
        %dma_wait3A_81 = tpu.memref_slice %arg9[%mul3A_48, %dma_wait3A_80] : memref<40x128xi32, #tpu.memory_space<vmem>> -> memref<1x128xi32, #tpu.memory_space<vmem>>
        %dma_wait3A_82 = tpu.memref_squeeze %dma_wait3A_81 : memref<1x128xi32, #tpu.memory_space<vmem>> -> memref<128xi32, #tpu.memory_space<vmem>>
        %dma_wait3A_83 = arith.constant 0 : i32
        %dma_wait3A_84 = arith.constant 0 : i32
        %dma_wait3A_85 = tpu.memref_slice %arg7[%dma_wait3A_83, %dma_wait3A_84] : memref<10112x128xf32, #tpu.memory_space<vmem_shared>> -> memref<10112x128xf32, #tpu.memory_space<vmem_shared>>
        tpu.wait_indirect_dma semaphore(%run_scoped3A : memref<!tpu.dma_semaphore, #tpu.memory_space<semaphore_mem>>) src(%arg10 : memref<128x128xf32, #tpu.memory_space<vmem>>) dst(%dma_wait3A_85 : memref<10112x128xf32, #tpu.memory_space<vmem_shared>>)
        tpu.yield
      }) : () -> ()
      %lt3A = arith.constant 19 : i32
      %lt3A_63 = arith.cmpi slt, %add3A_46, %lt3A : i32
      %convert_element_type3A = arith.extui %lt3A_63 : i1 to i32
      %cond3A = arith.constant 0 : i32
      %cond3A_64 = arith.cmpi ne, %convert_element_type3A, %cond3A : i32
      scf.if %cond3A_64 {
        %add3A_74 = arith.constant 2 : i32
        %add3A_75 = arith.addi %mul3A_48, %add3A_74 : i32
        %dma_start3A_76 = arith.constant 0 : i32
        %dma_start3A_77 = tpu.memref_slice %arg8[%add3A_75, %dma_start3A_76] : memref<40x128xi32, #tpu.memory_space<vmem>> -> memref<1x128xi32, #tpu.memory_space<vmem>>
        %dma_start3A_78 = tpu.memref_squeeze %dma_start3A_77 : memref<1x128xi32, #tpu.memory_space<vmem>> -> memref<128xi32, #tpu.memory_space<vmem>>
        %dma_start3A_79 = arith.constant 0 : i32
        %dma_start3A_80 = arith.constant 0 : i32
        %dma_start3A_81 = tpu.memref_slice %arg2[%dma_start3A_79, %dma_start3A_80] : memref<100000x128xf32, #tpu.memory_space<hbm>> -> memref<100000x128xf32, #tpu.memory_space<hbm>>
        tpu.enqueue_indirect_dma source(%dma_start3A_81 : memref<100000x128xf32, #tpu.memory_space<hbm>>) target(%arg10 : memref<128x128xf32, #tpu.memory_space<vmem>>) offsets(%dma_start3A_78 : memref<128xi32, #tpu.memory_space<vmem>>) semaphore(%arg12 : memref<!tpu.dma_semaphore, #tpu.memory_space<semaphore_mem>>)
      } else {
      }
      %dma_wait3A_65 = arith.constant 0 : i32
      %dma_wait3A_66 = arith.constant 0 : i32
      %dma_wait3A_67 = tpu.memref_slice %arg8[%dma_wait3A_65, %dma_wait3A_66] : memref<40x128xi32, #tpu.memory_space<vmem>> -> memref<1x128xi32, #tpu.memory_space<vmem>>
      %dma_wait3A_68 = tpu.memref_squeeze %dma_wait3A_67 : memref<1x128xi32, #tpu.memory_space<vmem>> -> memref<128xi32, #tpu.memory_space<vmem>>
      %dma_wait3A_69 = arith.constant 0 : i32
      %dma_wait3A_70 = arith.constant 0 : i32
      %dma_wait3A_71 = tpu.memref_slice %arg2[%dma_wait3A_69, %dma_wait3A_70] : memref<100000x128xf32, #tpu.memory_space<hbm>> -> memref<100000x128xf32, #tpu.memory_space<hbm>>
      tpu.wait_indirect_dma semaphore(%arg13 : memref<!tpu.dma_semaphore, #tpu.memory_space<semaphore_mem>>) src(%dma_wait3A_71 : memref<100000x128xf32, #tpu.memory_space<hbm>>) dst(%arg11 : memref<128x128xf32, #tpu.memory_space<vmem>>)
      %add3A_72 = arith.constant 1 : i32
      %add3A_73 = arith.addi %mul3A_48, %add3A_72 : i32
      "tpu.region"() ({
        %run_scoped3A = tpu.sem_alloc : memref<!tpu.dma_semaphore, #tpu.memory_space<semaphore_mem>>
        %dma_start3A_74 = arith.constant 0 : i32
        %dma_start3A_75 = tpu.memref_slice %arg9[%add3A_73, %dma_start3A_74] : memref<40x128xi32, #tpu.memory_space<vmem>> -> memref<1x128xi32, #tpu.memory_space<vmem>>
        %dma_start3A_76 = tpu.memref_squeeze %dma_start3A_75 : memref<1x128xi32, #tpu.memory_space<vmem>> -> memref<128xi32, #tpu.memory_space<vmem>>
        %dma_start3A_77 = arith.constant 0 : i32
        %dma_start3A_78 = arith.constant 0 : i32
        %dma_start3A_79 = tpu.memref_slice %arg7[%dma_start3A_77, %dma_start3A_78] : memref<10112x128xf32, #tpu.memory_space<vmem_shared>> -> memref<10112x128xf32, #tpu.memory_space<vmem_shared>>
        tpu.enqueue_indirect_dma source(%arg11 : memref<128x128xf32, #tpu.memory_space<vmem>>) target(%dma_start3A_79 : memref<10112x128xf32, #tpu.memory_space<vmem_shared>>) offsets(%dma_start3A_76 : memref<128xi32, #tpu.memory_space<vmem>>) semaphore(%run_scoped3A : memref<!tpu.dma_semaphore, #tpu.memory_space<semaphore_mem>>) {add = true}
        %dma_wait3A_80 = arith.constant 0 : i32
        %dma_wait3A_81 = tpu.memref_slice %arg9[%add3A_73, %dma_wait3A_80] : memref<40x128xi32, #tpu.memory_space<vmem>> -> memref<1x128xi32, #tpu.memory_space<vmem>>
        %dma_wait3A_82 = tpu.memref_squeeze %dma_wait3A_81 : memref<1x128xi32, #tpu.memory_space<vmem>> -> memref<128xi32, #tpu.memory_space<vmem>>
        %dma_wait3A_83 = arith.constant 0 : i32
        %dma_wait3A_84 = arith.constant 0 : i32
        %dma_wait3A_85 = tpu.memref_slice %arg7[%dma_wait3A_83, %dma_wait3A_84] : memref<10112x128xf32, #tpu.memory_space<vmem_shared>> -> memref<10112x128xf32, #tpu.memory_space<vmem_shared>>
        tpu.wait_indirect_dma semaphore(%run_scoped3A : memref<!tpu.dma_semaphore, #tpu.memory_space<semaphore_mem>>) src(%arg11 : memref<128x128xf32, #tpu.memory_space<vmem>>) dst(%dma_wait3A_85 : memref<10112x128xf32, #tpu.memory_space<vmem_shared>>)
        tpu.yield
      }) : () -> ()
    }
    %scan3A_36 = arith.constant 20 : i32
    %barrier3A_37 = arith.constant 0 : index
    tpu.barrier barrier_id(%barrier3A_37)
    %mul3A_38 = arith.constant 632 : i32
    %mul3A_39 = arith.muli %arg1, %mul3A_38 : i32
    %mul3A_40 = arith.constant 632 : i32
    %mul3A_41 = arith.muli %arg1, %mul3A_40 : i32
    "tpu.region"() ({
      %run_scoped3A = tpu.sem_alloc : memref<!tpu.dma_semaphore, #tpu.memory_space<semaphore_mem>>
      %dma_start3A_42 = arith.constant 0 : i32
      %dma_start3A_43 = arith.constant 0 : i32
      %dma_start3A_44 = tpu.memref_slice %arg6[%arg0, %dma_start3A_42, %dma_start3A_43] : memref<2x10112x128xf32, #tpu.memory_space<hbm>> -> memref<1x10112x128xf32, #tpu.memory_space<hbm>>
      %dma_start3A_45 = tpu.memref_squeeze %dma_start3A_44 : memref<1x10112x128xf32, #tpu.memory_space<hbm>> -> memref<10112x128xf32, #tpu.memory_space<hbm>>
      %dma_start3A_46 = arith.constant 0 : i32
      %dma_start3A_47 = tpu.memref_slice %dma_start3A_45[%mul3A_41, %dma_start3A_46] : memref<10112x128xf32, #tpu.memory_space<hbm>> -> memref<632x128xf32, #tpu.memory_space<hbm>>
      %dma_start3A_48 = arith.constant 0 : i32
      %dma_start3A_49 = tpu.memref_slice %arg7[%mul3A_39, %dma_start3A_48] : memref<10112x128xf32, #tpu.memory_space<vmem_shared>> -> memref<632x128xf32, #tpu.memory_space<vmem_shared>>
      tpu.enqueue_dma source(%dma_start3A_49 : memref<632x128xf32, #tpu.memory_space<vmem_shared>>) target(%dma_start3A_47 : memref<632x128xf32, #tpu.memory_space<hbm>>) target_semaphore(%run_scoped3A : memref<!tpu.dma_semaphore, #tpu.memory_space<semaphore_mem>>)
      %dma_wait3A = arith.constant 0 : i32
      %dma_wait3A_50 = arith.constant 0 : i32
      %dma_wait3A_51 = tpu.memref_slice %arg6[%arg0, %dma_wait3A, %dma_wait3A_50] : memref<2x10112x128xf32, #tpu.memory_space<hbm>> -> memref<1x10112x128xf32, #tpu.memory_space<hbm>>
      %dma_wait3A_52 = tpu.memref_squeeze %dma_wait3A_51 : memref<1x10112x128xf32, #tpu.memory_space<hbm>> -> memref<10112x128xf32, #tpu.memory_space<hbm>>
      %dma_wait3A_53 = arith.constant 0 : i32
      %dma_wait3A_54 = tpu.memref_slice %dma_wait3A_52[%mul3A_41, %dma_wait3A_53] : memref<10112x128xf32, #tpu.memory_space<hbm>> -> memref<632x128xf32, #tpu.memory_space<hbm>>
      %dma_wait3A_55 = arith.constant 0 : i32
      %dma_wait3A_56 = tpu.memref_slice %arg7[%mul3A_39, %dma_wait3A_55] : memref<10112x128xf32, #tpu.memory_space<vmem_shared>> -> memref<632x128xf32, #tpu.memory_space<vmem_shared>>
      tpu.wait_dma2 semaphore(%run_scoped3A : memref<!tpu.dma_semaphore, #tpu.memory_space<semaphore_mem>>) src(%dma_wait3A_56 : memref<632x128xf32, #tpu.memory_space<vmem_shared>>) dst(%dma_wait3A_54 : memref<632x128xf32, #tpu.memory_space<hbm>>)
      tpu.yield
    }) : () -> ()
    return
  }
}

module attributes {stable_mosaic.version = 14 : i64} {
  func.func @_cidx_body(%arg0: memref<2560x128xi32, #tpu.memory_space<vmem>>, %arg1: memref<2560x128xi32, #tpu.memory_space<vmem>>, %arg2: memref<2560x128xi32, #tpu.memory_space<vmem>>) attributes {dimension_semantics = [], scalar_prefetch = 0 : i64, scratch_operands = 0 : i64, tpu.core_type = #tpu.core_type<tc>} {
    %get3A = arith.constant 0 : index
    %get3A_0 = arith.constant 0 : index
    %get3A_1 = vector.load %arg0[%get3A, %get3A_0] : memref<2560x128xi32, #tpu.memory_space<vmem>>, vector<2560x128xi32>
    %mul3A = arith.constant 10000 : i32
    %mul3A_2 = vector.broadcast %mul3A : i32 to vector<2560x128xi32>
    %mul3A_3 = arith.muli %get3A_1, %mul3A_2 : vector<2560x128xi32>
    %get3A_4 = arith.constant 0 : index
    %get3A_5 = arith.constant 0 : index
    %get3A_6 = vector.load %arg1[%get3A_4, %get3A_5] : memref<2560x128xi32, #tpu.memory_space<vmem>>, vector<2560x128xi32>
    %add3A = arith.addi %mul3A_3, %get3A_6 : vector<2560x128xi32>
    %swap3A = arith.constant 0 : index
    %swap3A_7 = arith.constant 0 : index
    %swap3A_8 = vector.load %arg2[%swap3A, %swap3A_7] : memref<2560x128xi32, #tpu.memory_space<vmem>>, vector<2560x128xi32>
    tpu.vector_store %arg2[%swap3A, %swap3A_7], %add3A {strides = array<i32>} : memref<2560x128xi32, #tpu.memory_space<vmem>>, vector<2560x128xi32>,
    return
  }
}

module attributes {stable_mosaic.version = 14 : i64} {
  func.func @_t0_body(%arg0: i32, %arg1: memref<1x2000x1xi32, #tpu.memory_space<vmem>>, %arg2: memref<2000x128xf32, #tpu.memory_space<vmem>>, %arg3: memref<10x128xf32, #tpu.memory_space<vmem>>, %arg4: memref<10x128x128xf32, #tpu.memory_space<vmem>>, %arg5: memref<10x128xf32, #tpu.memory_space<vmem>>, %arg6: memref<128x128xf32, #tpu.memory_space<vmem>>, %arg7: memref<1x128xf32, #tpu.memory_space<vmem>>, %arg8: memref<10x2000x128xf32, #tpu.memory_space<vmem>>, %arg9: memref<2000x128xf32, #tpu.memory_space<vmem>>) attributes {dimension_semantics = [#tpu.dimension_semantics<arbitrary>], iteration_bounds = array<i64: 5>, scalar_prefetch = 0 : i64, scratch_operands = 0 : i64, tpu.core_type = #tpu.core_type<tc>, window_params = [{transform_indices = @transform_0, window_bounds = array<i64: 1, 2000, 1>}, {transform_indices = @transform_1, window_bounds = array<i64: 2000, 128>}, {pipeline_mode = #tpu.pipeline_mode<synchronous>, transform_indices = @transform_2, window_bounds = array<i64: 10, 128>}, {pipeline_mode = #tpu.pipeline_mode<synchronous>, transform_indices = @transform_3, window_bounds = array<i64: 10, 128, 128>}, {pipeline_mode = #tpu.pipeline_mode<synchronous>, transform_indices = @transform_4, window_bounds = array<i64: 10, 128>}, {pipeline_mode = #tpu.pipeline_mode<synchronous>, transform_indices = @transform_5, window_bounds = array<i64: 128, 128>}, {pipeline_mode = #tpu.pipeline_mode<synchronous>, transform_indices = @transform_6, window_bounds = array<i64: 1, 128>}, {transform_indices = @transform_7, window_bounds = array<i64: 10, 2000, 128>}, {transform_indices = @transform_8, window_bounds = array<i64: 2000, 128>}]} {
    %get3A = arith.constant 0 : index
    %get3A_0 = arith.constant 0 : index
    %get3A_1 = arith.constant 0 : index
    %get3A_2 = vector.load %arg1[%get3A, %get3A_0, %get3A_1] : memref<1x2000x1xi32, #tpu.memory_space<vmem>>, vector<1x2000x1xi32>
    %get3A_3 = vector.shape_cast %get3A_2 : vector<1x2000x1xi32> to vector<2000x1xi32>
    %get3A_4 = arith.constant 0 : index
    %get3A_5 = arith.constant 0 : index
    %get3A_6 = vector.load %arg2[%get3A_4, %get3A_5] : memref<2000x128xf32, #tpu.memory_space<vmem>>, vector<2000x128xf32>
    %get3A_7 = arith.constant 0 : index
    %get3A_8 = arith.constant 0 : index
    %get3A_9 = vector.load %arg3[%get3A_7, %get3A_8] : memref<10x128xf32, #tpu.memory_space<vmem>>, vector<1x128xf32>
    %get3A_10 = vector.shape_cast %get3A_9 : vector<1x128xf32> to vector<128xf32>
    %broadcast_in_dim3A = vector.shape_cast %get3A_10 : vector<128xf32> to vector<1x128xf32>
    %eq3A = arith.constant 0 : i32
    %eq3A_11 = vector.broadcast %eq3A : i32 to vector<2000x1xi32>
    %eq3A_12 = arith.cmpi eq, %get3A_3, %eq3A_11 : vector<2000x1xi32>
    %jit3A = arith.constant 1.000000e+00 : f32
    %jit3A_13 = arith.constant 0.000000e+00 : f32
    %broadcast_in_dim3A_14 = vector.broadcast %jit3A : f32 to vector<2000x1xf32>
    %broadcast_in_dim3A_15 = vector.broadcast %jit3A_13 : f32 to vector<2000x1xf32>
    %select_n3A = arith.select %eq3A_12, %broadcast_in_dim3A_14, %broadcast_in_dim3A_15 : vector<2000x1xi1>, vector<2000x1xf32>
    %mul3A = vector.broadcast %select_n3A : vector<2000x1xf32> to vector<2000x128xf32>
    %mul3A_16 = vector.broadcast %broadcast_in_dim3A : vector<1x128xf32> to vector<2000x128xf32>
    %mul3A_17 = arith.mulf %mul3A, %mul3A_16 : vector<2000x128xf32>
    %add3A = arith.addf %get3A_6, %mul3A_17 : vector<2000x128xf32>
    %get3A_18 = arith.constant 1 : index
    %get3A_19 = arith.constant 0 : index
    %get3A_20 = vector.load %arg3[%get3A_18, %get3A_19] : memref<10x128xf32, #tpu.memory_space<vmem>>, vector<1x128xf32>
    %get3A_21 = vector.shape_cast %get3A_20 : vector<1x128xf32> to vector<128xf32>
    %broadcast_in_dim3A_22 = vector.shape_cast %get3A_21 : vector<128xf32> to vector<1x128xf32>
    %eq3A_23 = arith.constant 1 : i32
    %eq3A_24 = vector.broadcast %eq3A_23 : i32 to vector<2000x1xi32>
    %eq3A_25 = arith.cmpi eq, %get3A_3, %eq3A_24 : vector<2000x1xi32>
    %jit3A_26 = arith.constant 1.000000e+00 : f32
    %jit3A_27 = arith.constant 0.000000e+00 : f32
    %broadcast_in_dim3A_28 = vector.broadcast %jit3A_26 : f32 to vector<2000x1xf32>
    %broadcast_in_dim3A_29 = vector.broadcast %jit3A_27 : f32 to vector<2000x1xf32>
    %select_n3A_30 = arith.select %eq3A_25, %broadcast_in_dim3A_28, %broadcast_in_dim3A_29 : vector<2000x1xi1>, vector<2000x1xf32>
    %mul3A_31 = vector.broadcast %select_n3A_30 : vector<2000x1xf32> to vector<2000x128xf32>
    %mul3A_32 = vector.broadcast %broadcast_in_dim3A_22 : vector<1x128xf32> to vector<2000x128xf32>
    %mul3A_33 = arith.mulf %mul3A_31, %mul3A_32 : vector<2000x128xf32>
    %add3A_34 = arith.addf %add3A, %mul3A_33 : vector<2000x128xf32>
    %get3A_35 = arith.constant 2 : index
    %get3A_36 = arith.constant 0 : index
    %get3A_37 = vector.load %arg3[%get3A_35, %get3A_36] : memref<10x128xf32, #tpu.memory_space<vmem>>, vector<1x128xf32>
    %get3A_38 = vector.shape_cast %get3A_37 : vector<1x128xf32> to vector<128xf32>
    %broadcast_in_dim3A_39 = vector.shape_cast %get3A_38 : vector<128xf32> to vector<1x128xf32>
    %eq3A_40 = arith.constant 2 : i32
    %eq3A_41 = vector.broadcast %eq3A_40 : i32 to vector<2000x1xi32>
    %eq3A_42 = arith.cmpi eq, %get3A_3, %eq3A_41 : vector<2000x1xi32>
    %jit3A_43 = arith.constant 1.000000e+00 : f32
    %jit3A_44 = arith.constant 0.000000e+00 : f32
    %broadcast_in_dim3A_45 = vector.broadcast %jit3A_43 : f32 to vector<2000x1xf32>
    %broadcast_in_dim3A_46 = vector.broadcast %jit3A_44 : f32 to vector<2000x1xf32>
    %select_n3A_47 = arith.select %eq3A_42, %broadcast_in_dim3A_45, %broadcast_in_dim3A_46 : vector<2000x1xi1>, vector<2000x1xf32>
    %mul3A_48 = vector.broadcast %select_n3A_47 : vector<2000x1xf32> to vector<2000x128xf32>
    %mul3A_49 = vector.broadcast %broadcast_in_dim3A_39 : vector<1x128xf32> to vector<2000x128xf32>
    %mul3A_50 = arith.mulf %mul3A_48, %mul3A_49 : vector<2000x128xf32>
    %add3A_51 = arith.addf %add3A_34, %mul3A_50 : vector<2000x128xf32>
    %get3A_52 = arith.constant 3 : index
    %get3A_53 = arith.constant 0 : index
    %get3A_54 = vector.load %arg3[%get3A_52, %get3A_53] : memref<10x128xf32, #tpu.memory_space<vmem>>, vector<1x128xf32>
    %get3A_55 = vector.shape_cast %get3A_54 : vector<1x128xf32> to vector<128xf32>
    %broadcast_in_dim3A_56 = vector.shape_cast %get3A_55 : vector<128xf32> to vector<1x128xf32>
    %eq3A_57 = arith.constant 3 : i32
    %eq3A_58 = vector.broadcast %eq3A_57 : i32 to vector<2000x1xi32>
    %eq3A_59 = arith.cmpi eq, %get3A_3, %eq3A_58 : vector<2000x1xi32>
    %jit3A_60 = arith.constant 1.000000e+00 : f32
    %jit3A_61 = arith.constant 0.000000e+00 : f32
    %broadcast_in_dim3A_62 = vector.broadcast %jit3A_60 : f32 to vector<2000x1xf32>
    %broadcast_in_dim3A_63 = vector.broadcast %jit3A_61 : f32 to vector<2000x1xf32>
    %select_n3A_64 = arith.select %eq3A_59, %broadcast_in_dim3A_62, %broadcast_in_dim3A_63 : vector<2000x1xi1>, vector<2000x1xf32>
    %mul3A_65 = vector.broadcast %select_n3A_64 : vector<2000x1xf32> to vector<2000x128xf32>
    %mul3A_66 = vector.broadcast %broadcast_in_dim3A_56 : vector<1x128xf32> to vector<2000x128xf32>
    %mul3A_67 = arith.mulf %mul3A_65, %mul3A_66 : vector<2000x128xf32>
    %add3A_68 = arith.addf %add3A_51, %mul3A_67 : vector<2000x128xf32>
    %get3A_69 = arith.constant 4 : index
    %get3A_70 = arith.constant 0 : index
    %get3A_71 = vector.load %arg3[%get3A_69, %get3A_70] : memref<10x128xf32, #tpu.memory_space<vmem>>, vector<1x128xf32>
    %get3A_72 = vector.shape_cast %get3A_71 : vector<1x128xf32> to vector<128xf32>
    %broadcast_in_dim3A_73 = vector.shape_cast %get3A_72 : vector<128xf32> to vector<1x128xf32>
    %eq3A_74 = arith.constant 4 : i32
    %eq3A_75 = vector.broadcast %eq3A_74 : i32 to vector<2000x1xi32>
    %eq3A_76 = arith.cmpi eq, %get3A_3, %eq3A_75 : vector<2000x1xi32>
    %jit3A_77 = arith.constant 1.000000e+00 : f32
    %jit3A_78 = arith.constant 0.000000e+00 : f32
    %broadcast_in_dim3A_79 = vector.broadcast %jit3A_77 : f32 to vector<2000x1xf32>
    %broadcast_in_dim3A_80 = vector.broadcast %jit3A_78 : f32 to vector<2000x1xf32>
    %select_n3A_81 = arith.select %eq3A_76, %broadcast_in_dim3A_79, %broadcast_in_dim3A_80 : vector<2000x1xi1>, vector<2000x1xf32>
    %mul3A_82 = vector.broadcast %select_n3A_81 : vector<2000x1xf32> to vector<2000x128xf32>
    %mul3A_83 = vector.broadcast %broadcast_in_dim3A_73 : vector<1x128xf32> to vector<2000x128xf32>
    %mul3A_84 = arith.mulf %mul3A_82, %mul3A_83 : vector<2000x128xf32>
    %add3A_85 = arith.addf %add3A_68, %mul3A_84 : vector<2000x128xf32>
    %get3A_86 = arith.constant 5 : index
    %get3A_87 = arith.constant 0 : index
    %get3A_88 = vector.load %arg3[%get3A_86, %get3A_87] : memref<10x128xf32, #tpu.memory_space<vmem>>, vector<1x128xf32>
    %get3A_89 = vector.shape_cast %get3A_88 : vector<1x128xf32> to vector<128xf32>
    %broadcast_in_dim3A_90 = vector.shape_cast %get3A_89 : vector<128xf32> to vector<1x128xf32>
    %eq3A_91 = arith.constant 5 : i32
    %eq3A_92 = vector.broadcast %eq3A_91 : i32 to vector<2000x1xi32>
    %eq3A_93 = arith.cmpi eq, %get3A_3, %eq3A_92 : vector<2000x1xi32>
    %jit3A_94 = arith.constant 1.000000e+00 : f32
    %jit3A_95 = arith.constant 0.000000e+00 : f32
    %broadcast_in_dim3A_96 = vector.broadcast %jit3A_94 : f32 to vector<2000x1xf32>
    %broadcast_in_dim3A_97 = vector.broadcast %jit3A_95 : f32 to vector<2000x1xf32>
    %select_n3A_98 = arith.select %eq3A_93, %broadcast_in_dim3A_96, %broadcast_in_dim3A_97 : vector<2000x1xi1>, vector<2000x1xf32>
    %mul3A_99 = vector.broadcast %select_n3A_98 : vector<2000x1xf32> to vector<2000x128xf32>
    %mul3A_100 = vector.broadcast %broadcast_in_dim3A_90 : vector<1x128xf32> to vector<2000x128xf32>
    %mul3A_101 = arith.mulf %mul3A_99, %mul3A_100 : vector<2000x128xf32>
    %add3A_102 = arith.addf %add3A_85, %mul3A_101 : vector<2000x128xf32>
    %get3A_103 = arith.constant 6 : index
    %get3A_104 = arith.constant 0 : index
    %get3A_105 = vector.load %arg3[%get3A_103, %get3A_104] : memref<10x128xf32, #tpu.memory_space<vmem>>, vector<1x128xf32>
    %get3A_106 = vector.shape_cast %get3A_105 : vector<1x128xf32> to vector<128xf32>
    %broadcast_in_dim3A_107 = vector.shape_cast %get3A_106 : vector<128xf32> to vector<1x128xf32>
    %eq3A_108 = arith.constant 6 : i32
    %eq3A_109 = vector.broadcast %eq3A_108 : i32 to vector<2000x1xi32>
    %eq3A_110 = arith.cmpi eq, %get3A_3, %eq3A_109 : vector<2000x1xi32>
    %jit3A_111 = arith.constant 1.000000e+00 : f32
    %jit3A_112 = arith.constant 0.000000e+00 : f32
    %broadcast_in_dim3A_113 = vector.broadcast %jit3A_111 : f32 to vector<2000x1xf32>
    %broadcast_in_dim3A_114 = vector.broadcast %jit3A_112 : f32 to vector<2000x1xf32>
    %select_n3A_115 = arith.select %eq3A_110, %broadcast_in_dim3A_113, %broadcast_in_dim3A_114 : vector<2000x1xi1>, vector<2000x1xf32>
    %mul3A_116 = vector.broadcast %select_n3A_115 : vector<2000x1xf32> to vector<2000x128xf32>
    %mul3A_117 = vector.broadcast %broadcast_in_dim3A_107 : vector<1x128xf32> to vector<2000x128xf32>
    %mul3A_118 = arith.mulf %mul3A_116, %mul3A_117 : vector<2000x128xf32>
    %add3A_119 = arith.addf %add3A_102, %mul3A_118 : vector<2000x128xf32>
    %get3A_120 = arith.constant 7 : index
    %get3A_121 = arith.constant 0 : index
    %get3A_122 = vector.load %arg3[%get3A_120, %get3A_121] : memref<10x128xf32, #tpu.memory_space<vmem>>, vector<1x128xf32>
    %get3A_123 = vector.shape_cast %get3A_122 : vector<1x128xf32> to vector<128xf32>
    %broadcast_in_dim3A_124 = vector.shape_cast %get3A_123 : vector<128xf32> to vector<1x128xf32>
    %eq3A_125 = arith.constant 7 : i32
    %eq3A_126 = vector.broadcast %eq3A_125 : i32 to vector<2000x1xi32>
    %eq3A_127 = arith.cmpi eq, %get3A_3, %eq3A_126 : vector<2000x1xi32>
    %jit3A_128 = arith.constant 1.000000e+00 : f32
    %jit3A_129 = arith.constant 0.000000e+00 : f32
    %broadcast_in_dim3A_130 = vector.broadcast %jit3A_128 : f32 to vector<2000x1xf32>
    %broadcast_in_dim3A_131 = vector.broadcast %jit3A_129 : f32 to vector<2000x1xf32>
    %select_n3A_132 = arith.select %eq3A_127, %broadcast_in_dim3A_130, %broadcast_in_dim3A_131 : vector<2000x1xi1>, vector<2000x1xf32>
    %mul3A_133 = vector.broadcast %select_n3A_132 : vector<2000x1xf32> to vector<2000x128xf32>
    %mul3A_134 = vector.broadcast %broadcast_in_dim3A_124 : vector<1x128xf32> to vector<2000x128xf32>
    %mul3A_135 = arith.mulf %mul3A_133, %mul3A_134 : vector<2000x128xf32>
    %add3A_136 = arith.addf %add3A_119, %mul3A_135 : vector<2000x128xf32>
    %get3A_137 = arith.constant 8 : index
    %get3A_138 = arith.constant 0 : index
    %get3A_139 = vector.load %arg3[%get3A_137, %get3A_138] : memref<10x128xf32, #tpu.memory_space<vmem>>, vector<1x128xf32>
    %get3A_140 = vector.shape_cast %get3A_139 : vector<1x128xf32> to vector<128xf32>
    %broadcast_in_dim3A_141 = vector.shape_cast %get3A_140 : vector<128xf32> to vector<1x128xf32>
    %eq3A_142 = arith.constant 8 : i32
    %eq3A_143 = vector.broadcast %eq3A_142 : i32 to vector<2000x1xi32>
    %eq3A_144 = arith.cmpi eq, %get3A_3, %eq3A_143 : vector<2000x1xi32>
    %jit3A_145 = arith.constant 1.000000e+00 : f32
    %jit3A_146 = arith.constant 0.000000e+00 : f32
    %broadcast_in_dim3A_147 = vector.broadcast %jit3A_145 : f32 to vector<2000x1xf32>
    %broadcast_in_dim3A_148 = vector.broadcast %jit3A_146 : f32 to vector<2000x1xf32>
    %select_n3A_149 = arith.select %eq3A_144, %broadcast_in_dim3A_147, %broadcast_in_dim3A_148 : vector<2000x1xi1>, vector<2000x1xf32>
    %mul3A_150 = vector.broadcast %select_n3A_149 : vector<2000x1xf32> to vector<2000x128xf32>
    %mul3A_151 = vector.broadcast %broadcast_in_dim3A_141 : vector<1x128xf32> to vector<2000x128xf32>
    %mul3A_152 = arith.mulf %mul3A_150, %mul3A_151 : vector<2000x128xf32>
    %add3A_153 = arith.addf %add3A_136, %mul3A_152 : vector<2000x128xf32>
    %get3A_154 = arith.constant 9 : index
    %get3A_155 = arith.constant 0 : index
    %get3A_156 = vector.load %arg3[%get3A_154, %get3A_155] : memref<10x128xf32, #tpu.memory_space<vmem>>, vector<1x128xf32>
    %get3A_157 = vector.shape_cast %get3A_156 : vector<1x128xf32> to vector<128xf32>
    %broadcast_in_dim3A_158 = vector.shape_cast %get3A_157 : vector<128xf32> to vector<1x128xf32>
    %eq3A_159 = arith.constant 9 : i32
    %eq3A_160 = vector.broadcast %eq3A_159 : i32 to vector<2000x1xi32>
    %eq3A_161 = arith.cmpi eq, %get3A_3, %eq3A_160 : vector<2000x1xi32>
    %jit3A_162 = arith.constant 1.000000e+00 : f32
    %jit3A_163 = arith.constant 0.000000e+00 : f32
    %broadcast_in_dim3A_164 = vector.broadcast %jit3A_162 : f32 to vector<2000x1xf32>
    %broadcast_in_dim3A_165 = vector.broadcast %jit3A_163 : f32 to vector<2000x1xf32>
    %select_n3A_166 = arith.select %eq3A_161, %broadcast_in_dim3A_164, %broadcast_in_dim3A_165 : vector<2000x1xi1>, vector<2000x1xf32>
    %mul3A_167 = vector.broadcast %select_n3A_166 : vector<2000x1xf32> to vector<2000x128xf32>
    %mul3A_168 = vector.broadcast %broadcast_in_dim3A_158 : vector<1x128xf32> to vector<2000x128xf32>
    %mul3A_169 = arith.mulf %mul3A_167, %mul3A_168 : vector<2000x128xf32>
    %add3A_170 = arith.addf %add3A_153, %mul3A_169 : vector<2000x128xf32>
    %get3A_171 = arith.constant 0 : index
    %get3A_172 = arith.constant 0 : index
    %get3A_173 = arith.constant 0 : index
    %get3A_174 = vector.load %arg4[%get3A_171, %get3A_172, %get3A_173] : memref<10x128x128xf32, #tpu.memory_space<vmem>>, vector<1x128x128xf32>
    %get3A_175 = vector.shape_cast %get3A_174 : vector<1x128x128xf32> to vector<128x128xf32>
    %dot_general3A = arith.constant dense<0.000000e+00> : vector<2000x128xf32>
    %dot_general3A_176 = tpu.matmul %add3A_170, %get3A_175, %dot_general3A {dimension_numbers = #tpu.dot_dimension_numbers<[1], [0], [0], [1], [0, 0, 1, 1], [], []>, transpose_lhs_hint = false} : vector<2000x128xf32>, vector<128x128xf32>, vector<2000x128xf32> -> vector<2000x128xf32>
    %get3A_177 = arith.constant 0 : index
    %get3A_178 = arith.constant 0 : index
    %get3A_179 = vector.load %arg5[%get3A_177, %get3A_178] : memref<10x128xf32, #tpu.memory_space<vmem>>, vector<1x128xf32>
    %get3A_180 = vector.shape_cast %get3A_179 : vector<1x128xf32> to vector<128xf32>
    %broadcast_in_dim3A_181 = vector.shape_cast %get3A_180 : vector<128xf32> to vector<1x128xf32>
    %add3A_182 = vector.broadcast %broadcast_in_dim3A_181 : vector<1x128xf32> to vector<2000x128xf32>
    %add3A_183 = arith.addf %dot_general3A_176, %add3A_182 : vector<2000x128xf32>
    %swap3A = arith.constant 0 : index
    %swap3A_184 = arith.constant 0 : index
    %swap3A_185 = arith.constant 0 : index
    %swap3A_186 = vector.load %arg8[%swap3A, %swap3A_184, %swap3A_185] : memref<10x2000x128xf32, #tpu.memory_space<vmem>>, vector<1x2000x128xf32>
    %swap3A_187 = vector.shape_cast %swap3A_186 : vector<1x2000x128xf32> to vector<2000x128xf32>
    %swap3A_188 = vector.shape_cast %add3A_183 : vector<2000x128xf32> to vector<1x2000x128xf32>
    tpu.vector_store %arg8[%swap3A, %swap3A_184, %swap3A_185], %swap3A_188 {strides = array<i32>} : memref<10x2000x128xf32, #tpu.memory_space<vmem>>, vector<1x2000x128xf32>,
    %get3A_189 = arith.constant 1 : index
    %get3A_190 = arith.constant 0 : index
    %get3A_191 = arith.constant 0 : index
    %get3A_192 = vector.load %arg4[%get3A_189, %get3A_190, %get3A_191] : memref<10x128x128xf32, #tpu.memory_space<vmem>>, vector<1x128x128xf32>
    %get3A_193 = vector.shape_cast %get3A_192 : vector<1x128x128xf32> to vector<128x128xf32>
    %dot_general3A_194 = arith.constant dense<0.000000e+00> : vector<2000x128xf32>
    %dot_general3A_195 = tpu.matmul %add3A_170, %get3A_193, %dot_general3A_194 {dimension_numbers = #tpu.dot_dimension_numbers<[1], [0], [0], [1], [0, 0, 1, 1], [], []>, transpose_lhs_hint = false} : vector<2000x128xf32>, vector<128x128xf32>, vector<2000x128xf32> -> vector<2000x128xf32>
    %get3A_196 = arith.constant 1 : index
    %get3A_197 = arith.constant 0 : index
    %get3A_198 = vector.load %arg5[%get3A_196, %get3A_197] : memref<10x128xf32, #tpu.memory_space<vmem>>, vector<1x128xf32>
    %get3A_199 = vector.shape_cast %get3A_198 : vector<1x128xf32> to vector<128xf32>
    %broadcast_in_dim3A_200 = vector.shape_cast %get3A_199 : vector<128xf32> to vector<1x128xf32>
    %add3A_201 = vector.broadcast %broadcast_in_dim3A_200 : vector<1x128xf32> to vector<2000x128xf32>
    %add3A_202 = arith.addf %dot_general3A_195, %add3A_201 : vector<2000x128xf32>
    %swap3A_203 = arith.constant 1 : index
    %swap3A_204 = arith.constant 0 : index
    %swap3A_205 = arith.constant 0 : index
    %swap3A_206 = vector.load %arg8[%swap3A_203, %swap3A_204, %swap3A_205] : memref<10x2000x128xf32, #tpu.memory_space<vmem>>, vector<1x2000x128xf32>
    %swap3A_207 = vector.shape_cast %swap3A_206 : vector<1x2000x128xf32> to vector<2000x128xf32>
    %swap3A_208 = vector.shape_cast %add3A_202 : vector<2000x128xf32> to vector<1x2000x128xf32>
    tpu.vector_store %arg8[%swap3A_203, %swap3A_204, %swap3A_205], %swap3A_208 {strides = array<i32>} : memref<10x2000x128xf32, #tpu.memory_space<vmem>>, vector<1x2000x128xf32>,
    %get3A_209 = arith.constant 2 : index
    %get3A_210 = arith.constant 0 : index
    %get3A_211 = arith.constant 0 : index
    %get3A_212 = vector.load %arg4[%get3A_209, %get3A_210, %get3A_211] : memref<10x128x128xf32, #tpu.memory_space<vmem>>, vector<1x128x128xf32>
    %get3A_213 = vector.shape_cast %get3A_212 : vector<1x128x128xf32> to vector<128x128xf32>
    %dot_general3A_214 = arith.constant dense<0.000000e+00> : vector<2000x128xf32>
    %dot_general3A_215 = tpu.matmul %add3A_170, %get3A_213, %dot_general3A_214 {dimension_numbers = #tpu.dot_dimension_numbers<[1], [0], [0], [1], [0, 0, 1, 1], [], []>, transpose_lhs_hint = false} : vector<2000x128xf32>, vector<128x128xf32>, vector<2000x128xf32> -> vector<2000x128xf32>
    %get3A_216 = arith.constant 2 : index
    %get3A_217 = arith.constant 0 : index
    %get3A_218 = vector.load %arg5[%get3A_216, %get3A_217] : memref<10x128xf32, #tpu.memory_space<vmem>>, vector<1x128xf32>
    %get3A_219 = vector.shape_cast %get3A_218 : vector<1x128xf32> to vector<128xf32>
    %broadcast_in_dim3A_220 = vector.shape_cast %get3A_219 : vector<128xf32> to vector<1x128xf32>
    %add3A_221 = vector.broadcast %broadcast_in_dim3A_220 : vector<1x128xf32> to vector<2000x128xf32>
    %add3A_222 = arith.addf %dot_general3A_215, %add3A_221 : vector<2000x128xf32>
    %swap3A_223 = arith.constant 2 : index
    %swap3A_224 = arith.constant 0 : index
    %swap3A_225 = arith.constant 0 : index
    %swap3A_226 = vector.load %arg8[%swap3A_223, %swap3A_224, %swap3A_225] : memref<10x2000x128xf32, #tpu.memory_space<vmem>>, vector<1x2000x128xf32>
    %swap3A_227 = vector.shape_cast %swap3A_226 : vector<1x2000x128xf32> to vector<2000x128xf32>
    %swap3A_228 = vector.shape_cast %add3A_222 : vector<2000x128xf32> to vector<1x2000x128xf32>
    tpu.vector_store %arg8[%swap3A_223, %swap3A_224, %swap3A_225], %swap3A_228 {strides = array<i32>} : memref<10x2000x128xf32, #tpu.memory_space<vmem>>, vector<1x2000x128xf32>,
    %get3A_229 = arith.constant 3 : index
    %get3A_230 = arith.constant 0 : index
    %get3A_231 = arith.constant 0 : index
    %get3A_232 = vector.load %arg4[%get3A_229, %get3A_230, %get3A_231] : memref<10x128x128xf32, #tpu.memory_space<vmem>>, vector<1x128x128xf32>
    %get3A_233 = vector.shape_cast %get3A_232 : vector<1x128x128xf32> to vector<128x128xf32>
    %dot_general3A_234 = arith.constant dense<0.000000e+00> : vector<2000x128xf32>
    %dot_general3A_235 = tpu.matmul %add3A_170, %get3A_233, %dot_general3A_234 {dimension_numbers = #tpu.dot_dimension_numbers<[1], [0], [0], [1], [0, 0, 1, 1], [], []>, transpose_lhs_hint = false} : vector<2000x128xf32>, vector<128x128xf32>, vector<2000x128xf32> -> vector<2000x128xf32>
    %get3A_236 = arith.constant 3 : index
    %get3A_237 = arith.constant 0 : index
    %get3A_238 = vector.load %arg5[%get3A_236, %get3A_237] : memref<10x128xf32, #tpu.memory_space<vmem>>, vector<1x128xf32>
    %get3A_239 = vector.shape_cast %get3A_238 : vector<1x128xf32> to vector<128xf32>
    %broadcast_in_dim3A_240 = vector.shape_cast %get3A_239 : vector<128xf32> to vector<1x128xf32>
    %add3A_241 = vector.broadcast %broadcast_in_dim3A_240 : vector<1x128xf32> to vector<2000x128xf32>
    %add3A_242 = arith.addf %dot_general3A_235, %add3A_241 : vector<2000x128xf32>
    %swap3A_243 = arith.constant 3 : index
    %swap3A_244 = arith.constant 0 : index
    %swap3A_245 = arith.constant 0 : index
    %swap3A_246 = vector.load %arg8[%swap3A_243, %swap3A_244, %swap3A_245] : memref<10x2000x128xf32, #tpu.memory_space<vmem>>, vector<1x2000x128xf32>
    %swap3A_247 = vector.shape_cast %swap3A_246 : vector<1x2000x128xf32> to vector<2000x128xf32>
    %swap3A_248 = vector.shape_cast %add3A_242 : vector<2000x128xf32> to vector<1x2000x128xf32>
    tpu.vector_store %arg8[%swap3A_243, %swap3A_244, %swap3A_245], %swap3A_248 {strides = array<i32>} : memref<10x2000x128xf32, #tpu.memory_space<vmem>>, vector<1x2000x128xf32>,
    %get3A_249 = arith.constant 4 : index
    %get3A_250 = arith.constant 0 : index
    %get3A_251 = arith.constant 0 : index
    %get3A_252 = vector.load %arg4[%get3A_249, %get3A_250, %get3A_251] : memref<10x128x128xf32, #tpu.memory_space<vmem>>, vector<1x128x128xf32>
    %get3A_253 = vector.shape_cast %get3A_252 : vector<1x128x128xf32> to vector<128x128xf32>
    %dot_general3A_254 = arith.constant dense<0.000000e+00> : vector<2000x128xf32>
    %dot_general3A_255 = tpu.matmul %add3A_170, %get3A_253, %dot_general3A_254 {dimension_numbers = #tpu.dot_dimension_numbers<[1], [0], [0], [1], [0, 0, 1, 1], [], []>, transpose_lhs_hint = false} : vector<2000x128xf32>, vector<128x128xf32>, vector<2000x128xf32> -> vector<2000x128xf32>
    %get3A_256 = arith.constant 4 : index
    %get3A_257 = arith.constant 0 : index
    %get3A_258 = vector.load %arg5[%get3A_256, %get3A_257] : memref<10x128xf32, #tpu.memory_space<vmem>>, vector<1x128xf32>
    %get3A_259 = vector.shape_cast %get3A_258 : vector<1x128xf32> to vector<128xf32>
    %broadcast_in_dim3A_260 = vector.shape_cast %get3A_259 : vector<128xf32> to vector<1x128xf32>
    %add3A_261 = vector.broadcast %broadcast_in_dim3A_260 : vector<1x128xf32> to vector<2000x128xf32>
    %add3A_262 = arith.addf %dot_general3A_255, %add3A_261 : vector<2000x128xf32>
    %swap3A_263 = arith.constant 4 : index
    %swap3A_264 = arith.constant 0 : index
    %swap3A_265 = arith.constant 0 : index
    %swap3A_266 = vector.load %arg8[%swap3A_263, %swap3A_264, %swap3A_265] : memref<10x2000x128xf32, #tpu.memory_space<vmem>>, vector<1x2000x128xf32>
    %swap3A_267 = vector.shape_cast %swap3A_266 : vector<1x2000x128xf32> to vector<2000x128xf32>
    %swap3A_268 = vector.shape_cast %add3A_262 : vector<2000x128xf32> to vector<1x2000x128xf32>
    tpu.vector_store %arg8[%swap3A_263, %swap3A_264, %swap3A_265], %swap3A_268 {strides = array<i32>} : memref<10x2000x128xf32, #tpu.memory_space<vmem>>, vector<1x2000x128xf32>,
    %get3A_269 = arith.constant 5 : index
    %get3A_270 = arith.constant 0 : index
    %get3A_271 = arith.constant 0 : index
    %get3A_272 = vector.load %arg4[%get3A_269, %get3A_270, %get3A_271] : memref<10x128x128xf32, #tpu.memory_space<vmem>>, vector<1x128x128xf32>
    %get3A_273 = vector.shape_cast %get3A_272 : vector<1x128x128xf32> to vector<128x128xf32>
    %dot_general3A_274 = arith.constant dense<0.000000e+00> : vector<2000x128xf32>
    %dot_general3A_275 = tpu.matmul %add3A_170, %get3A_273, %dot_general3A_274 {dimension_numbers = #tpu.dot_dimension_numbers<[1], [0], [0], [1], [0, 0, 1, 1], [], []>, transpose_lhs_hint = false} : vector<2000x128xf32>, vector<128x128xf32>, vector<2000x128xf32> -> vector<2000x128xf32>
    %get3A_276 = arith.constant 5 : index
    %get3A_277 = arith.constant 0 : index
    %get3A_278 = vector.load %arg5[%get3A_276, %get3A_277] : memref<10x128xf32, #tpu.memory_space<vmem>>, vector<1x128xf32>
    %get3A_279 = vector.shape_cast %get3A_278 : vector<1x128xf32> to vector<128xf32>
    %broadcast_in_dim3A_280 = vector.shape_cast %get3A_279 : vector<128xf32> to vector<1x128xf32>
    %add3A_281 = vector.broadcast %broadcast_in_dim3A_280 : vector<1x128xf32> to vector<2000x128xf32>
    %add3A_282 = arith.addf %dot_general3A_275, %add3A_281 : vector<2000x128xf32>
    %swap3A_283 = arith.constant 5 : index
    %swap3A_284 = arith.constant 0 : index
    %swap3A_285 = arith.constant 0 : index
    %swap3A_286 = vector.load %arg8[%swap3A_283, %swap3A_284, %swap3A_285] : memref<10x2000x128xf32, #tpu.memory_space<vmem>>, vector<1x2000x128xf32>
    %swap3A_287 = vector.shape_cast %swap3A_286 : vector<1x2000x128xf32> to vector<2000x128xf32>
    %swap3A_288 = vector.shape_cast %add3A_282 : vector<2000x128xf32> to vector<1x2000x128xf32>
    tpu.vector_store %arg8[%swap3A_283, %swap3A_284, %swap3A_285], %swap3A_288 {strides = array<i32>} : memref<10x2000x128xf32, #tpu.memory_space<vmem>>, vector<1x2000x128xf32>,
    %get3A_289 = arith.constant 6 : index
    %get3A_290 = arith.constant 0 : index
    %get3A_291 = arith.constant 0 : index
    %get3A_292 = vector.load %arg4[%get3A_289, %get3A_290, %get3A_291] : memref<10x128x128xf32, #tpu.memory_space<vmem>>, vector<1x128x128xf32>
    %get3A_293 = vector.shape_cast %get3A_292 : vector<1x128x128xf32> to vector<128x128xf32>
    %dot_general3A_294 = arith.constant dense<0.000000e+00> : vector<2000x128xf32>
    %dot_general3A_295 = tpu.matmul %add3A_170, %get3A_293, %dot_general3A_294 {dimension_numbers = #tpu.dot_dimension_numbers<[1], [0], [0], [1], [0, 0, 1, 1], [], []>, transpose_lhs_hint = false} : vector<2000x128xf32>, vector<128x128xf32>, vector<2000x128xf32> -> vector<2000x128xf32>
    %get3A_296 = arith.constant 6 : index
    %get3A_297 = arith.constant 0 : index
    %get3A_298 = vector.load %arg5[%get3A_296, %get3A_297] : memref<10x128xf32, #tpu.memory_space<vmem>>, vector<1x128xf32>
    %get3A_299 = vector.shape_cast %get3A_298 : vector<1x128xf32> to vector<128xf32>
    %broadcast_in_dim3A_300 = vector.shape_cast %get3A_299 : vector<128xf32> to vector<1x128xf32>
    %add3A_301 = vector.broadcast %broadcast_in_dim3A_300 : vector<1x128xf32> to vector<2000x128xf32>
    %add3A_302 = arith.addf %dot_general3A_295, %add3A_301 : vector<2000x128xf32>
    %swap3A_303 = arith.constant 6 : index
    %swap3A_304 = arith.constant 0 : index
    %swap3A_305 = arith.constant 0 : index
    %swap3A_306 = vector.load %arg8[%swap3A_303, %swap3A_304, %swap3A_305] : memref<10x2000x128xf32, #tpu.memory_space<vmem>>, vector<1x2000x128xf32>
    %swap3A_307 = vector.shape_cast %swap3A_306 : vector<1x2000x128xf32> to vector<2000x128xf32>
    %swap3A_308 = vector.shape_cast %add3A_302 : vector<2000x128xf32> to vector<1x2000x128xf32>
    tpu.vector_store %arg8[%swap3A_303, %swap3A_304, %swap3A_305], %swap3A_308 {strides = array<i32>} : memref<10x2000x128xf32, #tpu.memory_space<vmem>>, vector<1x2000x128xf32>,
    %get3A_309 = arith.constant 7 : index
    %get3A_310 = arith.constant 0 : index
    %get3A_311 = arith.constant 0 : index
    %get3A_312 = vector.load %arg4[%get3A_309, %get3A_310, %get3A_311] : memref<10x128x128xf32, #tpu.memory_space<vmem>>, vector<1x128x128xf32>
    %get3A_313 = vector.shape_cast %get3A_312 : vector<1x128x128xf32> to vector<128x128xf32>
    %dot_general3A_314 = arith.constant dense<0.000000e+00> : vector<2000x128xf32>
    %dot_general3A_315 = tpu.matmul %add3A_170, %get3A_313, %dot_general3A_314 {dimension_numbers = #tpu.dot_dimension_numbers<[1], [0], [0], [1], [0, 0, 1, 1], [], []>, transpose_lhs_hint = false} : vector<2000x128xf32>, vector<128x128xf32>, vector<2000x128xf32> -> vector<2000x128xf32>
    %get3A_316 = arith.constant 7 : index
    %get3A_317 = arith.constant 0 : index
    %get3A_318 = vector.load %arg5[%get3A_316, %get3A_317] : memref<10x128xf32, #tpu.memory_space<vmem>>, vector<1x128xf32>
    %get3A_319 = vector.shape_cast %get3A_318 : vector<1x128xf32> to vector<128xf32>
    %broadcast_in_dim3A_320 = vector.shape_cast %get3A_319 : vector<128xf32> to vector<1x128xf32>
    %add3A_321 = vector.broadcast %broadcast_in_dim3A_320 : vector<1x128xf32> to vector<2000x128xf32>
    %add3A_322 = arith.addf %dot_general3A_315, %add3A_321 : vector<2000x128xf32>
    %swap3A_323 = arith.constant 7 : index
    %swap3A_324 = arith.constant 0 : index
    %swap3A_325 = arith.constant 0 : index
    %swap3A_326 = vector.load %arg8[%swap3A_323, %swap3A_324, %swap3A_325] : memref<10x2000x128xf32, #tpu.memory_space<vmem>>, vector<1x2000x128xf32>
    %swap3A_327 = vector.shape_cast %swap3A_326 : vector<1x2000x128xf32> to vector<2000x128xf32>
    %swap3A_328 = vector.shape_cast %add3A_322 : vector<2000x128xf32> to vector<1x2000x128xf32>
    tpu.vector_store %arg8[%swap3A_323, %swap3A_324, %swap3A_325], %swap3A_328 {strides = array<i32>} : memref<10x2000x128xf32, #tpu.memory_space<vmem>>, vector<1x2000x128xf32>,
    %get3A_329 = arith.constant 8 : index
    %get3A_330 = arith.constant 0 : index
    %get3A_331 = arith.constant 0 : index
    %get3A_332 = vector.load %arg4[%get3A_329, %get3A_330, %get3A_331] : memref<10x128x128xf32, #tpu.memory_space<vmem>>, vector<1x128x128xf32>
    %get3A_333 = vector.shape_cast %get3A_332 : vector<1x128x128xf32> to vector<128x128xf32>
    %dot_general3A_334 = arith.constant dense<0.000000e+00> : vector<2000x128xf32>
    %dot_general3A_335 = tpu.matmul %add3A_170, %get3A_333, %dot_general3A_334 {dimension_numbers = #tpu.dot_dimension_numbers<[1], [0], [0], [1], [0, 0, 1, 1], [], []>, transpose_lhs_hint = false} : vector<2000x128xf32>, vector<128x128xf32>, vector<2000x128xf32> -> vector<2000x128xf32>
    %get3A_336 = arith.constant 8 : index
    %get3A_337 = arith.constant 0 : index
    %get3A_338 = vector.load %arg5[%get3A_336, %get3A_337] : memref<10x128xf32, #tpu.memory_space<vmem>>, vector<1x128xf32>
    %get3A_339 = vector.shape_cast %get3A_338 : vector<1x128xf32> to vector<128xf32>
    %broadcast_in_dim3A_340 = vector.shape_cast %get3A_339 : vector<128xf32> to vector<1x128xf32>
    %add3A_341 = vector.broadcast %broadcast_in_dim3A_340 : vector<1x128xf32> to vector<2000x128xf32>
    %add3A_342 = arith.addf %dot_general3A_335, %add3A_341 : vector<2000x128xf32>
    %swap3A_343 = arith.constant 8 : index
    %swap3A_344 = arith.constant 0 : index
    %swap3A_345 = arith.constant 0 : index
    %swap3A_346 = vector.load %arg8[%swap3A_343, %swap3A_344, %swap3A_345] : memref<10x2000x128xf32, #tpu.memory_space<vmem>>, vector<1x2000x128xf32>
    %swap3A_347 = vector.shape_cast %swap3A_346 : vector<1x2000x128xf32> to vector<2000x128xf32>
    %swap3A_348 = vector.shape_cast %add3A_342 : vector<2000x128xf32> to vector<1x2000x128xf32>
    tpu.vector_store %arg8[%swap3A_343, %swap3A_344, %swap3A_345], %swap3A_348 {strides = array<i32>} : memref<10x2000x128xf32, #tpu.memory_space<vmem>>, vector<1x2000x128xf32>,
    %get3A_349 = arith.constant 9 : index
    %get3A_350 = arith.constant 0 : index
    %get3A_351 = arith.constant 0 : index
    %get3A_352 = vector.load %arg4[%get3A_349, %get3A_350, %get3A_351] : memref<10x128x128xf32, #tpu.memory_space<vmem>>, vector<1x128x128xf32>
    %get3A_353 = vector.shape_cast %get3A_352 : vector<1x128x128xf32> to vector<128x128xf32>
    %dot_general3A_354 = arith.constant dense<0.000000e+00> : vector<2000x128xf32>
    %dot_general3A_355 = tpu.matmul %add3A_170, %get3A_353, %dot_general3A_354 {dimension_numbers = #tpu.dot_dimension_numbers<[1], [0], [0], [1], [0, 0, 1, 1], [], []>, transpose_lhs_hint = false} : vector<2000x128xf32>, vector<128x128xf32>, vector<2000x128xf32> -> vector<2000x128xf32>
    %get3A_356 = arith.constant 9 : index
    %get3A_357 = arith.constant 0 : index
    %get3A_358 = vector.load %arg5[%get3A_356, %get3A_357] : memref<10x128xf32, #tpu.memory_space<vmem>>, vector<1x128xf32>
    %get3A_359 = vector.shape_cast %get3A_358 : vector<1x128xf32> to vector<128xf32>
    %broadcast_in_dim3A_360 = vector.shape_cast %get3A_359 : vector<128xf32> to vector<1x128xf32>
    %add3A_361 = vector.broadcast %broadcast_in_dim3A_360 : vector<1x128xf32> to vector<2000x128xf32>
    %add3A_362 = arith.addf %dot_general3A_355, %add3A_361 : vector<2000x128xf32>
    %swap3A_363 = arith.constant 9 : index
    %swap3A_364 = arith.constant 0 : index
    %swap3A_365 = arith.constant 0 : index
    %swap3A_366 = vector.load %arg8[%swap3A_363, %swap3A_364, %swap3A_365] : memref<10x2000x128xf32, #tpu.memory_space<vmem>>, vector<1x2000x128xf32>
    %swap3A_367 = vector.shape_cast %swap3A_366 : vector<1x2000x128xf32> to vector<2000x128xf32>
    %swap3A_368 = vector.shape_cast %add3A_362 : vector<2000x128xf32> to vector<1x2000x128xf32>
    tpu.vector_store %arg8[%swap3A_363, %swap3A_364, %swap3A_365], %swap3A_368 {strides = array<i32>} : memref<10x2000x128xf32, #tpu.memory_space<vmem>>, vector<1x2000x128xf32>,
    %get3A_369 = arith.constant 0 : index
    %get3A_370 = arith.constant 0 : index
    %get3A_371 = vector.load %arg6[%get3A_369, %get3A_370] : memref<128x128xf32, #tpu.memory_space<vmem>>, vector<128x128xf32>
    %dot_general3A_372 = arith.constant dense<0.000000e+00> : vector<2000x128xf32>
    %dot_general3A_373 = tpu.matmul %add3A_170, %get3A_371, %dot_general3A_372 {dimension_numbers = #tpu.dot_dimension_numbers<[1], [0], [0], [1], [0, 0, 1, 1], [], []>, transpose_lhs_hint = false} : vector<2000x128xf32>, vector<128x128xf32>, vector<2000x128xf32> -> vector<2000x128xf32>
    %get3A_374 = arith.constant 0 : index
    %get3A_375 = arith.constant 0 : index
    %get3A_376 = vector.load %arg7[%get3A_374, %get3A_375] : memref<1x128xf32, #tpu.memory_space<vmem>>, vector<1x128xf32>
    %get3A_377 = vector.shape_cast %get3A_376 : vector<1x128xf32> to vector<128xf32>
    %broadcast_in_dim3A_378 = vector.shape_cast %get3A_377 : vector<128xf32> to vector<1x128xf32>
    %add3A_379 = vector.broadcast %broadcast_in_dim3A_378 : vector<1x128xf32> to vector<2000x128xf32>
    %add3A_380 = arith.addf %dot_general3A_373, %add3A_379 : vector<2000x128xf32>
    %swap3A_381 = arith.constant 0 : index
    %swap3A_382 = arith.constant 0 : index
    %swap3A_383 = vector.load %arg9[%swap3A_381, %swap3A_382] : memref<2000x128xf32, #tpu.memory_space<vmem>>, vector<2000x128xf32>
    tpu.vector_store %arg9[%swap3A_381, %swap3A_382], %add3A_380 {strides = array<i32>} : memref<2000x128xf32, #tpu.memory_space<vmem>>, vector<2000x128xf32>,
    return
  }
  func.func @transform_0(%arg0: i32) -> (i32, i32, i32) {
    %c0_i32 = arith.constant 0 : i32
    %c0_i32_0 = arith.constant 0 : i32
    %c0_i32_1 = arith.constant 0 : i32
    return %arg0, %c0_i32, %c0_i32_0 : i32, i32, i32
  }
  func.func @transform_1(%arg0: i32) -> (i32, i32) {
    %c0_i32 = arith.constant 0 : i32
    %c0_i32_0 = arith.constant 0 : i32
    return %arg0, %c0_i32 : i32, i32
  }
  func.func @transform_2(%arg0: i32) -> (i32, i32) {
    %c0_i32 = arith.constant 0 : i32
    %c0_i32_0 = arith.constant 0 : i32
    %c0_i32_1 = arith.constant 0 : i32
    return %c0_i32, %c0_i32_0 : i32, i32
  }
  func.func @transform_3(%arg0: i32) -> (i32, i32, i32) {
    %c0_i32 = arith.constant 0 : i32
    %c0_i32_0 = arith.constant 0 : i32
    %c0_i32_1 = arith.constant 0 : i32
    %c0_i32_2 = arith.constant 0 : i32
    return %c0_i32, %c0_i32_0, %c0_i32_1 : i32, i32, i32
  }
  func.func @transform_4(%arg0: i32) -> (i32, i32) {
    %c0_i32 = arith.constant 0 : i32
    %c0_i32_0 = arith.constant 0 : i32
    %c0_i32_1 = arith.constant 0 : i32
    return %c0_i32, %c0_i32_0 : i32, i32
  }
  func.func @transform_5(%arg0: i32) -> (i32, i32) {
    %c0_i32 = arith.constant 0 : i32
    %c0_i32_0 = arith.constant 0 : i32
    %c0_i32_1 = arith.constant 0 : i32
    return %c0_i32, %c0_i32_0 : i32, i32
  }
  func.func @transform_6(%arg0: i32) -> (i32, i32) {
    %c0_i32 = arith.constant 0 : i32
    %c0_i32_0 = arith.constant 0 : i32
    %c0_i32_1 = arith.constant 0 : i32
    return %c0_i32, %c0_i32_0 : i32, i32
  }
  func.func @transform_7(%arg0: i32) -> (i32, i32, i32) {
    %c0_i32 = arith.constant 0 : i32
    %c0_i32_0 = arith.constant 0 : i32
    %c0_i32_1 = arith.constant 0 : i32
    return %c0_i32, %arg0, %c0_i32_0 : i32, i32, i32
  }
  func.func @transform_8(%arg0: i32) -> (i32, i32) {
    %c0_i32 = arith.constant 0 : i32
    %c0_i32_0 = arith.constant 0 : i32
    return %arg0, %c0_i32 : i32, i32
  }
}

module attributes {stable_mosaic.version = 14 : i64} {
  func.func @_fmid_body_noresid(%arg0: i32, %arg1: memref<2000x128xf32, #tpu.memory_space<vmem>>, %arg2: memref<2x2000x128xf32, #tpu.memory_space<vmem>>, %arg3: memref<1x128xf32, #tpu.memory_space<vmem>>, %arg4: memref<1x128xf32, #tpu.memory_space<vmem>>, %arg5: memref<1x128xf32, #tpu.memory_space<vmem>>, %arg6: memref<1x128xf32, #tpu.memory_space<vmem>>, %arg7: memref<10x128x128xf32, #tpu.memory_space<vmem>>, %arg8: memref<10x128xf32, #tpu.memory_space<vmem>>, %arg9: memref<128x128xf32, #tpu.memory_space<vmem>>, %arg10: memref<1x128xf32, #tpu.memory_space<vmem>>, %arg11: memref<2000x128xf32, #tpu.memory_space<vmem>>, %arg12: memref<10x2000x128xf32, #tpu.memory_space<vmem>>, %arg13: memref<2000x128xf32, #tpu.memory_space<vmem>>) attributes {dimension_semantics = [#tpu.dimension_semantics<arbitrary>], iteration_bounds = array<i64: 5>, scalar_prefetch = 0 : i64, scratch_operands = 0 : i64, tpu.core_type = #tpu.core_type<tc>, window_params = [{transform_indices = @transform_0, window_bounds = array<i64: 2000, 128>}, {transform_indices = @transform_1, window_bounds = array<i64: 2, 2000, 128>}, {pipeline_mode = #tpu.pipeline_mode<synchronous>, transform_indices = @transform_2, window_bounds = array<i64: 1, 128>}, {pipeline_mode = #tpu.pipeline_mode<synchronous>, transform_indices = @transform_3, window_bounds = array<i64: 1, 128>}, {pipeline_mode = #tpu.pipeline_mode<synchronous>, transform_indices = @transform_4, window_bounds = array<i64: 1, 128>}, {pipeline_mode = #tpu.pipeline_mode<synchronous>, transform_indices = @transform_5, window_bounds = array<i64: 1, 128>}, {pipeline_mode = #tpu.pipeline_mode<synchronous>, transform_indices = @transform_6, window_bounds = array<i64: 10, 128, 128>}, {pipeline_mode = #tpu.pipeline_mode<synchronous>, transform_indices = @transform_7, window_bounds = array<i64: 10, 128>}, {pipeline_mode = #tpu.pipeline_mode<synchronous>, transform_indices = @transform_8, window_bounds = array<i64: 128, 128>}, {pipeline_mode = #tpu.pipeline_mode<synchronous>, transform_indices = @transform_9, window_bounds = array<i64: 1, 128>}, {transform_indices = @transform_10, window_bounds = array<i64: 2000, 128>}, {transform_indices = @transform_11, window_bounds = array<i64: 10, 2000, 128>}, {transform_indices = @transform_12, window_bounds = array<i64: 2000, 128>}]} {
    %get3A = arith.constant 0 : index
    %get3A_0 = arith.constant 0 : index
    %get3A_1 = vector.load %arg1[%get3A, %get3A_0] : memref<2000x128xf32, #tpu.memory_space<vmem>>, vector<2000x128xf32>
    %get3A_2 = arith.constant 0 : index
    %get3A_3 = arith.constant 0 : index
    %get3A_4 = arith.constant 0 : index
    %get3A_5 = vector.load %arg2[%get3A_2, %get3A_3, %get3A_4] : memref<2x2000x128xf32, #tpu.memory_space<vmem>>, vector<1x2000x128xf32>
    %get3A_6 = vector.shape_cast %get3A_5 : vector<1x2000x128xf32> to vector<2000x128xf32>
    %add3A = arith.addf %get3A_1, %get3A_6 : vector<2000x128xf32>
    %get3A_7 = arith.constant 1 : index
    %get3A_8 = arith.constant 0 : index
    %get3A_9 = arith.constant 0 : index
    %get3A_10 = vector.load %arg2[%get3A_7, %get3A_8, %get3A_9] : memref<2x2000x128xf32, #tpu.memory_space<vmem>>, vector<1x2000x128xf32>
    %get3A_11 = vector.shape_cast %get3A_10 : vector<1x2000x128xf32> to vector<2000x128xf32>
    %add3A_12 = arith.addf %add3A, %get3A_11 : vector<2000x128xf32>
    %get3A_13 = arith.constant 0 : index
    %get3A_14 = arith.constant 0 : index
    %get3A_15 = vector.load %arg3[%get3A_13, %get3A_14] : memref<1x128xf32, #tpu.memory_space<vmem>>, vector<1x128xf32>
    %get3A_16 = arith.constant 0 : index
    %get3A_17 = arith.constant 0 : index
    %get3A_18 = vector.load %arg4[%get3A_16, %get3A_17] : memref<1x128xf32, #tpu.memory_space<vmem>>, vector<1x128xf32>
    %reduce_sum3A = arith.constant dense<0.000000e+00> : vector<2000xf32>
    %reduce_sum3A_19 = vector.multi_reduction <add>, %add3A_12, %reduce_sum3A [1] : vector<2000x128xf32> to vector<2000xf32>
    %broadcast_in_dim3A = vector.shape_cast %reduce_sum3A_19 : vector<2000xf32> to vector<2000x1xf32>
    %div3A = arith.constant 1.280000e+02 : f32
    %div3A_20 = vector.broadcast %div3A : f32 to vector<2000x1xf32>
    %div3A_21 = arith.divf %broadcast_in_dim3A, %div3A_20 : vector<2000x1xf32>
    %sub3A = vector.broadcast %div3A_21 : vector<2000x1xf32> to vector<2000x128xf32>
    %sub3A_22 = arith.subf %add3A_12, %sub3A : vector<2000x128xf32>
    %integer_pow3A = arith.mulf %sub3A_22, %sub3A_22 : vector<2000x128xf32>
    %reduce_sum3A_23 = arith.constant dense<0.000000e+00> : vector<2000xf32>
    %reduce_sum3A_24 = vector.multi_reduction <add>, %integer_pow3A, %reduce_sum3A_23 [1] : vector<2000x128xf32> to vector<2000xf32>
    %broadcast_in_dim3A_25 = vector.shape_cast %reduce_sum3A_24 : vector<2000xf32> to vector<2000x1xf32>
    %div3A_26 = arith.constant 1.280000e+02 : f32
    %div3A_27 = vector.broadcast %div3A_26 : f32 to vector<2000x1xf32>
    %div3A_28 = arith.divf %broadcast_in_dim3A_25, %div3A_27 : vector<2000x1xf32>
    %sub3A_29 = vector.broadcast %div3A_21 : vector<2000x1xf32> to vector<2000x128xf32>
    %sub3A_30 = arith.subf %add3A_12, %sub3A_29 : vector<2000x128xf32>
    %add3A_31 = arith.constant 9.99999974E-6 : f32
    %add3A_32 = vector.broadcast %add3A_31 : f32 to vector<2000x1xf32>
    %add3A_33 = arith.addf %div3A_28, %add3A_32 : vector<2000x1xf32>
    %sqrt3A = math.sqrt %add3A_33 : vector<2000x1xf32>
    %div3A_34 = vector.broadcast %sqrt3A : vector<2000x1xf32> to vector<2000x128xf32>
    %div3A_35 = arith.divf %sub3A_30, %div3A_34 : vector<2000x128xf32>
    %mul3A = vector.broadcast %get3A_15 : vector<1x128xf32> to vector<2000x128xf32>
    %mul3A_36 = arith.mulf %div3A_35, %mul3A : vector<2000x128xf32>
    %add3A_37 = vector.broadcast %get3A_18 : vector<1x128xf32> to vector<2000x128xf32>
    %add3A_38 = arith.addf %mul3A_36, %add3A_37 : vector<2000x128xf32>
    %max3A = arith.constant 0.000000e+00 : f32
    %max3A_39 = vector.broadcast %max3A : f32 to vector<2000x128xf32>
    %max3A_40 = arith.maximumf %add3A_38, %max3A_39 : vector<2000x128xf32>
    %get3A_41 = arith.constant 0 : index
    %get3A_42 = arith.constant 0 : index
    %get3A_43 = vector.load %arg5[%get3A_41, %get3A_42] : memref<1x128xf32, #tpu.memory_space<vmem>>, vector<1x128xf32>
    %get3A_44 = arith.constant 0 : index
    %get3A_45 = arith.constant 0 : index
    %get3A_46 = vector.load %arg6[%get3A_44, %get3A_45] : memref<1x128xf32, #tpu.memory_space<vmem>>, vector<1x128xf32>
    %reduce_sum3A_47 = arith.constant dense<0.000000e+00> : vector<2000xf32>
    %reduce_sum3A_48 = vector.multi_reduction <add>, %max3A_40, %reduce_sum3A_47 [1] : vector<2000x128xf32> to vector<2000xf32>
    %broadcast_in_dim3A_49 = vector.shape_cast %reduce_sum3A_48 : vector<2000xf32> to vector<2000x1xf32>
    %div3A_50 = arith.constant 1.280000e+02 : f32
    %div3A_51 = vector.broadcast %div3A_50 : f32 to vector<2000x1xf32>
    %div3A_52 = arith.divf %broadcast_in_dim3A_49, %div3A_51 : vector<2000x1xf32>
    %sub3A_53 = vector.broadcast %div3A_52 : vector<2000x1xf32> to vector<2000x128xf32>
    %sub3A_54 = arith.subf %max3A_40, %sub3A_53 : vector<2000x128xf32>
    %integer_pow3A_55 = arith.mulf %sub3A_54, %sub3A_54 : vector<2000x128xf32>
    %reduce_sum3A_56 = arith.constant dense<0.000000e+00> : vector<2000xf32>
    %reduce_sum3A_57 = vector.multi_reduction <add>, %integer_pow3A_55, %reduce_sum3A_56 [1] : vector<2000x128xf32> to vector<2000xf32>
    %broadcast_in_dim3A_58 = vector.shape_cast %reduce_sum3A_57 : vector<2000xf32> to vector<2000x1xf32>
    %div3A_59 = arith.constant 1.280000e+02 : f32
    %div3A_60 = vector.broadcast %div3A_59 : f32 to vector<2000x1xf32>
    %div3A_61 = arith.divf %broadcast_in_dim3A_58, %div3A_60 : vector<2000x1xf32>
    %sub3A_62 = vector.broadcast %div3A_52 : vector<2000x1xf32> to vector<2000x128xf32>
    %sub3A_63 = arith.subf %max3A_40, %sub3A_62 : vector<2000x128xf32>
    %add3A_64 = arith.constant 9.99999974E-6 : f32
    %add3A_65 = vector.broadcast %add3A_64 : f32 to vector<2000x1xf32>
    %add3A_66 = arith.addf %div3A_61, %add3A_65 : vector<2000x1xf32>
    %sqrt3A_67 = math.sqrt %add3A_66 : vector<2000x1xf32>
    %div3A_68 = vector.broadcast %sqrt3A_67 : vector<2000x1xf32> to vector<2000x128xf32>
    %div3A_69 = arith.divf %sub3A_63, %div3A_68 : vector<2000x128xf32>
    %mul3A_70 = vector.broadcast %get3A_43 : vector<1x128xf32> to vector<2000x128xf32>
    %mul3A_71 = arith.mulf %div3A_69, %mul3A_70 : vector<2000x128xf32>
    %add3A_72 = vector.broadcast %get3A_46 : vector<1x128xf32> to vector<2000x128xf32>
    %add3A_73 = arith.addf %mul3A_71, %add3A_72 : vector<2000x128xf32>
    %swap3A = arith.constant 0 : index
    %swap3A_74 = arith.constant 0 : index
    %swap3A_75 = vector.load %arg11[%swap3A, %swap3A_74] : memref<2000x128xf32, #tpu.memory_space<vmem>>, vector<2000x128xf32>
    tpu.vector_store %arg11[%swap3A, %swap3A_74], %add3A_73 {strides = array<i32>} : memref<2000x128xf32, #tpu.memory_space<vmem>>, vector<2000x128xf32>,
    %get3A_76 = arith.constant 0 : index
    %get3A_77 = arith.constant 0 : index
    %get3A_78 = arith.constant 0 : index
    %get3A_79 = vector.load %arg7[%get3A_76, %get3A_77, %get3A_78] : memref<10x128x128xf32, #tpu.memory_space<vmem>>, vector<1x128x128xf32>
    %get3A_80 = vector.shape_cast %get3A_79 : vector<1x128x128xf32> to vector<128x128xf32>
    %dot_general3A = arith.constant dense<0.000000e+00> : vector<2000x128xf32>
    %dot_general3A_81 = tpu.matmul %add3A_73, %get3A_80, %dot_general3A {dimension_numbers = #tpu.dot_dimension_numbers<[1], [0], [0], [1], [0, 0, 1, 1], [], []>, transpose_lhs_hint = false} : vector<2000x128xf32>, vector<128x128xf32>, vector<2000x128xf32> -> vector<2000x128xf32>
    %get3A_82 = arith.constant 0 : index
    %get3A_83 = arith.constant 0 : index
    %get3A_84 = vector.load %arg8[%get3A_82, %get3A_83] : memref<10x128xf32, #tpu.memory_space<vmem>>, vector<1x128xf32>
    %get3A_85 = vector.shape_cast %get3A_84 : vector<1x128xf32> to vector<128xf32>
    %broadcast_in_dim3A_86 = vector.shape_cast %get3A_85 : vector<128xf32> to vector<1x128xf32>
    %add3A_87 = vector.broadcast %broadcast_in_dim3A_86 : vector<1x128xf32> to vector<2000x128xf32>
    %add3A_88 = arith.addf %dot_general3A_81, %add3A_87 : vector<2000x128xf32>
    %swap3A_89 = arith.constant 0 : index
    %swap3A_90 = arith.constant 0 : index
    %swap3A_91 = arith.constant 0 : index
    %swap3A_92 = vector.load %arg12[%swap3A_89, %swap3A_90, %swap3A_91] : memref<10x2000x128xf32, #tpu.memory_space<vmem>>, vector<1x2000x128xf32>
    %swap3A_93 = vector.shape_cast %swap3A_92 : vector<1x2000x128xf32> to vector<2000x128xf32>
    %swap3A_94 = vector.shape_cast %add3A_88 : vector<2000x128xf32> to vector<1x2000x128xf32>
    tpu.vector_store %arg12[%swap3A_89, %swap3A_90, %swap3A_91], %swap3A_94 {strides = array<i32>} : memref<10x2000x128xf32, #tpu.memory_space<vmem>>, vector<1x2000x128xf32>,
    %get3A_95 = arith.constant 1 : index
    %get3A_96 = arith.constant 0 : index
    %get3A_97 = arith.constant 0 : index
    %get3A_98 = vector.load %arg7[%get3A_95, %get3A_96, %get3A_97] : memref<10x128x128xf32, #tpu.memory_space<vmem>>, vector<1x128x128xf32>
    %get3A_99 = vector.shape_cast %get3A_98 : vector<1x128x128xf32> to vector<128x128xf32>
    %dot_general3A_100 = arith.constant dense<0.000000e+00> : vector<2000x128xf32>
    %dot_general3A_101 = tpu.matmul %add3A_73, %get3A_99, %dot_general3A_100 {dimension_numbers = #tpu.dot_dimension_numbers<[1], [0], [0], [1], [0, 0, 1, 1], [], []>, transpose_lhs_hint = false} : vector<2000x128xf32>, vector<128x128xf32>, vector<2000x128xf32> -> vector<2000x128xf32>
    %get3A_102 = arith.constant 1 : index
    %get3A_103 = arith.constant 0 : index
    %get3A_104 = vector.load %arg8[%get3A_102, %get3A_103] : memref<10x128xf32, #tpu.memory_space<vmem>>, vector<1x128xf32>
    %get3A_105 = vector.shape_cast %get3A_104 : vector<1x128xf32> to vector<128xf32>
    %broadcast_in_dim3A_106 = vector.shape_cast %get3A_105 : vector<128xf32> to vector<1x128xf32>
    %add3A_107 = vector.broadcast %broadcast_in_dim3A_106 : vector<1x128xf32> to vector<2000x128xf32>
    %add3A_108 = arith.addf %dot_general3A_101, %add3A_107 : vector<2000x128xf32>
    %swap3A_109 = arith.constant 1 : index
    %swap3A_110 = arith.constant 0 : index
    %swap3A_111 = arith.constant 0 : index
    %swap3A_112 = vector.load %arg12[%swap3A_109, %swap3A_110, %swap3A_111] : memref<10x2000x128xf32, #tpu.memory_space<vmem>>, vector<1x2000x128xf32>
    %swap3A_113 = vector.shape_cast %swap3A_112 : vector<1x2000x128xf32> to vector<2000x128xf32>
    %swap3A_114 = vector.shape_cast %add3A_108 : vector<2000x128xf32> to vector<1x2000x128xf32>
    tpu.vector_store %arg12[%swap3A_109, %swap3A_110, %swap3A_111], %swap3A_114 {strides = array<i32>} : memref<10x2000x128xf32, #tpu.memory_space<vmem>>, vector<1x2000x128xf32>,
    %get3A_115 = arith.constant 2 : index
    %get3A_116 = arith.constant 0 : index
    %get3A_117 = arith.constant 0 : index
    %get3A_118 = vector.load %arg7[%get3A_115, %get3A_116, %get3A_117] : memref<10x128x128xf32, #tpu.memory_space<vmem>>, vector<1x128x128xf32>
    %get3A_119 = vector.shape_cast %get3A_118 : vector<1x128x128xf32> to vector<128x128xf32>
    %dot_general3A_120 = arith.constant dense<0.000000e+00> : vector<2000x128xf32>
    %dot_general3A_121 = tpu.matmul %add3A_73, %get3A_119, %dot_general3A_120 {dimension_numbers = #tpu.dot_dimension_numbers<[1], [0], [0], [1], [0, 0, 1, 1], [], []>, transpose_lhs_hint = false} : vector<2000x128xf32>, vector<128x128xf32>, vector<2000x128xf32> -> vector<2000x128xf32>
    %get3A_122 = arith.constant 2 : index
    %get3A_123 = arith.constant 0 : index
    %get3A_124 = vector.load %arg8[%get3A_122, %get3A_123] : memref<10x128xf32, #tpu.memory_space<vmem>>, vector<1x128xf32>
    %get3A_125 = vector.shape_cast %get3A_124 : vector<1x128xf32> to vector<128xf32>
    %broadcast_in_dim3A_126 = vector.shape_cast %get3A_125 : vector<128xf32> to vector<1x128xf32>
    %add3A_127 = vector.broadcast %broadcast_in_dim3A_126 : vector<1x128xf32> to vector<2000x128xf32>
    %add3A_128 = arith.addf %dot_general3A_121, %add3A_127 : vector<2000x128xf32>
    %swap3A_129 = arith.constant 2 : index
    %swap3A_130 = arith.constant 0 : index
    %swap3A_131 = arith.constant 0 : index
    %swap3A_132 = vector.load %arg12[%swap3A_129, %swap3A_130, %swap3A_131] : memref<10x2000x128xf32, #tpu.memory_space<vmem>>, vector<1x2000x128xf32>
    %swap3A_133 = vector.shape_cast %swap3A_132 : vector<1x2000x128xf32> to vector<2000x128xf32>
    %swap3A_134 = vector.shape_cast %add3A_128 : vector<2000x128xf32> to vector<1x2000x128xf32>
    tpu.vector_store %arg12[%swap3A_129, %swap3A_130, %swap3A_131], %swap3A_134 {strides = array<i32>} : memref<10x2000x128xf32, #tpu.memory_space<vmem>>, vector<1x2000x128xf32>,
    %get3A_135 = arith.constant 3 : index
    %get3A_136 = arith.constant 0 : index
    %get3A_137 = arith.constant 0 : index
    %get3A_138 = vector.load %arg7[%get3A_135, %get3A_136, %get3A_137] : memref<10x128x128xf32, #tpu.memory_space<vmem>>, vector<1x128x128xf32>
    %get3A_139 = vector.shape_cast %get3A_138 : vector<1x128x128xf32> to vector<128x128xf32>
    %dot_general3A_140 = arith.constant dense<0.000000e+00> : vector<2000x128xf32>
    %dot_general3A_141 = tpu.matmul %add3A_73, %get3A_139, %dot_general3A_140 {dimension_numbers = #tpu.dot_dimension_numbers<[1], [0], [0], [1], [0, 0, 1, 1], [], []>, transpose_lhs_hint = false} : vector<2000x128xf32>, vector<128x128xf32>, vector<2000x128xf32> -> vector<2000x128xf32>
    %get3A_142 = arith.constant 3 : index
    %get3A_143 = arith.constant 0 : index
    %get3A_144 = vector.load %arg8[%get3A_142, %get3A_143] : memref<10x128xf32, #tpu.memory_space<vmem>>, vector<1x128xf32>
    %get3A_145 = vector.shape_cast %get3A_144 : vector<1x128xf32> to vector<128xf32>
    %broadcast_in_dim3A_146 = vector.shape_cast %get3A_145 : vector<128xf32> to vector<1x128xf32>
    %add3A_147 = vector.broadcast %broadcast_in_dim3A_146 : vector<1x128xf32> to vector<2000x128xf32>
    %add3A_148 = arith.addf %dot_general3A_141, %add3A_147 : vector<2000x128xf32>
    %swap3A_149 = arith.constant 3 : index
    %swap3A_150 = arith.constant 0 : index
    %swap3A_151 = arith.constant 0 : index
    %swap3A_152 = vector.load %arg12[%swap3A_149, %swap3A_150, %swap3A_151] : memref<10x2000x128xf32, #tpu.memory_space<vmem>>, vector<1x2000x128xf32>
    %swap3A_153 = vector.shape_cast %swap3A_152 : vector<1x2000x128xf32> to vector<2000x128xf32>
    %swap3A_154 = vector.shape_cast %add3A_148 : vector<2000x128xf32> to vector<1x2000x128xf32>
    tpu.vector_store %arg12[%swap3A_149, %swap3A_150, %swap3A_151], %swap3A_154 {strides = array<i32>} : memref<10x2000x128xf32, #tpu.memory_space<vmem>>, vector<1x2000x128xf32>,
    %get3A_155 = arith.constant 4 : index
    %get3A_156 = arith.constant 0 : index
    %get3A_157 = arith.constant 0 : index
    %get3A_158 = vector.load %arg7[%get3A_155, %get3A_156, %get3A_157] : memref<10x128x128xf32, #tpu.memory_space<vmem>>, vector<1x128x128xf32>
    %get3A_159 = vector.shape_cast %get3A_158 : vector<1x128x128xf32> to vector<128x128xf32>
    %dot_general3A_160 = arith.constant dense<0.000000e+00> : vector<2000x128xf32>
    %dot_general3A_161 = tpu.matmul %add3A_73, %get3A_159, %dot_general3A_160 {dimension_numbers = #tpu.dot_dimension_numbers<[1], [0], [0], [1], [0, 0, 1, 1], [], []>, transpose_lhs_hint = false} : vector<2000x128xf32>, vector<128x128xf32>, vector<2000x128xf32> -> vector<2000x128xf32>
    %get3A_162 = arith.constant 4 : index
    %get3A_163 = arith.constant 0 : index
    %get3A_164 = vector.load %arg8[%get3A_162, %get3A_163] : memref<10x128xf32, #tpu.memory_space<vmem>>, vector<1x128xf32>
    %get3A_165 = vector.shape_cast %get3A_164 : vector<1x128xf32> to vector<128xf32>
    %broadcast_in_dim3A_166 = vector.shape_cast %get3A_165 : vector<128xf32> to vector<1x128xf32>
    %add3A_167 = vector.broadcast %broadcast_in_dim3A_166 : vector<1x128xf32> to vector<2000x128xf32>
    %add3A_168 = arith.addf %dot_general3A_161, %add3A_167 : vector<2000x128xf32>
    %swap3A_169 = arith.constant 4 : index
    %swap3A_170 = arith.constant 0 : index
    %swap3A_171 = arith.constant 0 : index
    %swap3A_172 = vector.load %arg12[%swap3A_169, %swap3A_170, %swap3A_171] : memref<10x2000x128xf32, #tpu.memory_space<vmem>>, vector<1x2000x128xf32>
    %swap3A_173 = vector.shape_cast %swap3A_172 : vector<1x2000x128xf32> to vector<2000x128xf32>
    %swap3A_174 = vector.shape_cast %add3A_168 : vector<2000x128xf32> to vector<1x2000x128xf32>
    tpu.vector_store %arg12[%swap3A_169, %swap3A_170, %swap3A_171], %swap3A_174 {strides = array<i32>} : memref<10x2000x128xf32, #tpu.memory_space<vmem>>, vector<1x2000x128xf32>,
    %get3A_175 = arith.constant 5 : index
    %get3A_176 = arith.constant 0 : index
    %get3A_177 = arith.constant 0 : index
    %get3A_178 = vector.load %arg7[%get3A_175, %get3A_176, %get3A_177] : memref<10x128x128xf32, #tpu.memory_space<vmem>>, vector<1x128x128xf32>
    %get3A_179 = vector.shape_cast %get3A_178 : vector<1x128x128xf32> to vector<128x128xf32>
    %dot_general3A_180 = arith.constant dense<0.000000e+00> : vector<2000x128xf32>
    %dot_general3A_181 = tpu.matmul %add3A_73, %get3A_179, %dot_general3A_180 {dimension_numbers = #tpu.dot_dimension_numbers<[1], [0], [0], [1], [0, 0, 1, 1], [], []>, transpose_lhs_hint = false} : vector<2000x128xf32>, vector<128x128xf32>, vector<2000x128xf32> -> vector<2000x128xf32>
    %get3A_182 = arith.constant 5 : index
    %get3A_183 = arith.constant 0 : index
    %get3A_184 = vector.load %arg8[%get3A_182, %get3A_183] : memref<10x128xf32, #tpu.memory_space<vmem>>, vector<1x128xf32>
    %get3A_185 = vector.shape_cast %get3A_184 : vector<1x128xf32> to vector<128xf32>
    %broadcast_in_dim3A_186 = vector.shape_cast %get3A_185 : vector<128xf32> to vector<1x128xf32>
    %add3A_187 = vector.broadcast %broadcast_in_dim3A_186 : vector<1x128xf32> to vector<2000x128xf32>
    %add3A_188 = arith.addf %dot_general3A_181, %add3A_187 : vector<2000x128xf32>
    %swap3A_189 = arith.constant 5 : index
    %swap3A_190 = arith.constant 0 : index
    %swap3A_191 = arith.constant 0 : index
    %swap3A_192 = vector.load %arg12[%swap3A_189, %swap3A_190, %swap3A_191] : memref<10x2000x128xf32, #tpu.memory_space<vmem>>, vector<1x2000x128xf32>
    %swap3A_193 = vector.shape_cast %swap3A_192 : vector<1x2000x128xf32> to vector<2000x128xf32>
    %swap3A_194 = vector.shape_cast %add3A_188 : vector<2000x128xf32> to vector<1x2000x128xf32>
    tpu.vector_store %arg12[%swap3A_189, %swap3A_190, %swap3A_191], %swap3A_194 {strides = array<i32>} : memref<10x2000x128xf32, #tpu.memory_space<vmem>>, vector<1x2000x128xf32>,
    %get3A_195 = arith.constant 6 : index
    %get3A_196 = arith.constant 0 : index
    %get3A_197 = arith.constant 0 : index
    %get3A_198 = vector.load %arg7[%get3A_195, %get3A_196, %get3A_197] : memref<10x128x128xf32, #tpu.memory_space<vmem>>, vector<1x128x128xf32>
    %get3A_199 = vector.shape_cast %get3A_198 : vector<1x128x128xf32> to vector<128x128xf32>
    %dot_general3A_200 = arith.constant dense<0.000000e+00> : vector<2000x128xf32>
    %dot_general3A_201 = tpu.matmul %add3A_73, %get3A_199, %dot_general3A_200 {dimension_numbers = #tpu.dot_dimension_numbers<[1], [0], [0], [1], [0, 0, 1, 1], [], []>, transpose_lhs_hint = false} : vector<2000x128xf32>, vector<128x128xf32>, vector<2000x128xf32> -> vector<2000x128xf32>
    %get3A_202 = arith.constant 6 : index
    %get3A_203 = arith.constant 0 : index
    %get3A_204 = vector.load %arg8[%get3A_202, %get3A_203] : memref<10x128xf32, #tpu.memory_space<vmem>>, vector<1x128xf32>
    %get3A_205 = vector.shape_cast %get3A_204 : vector<1x128xf32> to vector<128xf32>
    %broadcast_in_dim3A_206 = vector.shape_cast %get3A_205 : vector<128xf32> to vector<1x128xf32>
    %add3A_207 = vector.broadcast %broadcast_in_dim3A_206 : vector<1x128xf32> to vector<2000x128xf32>
    %add3A_208 = arith.addf %dot_general3A_201, %add3A_207 : vector<2000x128xf32>
    %swap3A_209 = arith.constant 6 : index
    %swap3A_210 = arith.constant 0 : index
    %swap3A_211 = arith.constant 0 : index
    %swap3A_212 = vector.load %arg12[%swap3A_209, %swap3A_210, %swap3A_211] : memref<10x2000x128xf32, #tpu.memory_space<vmem>>, vector<1x2000x128xf32>
    %swap3A_213 = vector.shape_cast %swap3A_212 : vector<1x2000x128xf32> to vector<2000x128xf32>
    %swap3A_214 = vector.shape_cast %add3A_208 : vector<2000x128xf32> to vector<1x2000x128xf32>
    tpu.vector_store %arg12[%swap3A_209, %swap3A_210, %swap3A_211], %swap3A_214 {strides = array<i32>} : memref<10x2000x128xf32, #tpu.memory_space<vmem>>, vector<1x2000x128xf32>,
    %get3A_215 = arith.constant 7 : index
    %get3A_216 = arith.constant 0 : index
    %get3A_217 = arith.constant 0 : index
    %get3A_218 = vector.load %arg7[%get3A_215, %get3A_216, %get3A_217] : memref<10x128x128xf32, #tpu.memory_space<vmem>>, vector<1x128x128xf32>
    %get3A_219 = vector.shape_cast %get3A_218 : vector<1x128x128xf32> to vector<128x128xf32>
    %dot_general3A_220 = arith.constant dense<0.000000e+00> : vector<2000x128xf32>
    %dot_general3A_221 = tpu.matmul %add3A_73, %get3A_219, %dot_general3A_220 {dimension_numbers = #tpu.dot_dimension_numbers<[1], [0], [0], [1], [0, 0, 1, 1], [], []>, transpose_lhs_hint = false} : vector<2000x128xf32>, vector<128x128xf32>, vector<2000x128xf32> -> vector<2000x128xf32>
    %get3A_222 = arith.constant 7 : index
    %get3A_223 = arith.constant 0 : index
    %get3A_224 = vector.load %arg8[%get3A_222, %get3A_223] : memref<10x128xf32, #tpu.memory_space<vmem>>, vector<1x128xf32>
    %get3A_225 = vector.shape_cast %get3A_224 : vector<1x128xf32> to vector<128xf32>
    %broadcast_in_dim3A_226 = vector.shape_cast %get3A_225 : vector<128xf32> to vector<1x128xf32>
    %add3A_227 = vector.broadcast %broadcast_in_dim3A_226 : vector<1x128xf32> to vector<2000x128xf32>
    %add3A_228 = arith.addf %dot_general3A_221, %add3A_227 : vector<2000x128xf32>
    %swap3A_229 = arith.constant 7 : index
    %swap3A_230 = arith.constant 0 : index
    %swap3A_231 = arith.constant 0 : index
    %swap3A_232 = vector.load %arg12[%swap3A_229, %swap3A_230, %swap3A_231] : memref<10x2000x128xf32, #tpu.memory_space<vmem>>, vector<1x2000x128xf32>
    %swap3A_233 = vector.shape_cast %swap3A_232 : vector<1x2000x128xf32> to vector<2000x128xf32>
    %swap3A_234 = vector.shape_cast %add3A_228 : vector<2000x128xf32> to vector<1x2000x128xf32>
    tpu.vector_store %arg12[%swap3A_229, %swap3A_230, %swap3A_231], %swap3A_234 {strides = array<i32>} : memref<10x2000x128xf32, #tpu.memory_space<vmem>>, vector<1x2000x128xf32>,
    %get3A_235 = arith.constant 8 : index
    %get3A_236 = arith.constant 0 : index
    %get3A_237 = arith.constant 0 : index
    %get3A_238 = vector.load %arg7[%get3A_235, %get3A_236, %get3A_237] : memref<10x128x128xf32, #tpu.memory_space<vmem>>, vector<1x128x128xf32>
    %get3A_239 = vector.shape_cast %get3A_238 : vector<1x128x128xf32> to vector<128x128xf32>
    %dot_general3A_240 = arith.constant dense<0.000000e+00> : vector<2000x128xf32>
    %dot_general3A_241 = tpu.matmul %add3A_73, %get3A_239, %dot_general3A_240 {dimension_numbers = #tpu.dot_dimension_numbers<[1], [0], [0], [1], [0, 0, 1, 1], [], []>, transpose_lhs_hint = false} : vector<2000x128xf32>, vector<128x128xf32>, vector<2000x128xf32> -> vector<2000x128xf32>
    %get3A_242 = arith.constant 8 : index
    %get3A_243 = arith.constant 0 : index
    %get3A_244 = vector.load %arg8[%get3A_242, %get3A_243] : memref<10x128xf32, #tpu.memory_space<vmem>>, vector<1x128xf32>
    %get3A_245 = vector.shape_cast %get3A_244 : vector<1x128xf32> to vector<128xf32>
    %broadcast_in_dim3A_246 = vector.shape_cast %get3A_245 : vector<128xf32> to vector<1x128xf32>
    %add3A_247 = vector.broadcast %broadcast_in_dim3A_246 : vector<1x128xf32> to vector<2000x128xf32>
    %add3A_248 = arith.addf %dot_general3A_241, %add3A_247 : vector<2000x128xf32>
    %swap3A_249 = arith.constant 8 : index
    %swap3A_250 = arith.constant 0 : index
    %swap3A_251 = arith.constant 0 : index
    %swap3A_252 = vector.load %arg12[%swap3A_249, %swap3A_250, %swap3A_251] : memref<10x2000x128xf32, #tpu.memory_space<vmem>>, vector<1x2000x128xf32>
    %swap3A_253 = vector.shape_cast %swap3A_252 : vector<1x2000x128xf32> to vector<2000x128xf32>
    %swap3A_254 = vector.shape_cast %add3A_248 : vector<2000x128xf32> to vector<1x2000x128xf32>
    tpu.vector_store %arg12[%swap3A_249, %swap3A_250, %swap3A_251], %swap3A_254 {strides = array<i32>} : memref<10x2000x128xf32, #tpu.memory_space<vmem>>, vector<1x2000x128xf32>,
    %get3A_255 = arith.constant 9 : index
    %get3A_256 = arith.constant 0 : index
    %get3A_257 = arith.constant 0 : index
    %get3A_258 = vector.load %arg7[%get3A_255, %get3A_256, %get3A_257] : memref<10x128x128xf32, #tpu.memory_space<vmem>>, vector<1x128x128xf32>
    %get3A_259 = vector.shape_cast %get3A_258 : vector<1x128x128xf32> to vector<128x128xf32>
    %dot_general3A_260 = arith.constant dense<0.000000e+00> : vector<2000x128xf32>
    %dot_general3A_261 = tpu.matmul %add3A_73, %get3A_259, %dot_general3A_260 {dimension_numbers = #tpu.dot_dimension_numbers<[1], [0], [0], [1], [0, 0, 1, 1], [], []>, transpose_lhs_hint = false} : vector<2000x128xf32>, vector<128x128xf32>, vector<2000x128xf32> -> vector<2000x128xf32>
    %get3A_262 = arith.constant 9 : index
    %get3A_263 = arith.constant 0 : index
    %get3A_264 = vector.load %arg8[%get3A_262, %get3A_263] : memref<10x128xf32, #tpu.memory_space<vmem>>, vector<1x128xf32>
    %get3A_265 = vector.shape_cast %get3A_264 : vector<1x128xf32> to vector<128xf32>
    %broadcast_in_dim3A_266 = vector.shape_cast %get3A_265 : vector<128xf32> to vector<1x128xf32>
    %add3A_267 = vector.broadcast %broadcast_in_dim3A_266 : vector<1x128xf32> to vector<2000x128xf32>
    %add3A_268 = arith.addf %dot_general3A_261, %add3A_267 : vector<2000x128xf32>
    %swap3A_269 = arith.constant 9 : index
    %swap3A_270 = arith.constant 0 : index
    %swap3A_271 = arith.constant 0 : index
    %swap3A_272 = vector.load %arg12[%swap3A_269, %swap3A_270, %swap3A_271] : memref<10x2000x128xf32, #tpu.memory_space<vmem>>, vector<1x2000x128xf32>
    %swap3A_273 = vector.shape_cast %swap3A_272 : vector<1x2000x128xf32> to vector<2000x128xf32>
    %swap3A_274 = vector.shape_cast %add3A_268 : vector<2000x128xf32> to vector<1x2000x128xf32>
    tpu.vector_store %arg12[%swap3A_269, %swap3A_270, %swap3A_271], %swap3A_274 {strides = array<i32>} : memref<10x2000x128xf32, #tpu.memory_space<vmem>>, vector<1x2000x128xf32>,
    %get3A_275 = arith.constant 0 : index
    %get3A_276 = arith.constant 0 : index
    %get3A_277 = vector.load %arg9[%get3A_275, %get3A_276] : memref<128x128xf32, #tpu.memory_space<vmem>>, vector<128x128xf32>
    %dot_general3A_278 = arith.constant dense<0.000000e+00> : vector<2000x128xf32>
    %dot_general3A_279 = tpu.matmul %add3A_73, %get3A_277, %dot_general3A_278 {dimension_numbers = #tpu.dot_dimension_numbers<[1], [0], [0], [1], [0, 0, 1, 1], [], []>, transpose_lhs_hint = false} : vector<2000x128xf32>, vector<128x128xf32>, vector<2000x128xf32> -> vector<2000x128xf32>
    %get3A_280 = arith.constant 0 : index
    %get3A_281 = arith.constant 0 : index
    %get3A_282 = vector.load %arg10[%get3A_280, %get3A_281] : memref<1x128xf32, #tpu.memory_space<vmem>>, vector<1x128xf32>
    %get3A_283 = vector.shape_cast %get3A_282 : vector<1x128xf32> to vector<128xf32>
    %broadcast_in_dim3A_284 = vector.shape_cast %get3A_283 : vector<128xf32> to vector<1x128xf32>
    %add3A_285 = vector.broadcast %broadcast_in_dim3A_284 : vector<1x128xf32> to vector<2000x128xf32>
    %add3A_286 = arith.addf %dot_general3A_279, %add3A_285 : vector<2000x128xf32>
    %swap3A_287 = arith.constant 0 : index
    %swap3A_288 = arith.constant 0 : index
    %swap3A_289 = vector.load %arg13[%swap3A_287, %swap3A_288] : memref<2000x128xf32, #tpu.memory_space<vmem>>, vector<2000x128xf32>
    tpu.vector_store %arg13[%swap3A_287, %swap3A_288], %add3A_286 {strides = array<i32>} : memref<2000x128xf32, #tpu.memory_space<vmem>>, vector<2000x128xf32>,
    return
  }
  func.func @transform_0(%arg0: i32) -> (i32, i32) {
    %c0_i32 = arith.constant 0 : i32
    %c0_i32_0 = arith.constant 0 : i32
    return %arg0, %c0_i32 : i32, i32
  }
  func.func @transform_1(%arg0: i32) -> (i32, i32, i32) {
    %c0_i32 = arith.constant 0 : i32
    %c0_i32_0 = arith.constant 0 : i32
    %c0_i32_1 = arith.constant 0 : i32
    return %c0_i32, %arg0, %c0_i32_0 : i32, i32, i32
  }
  func.func @transform_2(%arg0: i32) -> (i32, i32) {
    %c0_i32 = arith.constant 0 : i32
    %c0_i32_0 = arith.constant 0 : i32
    %c0_i32_1 = arith.constant 0 : i32
    return %c0_i32, %c0_i32_0 : i32, i32
  }
  func.func @transform_3(%arg0: i32) -> (i32, i32) {
    %c0_i32 = arith.constant 0 : i32
    %c0_i32_0 = arith.constant 0 : i32
    %c0_i32_1 = arith.constant 0 : i32
    return %c0_i32, %c0_i32_0 : i32, i32
  }
  func.func @transform_4(%arg0: i32) -> (i32, i32) {
    %c0_i32 = arith.constant 0 : i32
    %c0_i32_0 = arith.constant 0 : i32
    %c0_i32_1 = arith.constant 0 : i32
    return %c0_i32, %c0_i32_0 : i32, i32
  }
  func.func @transform_5(%arg0: i32) -> (i32, i32) {
    %c0_i32 = arith.constant 0 : i32
    %c0_i32_0 = arith.constant 0 : i32
    %c0_i32_1 = arith.constant 0 : i32
    return %c0_i32, %c0_i32_0 : i32, i32
  }
  func.func @transform_6(%arg0: i32) -> (i32, i32, i32) {
    %c0_i32 = arith.constant 0 : i32
    %c0_i32_0 = arith.constant 0 : i32
    %c0_i32_1 = arith.constant 0 : i32
    %c0_i32_2 = arith.constant 0 : i32
    return %c0_i32, %c0_i32_0, %c0_i32_1 : i32, i32, i32
  }
  func.func @transform_7(%arg0: i32) -> (i32, i32) {
    %c0_i32 = arith.constant 0 : i32
    %c0_i32_0 = arith.constant 0 : i32
    %c0_i32_1 = arith.constant 0 : i32
    return %c0_i32, %c0_i32_0 : i32, i32
  }
  func.func @transform_8(%arg0: i32) -> (i32, i32) {
    %c0_i32 = arith.constant 0 : i32
    %c0_i32_0 = arith.constant 0 : i32
    %c0_i32_1 = arith.constant 0 : i32
    return %c0_i32, %c0_i32_0 : i32, i32
  }
  func.func @transform_9(%arg0: i32) -> (i32, i32) {
    %c0_i32 = arith.constant 0 : i32
    %c0_i32_0 = arith.constant 0 : i32
    %c0_i32_1 = arith.constant 0 : i32
    return %c0_i32, %c0_i32_0 : i32, i32
  }
  func.func @transform_10(%arg0: i32) -> (i32, i32) {
    %c0_i32 = arith.constant 0 : i32
    %c0_i32_0 = arith.constant 0 : i32
    return %arg0, %c0_i32 : i32, i32
  }
  func.func @transform_11(%arg0: i32) -> (i32, i32, i32) {
    %c0_i32 = arith.constant 0 : i32
    %c0_i32_0 = arith.constant 0 : i32
    %c0_i32_1 = arith.constant 0 : i32
    return %c0_i32, %arg0, %c0_i32_0 : i32, i32, i32
  }
  func.func @transform_12(%arg0: i32) -> (i32, i32) {
    %c0_i32 = arith.constant 0 : i32
    %c0_i32_0 = arith.constant 0 : i32
    return %arg0, %c0_i32 : i32, i32
  }
}

module attributes {stable_mosaic.version = 14 : i64} {
  func.func @_fmid_body_resid(%arg0: i32, %arg1: memref<2000x128xf32, #tpu.memory_space<vmem>>, %arg2: memref<2x2000x128xf32, #tpu.memory_space<vmem>>, %arg3: memref<2000x128xf32, #tpu.memory_space<vmem>>, %arg4: memref<1x128xf32, #tpu.memory_space<vmem>>, %arg5: memref<1x128xf32, #tpu.memory_space<vmem>>, %arg6: memref<1x128xf32, #tpu.memory_space<vmem>>, %arg7: memref<1x128xf32, #tpu.memory_space<vmem>>, %arg8: memref<10x128x128xf32, #tpu.memory_space<vmem>>, %arg9: memref<10x128xf32, #tpu.memory_space<vmem>>, %arg10: memref<128x128xf32, #tpu.memory_space<vmem>>, %arg11: memref<1x128xf32, #tpu.memory_space<vmem>>, %arg12: memref<2000x128xf32, #tpu.memory_space<vmem>>, %arg13: memref<10x2000x128xf32, #tpu.memory_space<vmem>>, %arg14: memref<2000x128xf32, #tpu.memory_space<vmem>>) attributes {dimension_semantics = [#tpu.dimension_semantics<arbitrary>], iteration_bounds = array<i64: 5>, scalar_prefetch = 0 : i64, scratch_operands = 0 : i64, tpu.core_type = #tpu.core_type<tc>, window_params = [{transform_indices = @transform_0, window_bounds = array<i64: 2000, 128>}, {transform_indices = @transform_1, window_bounds = array<i64: 2, 2000, 128>}, {transform_indices = @transform_2, window_bounds = array<i64: 2000, 128>}, {pipeline_mode = #tpu.pipeline_mode<synchronous>, transform_indices = @transform_3, window_bounds = array<i64: 1, 128>}, {pipeline_mode = #tpu.pipeline_mode<synchronous>, transform_indices = @transform_4, window_bounds = array<i64: 1, 128>}, {pipeline_mode = #tpu.pipeline_mode<synchronous>, transform_indices = @transform_5, window_bounds = array<i64: 1, 128>}, {pipeline_mode = #tpu.pipeline_mode<synchronous>, transform_indices = @transform_6, window_bounds = array<i64: 1, 128>}, {pipeline_mode = #tpu.pipeline_mode<synchronous>, transform_indices = @transform_7, window_bounds = array<i64: 10, 128, 128>}, {pipeline_mode = #tpu.pipeline_mode<synchronous>, transform_indices = @transform_8, window_bounds = array<i64: 10, 128>}, {pipeline_mode = #tpu.pipeline_mode<synchronous>, transform_indices = @transform_9, window_bounds = array<i64: 128, 128>}, {pipeline_mode = #tpu.pipeline_mode<synchronous>, transform_indices = @transform_10, window_bounds = array<i64: 1, 128>}, {transform_indices = @transform_11, window_bounds = array<i64: 2000, 128>}, {transform_indices = @transform_12, window_bounds = array<i64: 10, 2000, 128>}, {transform_indices = @transform_13, window_bounds = array<i64: 2000, 128>}]} {
    %get3A = arith.constant 0 : index
    %get3A_0 = arith.constant 0 : index
    %get3A_1 = vector.load %arg3[%get3A, %get3A_0] : memref<2000x128xf32, #tpu.memory_space<vmem>>, vector<2000x128xf32>
    %get3A_2 = arith.constant 0 : index
    %get3A_3 = arith.constant 0 : index
    %get3A_4 = vector.load %arg1[%get3A_2, %get3A_3] : memref<2000x128xf32, #tpu.memory_space<vmem>>, vector<2000x128xf32>
    %get3A_5 = arith.constant 0 : index
    %get3A_6 = arith.constant 0 : index
    %get3A_7 = arith.constant 0 : index
    %get3A_8 = vector.load %arg2[%get3A_5, %get3A_6, %get3A_7] : memref<2x2000x128xf32, #tpu.memory_space<vmem>>, vector<1x2000x128xf32>
    %get3A_9 = vector.shape_cast %get3A_8 : vector<1x2000x128xf32> to vector<2000x128xf32>
    %add3A = arith.addf %get3A_4, %get3A_9 : vector<2000x128xf32>
    %get3A_10 = arith.constant 1 : index
    %get3A_11 = arith.constant 0 : index
    %get3A_12 = arith.constant 0 : index
    %get3A_13 = vector.load %arg2[%get3A_10, %get3A_11, %get3A_12] : memref<2x2000x128xf32, #tpu.memory_space<vmem>>, vector<1x2000x128xf32>
    %get3A_14 = vector.shape_cast %get3A_13 : vector<1x2000x128xf32> to vector<2000x128xf32>
    %add3A_15 = arith.addf %add3A, %get3A_14 : vector<2000x128xf32>
    %get3A_16 = arith.constant 0 : index
    %get3A_17 = arith.constant 0 : index
    %get3A_18 = vector.load %arg4[%get3A_16, %get3A_17] : memref<1x128xf32, #tpu.memory_space<vmem>>, vector<1x128xf32>
    %get3A_19 = arith.constant 0 : index
    %get3A_20 = arith.constant 0 : index
    %get3A_21 = vector.load %arg5[%get3A_19, %get3A_20] : memref<1x128xf32, #tpu.memory_space<vmem>>, vector<1x128xf32>
    %reduce_sum3A = arith.constant dense<0.000000e+00> : vector<2000xf32>
    %reduce_sum3A_22 = vector.multi_reduction <add>, %add3A_15, %reduce_sum3A [1] : vector<2000x128xf32> to vector<2000xf32>
    %broadcast_in_dim3A = vector.shape_cast %reduce_sum3A_22 : vector<2000xf32> to vector<2000x1xf32>
    %div3A = arith.constant 1.280000e+02 : f32
    %div3A_23 = vector.broadcast %div3A : f32 to vector<2000x1xf32>
    %div3A_24 = arith.divf %broadcast_in_dim3A, %div3A_23 : vector<2000x1xf32>
    %sub3A = vector.broadcast %div3A_24 : vector<2000x1xf32> to vector<2000x128xf32>
    %sub3A_25 = arith.subf %add3A_15, %sub3A : vector<2000x128xf32>
    %integer_pow3A = arith.mulf %sub3A_25, %sub3A_25 : vector<2000x128xf32>
    %reduce_sum3A_26 = arith.constant dense<0.000000e+00> : vector<2000xf32>
    %reduce_sum3A_27 = vector.multi_reduction <add>, %integer_pow3A, %reduce_sum3A_26 [1] : vector<2000x128xf32> to vector<2000xf32>
    %broadcast_in_dim3A_28 = vector.shape_cast %reduce_sum3A_27 : vector<2000xf32> to vector<2000x1xf32>
    %div3A_29 = arith.constant 1.280000e+02 : f32
    %div3A_30 = vector.broadcast %div3A_29 : f32 to vector<2000x1xf32>
    %div3A_31 = arith.divf %broadcast_in_dim3A_28, %div3A_30 : vector<2000x1xf32>
    %sub3A_32 = vector.broadcast %div3A_24 : vector<2000x1xf32> to vector<2000x128xf32>
    %sub3A_33 = arith.subf %add3A_15, %sub3A_32 : vector<2000x128xf32>
    %add3A_34 = arith.constant 9.99999974E-6 : f32
    %add3A_35 = vector.broadcast %add3A_34 : f32 to vector<2000x1xf32>
    %add3A_36 = arith.addf %div3A_31, %add3A_35 : vector<2000x1xf32>
    %sqrt3A = math.sqrt %add3A_36 : vector<2000x1xf32>
    %div3A_37 = vector.broadcast %sqrt3A : vector<2000x1xf32> to vector<2000x128xf32>
    %div3A_38 = arith.divf %sub3A_33, %div3A_37 : vector<2000x128xf32>
    %mul3A = vector.broadcast %get3A_18 : vector<1x128xf32> to vector<2000x128xf32>
    %mul3A_39 = arith.mulf %div3A_38, %mul3A : vector<2000x128xf32>
    %add3A_40 = vector.broadcast %get3A_21 : vector<1x128xf32> to vector<2000x128xf32>
    %add3A_41 = arith.addf %mul3A_39, %add3A_40 : vector<2000x128xf32>
    %max3A = arith.constant 0.000000e+00 : f32
    %max3A_42 = vector.broadcast %max3A : f32 to vector<2000x128xf32>
    %max3A_43 = arith.maximumf %add3A_41, %max3A_42 : vector<2000x128xf32>
    %add3A_44 = arith.addf %max3A_43, %get3A_1 : vector<2000x128xf32>
    %get3A_45 = arith.constant 0 : index
    %get3A_46 = arith.constant 0 : index
    %get3A_47 = vector.load %arg6[%get3A_45, %get3A_46] : memref<1x128xf32, #tpu.memory_space<vmem>>, vector<1x128xf32>
    %get3A_48 = arith.constant 0 : index
    %get3A_49 = arith.constant 0 : index
    %get3A_50 = vector.load %arg7[%get3A_48, %get3A_49] : memref<1x128xf32, #tpu.memory_space<vmem>>, vector<1x128xf32>
    %reduce_sum3A_51 = arith.constant dense<0.000000e+00> : vector<2000xf32>
    %reduce_sum3A_52 = vector.multi_reduction <add>, %add3A_44, %reduce_sum3A_51 [1] : vector<2000x128xf32> to vector<2000xf32>
    %broadcast_in_dim3A_53 = vector.shape_cast %reduce_sum3A_52 : vector<2000xf32> to vector<2000x1xf32>
    %div3A_54 = arith.constant 1.280000e+02 : f32
    %div3A_55 = vector.broadcast %div3A_54 : f32 to vector<2000x1xf32>
    %div3A_56 = arith.divf %broadcast_in_dim3A_53, %div3A_55 : vector<2000x1xf32>
    %sub3A_57 = vector.broadcast %div3A_56 : vector<2000x1xf32> to vector<2000x128xf32>
    %sub3A_58 = arith.subf %add3A_44, %sub3A_57 : vector<2000x128xf32>
    %integer_pow3A_59 = arith.mulf %sub3A_58, %sub3A_58 : vector<2000x128xf32>
    %reduce_sum3A_60 = arith.constant dense<0.000000e+00> : vector<2000xf32>
    %reduce_sum3A_61 = vector.multi_reduction <add>, %integer_pow3A_59, %reduce_sum3A_60 [1] : vector<2000x128xf32> to vector<2000xf32>
    %broadcast_in_dim3A_62 = vector.shape_cast %reduce_sum3A_61 : vector<2000xf32> to vector<2000x1xf32>
    %div3A_63 = arith.constant 1.280000e+02 : f32
    %div3A_64 = vector.broadcast %div3A_63 : f32 to vector<2000x1xf32>
    %div3A_65 = arith.divf %broadcast_in_dim3A_62, %div3A_64 : vector<2000x1xf32>
    %sub3A_66 = vector.broadcast %div3A_56 : vector<2000x1xf32> to vector<2000x128xf32>
    %sub3A_67 = arith.subf %add3A_44, %sub3A_66 : vector<2000x128xf32>
    %add3A_68 = arith.constant 9.99999974E-6 : f32
    %add3A_69 = vector.broadcast %add3A_68 : f32 to vector<2000x1xf32>
    %add3A_70 = arith.addf %div3A_65, %add3A_69 : vector<2000x1xf32>
    %sqrt3A_71 = math.sqrt %add3A_70 : vector<2000x1xf32>
    %div3A_72 = vector.broadcast %sqrt3A_71 : vector<2000x1xf32> to vector<2000x128xf32>
    %div3A_73 = arith.divf %sub3A_67, %div3A_72 : vector<2000x128xf32>
    %mul3A_74 = vector.broadcast %get3A_47 : vector<1x128xf32> to vector<2000x128xf32>
    %mul3A_75 = arith.mulf %div3A_73, %mul3A_74 : vector<2000x128xf32>
    %add3A_76 = vector.broadcast %get3A_50 : vector<1x128xf32> to vector<2000x128xf32>
    %add3A_77 = arith.addf %mul3A_75, %add3A_76 : vector<2000x128xf32>
    %swap3A = arith.constant 0 : index
    %swap3A_78 = arith.constant 0 : index
    %swap3A_79 = vector.load %arg12[%swap3A, %swap3A_78] : memref<2000x128xf32, #tpu.memory_space<vmem>>, vector<2000x128xf32>
    tpu.vector_store %arg12[%swap3A, %swap3A_78], %add3A_77 {strides = array<i32>} : memref<2000x128xf32, #tpu.memory_space<vmem>>, vector<2000x128xf32>,
    %get3A_80 = arith.constant 0 : index
    %get3A_81 = arith.constant 0 : index
    %get3A_82 = arith.constant 0 : index
    %get3A_83 = vector.load %arg8[%get3A_80, %get3A_81, %get3A_82] : memref<10x128x128xf32, #tpu.memory_space<vmem>>, vector<1x128x128xf32>
    %get3A_84 = vector.shape_cast %get3A_83 : vector<1x128x128xf32> to vector<128x128xf32>
    %dot_general3A = arith.constant dense<0.000000e+00> : vector<2000x128xf32>
    %dot_general3A_85 = tpu.matmul %add3A_77, %get3A_84, %dot_general3A {dimension_numbers = #tpu.dot_dimension_numbers<[1], [0], [0], [1], [0, 0, 1, 1], [], []>, transpose_lhs_hint = false} : vector<2000x128xf32>, vector<128x128xf32>, vector<2000x128xf32> -> vector<2000x128xf32>
    %get3A_86 = arith.constant 0 : index
    %get3A_87 = arith.constant 0 : index
    %get3A_88 = vector.load %arg9[%get3A_86, %get3A_87] : memref<10x128xf32, #tpu.memory_space<vmem>>, vector<1x128xf32>
    %get3A_89 = vector.shape_cast %get3A_88 : vector<1x128xf32> to vector<128xf32>
    %broadcast_in_dim3A_90 = vector.shape_cast %get3A_89 : vector<128xf32> to vector<1x128xf32>
    %add3A_91 = vector.broadcast %broadcast_in_dim3A_90 : vector<1x128xf32> to vector<2000x128xf32>
    %add3A_92 = arith.addf %dot_general3A_85, %add3A_91 : vector<2000x128xf32>
    %swap3A_93 = arith.constant 0 : index
    %swap3A_94 = arith.constant 0 : index
    %swap3A_95 = arith.constant 0 : index
    %swap3A_96 = vector.load %arg13[%swap3A_93, %swap3A_94, %swap3A_95] : memref<10x2000x128xf32, #tpu.memory_space<vmem>>, vector<1x2000x128xf32>
    %swap3A_97 = vector.shape_cast %swap3A_96 : vector<1x2000x128xf32> to vector<2000x128xf32>
    %swap3A_98 = vector.shape_cast %add3A_92 : vector<2000x128xf32> to vector<1x2000x128xf32>
    tpu.vector_store %arg13[%swap3A_93, %swap3A_94, %swap3A_95], %swap3A_98 {strides = array<i32>} : memref<10x2000x128xf32, #tpu.memory_space<vmem>>, vector<1x2000x128xf32>,
    %get3A_99 = arith.constant 1 : index
    %get3A_100 = arith.constant 0 : index
    %get3A_101 = arith.constant 0 : index
    %get3A_102 = vector.load %arg8[%get3A_99, %get3A_100, %get3A_101] : memref<10x128x128xf32, #tpu.memory_space<vmem>>, vector<1x128x128xf32>
    %get3A_103 = vector.shape_cast %get3A_102 : vector<1x128x128xf32> to vector<128x128xf32>
    %dot_general3A_104 = arith.constant dense<0.000000e+00> : vector<2000x128xf32>
    %dot_general3A_105 = tpu.matmul %add3A_77, %get3A_103, %dot_general3A_104 {dimension_numbers = #tpu.dot_dimension_numbers<[1], [0], [0], [1], [0, 0, 1, 1], [], []>, transpose_lhs_hint = false} : vector<2000x128xf32>, vector<128x128xf32>, vector<2000x128xf32> -> vector<2000x128xf32>
    %get3A_106 = arith.constant 1 : index
    %get3A_107 = arith.constant 0 : index
    %get3A_108 = vector.load %arg9[%get3A_106, %get3A_107] : memref<10x128xf32, #tpu.memory_space<vmem>>, vector<1x128xf32>
    %get3A_109 = vector.shape_cast %get3A_108 : vector<1x128xf32> to vector<128xf32>
    %broadcast_in_dim3A_110 = vector.shape_cast %get3A_109 : vector<128xf32> to vector<1x128xf32>
    %add3A_111 = vector.broadcast %broadcast_in_dim3A_110 : vector<1x128xf32> to vector<2000x128xf32>
    %add3A_112 = arith.addf %dot_general3A_105, %add3A_111 : vector<2000x128xf32>
    %swap3A_113 = arith.constant 1 : index
    %swap3A_114 = arith.constant 0 : index
    %swap3A_115 = arith.constant 0 : index
    %swap3A_116 = vector.load %arg13[%swap3A_113, %swap3A_114, %swap3A_115] : memref<10x2000x128xf32, #tpu.memory_space<vmem>>, vector<1x2000x128xf32>
    %swap3A_117 = vector.shape_cast %swap3A_116 : vector<1x2000x128xf32> to vector<2000x128xf32>
    %swap3A_118 = vector.shape_cast %add3A_112 : vector<2000x128xf32> to vector<1x2000x128xf32>
    tpu.vector_store %arg13[%swap3A_113, %swap3A_114, %swap3A_115], %swap3A_118 {strides = array<i32>} : memref<10x2000x128xf32, #tpu.memory_space<vmem>>, vector<1x2000x128xf32>,
    %get3A_119 = arith.constant 2 : index
    %get3A_120 = arith.constant 0 : index
    %get3A_121 = arith.constant 0 : index
    %get3A_122 = vector.load %arg8[%get3A_119, %get3A_120, %get3A_121] : memref<10x128x128xf32, #tpu.memory_space<vmem>>, vector<1x128x128xf32>
    %get3A_123 = vector.shape_cast %get3A_122 : vector<1x128x128xf32> to vector<128x128xf32>
    %dot_general3A_124 = arith.constant dense<0.000000e+00> : vector<2000x128xf32>
    %dot_general3A_125 = tpu.matmul %add3A_77, %get3A_123, %dot_general3A_124 {dimension_numbers = #tpu.dot_dimension_numbers<[1], [0], [0], [1], [0, 0, 1, 1], [], []>, transpose_lhs_hint = false} : vector<2000x128xf32>, vector<128x128xf32>, vector<2000x128xf32> -> vector<2000x128xf32>
    %get3A_126 = arith.constant 2 : index
    %get3A_127 = arith.constant 0 : index
    %get3A_128 = vector.load %arg9[%get3A_126, %get3A_127] : memref<10x128xf32, #tpu.memory_space<vmem>>, vector<1x128xf32>
    %get3A_129 = vector.shape_cast %get3A_128 : vector<1x128xf32> to vector<128xf32>
    %broadcast_in_dim3A_130 = vector.shape_cast %get3A_129 : vector<128xf32> to vector<1x128xf32>
    %add3A_131 = vector.broadcast %broadcast_in_dim3A_130 : vector<1x128xf32> to vector<2000x128xf32>
    %add3A_132 = arith.addf %dot_general3A_125, %add3A_131 : vector<2000x128xf32>
    %swap3A_133 = arith.constant 2 : index
    %swap3A_134 = arith.constant 0 : index
    %swap3A_135 = arith.constant 0 : index
    %swap3A_136 = vector.load %arg13[%swap3A_133, %swap3A_134, %swap3A_135] : memref<10x2000x128xf32, #tpu.memory_space<vmem>>, vector<1x2000x128xf32>
    %swap3A_137 = vector.shape_cast %swap3A_136 : vector<1x2000x128xf32> to vector<2000x128xf32>
    %swap3A_138 = vector.shape_cast %add3A_132 : vector<2000x128xf32> to vector<1x2000x128xf32>
    tpu.vector_store %arg13[%swap3A_133, %swap3A_134, %swap3A_135], %swap3A_138 {strides = array<i32>} : memref<10x2000x128xf32, #tpu.memory_space<vmem>>, vector<1x2000x128xf32>,
    %get3A_139 = arith.constant 3 : index
    %get3A_140 = arith.constant 0 : index
    %get3A_141 = arith.constant 0 : index
    %get3A_142 = vector.load %arg8[%get3A_139, %get3A_140, %get3A_141] : memref<10x128x128xf32, #tpu.memory_space<vmem>>, vector<1x128x128xf32>
    %get3A_143 = vector.shape_cast %get3A_142 : vector<1x128x128xf32> to vector<128x128xf32>
    %dot_general3A_144 = arith.constant dense<0.000000e+00> : vector<2000x128xf32>
    %dot_general3A_145 = tpu.matmul %add3A_77, %get3A_143, %dot_general3A_144 {dimension_numbers = #tpu.dot_dimension_numbers<[1], [0], [0], [1], [0, 0, 1, 1], [], []>, transpose_lhs_hint = false} : vector<2000x128xf32>, vector<128x128xf32>, vector<2000x128xf32> -> vector<2000x128xf32>
    %get3A_146 = arith.constant 3 : index
    %get3A_147 = arith.constant 0 : index
    %get3A_148 = vector.load %arg9[%get3A_146, %get3A_147] : memref<10x128xf32, #tpu.memory_space<vmem>>, vector<1x128xf32>
    %get3A_149 = vector.shape_cast %get3A_148 : vector<1x128xf32> to vector<128xf32>
    %broadcast_in_dim3A_150 = vector.shape_cast %get3A_149 : vector<128xf32> to vector<1x128xf32>
    %add3A_151 = vector.broadcast %broadcast_in_dim3A_150 : vector<1x128xf32> to vector<2000x128xf32>
    %add3A_152 = arith.addf %dot_general3A_145, %add3A_151 : vector<2000x128xf32>
    %swap3A_153 = arith.constant 3 : index
    %swap3A_154 = arith.constant 0 : index
    %swap3A_155 = arith.constant 0 : index
    %swap3A_156 = vector.load %arg13[%swap3A_153, %swap3A_154, %swap3A_155] : memref<10x2000x128xf32, #tpu.memory_space<vmem>>, vector<1x2000x128xf32>
    %swap3A_157 = vector.shape_cast %swap3A_156 : vector<1x2000x128xf32> to vector<2000x128xf32>
    %swap3A_158 = vector.shape_cast %add3A_152 : vector<2000x128xf32> to vector<1x2000x128xf32>
    tpu.vector_store %arg13[%swap3A_153, %swap3A_154, %swap3A_155], %swap3A_158 {strides = array<i32>} : memref<10x2000x128xf32, #tpu.memory_space<vmem>>, vector<1x2000x128xf32>,
    %get3A_159 = arith.constant 4 : index
    %get3A_160 = arith.constant 0 : index
    %get3A_161 = arith.constant 0 : index
    %get3A_162 = vector.load %arg8[%get3A_159, %get3A_160, %get3A_161] : memref<10x128x128xf32, #tpu.memory_space<vmem>>, vector<1x128x128xf32>
    %get3A_163 = vector.shape_cast %get3A_162 : vector<1x128x128xf32> to vector<128x128xf32>
    %dot_general3A_164 = arith.constant dense<0.000000e+00> : vector<2000x128xf32>
    %dot_general3A_165 = tpu.matmul %add3A_77, %get3A_163, %dot_general3A_164 {dimension_numbers = #tpu.dot_dimension_numbers<[1], [0], [0], [1], [0, 0, 1, 1], [], []>, transpose_lhs_hint = false} : vector<2000x128xf32>, vector<128x128xf32>, vector<2000x128xf32> -> vector<2000x128xf32>
    %get3A_166 = arith.constant 4 : index
    %get3A_167 = arith.constant 0 : index
    %get3A_168 = vector.load %arg9[%get3A_166, %get3A_167] : memref<10x128xf32, #tpu.memory_space<vmem>>, vector<1x128xf32>
    %get3A_169 = vector.shape_cast %get3A_168 : vector<1x128xf32> to vector<128xf32>
    %broadcast_in_dim3A_170 = vector.shape_cast %get3A_169 : vector<128xf32> to vector<1x128xf32>
    %add3A_171 = vector.broadcast %broadcast_in_dim3A_170 : vector<1x128xf32> to vector<2000x128xf32>
    %add3A_172 = arith.addf %dot_general3A_165, %add3A_171 : vector<2000x128xf32>
    %swap3A_173 = arith.constant 4 : index
    %swap3A_174 = arith.constant 0 : index
    %swap3A_175 = arith.constant 0 : index
    %swap3A_176 = vector.load %arg13[%swap3A_173, %swap3A_174, %swap3A_175] : memref<10x2000x128xf32, #tpu.memory_space<vmem>>, vector<1x2000x128xf32>
    %swap3A_177 = vector.shape_cast %swap3A_176 : vector<1x2000x128xf32> to vector<2000x128xf32>
    %swap3A_178 = vector.shape_cast %add3A_172 : vector<2000x128xf32> to vector<1x2000x128xf32>
    tpu.vector_store %arg13[%swap3A_173, %swap3A_174, %swap3A_175], %swap3A_178 {strides = array<i32>} : memref<10x2000x128xf32, #tpu.memory_space<vmem>>, vector<1x2000x128xf32>,
    %get3A_179 = arith.constant 5 : index
    %get3A_180 = arith.constant 0 : index
    %get3A_181 = arith.constant 0 : index
    %get3A_182 = vector.load %arg8[%get3A_179, %get3A_180, %get3A_181] : memref<10x128x128xf32, #tpu.memory_space<vmem>>, vector<1x128x128xf32>
    %get3A_183 = vector.shape_cast %get3A_182 : vector<1x128x128xf32> to vector<128x128xf32>
    %dot_general3A_184 = arith.constant dense<0.000000e+00> : vector<2000x128xf32>
    %dot_general3A_185 = tpu.matmul %add3A_77, %get3A_183, %dot_general3A_184 {dimension_numbers = #tpu.dot_dimension_numbers<[1], [0], [0], [1], [0, 0, 1, 1], [], []>, transpose_lhs_hint = false} : vector<2000x128xf32>, vector<128x128xf32>, vector<2000x128xf32> -> vector<2000x128xf32>
    %get3A_186 = arith.constant 5 : index
    %get3A_187 = arith.constant 0 : index
    %get3A_188 = vector.load %arg9[%get3A_186, %get3A_187] : memref<10x128xf32, #tpu.memory_space<vmem>>, vector<1x128xf32>
    %get3A_189 = vector.shape_cast %get3A_188 : vector<1x128xf32> to vector<128xf32>
    %broadcast_in_dim3A_190 = vector.shape_cast %get3A_189 : vector<128xf32> to vector<1x128xf32>
    %add3A_191 = vector.broadcast %broadcast_in_dim3A_190 : vector<1x128xf32> to vector<2000x128xf32>
    %add3A_192 = arith.addf %dot_general3A_185, %add3A_191 : vector<2000x128xf32>
    %swap3A_193 = arith.constant 5 : index
    %swap3A_194 = arith.constant 0 : index
    %swap3A_195 = arith.constant 0 : index
    %swap3A_196 = vector.load %arg13[%swap3A_193, %swap3A_194, %swap3A_195] : memref<10x2000x128xf32, #tpu.memory_space<vmem>>, vector<1x2000x128xf32>
    %swap3A_197 = vector.shape_cast %swap3A_196 : vector<1x2000x128xf32> to vector<2000x128xf32>
    %swap3A_198 = vector.shape_cast %add3A_192 : vector<2000x128xf32> to vector<1x2000x128xf32>
    tpu.vector_store %arg13[%swap3A_193, %swap3A_194, %swap3A_195], %swap3A_198 {strides = array<i32>} : memref<10x2000x128xf32, #tpu.memory_space<vmem>>, vector<1x2000x128xf32>,
    %get3A_199 = arith.constant 6 : index
    %get3A_200 = arith.constant 0 : index
    %get3A_201 = arith.constant 0 : index
    %get3A_202 = vector.load %arg8[%get3A_199, %get3A_200, %get3A_201] : memref<10x128x128xf32, #tpu.memory_space<vmem>>, vector<1x128x128xf32>
    %get3A_203 = vector.shape_cast %get3A_202 : vector<1x128x128xf32> to vector<128x128xf32>
    %dot_general3A_204 = arith.constant dense<0.000000e+00> : vector<2000x128xf32>
    %dot_general3A_205 = tpu.matmul %add3A_77, %get3A_203, %dot_general3A_204 {dimension_numbers = #tpu.dot_dimension_numbers<[1], [0], [0], [1], [0, 0, 1, 1], [], []>, transpose_lhs_hint = false} : vector<2000x128xf32>, vector<128x128xf32>, vector<2000x128xf32> -> vector<2000x128xf32>
    %get3A_206 = arith.constant 6 : index
    %get3A_207 = arith.constant 0 : index
    %get3A_208 = vector.load %arg9[%get3A_206, %get3A_207] : memref<10x128xf32, #tpu.memory_space<vmem>>, vector<1x128xf32>
    %get3A_209 = vector.shape_cast %get3A_208 : vector<1x128xf32> to vector<128xf32>
    %broadcast_in_dim3A_210 = vector.shape_cast %get3A_209 : vector<128xf32> to vector<1x128xf32>
    %add3A_211 = vector.broadcast %broadcast_in_dim3A_210 : vector<1x128xf32> to vector<2000x128xf32>
    %add3A_212 = arith.addf %dot_general3A_205, %add3A_211 : vector<2000x128xf32>
    %swap3A_213 = arith.constant 6 : index
    %swap3A_214 = arith.constant 0 : index
    %swap3A_215 = arith.constant 0 : index
    %swap3A_216 = vector.load %arg13[%swap3A_213, %swap3A_214, %swap3A_215] : memref<10x2000x128xf32, #tpu.memory_space<vmem>>, vector<1x2000x128xf32>
    %swap3A_217 = vector.shape_cast %swap3A_216 : vector<1x2000x128xf32> to vector<2000x128xf32>
    %swap3A_218 = vector.shape_cast %add3A_212 : vector<2000x128xf32> to vector<1x2000x128xf32>
    tpu.vector_store %arg13[%swap3A_213, %swap3A_214, %swap3A_215], %swap3A_218 {strides = array<i32>} : memref<10x2000x128xf32, #tpu.memory_space<vmem>>, vector<1x2000x128xf32>,
    %get3A_219 = arith.constant 7 : index
    %get3A_220 = arith.constant 0 : index
    %get3A_221 = arith.constant 0 : index
    %get3A_222 = vector.load %arg8[%get3A_219, %get3A_220, %get3A_221] : memref<10x128x128xf32, #tpu.memory_space<vmem>>, vector<1x128x128xf32>
    %get3A_223 = vector.shape_cast %get3A_222 : vector<1x128x128xf32> to vector<128x128xf32>
    %dot_general3A_224 = arith.constant dense<0.000000e+00> : vector<2000x128xf32>
    %dot_general3A_225 = tpu.matmul %add3A_77, %get3A_223, %dot_general3A_224 {dimension_numbers = #tpu.dot_dimension_numbers<[1], [0], [0], [1], [0, 0, 1, 1], [], []>, transpose_lhs_hint = false} : vector<2000x128xf32>, vector<128x128xf32>, vector<2000x128xf32> -> vector<2000x128xf32>
    %get3A_226 = arith.constant 7 : index
    %get3A_227 = arith.constant 0 : index
    %get3A_228 = vector.load %arg9[%get3A_226, %get3A_227] : memref<10x128xf32, #tpu.memory_space<vmem>>, vector<1x128xf32>
    %get3A_229 = vector.shape_cast %get3A_228 : vector<1x128xf32> to vector<128xf32>
    %broadcast_in_dim3A_230 = vector.shape_cast %get3A_229 : vector<128xf32> to vector<1x128xf32>
    %add3A_231 = vector.broadcast %broadcast_in_dim3A_230 : vector<1x128xf32> to vector<2000x128xf32>
    %add3A_232 = arith.addf %dot_general3A_225, %add3A_231 : vector<2000x128xf32>
    %swap3A_233 = arith.constant 7 : index
    %swap3A_234 = arith.constant 0 : index
    %swap3A_235 = arith.constant 0 : index
    %swap3A_236 = vector.load %arg13[%swap3A_233, %swap3A_234, %swap3A_235] : memref<10x2000x128xf32, #tpu.memory_space<vmem>>, vector<1x2000x128xf32>
    %swap3A_237 = vector.shape_cast %swap3A_236 : vector<1x2000x128xf32> to vector<2000x128xf32>
    %swap3A_238 = vector.shape_cast %add3A_232 : vector<2000x128xf32> to vector<1x2000x128xf32>
    tpu.vector_store %arg13[%swap3A_233, %swap3A_234, %swap3A_235], %swap3A_238 {strides = array<i32>} : memref<10x2000x128xf32, #tpu.memory_space<vmem>>, vector<1x2000x128xf32>,
    %get3A_239 = arith.constant 8 : index
    %get3A_240 = arith.constant 0 : index
    %get3A_241 = arith.constant 0 : index
    %get3A_242 = vector.load %arg8[%get3A_239, %get3A_240, %get3A_241] : memref<10x128x128xf32, #tpu.memory_space<vmem>>, vector<1x128x128xf32>
    %get3A_243 = vector.shape_cast %get3A_242 : vector<1x128x128xf32> to vector<128x128xf32>
    %dot_general3A_244 = arith.constant dense<0.000000e+00> : vector<2000x128xf32>
    %dot_general3A_245 = tpu.matmul %add3A_77, %get3A_243, %dot_general3A_244 {dimension_numbers = #tpu.dot_dimension_numbers<[1], [0], [0], [1], [0, 0, 1, 1], [], []>, transpose_lhs_hint = false} : vector<2000x128xf32>, vector<128x128xf32>, vector<2000x128xf32> -> vector<2000x128xf32>
    %get3A_246 = arith.constant 8 : index
    %get3A_247 = arith.constant 0 : index
    %get3A_248 = vector.load %arg9[%get3A_246, %get3A_247] : memref<10x128xf32, #tpu.memory_space<vmem>>, vector<1x128xf32>
    %get3A_249 = vector.shape_cast %get3A_248 : vector<1x128xf32> to vector<128xf32>
    %broadcast_in_dim3A_250 = vector.shape_cast %get3A_249 : vector<128xf32> to vector<1x128xf32>
    %add3A_251 = vector.broadcast %broadcast_in_dim3A_250 : vector<1x128xf32> to vector<2000x128xf32>
    %add3A_252 = arith.addf %dot_general3A_245, %add3A_251 : vector<2000x128xf32>
    %swap3A_253 = arith.constant 8 : index
    %swap3A_254 = arith.constant 0 : index
    %swap3A_255 = arith.constant 0 : index
    %swap3A_256 = vector.load %arg13[%swap3A_253, %swap3A_254, %swap3A_255] : memref<10x2000x128xf32, #tpu.memory_space<vmem>>, vector<1x2000x128xf32>
    %swap3A_257 = vector.shape_cast %swap3A_256 : vector<1x2000x128xf32> to vector<2000x128xf32>
    %swap3A_258 = vector.shape_cast %add3A_252 : vector<2000x128xf32> to vector<1x2000x128xf32>
    tpu.vector_store %arg13[%swap3A_253, %swap3A_254, %swap3A_255], %swap3A_258 {strides = array<i32>} : memref<10x2000x128xf32, #tpu.memory_space<vmem>>, vector<1x2000x128xf32>,
    %get3A_259 = arith.constant 9 : index
    %get3A_260 = arith.constant 0 : index
    %get3A_261 = arith.constant 0 : index
    %get3A_262 = vector.load %arg8[%get3A_259, %get3A_260, %get3A_261] : memref<10x128x128xf32, #tpu.memory_space<vmem>>, vector<1x128x128xf32>
    %get3A_263 = vector.shape_cast %get3A_262 : vector<1x128x128xf32> to vector<128x128xf32>
    %dot_general3A_264 = arith.constant dense<0.000000e+00> : vector<2000x128xf32>
    %dot_general3A_265 = tpu.matmul %add3A_77, %get3A_263, %dot_general3A_264 {dimension_numbers = #tpu.dot_dimension_numbers<[1], [0], [0], [1], [0, 0, 1, 1], [], []>, transpose_lhs_hint = false} : vector<2000x128xf32>, vector<128x128xf32>, vector<2000x128xf32> -> vector<2000x128xf32>
    %get3A_266 = arith.constant 9 : index
    %get3A_267 = arith.constant 0 : index
    %get3A_268 = vector.load %arg9[%get3A_266, %get3A_267] : memref<10x128xf32, #tpu.memory_space<vmem>>, vector<1x128xf32>
    %get3A_269 = vector.shape_cast %get3A_268 : vector<1x128xf32> to vector<128xf32>
    %broadcast_in_dim3A_270 = vector.shape_cast %get3A_269 : vector<128xf32> to vector<1x128xf32>
    %add3A_271 = vector.broadcast %broadcast_in_dim3A_270 : vector<1x128xf32> to vector<2000x128xf32>
    %add3A_272 = arith.addf %dot_general3A_265, %add3A_271 : vector<2000x128xf32>
    %swap3A_273 = arith.constant 9 : index
    %swap3A_274 = arith.constant 0 : index
    %swap3A_275 = arith.constant 0 : index
    %swap3A_276 = vector.load %arg13[%swap3A_273, %swap3A_274, %swap3A_275] : memref<10x2000x128xf32, #tpu.memory_space<vmem>>, vector<1x2000x128xf32>
    %swap3A_277 = vector.shape_cast %swap3A_276 : vector<1x2000x128xf32> to vector<2000x128xf32>
    %swap3A_278 = vector.shape_cast %add3A_272 : vector<2000x128xf32> to vector<1x2000x128xf32>
    tpu.vector_store %arg13[%swap3A_273, %swap3A_274, %swap3A_275], %swap3A_278 {strides = array<i32>} : memref<10x2000x128xf32, #tpu.memory_space<vmem>>, vector<1x2000x128xf32>,
    %get3A_279 = arith.constant 0 : index
    %get3A_280 = arith.constant 0 : index
    %get3A_281 = vector.load %arg10[%get3A_279, %get3A_280] : memref<128x128xf32, #tpu.memory_space<vmem>>, vector<128x128xf32>
    %dot_general3A_282 = arith.constant dense<0.000000e+00> : vector<2000x128xf32>
    %dot_general3A_283 = tpu.matmul %add3A_77, %get3A_281, %dot_general3A_282 {dimension_numbers = #tpu.dot_dimension_numbers<[1], [0], [0], [1], [0, 0, 1, 1], [], []>, transpose_lhs_hint = false} : vector<2000x128xf32>, vector<128x128xf32>, vector<2000x128xf32> -> vector<2000x128xf32>
    %get3A_284 = arith.constant 0 : index
    %get3A_285 = arith.constant 0 : index
    %get3A_286 = vector.load %arg11[%get3A_284, %get3A_285] : memref<1x128xf32, #tpu.memory_space<vmem>>, vector<1x128xf32>
    %get3A_287 = vector.shape_cast %get3A_286 : vector<1x128xf32> to vector<128xf32>
    %broadcast_in_dim3A_288 = vector.shape_cast %get3A_287 : vector<128xf32> to vector<1x128xf32>
    %add3A_289 = vector.broadcast %broadcast_in_dim3A_288 : vector<1x128xf32> to vector<2000x128xf32>
    %add3A_290 = arith.addf %dot_general3A_283, %add3A_289 : vector<2000x128xf32>
    %swap3A_291 = arith.constant 0 : index
    %swap3A_292 = arith.constant 0 : index
    %swap3A_293 = vector.load %arg14[%swap3A_291, %swap3A_292] : memref<2000x128xf32, #tpu.memory_space<vmem>>, vector<2000x128xf32>
    tpu.vector_store %arg14[%swap3A_291, %swap3A_292], %add3A_290 {strides = array<i32>} : memref<2000x128xf32, #tpu.memory_space<vmem>>, vector<2000x128xf32>,
    return
  }
  func.func @transform_0(%arg0: i32) -> (i32, i32) {
    %c0_i32 = arith.constant 0 : i32
    %c0_i32_0 = arith.constant 0 : i32
    return %arg0, %c0_i32 : i32, i32
  }
  func.func @transform_1(%arg0: i32) -> (i32, i32, i32) {
    %c0_i32 = arith.constant 0 : i32
    %c0_i32_0 = arith.constant 0 : i32
    %c0_i32_1 = arith.constant 0 : i32
    return %c0_i32, %arg0, %c0_i32_0 : i32, i32, i32
  }
  func.func @transform_2(%arg0: i32) -> (i32, i32) {
    %c0_i32 = arith.constant 0 : i32
    %c0_i32_0 = arith.constant 0 : i32
    return %arg0, %c0_i32 : i32, i32
  }
  func.func @transform_3(%arg0: i32) -> (i32, i32) {
    %c0_i32 = arith.constant 0 : i32
    %c0_i32_0 = arith.constant 0 : i32
    %c0_i32_1 = arith.constant 0 : i32
    return %c0_i32, %c0_i32_0 : i32, i32
  }
  func.func @transform_4(%arg0: i32) -> (i32, i32) {
    %c0_i32 = arith.constant 0 : i32
    %c0_i32_0 = arith.constant 0 : i32
    %c0_i32_1 = arith.constant 0 : i32
    return %c0_i32, %c0_i32_0 : i32, i32
  }
  func.func @transform_5(%arg0: i32) -> (i32, i32) {
    %c0_i32 = arith.constant 0 : i32
    %c0_i32_0 = arith.constant 0 : i32
    %c0_i32_1 = arith.constant 0 : i32
    return %c0_i32, %c0_i32_0 : i32, i32
  }
  func.func @transform_6(%arg0: i32) -> (i32, i32) {
    %c0_i32 = arith.constant 0 : i32
    %c0_i32_0 = arith.constant 0 : i32
    %c0_i32_1 = arith.constant 0 : i32
    return %c0_i32, %c0_i32_0 : i32, i32
  }
  func.func @transform_7(%arg0: i32) -> (i32, i32, i32) {
    %c0_i32 = arith.constant 0 : i32
    %c0_i32_0 = arith.constant 0 : i32
    %c0_i32_1 = arith.constant 0 : i32
    %c0_i32_2 = arith.constant 0 : i32
    return %c0_i32, %c0_i32_0, %c0_i32_1 : i32, i32, i32
  }
  func.func @transform_8(%arg0: i32) -> (i32, i32) {
    %c0_i32 = arith.constant 0 : i32
    %c0_i32_0 = arith.constant 0 : i32
    %c0_i32_1 = arith.constant 0 : i32
    return %c0_i32, %c0_i32_0 : i32, i32
  }
  func.func @transform_9(%arg0: i32) -> (i32, i32) {
    %c0_i32 = arith.constant 0 : i32
    %c0_i32_0 = arith.constant 0 : i32
    %c0_i32_1 = arith.constant 0 : i32
    return %c0_i32, %c0_i32_0 : i32, i32
  }
  func.func @transform_10(%arg0: i32) -> (i32, i32) {
    %c0_i32 = arith.constant 0 : i32
    %c0_i32_0 = arith.constant 0 : i32
    %c0_i32_1 = arith.constant 0 : i32
    return %c0_i32, %c0_i32_0 : i32, i32
  }
  func.func @transform_11(%arg0: i32) -> (i32, i32) {
    %c0_i32 = arith.constant 0 : i32
    %c0_i32_0 = arith.constant 0 : i32
    return %arg0, %c0_i32 : i32, i32
  }
  func.func @transform_12(%arg0: i32) -> (i32, i32, i32) {
    %c0_i32 = arith.constant 0 : i32
    %c0_i32_0 = arith.constant 0 : i32
    %c0_i32_1 = arith.constant 0 : i32
    return %c0_i32, %arg0, %c0_i32_0 : i32, i32, i32
  }
  func.func @transform_13(%arg0: i32) -> (i32, i32) {
    %c0_i32 = arith.constant 0 : i32
    %c0_i32_0 = arith.constant 0 : i32
    return %arg0, %c0_i32 : i32, i32
  }
}

module attributes {stable_mosaic.version = 14 : i64} {
  func.func @_proj_body(%arg0: i32, %arg1: memref<2000x128xf32, #tpu.memory_space<vmem>>, %arg2: memref<128x128xf32, #tpu.memory_space<vmem>>, %arg3: memref<1x128xf32, #tpu.memory_space<vmem>>, %arg4: memref<128x128xf32, #tpu.memory_space<vmem>>, %arg5: memref<1x128xf32, #tpu.memory_space<vmem>>, %arg6: memref<128x128xf32, #tpu.memory_space<vmem>>, %arg7: memref<1x128xf32, #tpu.memory_space<vmem>>, %arg8: memref<2000x128xf32, #tpu.memory_space<vmem>>, %arg9: memref<2000x128xf32, #tpu.memory_space<vmem>>, %arg10: memref<2000x128xf32, #tpu.memory_space<vmem>>) attributes {dimension_semantics = [#tpu.dimension_semantics<arbitrary>], iteration_bounds = array<i64: 5>, scalar_prefetch = 0 : i64, scratch_operands = 0 : i64, tpu.core_type = #tpu.core_type<tc>, window_params = [{transform_indices = @transform_0, window_bounds = array<i64: 2000, 128>}, {pipeline_mode = #tpu.pipeline_mode<synchronous>, transform_indices = @transform_1, window_bounds = array<i64: 128, 128>}, {pipeline_mode = #tpu.pipeline_mode<synchronous>, transform_indices = @transform_2, window_bounds = array<i64: 1, 128>}, {pipeline_mode = #tpu.pipeline_mode<synchronous>, transform_indices = @transform_3, window_bounds = array<i64: 128, 128>}, {pipeline_mode = #tpu.pipeline_mode<synchronous>, transform_indices = @transform_4, window_bounds = array<i64: 1, 128>}, {pipeline_mode = #tpu.pipeline_mode<synchronous>, transform_indices = @transform_5, window_bounds = array<i64: 128, 128>}, {pipeline_mode = #tpu.pipeline_mode<synchronous>, transform_indices = @transform_6, window_bounds = array<i64: 1, 128>}, {transform_indices = @transform_7, window_bounds = array<i64: 2000, 128>}, {transform_indices = @transform_8, window_bounds = array<i64: 2000, 128>}, {transform_indices = @transform_9, window_bounds = array<i64: 2000, 128>}]} {
    %get3A = arith.constant 0 : index
    %get3A_0 = arith.constant 0 : index
    %get3A_1 = vector.load %arg1[%get3A, %get3A_0] : memref<2000x128xf32, #tpu.memory_space<vmem>>, vector<2000x128xf32>
    %get3A_2 = arith.constant 0 : index
    %get3A_3 = arith.constant 0 : index
    %get3A_4 = vector.load %arg2[%get3A_2, %get3A_3] : memref<128x128xf32, #tpu.memory_space<vmem>>, vector<128x128xf32>
    %dot_general3A = arith.constant dense<0.000000e+00> : vector<2000x128xf32>
    %dot_general3A_5 = tpu.matmul %get3A_1, %get3A_4, %dot_general3A {dimension_numbers = #tpu.dot_dimension_numbers<[1], [0], [0], [1], [0, 0, 1, 1], [], []>, transpose_lhs_hint = false} : vector<2000x128xf32>, vector<128x128xf32>, vector<2000x128xf32> -> vector<2000x128xf32>
    %get3A_6 = arith.constant 0 : index
    %get3A_7 = arith.constant 0 : index
    %get3A_8 = vector.load %arg3[%get3A_6, %get3A_7] : memref<1x128xf32, #tpu.memory_space<vmem>>, vector<1x128xf32>
    %add3A = vector.broadcast %get3A_8 : vector<1x128xf32> to vector<2000x128xf32>
    %add3A_9 = arith.addf %dot_general3A_5, %add3A : vector<2000x128xf32>
    %swap3A = arith.constant 0 : index
    %swap3A_10 = arith.constant 0 : index
    %swap3A_11 = vector.load %arg8[%swap3A, %swap3A_10] : memref<2000x128xf32, #tpu.memory_space<vmem>>, vector<2000x128xf32>
    tpu.vector_store %arg8[%swap3A, %swap3A_10], %add3A_9 {strides = array<i32>} : memref<2000x128xf32, #tpu.memory_space<vmem>>, vector<2000x128xf32>,
    %get3A_12 = arith.constant 0 : index
    %get3A_13 = arith.constant 0 : index
    %get3A_14 = vector.load %arg4[%get3A_12, %get3A_13] : memref<128x128xf32, #tpu.memory_space<vmem>>, vector<128x128xf32>
    %dot_general3A_15 = arith.constant dense<0.000000e+00> : vector<2000x128xf32>
    %dot_general3A_16 = tpu.matmul %get3A_1, %get3A_14, %dot_general3A_15 {dimension_numbers = #tpu.dot_dimension_numbers<[1], [0], [0], [1], [0, 0, 1, 1], [], []>, transpose_lhs_hint = false} : vector<2000x128xf32>, vector<128x128xf32>, vector<2000x128xf32> -> vector<2000x128xf32>
    %get3A_17 = arith.constant 0 : index
    %get3A_18 = arith.constant 0 : index
    %get3A_19 = vector.load %arg5[%get3A_17, %get3A_18] : memref<1x128xf32, #tpu.memory_space<vmem>>, vector<1x128xf32>
    %add3A_20 = vector.broadcast %get3A_19 : vector<1x128xf32> to vector<2000x128xf32>
    %add3A_21 = arith.addf %dot_general3A_16, %add3A_20 : vector<2000x128xf32>
    %swap3A_22 = arith.constant 0 : index
    %swap3A_23 = arith.constant 0 : index
    %swap3A_24 = vector.load %arg9[%swap3A_22, %swap3A_23] : memref<2000x128xf32, #tpu.memory_space<vmem>>, vector<2000x128xf32>
    tpu.vector_store %arg9[%swap3A_22, %swap3A_23], %add3A_21 {strides = array<i32>} : memref<2000x128xf32, #tpu.memory_space<vmem>>, vector<2000x128xf32>,
    %get3A_25 = arith.constant 0 : index
    %get3A_26 = arith.constant 0 : index
    %get3A_27 = vector.load %arg6[%get3A_25, %get3A_26] : memref<128x128xf32, #tpu.memory_space<vmem>>, vector<128x128xf32>
    %dot_general3A_28 = arith.constant dense<0.000000e+00> : vector<2000x128xf32>
    %dot_general3A_29 = tpu.matmul %get3A_1, %get3A_27, %dot_general3A_28 {dimension_numbers = #tpu.dot_dimension_numbers<[1], [0], [0], [1], [0, 0, 1, 1], [], []>, transpose_lhs_hint = false} : vector<2000x128xf32>, vector<128x128xf32>, vector<2000x128xf32> -> vector<2000x128xf32>
    %get3A_30 = arith.constant 0 : index
    %get3A_31 = arith.constant 0 : index
    %get3A_32 = vector.load %arg7[%get3A_30, %get3A_31] : memref<1x128xf32, #tpu.memory_space<vmem>>, vector<1x128xf32>
    %add3A_33 = vector.broadcast %get3A_32 : vector<1x128xf32> to vector<2000x128xf32>
    %add3A_34 = arith.addf %dot_general3A_29, %add3A_33 : vector<2000x128xf32>
    %swap3A_35 = arith.constant 0 : index
    %swap3A_36 = arith.constant 0 : index
    %swap3A_37 = vector.load %arg10[%swap3A_35, %swap3A_36] : memref<2000x128xf32, #tpu.memory_space<vmem>>, vector<2000x128xf32>
    tpu.vector_store %arg10[%swap3A_35, %swap3A_36], %add3A_34 {strides = array<i32>} : memref<2000x128xf32, #tpu.memory_space<vmem>>, vector<2000x128xf32>,
    return
  }
  func.func @transform_0(%arg0: i32) -> (i32, i32) {
    %c0_i32 = arith.constant 0 : i32
    %c0_i32_0 = arith.constant 0 : i32
    return %arg0, %c0_i32 : i32, i32
  }
  func.func @transform_1(%arg0: i32) -> (i32, i32) {
    %c0_i32 = arith.constant 0 : i32
    %c0_i32_0 = arith.constant 0 : i32
    %c0_i32_1 = arith.constant 0 : i32
    return %c0_i32, %c0_i32_0 : i32, i32
  }
  func.func @transform_2(%arg0: i32) -> (i32, i32) {
    %c0_i32 = arith.constant 0 : i32
    %c0_i32_0 = arith.constant 0 : i32
    %c0_i32_1 = arith.constant 0 : i32
    return %c0_i32, %c0_i32_0 : i32, i32
  }
  func.func @transform_3(%arg0: i32) -> (i32, i32) {
    %c0_i32 = arith.constant 0 : i32
    %c0_i32_0 = arith.constant 0 : i32
    %c0_i32_1 = arith.constant 0 : i32
    return %c0_i32, %c0_i32_0 : i32, i32
  }
  func.func @transform_4(%arg0: i32) -> (i32, i32) {
    %c0_i32 = arith.constant 0 : i32
    %c0_i32_0 = arith.constant 0 : i32
    %c0_i32_1 = arith.constant 0 : i32
    return %c0_i32, %c0_i32_0 : i32, i32
  }
  func.func @transform_5(%arg0: i32) -> (i32, i32) {
    %c0_i32 = arith.constant 0 : i32
    %c0_i32_0 = arith.constant 0 : i32
    %c0_i32_1 = arith.constant 0 : i32
    return %c0_i32, %c0_i32_0 : i32, i32
  }
  func.func @transform_6(%arg0: i32) -> (i32, i32) {
    %c0_i32 = arith.constant 0 : i32
    %c0_i32_0 = arith.constant 0 : i32
    %c0_i32_1 = arith.constant 0 : i32
    return %c0_i32, %c0_i32_0 : i32, i32
  }
  func.func @transform_7(%arg0: i32) -> (i32, i32) {
    %c0_i32 = arith.constant 0 : i32
    %c0_i32_0 = arith.constant 0 : i32
    return %arg0, %c0_i32 : i32, i32
  }
  func.func @transform_8(%arg0: i32) -> (i32, i32) {
    %c0_i32 = arith.constant 0 : i32
    %c0_i32_0 = arith.constant 0 : i32
    return %arg0, %c0_i32 : i32, i32
  }
  func.func @transform_9(%arg0: i32) -> (i32, i32) {
    %c0_i32 = arith.constant 0 : i32
    %c0_i32_0 = arith.constant 0 : i32
    return %arg0, %c0_i32 : i32, i32
  }
}

module attributes {stable_mosaic.version = 14 : i64} {
  func.func @_readout_body(%arg0: i32, %arg1: memref<2000x128xf32, #tpu.memory_space<vmem>>, %arg2: memref<2x2000x128xf32, #tpu.memory_space<vmem>>, %arg3: memref<2000x128xf32, #tpu.memory_space<vmem>>, %arg4: memref<2000x128xf32, #tpu.memory_space<vmem>>, %arg5: memref<2000x128xf32, #tpu.memory_space<vmem>>, %arg6: memref<2000x128xf32, #tpu.memory_space<vmem>>, %arg7: memref<2000x128xf32, #tpu.memory_space<vmem>>, %arg8: memref<2000x128xf32, #tpu.memory_space<vmem>>, %arg9: memref<2000x128xf32, #tpu.memory_space<vmem>>, %arg10: memref<1x128xf32, #tpu.memory_space<vmem>>, %arg11: memref<1x128xf32, #tpu.memory_space<vmem>>, %arg12: memref<1x128xf32, #tpu.memory_space<vmem>>, %arg13: memref<1x128xf32, #tpu.memory_space<vmem>>, %arg14: memref<128x128xf32, #tpu.memory_space<vmem>>, %arg15: memref<1x128xf32, #tpu.memory_space<vmem>>, %arg16: memref<128x128xf32, #tpu.memory_space<vmem>>, %arg17: memref<1x128xf32, #tpu.memory_space<vmem>>, %arg18: memref<128x128xf32, #tpu.memory_space<vmem>>, %arg19: memref<1x128xf32, #tpu.memory_space<vmem>>, %arg20: memref<128x128xf32, #tpu.memory_space<vmem>>, %arg21: memref<1x128xf32, #tpu.memory_space<vmem>>, %arg22: memref<128x128xf32, #tpu.memory_space<vmem>>, %arg23: memref<1x128xf32, #tpu.memory_space<vmem>>, %arg24: memref<1x128xf32, #tpu.memory_space<vmem>>, %arg25: memref<1x128xf32, #tpu.memory_space<vmem>>, %arg26: memref<128x128xf32, #tpu.memory_space<vmem>>, %arg27: memref<1x128xf32, #tpu.memory_space<vmem>>, %arg28: memref<2000x128xf32, #tpu.memory_space<vmem>>) attributes {dimension_semantics = [#tpu.dimension_semantics<arbitrary>], iteration_bounds = array<i64: 5>, scalar_prefetch = 0 : i64, scratch_operands = 0 : i64, tpu.core_type = #tpu.core_type<tc>, window_params = [{transform_indices = @transform_0, window_bounds = array<i64: 2000, 128>}, {transform_indices = @transform_1, window_bounds = array<i64: 2, 2000, 128>}, {transform_indices = @transform_2, window_bounds = array<i64: 2000, 128>}, {transform_indices = @transform_3, window_bounds = array<i64: 2000, 128>}, {transform_indices = @transform_4, window_bounds = array<i64: 2000, 128>}, {transform_indices = @transform_5, window_bounds = array<i64: 2000, 128>}, {transform_indices = @transform_6, window_bounds = array<i64: 2000, 128>}, {transform_indices = @transform_7, window_bounds = array<i64: 2000, 128>}, {transform_indices = @transform_8, window_bounds = array<i64: 2000, 128>}, {pipeline_mode = #tpu.pipeline_mode<synchronous>, transform_indices = @transform_9, window_bounds = array<i64: 1, 128>}, {pipeline_mode = #tpu.pipeline_mode<synchronous>, transform_indices = @transform_10, window_bounds = array<i64: 1, 128>}, {pipeline_mode = #tpu.pipeline_mode<synchronous>, transform_indices = @transform_11, window_bounds = array<i64: 1, 128>}, {pipeline_mode = #tpu.pipeline_mode<synchronous>, transform_indices = @transform_12, window_bounds = array<i64: 1, 128>}, {pipeline_mode = #tpu.pipeline_mode<synchronous>, transform_indices = @transform_13, window_bounds = array<i64: 128, 128>}, {pipeline_mode = #tpu.pipeline_mode<synchronous>, transform_indices = @transform_14, window_bounds = array<i64: 1, 128>}, {pipeline_mode = #tpu.pipeline_mode<synchronous>, transform_indices = @transform_15, window_bounds = array<i64: 128, 128>}, {pipeline_mode = #tpu.pipeline_mode<synchronous>, transform_indices = @transform_16, window_bounds = array<i64: 1, 128>}, {pipeline_mode = #tpu.pipeline_mode<synchronous>, transform_indices = @transform_17, window_bounds = array<i64: 128, 128>}, {pipeline_mode = #tpu.pipeline_mode<synchronous>, transform_indices = @transform_18, window_bounds = array<i64: 1, 128>}, {pipeline_mode = #tpu.pipeline_mode<synchronous>, transform_indices = @transform_19, window_bounds = array<i64: 128, 128>}, {pipeline_mode = #tpu.pipeline_mode<synchronous>, transform_indices = @transform_20, window_bounds = array<i64: 1, 128>}, {pipeline_mode = #tpu.pipeline_mode<synchronous>, transform_indices = @transform_21, window_bounds = array<i64: 128, 128>}, {pipeline_mode = #tpu.pipeline_mode<synchronous>, transform_indices = @transform_22, window_bounds = array<i64: 1, 128>}, {pipeline_mode = #tpu.pipeline_mode<synchronous>, transform_indices = @transform_23, window_bounds = array<i64: 1, 128>}, {pipeline_mode = #tpu.pipeline_mode<synchronous>, transform_indices = @transform_24, window_bounds = array<i64: 1, 128>}, {pipeline_mode = #tpu.pipeline_mode<synchronous>, transform_indices = @transform_25, window_bounds = array<i64: 128, 128>}, {pipeline_mode = #tpu.pipeline_mode<synchronous>, transform_indices = @transform_26, window_bounds = array<i64: 1, 128>}, {transform_indices = @transform_27, window_bounds = array<i64: 2000, 128>}]} {
    %get3A = arith.constant 0 : index
    %get3A_0 = arith.constant 0 : index
    %get3A_1 = vector.load %arg3[%get3A, %get3A_0] : memref<2000x128xf32, #tpu.memory_space<vmem>>, vector<2000x128xf32>
    %get3A_2 = arith.constant 0 : index
    %get3A_3 = arith.constant 0 : index
    %get3A_4 = vector.load %arg1[%get3A_2, %get3A_3] : memref<2000x128xf32, #tpu.memory_space<vmem>>, vector<2000x128xf32>
    %get3A_5 = arith.constant 0 : index
    %get3A_6 = arith.constant 0 : index
    %get3A_7 = arith.constant 0 : index
    %get3A_8 = vector.load %arg2[%get3A_5, %get3A_6, %get3A_7] : memref<2x2000x128xf32, #tpu.memory_space<vmem>>, vector<1x2000x128xf32>
    %get3A_9 = vector.shape_cast %get3A_8 : vector<1x2000x128xf32> to vector<2000x128xf32>
    %add3A = arith.addf %get3A_4, %get3A_9 : vector<2000x128xf32>
    %get3A_10 = arith.constant 1 : index
    %get3A_11 = arith.constant 0 : index
    %get3A_12 = arith.constant 0 : index
    %get3A_13 = vector.load %arg2[%get3A_10, %get3A_11, %get3A_12] : memref<2x2000x128xf32, #tpu.memory_space<vmem>>, vector<1x2000x128xf32>
    %get3A_14 = vector.shape_cast %get3A_13 : vector<1x2000x128xf32> to vector<2000x128xf32>
    %add3A_15 = arith.addf %add3A, %get3A_14 : vector<2000x128xf32>
    %get3A_16 = arith.constant 0 : index
    %get3A_17 = arith.constant 0 : index
    %get3A_18 = vector.load %arg10[%get3A_16, %get3A_17] : memref<1x128xf32, #tpu.memory_space<vmem>>, vector<1x128xf32>
    %get3A_19 = arith.constant 0 : index
    %get3A_20 = arith.constant 0 : index
    %get3A_21 = vector.load %arg11[%get3A_19, %get3A_20] : memref<1x128xf32, #tpu.memory_space<vmem>>, vector<1x128xf32>
    %reduce_sum3A = arith.constant dense<0.000000e+00> : vector<2000xf32>
    %reduce_sum3A_22 = vector.multi_reduction <add>, %add3A_15, %reduce_sum3A [1] : vector<2000x128xf32> to vector<2000xf32>
    %broadcast_in_dim3A = vector.shape_cast %reduce_sum3A_22 : vector<2000xf32> to vector<2000x1xf32>
    %div3A = arith.constant 1.280000e+02 : f32
    %div3A_23 = vector.broadcast %div3A : f32 to vector<2000x1xf32>
    %div3A_24 = arith.divf %broadcast_in_dim3A, %div3A_23 : vector<2000x1xf32>
    %sub3A = vector.broadcast %div3A_24 : vector<2000x1xf32> to vector<2000x128xf32>
    %sub3A_25 = arith.subf %add3A_15, %sub3A : vector<2000x128xf32>
    %integer_pow3A = arith.mulf %sub3A_25, %sub3A_25 : vector<2000x128xf32>
    %reduce_sum3A_26 = arith.constant dense<0.000000e+00> : vector<2000xf32>
    %reduce_sum3A_27 = vector.multi_reduction <add>, %integer_pow3A, %reduce_sum3A_26 [1] : vector<2000x128xf32> to vector<2000xf32>
    %broadcast_in_dim3A_28 = vector.shape_cast %reduce_sum3A_27 : vector<2000xf32> to vector<2000x1xf32>
    %div3A_29 = arith.constant 1.280000e+02 : f32
    %div3A_30 = vector.broadcast %div3A_29 : f32 to vector<2000x1xf32>
    %div3A_31 = arith.divf %broadcast_in_dim3A_28, %div3A_30 : vector<2000x1xf32>
    %sub3A_32 = vector.broadcast %div3A_24 : vector<2000x1xf32> to vector<2000x128xf32>
    %sub3A_33 = arith.subf %add3A_15, %sub3A_32 : vector<2000x128xf32>
    %add3A_34 = arith.constant 9.99999974E-6 : f32
    %add3A_35 = vector.broadcast %add3A_34 : f32 to vector<2000x1xf32>
    %add3A_36 = arith.addf %div3A_31, %add3A_35 : vector<2000x1xf32>
    %sqrt3A = math.sqrt %add3A_36 : vector<2000x1xf32>
    %div3A_37 = vector.broadcast %sqrt3A : vector<2000x1xf32> to vector<2000x128xf32>
    %div3A_38 = arith.divf %sub3A_33, %div3A_37 : vector<2000x128xf32>
    %mul3A = vector.broadcast %get3A_18 : vector<1x128xf32> to vector<2000x128xf32>
    %mul3A_39 = arith.mulf %div3A_38, %mul3A : vector<2000x128xf32>
    %add3A_40 = vector.broadcast %get3A_21 : vector<1x128xf32> to vector<2000x128xf32>
    %add3A_41 = arith.addf %mul3A_39, %add3A_40 : vector<2000x128xf32>
    %max3A = arith.constant 0.000000e+00 : f32
    %max3A_42 = vector.broadcast %max3A : f32 to vector<2000x128xf32>
    %max3A_43 = arith.maximumf %add3A_41, %max3A_42 : vector<2000x128xf32>
    %add3A_44 = arith.addf %max3A_43, %get3A_1 : vector<2000x128xf32>
    %get3A_45 = arith.constant 0 : index
    %get3A_46 = arith.constant 0 : index
    %get3A_47 = vector.load %arg12[%get3A_45, %get3A_46] : memref<1x128xf32, #tpu.memory_space<vmem>>, vector<1x128xf32>
    %get3A_48 = arith.constant 0 : index
    %get3A_49 = arith.constant 0 : index
    %get3A_50 = vector.load %arg13[%get3A_48, %get3A_49] : memref<1x128xf32, #tpu.memory_space<vmem>>, vector<1x128xf32>
    %reduce_sum3A_51 = arith.constant dense<0.000000e+00> : vector<2000xf32>
    %reduce_sum3A_52 = vector.multi_reduction <add>, %add3A_44, %reduce_sum3A_51 [1] : vector<2000x128xf32> to vector<2000xf32>
    %broadcast_in_dim3A_53 = vector.shape_cast %reduce_sum3A_52 : vector<2000xf32> to vector<2000x1xf32>
    %div3A_54 = arith.constant 1.280000e+02 : f32
    %div3A_55 = vector.broadcast %div3A_54 : f32 to vector<2000x1xf32>
    %div3A_56 = arith.divf %broadcast_in_dim3A_53, %div3A_55 : vector<2000x1xf32>
    %sub3A_57 = vector.broadcast %div3A_56 : vector<2000x1xf32> to vector<2000x128xf32>
    %sub3A_58 = arith.subf %add3A_44, %sub3A_57 : vector<2000x128xf32>
    %integer_pow3A_59 = arith.mulf %sub3A_58, %sub3A_58 : vector<2000x128xf32>
    %reduce_sum3A_60 = arith.constant dense<0.000000e+00> : vector<2000xf32>
    %reduce_sum3A_61 = vector.multi_reduction <add>, %integer_pow3A_59, %reduce_sum3A_60 [1] : vector<2000x128xf32> to vector<2000xf32>
    %broadcast_in_dim3A_62 = vector.shape_cast %reduce_sum3A_61 : vector<2000xf32> to vector<2000x1xf32>
    %div3A_63 = arith.constant 1.280000e+02 : f32
    %div3A_64 = vector.broadcast %div3A_63 : f32 to vector<2000x1xf32>
    %div3A_65 = arith.divf %broadcast_in_dim3A_62, %div3A_64 : vector<2000x1xf32>
    %sub3A_66 = vector.broadcast %div3A_56 : vector<2000x1xf32> to vector<2000x128xf32>
    %sub3A_67 = arith.subf %add3A_44, %sub3A_66 : vector<2000x128xf32>
    %add3A_68 = arith.constant 9.99999974E-6 : f32
    %add3A_69 = vector.broadcast %add3A_68 : f32 to vector<2000x1xf32>
    %add3A_70 = arith.addf %div3A_65, %add3A_69 : vector<2000x1xf32>
    %sqrt3A_71 = math.sqrt %add3A_70 : vector<2000x1xf32>
    %div3A_72 = vector.broadcast %sqrt3A_71 : vector<2000x1xf32> to vector<2000x128xf32>
    %div3A_73 = arith.divf %sub3A_67, %div3A_72 : vector<2000x128xf32>
    %mul3A_74 = vector.broadcast %get3A_47 : vector<1x128xf32> to vector<2000x128xf32>
    %mul3A_75 = arith.mulf %div3A_73, %mul3A_74 : vector<2000x128xf32>
    %add3A_76 = vector.broadcast %get3A_50 : vector<1x128xf32> to vector<2000x128xf32>
    %add3A_77 = arith.addf %mul3A_75, %add3A_76 : vector<2000x128xf32>
    %get3A_78 = arith.constant 0 : index
    %get3A_79 = arith.constant 0 : index
    %get3A_80 = vector.load %arg4[%get3A_78, %get3A_79] : memref<2000x128xf32, #tpu.memory_space<vmem>>, vector<2000x128xf32>
    %get3A_81 = arith.constant 0 : index
    %get3A_82 = arith.constant 0 : index
    %get3A_83 = vector.load %arg7[%get3A_81, %get3A_82] : memref<2000x128xf32, #tpu.memory_space<vmem>>, vector<2000x128xf32>
    %get3A_84 = arith.constant 0 : index
    %get3A_85 = arith.constant 0 : index
    %get3A_86 = vector.load %arg14[%get3A_84, %get3A_85] : memref<128x128xf32, #tpu.memory_space<vmem>>, vector<128x128xf32>
    %dot_general3A = arith.constant dense<0.000000e+00> : vector<2000x128xf32>
    %dot_general3A_87 = tpu.matmul %add3A_77, %get3A_86, %dot_general3A {dimension_numbers = #tpu.dot_dimension_numbers<[1], [0], [0], [1], [0, 0, 1, 1], [], []>, transpose_lhs_hint = false} : vector<2000x128xf32>, vector<128x128xf32>, vector<2000x128xf32> -> vector<2000x128xf32>
    %get3A_88 = arith.constant 0 : index
    %get3A_89 = arith.constant 0 : index
    %get3A_90 = vector.load %arg15[%get3A_88, %get3A_89] : memref<1x128xf32, #tpu.memory_space<vmem>>, vector<1x128xf32>
    %add3A_91 = vector.broadcast %get3A_90 : vector<1x128xf32> to vector<2000x128xf32>
    %add3A_92 = arith.addf %dot_general3A_87, %add3A_91 : vector<2000x128xf32>
    %get3A_93 = arith.constant 0 : index
    %get3A_94 = arith.constant 0 : index
    %get3A_95 = vector.load %arg5[%get3A_93, %get3A_94] : memref<2000x128xf32, #tpu.memory_space<vmem>>, vector<2000x128xf32>
    %get3A_96 = arith.constant 0 : index
    %get3A_97 = arith.constant 0 : index
    %get3A_98 = vector.load %arg8[%get3A_96, %get3A_97] : memref<2000x128xf32, #tpu.memory_space<vmem>>, vector<2000x128xf32>
    %get3A_99 = arith.constant 0 : index
    %get3A_100 = arith.constant 0 : index
    %get3A_101 = vector.load %arg16[%get3A_99, %get3A_100] : memref<128x128xf32, #tpu.memory_space<vmem>>, vector<128x128xf32>
    %dot_general3A_102 = arith.constant dense<0.000000e+00> : vector<2000x128xf32>
    %dot_general3A_103 = tpu.matmul %add3A_77, %get3A_101, %dot_general3A_102 {dimension_numbers = #tpu.dot_dimension_numbers<[1], [0], [0], [1], [0, 0, 1, 1], [], []>, transpose_lhs_hint = false} : vector<2000x128xf32>, vector<128x128xf32>, vector<2000x128xf32> -> vector<2000x128xf32>
    %get3A_104 = arith.constant 0 : index
    %get3A_105 = arith.constant 0 : index
    %get3A_106 = vector.load %arg17[%get3A_104, %get3A_105] : memref<1x128xf32, #tpu.memory_space<vmem>>, vector<1x128xf32>
    %add3A_107 = vector.broadcast %get3A_106 : vector<1x128xf32> to vector<2000x128xf32>
    %add3A_108 = arith.addf %dot_general3A_103, %add3A_107 : vector<2000x128xf32>
    %get3A_109 = arith.constant 0 : index
    %get3A_110 = arith.constant 0 : index
    %get3A_111 = vector.load %arg6[%get3A_109, %get3A_110] : memref<2000x128xf32, #tpu.memory_space<vmem>>, vector<2000x128xf32>
    %get3A_112 = arith.constant 0 : index
    %get3A_113 = arith.constant 0 : index
    %get3A_114 = vector.load %arg9[%get3A_112, %get3A_113] : memref<2000x128xf32, #tpu.memory_space<vmem>>, vector<2000x128xf32>
    %get3A_115 = arith.constant 0 : index
    %get3A_116 = arith.constant 0 : index
    %get3A_117 = vector.load %arg18[%get3A_115, %get3A_116] : memref<128x128xf32, #tpu.memory_space<vmem>>, vector<128x128xf32>
    %dot_general3A_118 = arith.constant dense<0.000000e+00> : vector<2000x128xf32>
    %dot_general3A_119 = tpu.matmul %add3A_77, %get3A_117, %dot_general3A_118 {dimension_numbers = #tpu.dot_dimension_numbers<[1], [0], [0], [1], [0, 0, 1, 1], [], []>, transpose_lhs_hint = false} : vector<2000x128xf32>, vector<128x128xf32>, vector<2000x128xf32> -> vector<2000x128xf32>
    %get3A_120 = arith.constant 0 : index
    %get3A_121 = arith.constant 0 : index
    %get3A_122 = vector.load %arg19[%get3A_120, %get3A_121] : memref<1x128xf32, #tpu.memory_space<vmem>>, vector<1x128xf32>
    %add3A_123 = vector.broadcast %get3A_122 : vector<1x128xf32> to vector<2000x128xf32>
    %add3A_124 = arith.addf %dot_general3A_119, %add3A_123 : vector<2000x128xf32>
    %iota3A = tpu.iota {dimensions = array<i32: 0>} : vector<128x128xi32>
    %jit3A = arith.constant 32 : i32
    %div3A_125 = vector.broadcast %jit3A : i32 to vector<128x128xi32>
    %div3A_126 = arith.divsi %iota3A, %div3A_125 : vector<128x128xi32>
    %sign3A = arith.constant 0 : i32
    %sign3A_127 = vector.broadcast %sign3A : i32 to vector<128x128xi32>
    %sign3A_128 = arith.cmpi sgt, %iota3A, %sign3A_127 : vector<128x128xi32>
    %sign3A_129 = arith.extui %sign3A_128 : vector<128x128xi1> to vector<128x128xi32>
    %sign3A_130 = arith.constant 0 : i32
    %sign3A_131 = vector.broadcast %sign3A_130 : i32 to vector<128x128xi32>
    %sign3A_132 = arith.cmpi slt, %iota3A, %sign3A_131 : vector<128x128xi32>
    %sign3A_133 = arith.extui %sign3A_132 : vector<128x128xi1> to vector<128x128xi32>
    %sign3A_134 = arith.subi %sign3A_129, %sign3A_133 : vector<128x128xi32>
    %sign3A_135 = arith.constant 0 : i32
    %sign3A_136 = arith.cmpi sgt, %jit3A, %sign3A_135 : i32
    %sign3A_137 = arith.extui %sign3A_136 : i1 to i32
    %sign3A_138 = arith.constant 0 : i32
    %sign3A_139 = arith.cmpi slt, %jit3A, %sign3A_138 : i32
    %sign3A_140 = arith.extui %sign3A_139 : i1 to i32
    %sign3A_141 = arith.subi %sign3A_137, %sign3A_140 : i32
    %ne3A = vector.broadcast %sign3A_141 : i32 to vector<128x128xi32>
    %ne3A_142 = arith.cmpi ne, %sign3A_134, %ne3A : vector<128x128xi32>
    %rem3A = vector.broadcast %jit3A : i32 to vector<128x128xi32>
    %rem3A_143 = arith.remsi %iota3A, %rem3A : vector<128x128xi32>
    %ne3A_144 = arith.constant 0 : i32
    %ne3A_145 = vector.broadcast %ne3A_144 : i32 to vector<128x128xi32>
    %ne3A_146 = arith.cmpi ne, %rem3A_143, %ne3A_145 : vector<128x128xi32>
    %and3A = arith.andi %ne3A_142, %ne3A_146 : vector<128x128xi1>
    %sub3A_147 = arith.constant 1 : i32
    %sub3A_148 = vector.broadcast %sub3A_147 : i32 to vector<128x128xi32>
    %sub3A_149 = arith.subi %div3A_126, %sub3A_148 : vector<128x128xi32>
    %select_n3A = arith.select %and3A, %sub3A_149, %div3A_126 : vector<128x128xi1>, vector<128x128xi32>
    %iota3A_150 = tpu.iota {dimensions = array<i32: 1>} : vector<128x128xi32>
    %jit3A_151 = arith.constant 32 : i32
    %div3A_152 = vector.broadcast %jit3A_151 : i32 to vector<128x128xi32>
    %div3A_153 = arith.divsi %iota3A_150, %div3A_152 : vector<128x128xi32>
    %sign3A_154 = arith.constant 0 : i32
    %sign3A_155 = vector.broadcast %sign3A_154 : i32 to vector<128x128xi32>
    %sign3A_156 = arith.cmpi sgt, %iota3A_150, %sign3A_155 : vector<128x128xi32>
    %sign3A_157 = arith.extui %sign3A_156 : vector<128x128xi1> to vector<128x128xi32>
    %sign3A_158 = arith.constant 0 : i32
    %sign3A_159 = vector.broadcast %sign3A_158 : i32 to vector<128x128xi32>
    %sign3A_160 = arith.cmpi slt, %iota3A_150, %sign3A_159 : vector<128x128xi32>
    %sign3A_161 = arith.extui %sign3A_160 : vector<128x128xi1> to vector<128x128xi32>
    %sign3A_162 = arith.subi %sign3A_157, %sign3A_161 : vector<128x128xi32>
    %sign3A_163 = arith.constant 0 : i32
    %sign3A_164 = arith.cmpi sgt, %jit3A_151, %sign3A_163 : i32
    %sign3A_165 = arith.extui %sign3A_164 : i1 to i32
    %sign3A_166 = arith.constant 0 : i32
    %sign3A_167 = arith.cmpi slt, %jit3A_151, %sign3A_166 : i32
    %sign3A_168 = arith.extui %sign3A_167 : i1 to i32
    %sign3A_169 = arith.subi %sign3A_165, %sign3A_168 : i32
    %ne3A_170 = vector.broadcast %sign3A_169 : i32 to vector<128x128xi32>
    %ne3A_171 = arith.cmpi ne, %sign3A_162, %ne3A_170 : vector<128x128xi32>
    %rem3A_172 = vector.broadcast %jit3A_151 : i32 to vector<128x128xi32>
    %rem3A_173 = arith.remsi %iota3A_150, %rem3A_172 : vector<128x128xi32>
    %ne3A_174 = arith.constant 0 : i32
    %ne3A_175 = vector.broadcast %ne3A_174 : i32 to vector<128x128xi32>
    %ne3A_176 = arith.cmpi ne, %rem3A_173, %ne3A_175 : vector<128x128xi32>
    %and3A_177 = arith.andi %ne3A_171, %ne3A_176 : vector<128x128xi1>
    %sub3A_178 = arith.constant 1 : i32
    %sub3A_179 = vector.broadcast %sub3A_178 : i32 to vector<128x128xi32>
    %sub3A_180 = arith.subi %div3A_153, %sub3A_179 : vector<128x128xi32>
    %select_n3A_181 = arith.select %and3A_177, %sub3A_180, %div3A_153 : vector<128x128xi1>, vector<128x128xi32>
    %eq3A = arith.cmpi eq, %select_n3A, %select_n3A_181 : vector<128x128xi32>
    %jit3A_182 = arith.constant 0.176776692 : f32
    %jit3A_183 = arith.constant 0.000000e+00 : f32
    %broadcast_in_dim3A_184 = vector.broadcast %jit3A_182 : f32 to vector<128x128xf32>
    %broadcast_in_dim3A_185 = vector.broadcast %jit3A_183 : f32 to vector<128x128xf32>
    %select_n3A_186 = arith.select %eq3A, %broadcast_in_dim3A_184, %broadcast_in_dim3A_185 : vector<128x128xi1>, vector<128x128xf32>
    %mul3A_187 = arith.mulf %get3A_80, %get3A_95 : vector<2000x128xf32>
    %dot_general3A_188 = arith.constant dense<0.000000e+00> : vector<2000x128xf32>
    %dot_general3A_189 = tpu.matmul %mul3A_187, %select_n3A_186, %dot_general3A_188 {dimension_numbers = #tpu.dot_dimension_numbers<[1], [0], [0], [1], [0, 0, 1, 1], [], []>, transpose_lhs_hint = false} : vector<2000x128xf32>, vector<128x128xf32>, vector<2000x128xf32> -> vector<2000x128xf32>
    %mul3A_190 = arith.mulf %get3A_80, %get3A_98 : vector<2000x128xf32>
    %dot_general3A_191 = arith.constant dense<0.000000e+00> : vector<2000x128xf32>
    %dot_general3A_192 = tpu.matmul %mul3A_190, %select_n3A_186, %dot_general3A_191 {dimension_numbers = #tpu.dot_dimension_numbers<[1], [0], [0], [1], [0, 0, 1, 1], [], []>, transpose_lhs_hint = false} : vector<2000x128xf32>, vector<128x128xf32>, vector<2000x128xf32> -> vector<2000x128xf32>
    %mul3A_193 = arith.mulf %get3A_80, %add3A_108 : vector<2000x128xf32>
    %dot_general3A_194 = arith.constant dense<0.000000e+00> : vector<2000x128xf32>
    %dot_general3A_195 = tpu.matmul %mul3A_193, %select_n3A_186, %dot_general3A_194 {dimension_numbers = #tpu.dot_dimension_numbers<[1], [0], [0], [1], [0, 0, 1, 1], [], []>, transpose_lhs_hint = false} : vector<2000x128xf32>, vector<128x128xf32>, vector<2000x128xf32> -> vector<2000x128xf32>
    %mul3A_196 = arith.mulf %get3A_83, %get3A_95 : vector<2000x128xf32>
    %dot_general3A_197 = arith.constant dense<0.000000e+00> : vector<2000x128xf32>
    %dot_general3A_198 = tpu.matmul %mul3A_196, %select_n3A_186, %dot_general3A_197 {dimension_numbers = #tpu.dot_dimension_numbers<[1], [0], [0], [1], [0, 0, 1, 1], [], []>, transpose_lhs_hint = false} : vector<2000x128xf32>, vector<128x128xf32>, vector<2000x128xf32> -> vector<2000x128xf32>
    %mul3A_199 = arith.mulf %get3A_83, %get3A_98 : vector<2000x128xf32>
    %dot_general3A_200 = arith.constant dense<0.000000e+00> : vector<2000x128xf32>
    %dot_general3A_201 = tpu.matmul %mul3A_199, %select_n3A_186, %dot_general3A_200 {dimension_numbers = #tpu.dot_dimension_numbers<[1], [0], [0], [1], [0, 0, 1, 1], [], []>, transpose_lhs_hint = false} : vector<2000x128xf32>, vector<128x128xf32>, vector<2000x128xf32> -> vector<2000x128xf32>
    %mul3A_202 = arith.mulf %get3A_83, %add3A_108 : vector<2000x128xf32>
    %dot_general3A_203 = arith.constant dense<0.000000e+00> : vector<2000x128xf32>
    %dot_general3A_204 = tpu.matmul %mul3A_202, %select_n3A_186, %dot_general3A_203 {dimension_numbers = #tpu.dot_dimension_numbers<[1], [0], [0], [1], [0, 0, 1, 1], [], []>, transpose_lhs_hint = false} : vector<2000x128xf32>, vector<128x128xf32>, vector<2000x128xf32> -> vector<2000x128xf32>
    %mul3A_205 = arith.mulf %add3A_92, %get3A_95 : vector<2000x128xf32>
    %dot_general3A_206 = arith.constant dense<0.000000e+00> : vector<2000x128xf32>
    %dot_general3A_207 = tpu.matmul %mul3A_205, %select_n3A_186, %dot_general3A_206 {dimension_numbers = #tpu.dot_dimension_numbers<[1], [0], [0], [1], [0, 0, 1, 1], [], []>, transpose_lhs_hint = false} : vector<2000x128xf32>, vector<128x128xf32>, vector<2000x128xf32> -> vector<2000x128xf32>
    %mul3A_208 = arith.mulf %add3A_92, %get3A_98 : vector<2000x128xf32>
    %dot_general3A_209 = arith.constant dense<0.000000e+00> : vector<2000x128xf32>
    %dot_general3A_210 = tpu.matmul %mul3A_208, %select_n3A_186, %dot_general3A_209 {dimension_numbers = #tpu.dot_dimension_numbers<[1], [0], [0], [1], [0, 0, 1, 1], [], []>, transpose_lhs_hint = false} : vector<2000x128xf32>, vector<128x128xf32>, vector<2000x128xf32> -> vector<2000x128xf32>
    %mul3A_211 = arith.mulf %add3A_92, %add3A_108 : vector<2000x128xf32>
    %dot_general3A_212 = arith.constant dense<0.000000e+00> : vector<2000x128xf32>
    %dot_general3A_213 = tpu.matmul %mul3A_211, %select_n3A_186, %dot_general3A_212 {dimension_numbers = #tpu.dot_dimension_numbers<[1], [0], [0], [1], [0, 0, 1, 1], [], []>, transpose_lhs_hint = false} : vector<2000x128xf32>, vector<128x128xf32>, vector<2000x128xf32> -> vector<2000x128xf32>
    %broadcast_in_dim3A_214 = arith.constant 0.000000e+00 : f32
    %broadcast_in_dim3A_215 = vector.broadcast %broadcast_in_dim3A_214 : f32 to vector<2000x128xf32>
    %max3A_216 = arith.maximumf %dot_general3A_189, %dot_general3A_192 : vector<2000x128xf32>
    %max3A_217 = arith.maximumf %max3A_216, %dot_general3A_195 : vector<2000x128xf32>
    %sub3A_218 = arith.subf %dot_general3A_189, %max3A_217 : vector<2000x128xf32>
    %exp3A = math.exp %sub3A_218 : vector<2000x128xf32>
    %sub3A_219 = arith.subf %dot_general3A_192, %max3A_217 : vector<2000x128xf32>
    %exp3A_220 = math.exp %sub3A_219 : vector<2000x128xf32>
    %sub3A_221 = arith.subf %dot_general3A_195, %max3A_217 : vector<2000x128xf32>
    %exp3A_222 = math.exp %sub3A_221 : vector<2000x128xf32>
    %add3A_223 = arith.addf %exp3A, %exp3A_220 : vector<2000x128xf32>
    %add3A_224 = arith.addf %add3A_223, %exp3A_222 : vector<2000x128xf32>
    %div3A_225 = arith.constant 1.000000e+00 : f32
    %div3A_226 = vector.broadcast %div3A_225 : f32 to vector<2000x128xf32>
    %div3A_227 = arith.divf %div3A_226, %add3A_224 : vector<2000x128xf32>
    %mul3A_228 = arith.mulf %exp3A, %get3A_111 : vector<2000x128xf32>
    %mul3A_229 = arith.mulf %exp3A_220, %get3A_114 : vector<2000x128xf32>
    %add3A_230 = arith.addf %mul3A_228, %mul3A_229 : vector<2000x128xf32>
    %mul3A_231 = arith.mulf %exp3A_222, %add3A_124 : vector<2000x128xf32>
    %add3A_232 = arith.addf %add3A_230, %mul3A_231 : vector<2000x128xf32>
    %mul3A_233 = arith.mulf %add3A_232, %div3A_227 : vector<2000x128xf32>
    %add3A_234 = arith.addf %broadcast_in_dim3A_215, %mul3A_233 : vector<2000x128xf32>
    %max3A_235 = arith.maximumf %dot_general3A_198, %dot_general3A_201 : vector<2000x128xf32>
    %max3A_236 = arith.maximumf %max3A_235, %dot_general3A_204 : vector<2000x128xf32>
    %sub3A_237 = arith.subf %dot_general3A_198, %max3A_236 : vector<2000x128xf32>
    %exp3A_238 = math.exp %sub3A_237 : vector<2000x128xf32>
    %sub3A_239 = arith.subf %dot_general3A_201, %max3A_236 : vector<2000x128xf32>
    %exp3A_240 = math.exp %sub3A_239 : vector<2000x128xf32>
    %sub3A_241 = arith.subf %dot_general3A_204, %max3A_236 : vector<2000x128xf32>
    %exp3A_242 = math.exp %sub3A_241 : vector<2000x128xf32>
    %add3A_243 = arith.addf %exp3A_238, %exp3A_240 : vector<2000x128xf32>
    %add3A_244 = arith.addf %add3A_243, %exp3A_242 : vector<2000x128xf32>
    %div3A_245 = arith.constant 1.000000e+00 : f32
    %div3A_246 = vector.broadcast %div3A_245 : f32 to vector<2000x128xf32>
    %div3A_247 = arith.divf %div3A_246, %add3A_244 : vector<2000x128xf32>
    %mul3A_248 = arith.mulf %exp3A_238, %get3A_111 : vector<2000x128xf32>
    %mul3A_249 = arith.mulf %exp3A_240, %get3A_114 : vector<2000x128xf32>
    %add3A_250 = arith.addf %mul3A_248, %mul3A_249 : vector<2000x128xf32>
    %mul3A_251 = arith.mulf %exp3A_242, %add3A_124 : vector<2000x128xf32>
    %add3A_252 = arith.addf %add3A_250, %mul3A_251 : vector<2000x128xf32>
    %mul3A_253 = arith.mulf %add3A_252, %div3A_247 : vector<2000x128xf32>
    %add3A_254 = arith.addf %add3A_234, %mul3A_253 : vector<2000x128xf32>
    %max3A_255 = arith.maximumf %dot_general3A_207, %dot_general3A_210 : vector<2000x128xf32>
    %max3A_256 = arith.maximumf %max3A_255, %dot_general3A_213 : vector<2000x128xf32>
    %sub3A_257 = arith.subf %dot_general3A_207, %max3A_256 : vector<2000x128xf32>
    %exp3A_258 = math.exp %sub3A_257 : vector<2000x128xf32>
    %sub3A_259 = arith.subf %dot_general3A_210, %max3A_256 : vector<2000x128xf32>
    %exp3A_260 = math.exp %sub3A_259 : vector<2000x128xf32>
    %sub3A_261 = arith.subf %dot_general3A_213, %max3A_256 : vector<2000x128xf32>
    %exp3A_262 = math.exp %sub3A_261 : vector<2000x128xf32>
    %add3A_263 = arith.addf %exp3A_258, %exp3A_260 : vector<2000x128xf32>
    %add3A_264 = arith.addf %add3A_263, %exp3A_262 : vector<2000x128xf32>
    %div3A_265 = arith.constant 1.000000e+00 : f32
    %div3A_266 = vector.broadcast %div3A_265 : f32 to vector<2000x128xf32>
    %div3A_267 = arith.divf %div3A_266, %add3A_264 : vector<2000x128xf32>
    %mul3A_268 = arith.mulf %exp3A_258, %get3A_111 : vector<2000x128xf32>
    %mul3A_269 = arith.mulf %exp3A_260, %get3A_114 : vector<2000x128xf32>
    %add3A_270 = arith.addf %mul3A_268, %mul3A_269 : vector<2000x128xf32>
    %mul3A_271 = arith.mulf %exp3A_262, %add3A_124 : vector<2000x128xf32>
    %add3A_272 = arith.addf %add3A_270, %mul3A_271 : vector<2000x128xf32>
    %mul3A_273 = arith.mulf %add3A_272, %div3A_267 : vector<2000x128xf32>
    %add3A_274 = arith.addf %add3A_254, %mul3A_273 : vector<2000x128xf32>
    %mul3A_275 = arith.constant 0.333333343 : f32
    %mul3A_276 = vector.broadcast %mul3A_275 : f32 to vector<2000x128xf32>
    %mul3A_277 = arith.mulf %add3A_274, %mul3A_276 : vector<2000x128xf32>
    %get3A_278 = arith.constant 0 : index
    %get3A_279 = arith.constant 0 : index
    %get3A_280 = vector.load %arg20[%get3A_278, %get3A_279] : memref<128x128xf32, #tpu.memory_space<vmem>>, vector<128x128xf32>
    %dot_general3A_281 = arith.constant dense<0.000000e+00> : vector<2000x128xf32>
    %dot_general3A_282 = tpu.matmul %mul3A_277, %get3A_280, %dot_general3A_281 {dimension_numbers = #tpu.dot_dimension_numbers<[1], [0], [0], [1], [0, 0, 1, 1], [], []>, transpose_lhs_hint = false} : vector<2000x128xf32>, vector<128x128xf32>, vector<2000x128xf32> -> vector<2000x128xf32>
    %get3A_283 = arith.constant 0 : index
    %get3A_284 = arith.constant 0 : index
    %get3A_285 = vector.load %arg21[%get3A_283, %get3A_284] : memref<1x128xf32, #tpu.memory_space<vmem>>, vector<1x128xf32>
    %add3A_286 = vector.broadcast %get3A_285 : vector<1x128xf32> to vector<2000x128xf32>
    %add3A_287 = arith.addf %dot_general3A_282, %add3A_286 : vector<2000x128xf32>
    %get3A_288 = arith.constant 0 : index
    %get3A_289 = arith.constant 0 : index
    %get3A_290 = vector.load %arg22[%get3A_288, %get3A_289] : memref<128x128xf32, #tpu.memory_space<vmem>>, vector<128x128xf32>
    %dot_general3A_291 = arith.constant dense<0.000000e+00> : vector<2000x128xf32>
    %dot_general3A_292 = tpu.matmul %add3A_287, %get3A_290, %dot_general3A_291 {dimension_numbers = #tpu.dot_dimension_numbers<[1], [0], [0], [1], [0, 0, 1, 1], [], []>, transpose_lhs_hint = false} : vector<2000x128xf32>, vector<128x128xf32>, vector<2000x128xf32> -> vector<2000x128xf32>
    %get3A_293 = arith.constant 0 : index
    %get3A_294 = arith.constant 0 : index
    %get3A_295 = vector.load %arg23[%get3A_293, %get3A_294] : memref<1x128xf32, #tpu.memory_space<vmem>>, vector<1x128xf32>
    %add3A_296 = vector.broadcast %get3A_295 : vector<1x128xf32> to vector<2000x128xf32>
    %add3A_297 = arith.addf %dot_general3A_292, %add3A_296 : vector<2000x128xf32>
    %get3A_298 = arith.constant 0 : index
    %get3A_299 = arith.constant 0 : index
    %get3A_300 = vector.load %arg24[%get3A_298, %get3A_299] : memref<1x128xf32, #tpu.memory_space<vmem>>, vector<1x128xf32>
    %get3A_301 = arith.constant 0 : index
    %get3A_302 = arith.constant 0 : index
    %get3A_303 = vector.load %arg25[%get3A_301, %get3A_302] : memref<1x128xf32, #tpu.memory_space<vmem>>, vector<1x128xf32>
    %reduce_sum3A_304 = arith.constant dense<0.000000e+00> : vector<2000xf32>
    %reduce_sum3A_305 = vector.multi_reduction <add>, %add3A_297, %reduce_sum3A_304 [1] : vector<2000x128xf32> to vector<2000xf32>
    %broadcast_in_dim3A_306 = vector.shape_cast %reduce_sum3A_305 : vector<2000xf32> to vector<2000x1xf32>
    %div3A_307 = arith.constant 1.280000e+02 : f32
    %div3A_308 = vector.broadcast %div3A_307 : f32 to vector<2000x1xf32>
    %div3A_309 = arith.divf %broadcast_in_dim3A_306, %div3A_308 : vector<2000x1xf32>
    %sub3A_310 = vector.broadcast %div3A_309 : vector<2000x1xf32> to vector<2000x128xf32>
    %sub3A_311 = arith.subf %add3A_297, %sub3A_310 : vector<2000x128xf32>
    %integer_pow3A_312 = arith.mulf %sub3A_311, %sub3A_311 : vector<2000x128xf32>
    %reduce_sum3A_313 = arith.constant dense<0.000000e+00> : vector<2000xf32>
    %reduce_sum3A_314 = vector.multi_reduction <add>, %integer_pow3A_312, %reduce_sum3A_313 [1] : vector<2000x128xf32> to vector<2000xf32>
    %broadcast_in_dim3A_315 = vector.shape_cast %reduce_sum3A_314 : vector<2000xf32> to vector<2000x1xf32>
    %div3A_316 = arith.constant 1.280000e+02 : f32
    %div3A_317 = vector.broadcast %div3A_316 : f32 to vector<2000x1xf32>
    %div3A_318 = arith.divf %broadcast_in_dim3A_315, %div3A_317 : vector<2000x1xf32>
    %sub3A_319 = vector.broadcast %div3A_309 : vector<2000x1xf32> to vector<2000x128xf32>
    %sub3A_320 = arith.subf %add3A_297, %sub3A_319 : vector<2000x128xf32>
    %add3A_321 = arith.constant 9.99999974E-6 : f32
    %add3A_322 = vector.broadcast %add3A_321 : f32 to vector<2000x1xf32>
    %add3A_323 = arith.addf %div3A_318, %add3A_322 : vector<2000x1xf32>
    %sqrt3A_324 = math.sqrt %add3A_323 : vector<2000x1xf32>
    %div3A_325 = vector.broadcast %sqrt3A_324 : vector<2000x1xf32> to vector<2000x128xf32>
    %div3A_326 = arith.divf %sub3A_320, %div3A_325 : vector<2000x128xf32>
    %mul3A_327 = vector.broadcast %get3A_300 : vector<1x128xf32> to vector<2000x128xf32>
    %mul3A_328 = arith.mulf %div3A_326, %mul3A_327 : vector<2000x128xf32>
    %add3A_329 = vector.broadcast %get3A_303 : vector<1x128xf32> to vector<2000x128xf32>
    %add3A_330 = arith.addf %mul3A_328, %add3A_329 : vector<2000x128xf32>
    %max3A_331 = arith.constant 0.000000e+00 : f32
    %max3A_332 = vector.broadcast %max3A_331 : f32 to vector<2000x128xf32>
    %max3A_333 = arith.maximumf %add3A_330, %max3A_332 : vector<2000x128xf32>
    %get3A_334 = arith.constant 0 : index
    %get3A_335 = arith.constant 0 : index
    %get3A_336 = vector.load %arg26[%get3A_334, %get3A_335] : memref<128x128xf32, #tpu.memory_space<vmem>>, vector<128x128xf32>
    %dot_general3A_337 = arith.constant dense<0.000000e+00> : vector<2000x128xf32>
    %dot_general3A_338 = tpu.matmul %max3A_333, %get3A_336, %dot_general3A_337 {dimension_numbers = #tpu.dot_dimension_numbers<[1], [0], [0], [1], [0, 0, 1, 1], [], []>, transpose_lhs_hint = false} : vector<2000x128xf32>, vector<128x128xf32>, vector<2000x128xf32> -> vector<2000x128xf32>
    %get3A_339 = arith.constant 0 : index
    %get3A_340 = arith.constant 0 : index
    %get3A_341 = vector.load %arg27[%get3A_339, %get3A_340] : memref<1x128xf32, #tpu.memory_space<vmem>>, vector<1x128xf32>
    %add3A_342 = vector.broadcast %get3A_341 : vector<1x128xf32> to vector<2000x128xf32>
    %add3A_343 = arith.addf %dot_general3A_338, %add3A_342 : vector<2000x128xf32>
    %swap3A = arith.constant 0 : index
    %swap3A_344 = arith.constant 0 : index
    %swap3A_345 = vector.load %arg28[%swap3A, %swap3A_344] : memref<2000x128xf32, #tpu.memory_space<vmem>>, vector<2000x128xf32>
    tpu.vector_store %arg28[%swap3A, %swap3A_344], %add3A_343 {strides = array<i32>} : memref<2000x128xf32, #tpu.memory_space<vmem>>, vector<2000x128xf32>,
    return
  }
  func.func @transform_0(%arg0: i32) -> (i32, i32) {
    %c0_i32 = arith.constant 0 : i32
    %c0_i32_0 = arith.constant 0 : i32
    return %arg0, %c0_i32 : i32, i32
  }
  func.func @transform_1(%arg0: i32) -> (i32, i32, i32) {
    %c0_i32 = arith.constant 0 : i32
    %c0_i32_0 = arith.constant 0 : i32
    %c0_i32_1 = arith.constant 0 : i32
    return %c0_i32, %arg0, %c0_i32_0 : i32, i32, i32
  }
  func.func @transform_2(%arg0: i32) -> (i32, i32) {
    %c0_i32 = arith.constant 0 : i32
    %c0_i32_0 = arith.constant 0 : i32
    return %arg0, %c0_i32 : i32, i32
  }
  func.func @transform_3(%arg0: i32) -> (i32, i32) {
    %c0_i32 = arith.constant 0 : i32
    %c0_i32_0 = arith.constant 0 : i32
    return %arg0, %c0_i32 : i32, i32
  }
  func.func @transform_4(%arg0: i32) -> (i32, i32) {
    %c0_i32 = arith.constant 0 : i32
    %c0_i32_0 = arith.constant 0 : i32
    return %arg0, %c0_i32 : i32, i32
  }
  func.func @transform_5(%arg0: i32) -> (i32, i32) {
    %c0_i32 = arith.constant 0 : i32
    %c0_i32_0 = arith.constant 0 : i32
    return %arg0, %c0_i32 : i32, i32
  }
  func.func @transform_6(%arg0: i32) -> (i32, i32) {
    %c0_i32 = arith.constant 0 : i32
    %c0_i32_0 = arith.constant 0 : i32
    return %arg0, %c0_i32 : i32, i32
  }
  func.func @transform_7(%arg0: i32) -> (i32, i32) {
    %c0_i32 = arith.constant 0 : i32
    %c0_i32_0 = arith.constant 0 : i32
    return %arg0, %c0_i32 : i32, i32
  }
  func.func @transform_8(%arg0: i32) -> (i32, i32) {
    %c0_i32 = arith.constant 0 : i32
    %c0_i32_0 = arith.constant 0 : i32
    return %arg0, %c0_i32 : i32, i32
  }
  func.func @transform_9(%arg0: i32) -> (i32, i32) {
    %c0_i32 = arith.constant 0 : i32
    %c0_i32_0 = arith.constant 0 : i32
    %c0_i32_1 = arith.constant 0 : i32
    return %c0_i32, %c0_i32_0 : i32, i32
  }
  func.func @transform_10(%arg0: i32) -> (i32, i32) {
    %c0_i32 = arith.constant 0 : i32
    %c0_i32_0 = arith.constant 0 : i32
    %c0_i32_1 = arith.constant 0 : i32
    return %c0_i32, %c0_i32_0 : i32, i32
  }
  func.func @transform_11(%arg0: i32) -> (i32, i32) {
    %c0_i32 = arith.constant 0 : i32
    %c0_i32_0 = arith.constant 0 : i32
    %c0_i32_1 = arith.constant 0 : i32
    return %c0_i32, %c0_i32_0 : i32, i32
  }
  func.func @transform_12(%arg0: i32) -> (i32, i32) {
    %c0_i32 = arith.constant 0 : i32
    %c0_i32_0 = arith.constant 0 : i32
    %c0_i32_1 = arith.constant 0 : i32
    return %c0_i32, %c0_i32_0 : i32, i32
  }
  func.func @transform_13(%arg0: i32) -> (i32, i32) {
    %c0_i32 = arith.constant 0 : i32
    %c0_i32_0 = arith.constant 0 : i32
    %c0_i32_1 = arith.constant 0 : i32
    return %c0_i32, %c0_i32_0 : i32, i32
  }
  func.func @transform_14(%arg0: i32) -> (i32, i32) {
    %c0_i32 = arith.constant 0 : i32
    %c0_i32_0 = arith.constant 0 : i32
    %c0_i32_1 = arith.constant 0 : i32
    return %c0_i32, %c0_i32_0 : i32, i32
  }
  func.func @transform_15(%arg0: i32) -> (i32, i32) {
    %c0_i32 = arith.constant 0 : i32
    %c0_i32_0 = arith.constant 0 : i32
    %c0_i32_1 = arith.constant 0 : i32
    return %c0_i32, %c0_i32_0 : i32, i32
  }
  func.func @transform_16(%arg0: i32) -> (i32, i32) {
    %c0_i32 = arith.constant 0 : i32
    %c0_i32_0 = arith.constant 0 : i32
    %c0_i32_1 = arith.constant 0 : i32
    return %c0_i32, %c0_i32_0 : i32, i32
  }
  func.func @transform_17(%arg0: i32) -> (i32, i32) {
    %c0_i32 = arith.constant 0 : i32
    %c0_i32_0 = arith.constant 0 : i32
    %c0_i32_1 = arith.constant 0 : i32
    return %c0_i32, %c0_i32_0 : i32, i32
  }
  func.func @transform_18(%arg0: i32) -> (i32, i32) {
    %c0_i32 = arith.constant 0 : i32
    %c0_i32_0 = arith.constant 0 : i32
    %c0_i32_1 = arith.constant 0 : i32
    return %c0_i32, %c0_i32_0 : i32, i32
  }
  func.func @transform_19(%arg0: i32) -> (i32, i32) {
    %c0_i32 = arith.constant 0 : i32
    %c0_i32_0 = arith.constant 0 : i32
    %c0_i32_1 = arith.constant 0 : i32
    return %c0_i32, %c0_i32_0 : i32, i32
  }
  func.func @transform_20(%arg0: i32) -> (i32, i32) {
    %c0_i32 = arith.constant 0 : i32
    %c0_i32_0 = arith.constant 0 : i32
    %c0_i32_1 = arith.constant 0 : i32
    return %c0_i32, %c0_i32_0 : i32, i32
  }
  func.func @transform_21(%arg0: i32) -> (i32, i32) {
    %c0_i32 = arith.constant 0 : i32
    %c0_i32_0 = arith.constant 0 : i32
    %c0_i32_1 = arith.constant 0 : i32
    return %c0_i32, %c0_i32_0 : i32, i32
  }
  func.func @transform_22(%arg0: i32) -> (i32, i32) {
    %c0_i32 = arith.constant 0 : i32
    %c0_i32_0 = arith.constant 0 : i32
    %c0_i32_1 = arith.constant 0 : i32
    return %c0_i32, %c0_i32_0 : i32, i32
  }
  func.func @transform_23(%arg0: i32) -> (i32, i32) {
    %c0_i32 = arith.constant 0 : i32
    %c0_i32_0 = arith.constant 0 : i32
    %c0_i32_1 = arith.constant 0 : i32
    return %c0_i32, %c0_i32_0 : i32, i32
  }
  func.func @transform_24(%arg0: i32) -> (i32, i32) {
    %c0_i32 = arith.constant 0 : i32
    %c0_i32_0 = arith.constant 0 : i32
    %c0_i32_1 = arith.constant 0 : i32
    return %c0_i32, %c0_i32_0 : i32, i32
  }
  func.func @transform_25(%arg0: i32) -> (i32, i32) {
    %c0_i32 = arith.constant 0 : i32
    %c0_i32_0 = arith.constant 0 : i32
    %c0_i32_1 = arith.constant 0 : i32
    return %c0_i32, %c0_i32_0 : i32, i32
  }
  func.func @transform_26(%arg0: i32) -> (i32, i32) {
    %c0_i32 = arith.constant 0 : i32
    %c0_i32_0 = arith.constant 0 : i32
    %c0_i32_1 = arith.constant 0 : i32
    return %c0_i32, %c0_i32_0 : i32, i32
  }
  func.func @transform_27(%arg0: i32) -> (i32, i32) {
    %c0_i32 = arith.constant 0 : i32
    %c0_i32_0 = arith.constant 0 : i32
    return %arg0, %c0_i32 : i32, i32
  }
}

</mosaic_0001>

<sc_bundles>
// kernel: kernel.12.cloned.1.call-start
scs
__scs_entry_jumppad:
0x0: {  	(pc) =	sbr.rel $0x88, $3  }
0x1: {  	(tag) =	ssettag $0x0;
	lr =	simm.s32 $0x1  }
0x2: {  	[smem:$0x3F86] =	sst lr;
	_ =	strace $0xD0000000  }
0x3: {  	_ = 	snop  }
0x4: {  	_ = 	snop  }
0x5: {  	_ = 	snop  }
0x6: {  	_ = 	snop  }
0x7: {  	_ = 	snop  }
__scs_overlays_trampoline_lowered:
0x8: {  	[smem:$0x3F95] =	sst s0  }
0x9: {  	[smem:$0x3F96] =	sst s1  }
0xa: {  	[smem:$0x3F97] =	sst s2  }
0xb: {  	[smem:$0x3F98] =	sst s3  }
0xc: {  	[smem:$0x3F99] =	sst s4  }
0xd: {  	[smem:$0x3F9A] =	sst s5  }
0xe: {  	[smem:$0x3F9B] =	sst s6  }
0xf: {  	[smem:$0x3F9C] =	sst s7  }
0x10: {  	[smem:$0x3F9D] =	sst s8  }
0x11: {  	[smem:$0x3F9E] =	sst s9;
	s0 =	simm.s32 @!p0 $0x0  }
0x12: {  	s1 =	sld [smem:$0x3F84];
	s0 =	simm.s32 @p0 $0x1  }
0x13: {  	[smem:$0x3F9F] =	sst s0;
	s0 =	simm.s32 @!p1 $0x0  }
0x14: {  	s2 =	sld [smem:$0x3F83];
	s0 =	simm.s32 @p1 $0x1  }
0x15: {  	[smem:$0x3FA0] =	sst s0;
	s0 =	simm.s32 @!p2 $0x0  }
0x16: {  	s3 =	sld [smem:$0x3FDB];
	s0 =	simm.s32 @p2 $0x1  }
0x17: {  	s4 =	simm.s32 $0x1BF5;
	[smem:$0x3FA2] =	sst s0  }
0x18: {  	s0 =	sld [smem:$0x3F85];
	_ =	swait.ge [sflag:s4], $0x0  }
0x19: {  	s7 =	sld [smem:$0x3F86]  }
0x1a: {  	s8 =	sadd.s32 $0xFFFFE003, lr  }
0x1b: {  	s9 =	sadd.s32 $0xFFFFFEF7, lr;
	s5 =	simm.s32 $0xFFFFFFFF;
	p2 =	slt.u32 s8, $0xFFFFF086  }
0x1c: {  	p1 =	slt.u32 s9, $0xF7A;
	s5 =	simm.s32 @!p2 $0x0  }
0x1d: {  	s5 =	simm.s32 @p1 $0x1;
	p0 =	seq.s32 s7, s2  }
0x1e: {  	s7 =	smul.u32 @!p0 $0xF7A, s2;
	p2 =	seq.s32 @!p0 s5, $0x0  }
0x1f: {  	s9 =	smul.u32 $0xF7A, s1;
	s8 =	simm.s32 @!p0 $0x1BF5;
	p2 =	por !p2, p0  }
0x20: {  	[sflag:s8] =	ssyncset.s32 @!p0 $0xFFFFF086;
	s6 =	sadd.s32 @!p0 s3, s7;
	s7 =	simm.s32 @!p0 $0x108  }
0x21: {  	s3 =	sadd.s32 s3, s9;
	s6 =	sadd.s32 @!p0 $0x88, s6;
	s7 =	simm.s32 @p2 $0x1082  }
0x22: {  	[simem:s7], [sflag:s8] =	dma.local @!p0 [hbm:s6], $0xF7A  }
0x23: {  	s9 =	sor.u32 $0xD0000000, s2;
	s6 =	simm.s32 $0x108;
	_ =	swait.ge @!p0 [sflag:s8], $0x0  }
0x24: {  	s3 =	sadd.s32 $0x88, s3;
	s6 =	simm.s32 @!p1 $0x1082;
	[sflag:s4] =	ssyncset.s32 $0xFFFFF086  }
0x25: {  	[simem:s6], [sflag:s4] =	dma.local [hbm:s3], $0xF7A  }
0x26: {  	[smem:$0x3F86] =	sst s1;
	(tag) =	ssettag s2;
	_ =	strace s9  }
0x27: {  	s1 =	sld [smem:$0x3F96]  }
0x28: {  	s2 =	sld [smem:$0x3F97]  }
0x29: {  	s4 =	sld [smem:$0x3F99]  }
0x2a: {  	p0 =	seq.s32 s5, $0x0;
	s5 =	sld [smem:$0x3F9A]  }
0x2b: {  	s6 =	sld [smem:$0x3F9B]  }
0x2c: {  	s7 =	sld [smem:$0x3F9C]  }
0x2d: {  	s3 =	simm.s32 $0x108;
	s8 =	sld [smem:$0x3F9D]  }
0x2e: {  	s3 =	simm.s32 @!p0 $0x1082;
	s9 =	sld [smem:$0x3F9E]  }
0x2f: {  	lr =	sadd.s32 s0, s3;
	s0 =	sld [smem:$0x3F95]  }
0x30: {  	s3 =	sld [smem:$0x3F98]  }
0x31: {  	[smem:$0x3FA1] =	sst s10  }
0x32: {  	s10 =	sld [smem:$0x3F9F];
	_ =	sdelay $0x3  }
0x33: {  	p0 =	seq.s32 s10, $0x1;
	s10 =	sld [smem:$0x3FA1];
	_ =	sdelay $0x3  }
0x34: {  	[smem:$0x3FA1] =	sst s10  }
0x35: {  	s10 =	sld [smem:$0x3FA0];
	_ =	sdelay $0x3  }
0x36: {  	p1 =	seq.s32 s10, $0x1;
	s10 =	sld [smem:$0x3FA1];
	_ =	sdelay $0x3  }
0x37: {  	[smem:$0x3FA1] =	sst s10  }
0x38: {  	s10 =	sld [smem:$0x3FA2]  }
0x39: {  	_ = 	snop;
	(pc) =	sbr.ind lr, $3  }
0x3a: {  	_ = 	snop  }
0x3b: {  	_ = 	snop  }
0x3c: {  	p2 =	seq.s32 s10, $0x1;
	s10 =	sld [smem:$0x3FA1]  }
0x3d: {  	_ =	shalt  }
0x3e: {  	_ =	shalt  }
0x3f: {  	_ =	shalt  }
0x40: {  	_ =	shalt  }
0x41: {  	_ =	shalt  }
0x42: {  	_ =	shalt  }
0x43: {  	_ =	shalt  }
0x44: {  	_ =	shalt  }
0x45: {  	_ =	shalt  }
0x46: {  	_ =	shalt  }
0x47: {  	_ =	shalt  }
0x48: {  	_ =	shalt  }
0x49: {  	_ =	shalt  }
0x4a: {  	_ =	shalt  }
0x4b: {  	_ =	shalt  }
0x4c: {  	_ =	shalt  }
0x4d: {  	_ =	shalt  }
0x4e: {  	_ =	shalt  }
0x4f: {  	_ =	shalt  }
0x50: {  	_ =	shalt  }
0x51: {  	_ =	shalt  }
0x52: {  	_ =	shalt  }
0x53: {  	_ =	shalt  }
0x54: {  	_ =	shalt  }
0x55: {  	_ =	shalt  }
0x56: {  	_ =	shalt  }
0x57: {  	_ =	shalt  }
0x58: {  	_ =	shalt  }
0x59: {  	_ =	shalt  }
0x5a: {  	_ =	shalt  }
0x5b: {  	_ =	shalt  }
0x5c: {  	_ =	shalt  }
0x5d: {  	_ =	shalt  }
0x5e: {  	_ =	shalt  }
0x5f: {  	_ =	shalt  }
0x60: {  	_ =	shalt  }
0x61: {  	_ =	shalt  }
0x62: {  	_ =	shalt  }
0x63: {  	_ =	shalt  }
0x64: {  	_ =	shalt  }
0x65: {  	_ =	shalt  }
0x66: {  	_ =	shalt  }
0x67: {  	_ =	shalt  }
0x68: {  	_ =	shalt  }
0x69: {  	_ =	shalt  }
0x6a: {  	_ =	shalt  }
0x6b: {  	_ =	shalt  }
0x6c: {  	_ =	shalt  }
0x6d: {  	_ =	shalt  }
0x6e: {  	_ =	shalt  }
0x6f: {  	_ =	shalt  }
0x70: {  	_ =	shalt  }
0x71: {  	_ =	shalt  }
0x72: {  	_ =	shalt  }
0x73: {  	_ =	shalt  }
0x74: {  	_ =	shalt  }
0x75: {  	_ =	shalt  }
0x76: {  	_ =	shalt  }
0x77: {  	_ =	shalt  }
0x78: {  	_ =	shalt  }
0x79: {  	_ =	shalt  }
0x7a: {  	_ =	shalt  }
0x7b: {  	_ =	shalt  }
0x7c: {  	_ =	shalt  }
0x7d: {  	_ =	shalt  }
0x7e: {  	_ =	shalt  }
0x7f: {  	_ =	shalt  }
0x80: {  	_ =	shalt  }
0x81: {  	_ =	shalt  }
0x82: {  	_ =	shalt  }
0x83: {  	_ =	shalt  }
0x84: {  	_ =	shalt  }
0x85: {  	_ =	shalt  }
0x86: {  	_ =	shalt  }
0x87: {  	_ =	shalt  }
.Lfunc_end0:
.L_simem_size_0:
called_computation_lowered:
.L_overlay_start_0:
0x88: {  	s2 =	sld [smem:$0x3FD9]  }
0x89: {  	s3 =	sld [smem:$0x3FFE];
	_ =	sdelay $0x1  }
0x8a: {  	s1 =	srdreg.scid  }
0x8b: {  	s0 =	sand.u32 $0x1, s1  }
0x8c: {  	s16 =	sshll.u32 s0, $0xA;
	s2 =	sadd.s32 s3, s2  }
0x8d: {  	s2 =	sadd.s32 s2, s16  }
0x8e: {  	[smem:$0x3FAD] =	sst s2  }
0x8f: {  	_ = 	snop  }
0x90: {  	(tm) =	ssettm $0x1  }
0x91: {  	s17 =	sld [smem:$0x3FFB];
	_ =	sdelay $0x3  }
0x92: {  	_ =	strace s17  }
0x93: {  	s2 =	sld [smem:$0x3FFC];
	_ =	sdelay $0x3  }
0x94: {  	_ =	strace s2  }
0x95: {  	s2 =	sld [smem:$0x3FFD];
	_ =	sdelay $0x3  }
0x96: {  	_ =	strace s2  }
0x97: {  	_ =	strace $0x8FFFFFFF  }
0x98: {  	s18 =	sld [smem:$0x3FDB];
	_ =	sdelay $0x1  }
0x99: {  	s19 =	simm.s32 $_scs_section_size  }
0x9a: {  	s4 =	simm.s32 $_size__tile_overlayer_lowered;
	s5 =	simm.s32 $_tile_overlayer_lowered  }
0x9b: {  	s22 =	simm.s32 $0x1BFF;
	s21 =	sshll.u32 s5, $0x1;
	s2 =	sadd.s32 s19, s18  }
0x9c: {  	s6 =	simm.s32 $0x0;
	s20 =	sshll.u32 s4, $0x1;
	s4 =	sadd.s32 s21, s2  }
0x9d: {  	[timem:s6], [sflag:s22] =	dma.local [hbm:s4], s20  }
0x9e: {  	_ =	swait.ge [sflag:s22], s20  }
0x9f: {  	s3 =	ssub.s32 $0x0, s20;
	[sflag:s22] =	ssyncset.done $0x0  }
0xa0: {  	[sflag:s22] =	ssyncadd.s32 s3;
	_ =	sdelay $0x1  }
0xa1: {  	s23 =	simm.s32 $0x1B8B  }
0xa2: {  	_ =	swait.ge [sflag:s23], $0x1  }
0xa3: {  	[sflag:s23] =	ssyncset.done $0x0  }
0xa4: {  	s25 =	simm.s32 $0x1B8E;
	s24 =	sld [smem:$0x3FFE];
	[sflag:s23] =	ssyncadd.s32 $0xFFFFFFFF  }
0xa5: {  	s26 =	simm.s32 $execute0_lowered;
	[smem:$0x3FD2] =	sst s25  }
0xa6: {  	s4 =	sshll.u32 s26, $0x1;
	_ =	strace $0x80000046;
	[dreg:$0x1] =	wrdreg $0xFFFFFFFF  }
0xa7: {  	s28 =	simm.s32 $_size_execute0_lowered;
	s2 =	sadd.s32 s2, s4;
	[dreg:$0x0] =	wrdreg $0x0  }
0xa8: {  	s4 =	sshll.u32 s28, $0x1;
	[dreg:$0x2] =	wrdreg s2  }
0xa9: {  	[dreg:$0x3] =	wrdreg s4  }
0xaa: {  	[dreg:$0x4] =	wrdreg $0xC0  }
0xab: {  	_ =	task [dreg:s6], $0x5FFFF  }
0xac: {  	[dreg:$0x1] =	wrdreg $0xFFFFFFFF  }
0xad: {  	[dreg:$0x0] =	wrdreg $0x60  }
0xae: {  	[dreg:$0x2] =	wrdreg s24  }
0xaf: {  	[dreg:$0x3] =	wrdreg $0x0  }
0xb0: {  	[dreg:$0x4] =	wrdreg $0x9  }
0xb1: {  	_ =	task.clear_ibuf [dreg:s6], $0x5FFFF;
	_ =	strace $0x90000046  }
0xb2: {  	s29 =	simm.s32 $0x9;
	_ =	strace $0x80000048  }
0xb3: {  	_ =	swait.ge [sflag:s29], $0x1  }
0xb4: {  	[sflag:s29] =	ssyncadd.s32 $0xFFFFFFFF  }
0xb5: {  	_ =	strace $0x90000048  }
0xb6: {  	_ =	sfence  }
0xb7: {  	s30 =	sld [smem:$0x0];
	_ =	sdelay $0x2  }
0xb8: {  	s31 =	sshll.u32 s1, $0xD;
	s1 =	sshrl.u32 s1, $0x2  }
0xb9: {  	s3 =	sand.u32 $0x4000, s31;
	s1 =	sadd.s32 s1, s30  }
0xba: {  	s0 =	sor.u32 s3, s0;
	s1 =	sshll.u32 s1, $0x11  }
0xbb: {  	s0 =	sor.u32 s1, s0  }
0xbc: {  	s0 =	sadd.s32 $0x8F2B, s0  }
0xbd: {  	[sflag:s0] =	ssyncadd.remote.s32 $0x1  }
0xbe: {  	_ =	sfence.sel $0xFFFF  }
0xbf: {  	[dreg:$0x0] =	wrdreg $0xFFFFFFFF;
	(pc) =	sbr.abs _section_cstart, $3  }
0xc0: {  	[dreg:$0x1] =	wrdreg $0xFFFFFFFF  }
0xc1: {  	_ =	task.clear_ibuf [dreg:s6], $0x2FFFF;
	_ =	strace $0x9FFFFFFF  }
0xc2: {  	(tm) =	ssettm $0x7FFFFFFF  }
0xc3: {  	_ =	shalt  }
tec
execute0_lowered:
.L_overlay_start_1:
0x0: {  	(tag) =	ssettag $0x1  }
0x1: {  	s5 =	rddreg [dreg:$0x0]  }
0x2: {  	s2 =	rddreg [dreg:$0x1]  }
0x3: {  	s0 =	rddreg [dreg:$0x2]  }
0x4: {  	s3 =	simm.s32 $0x0;
	s1 =	stileid.u32;
	s6 =	srdreg.scid  }
0x5: {  	s16 =	simm.s32 $0x80;
	s17 =	simm.s32 $0x16400;
	s18 =	simm.s32 $0x1A400  }
0x6: {  	s19 =	simm.s32 $0x1;
	s20 =	simm.s32 $0x2;
	s21 =	simm.s32 $0x14F80  }
0x7: {  	s22 =	simm.s32 $0x16300;
	s23 =	simm.s32 $0x16380;
	[smem:$0x7FF] =	sst s3  }
0x8: {  	s24 =	smul.u32 $0x2780, s1;
	s4 =	sadd.s32 $0x1AA00, s5;
	s9 =	sadd.s32 $0x10A00, s5  }
0x9: {  	s6 =	sand.u32 $0x1, s6;
	s10 =	sadd.s32 $0x6A00, s5;
	s12 =	smul.u32 $0x4F000, s1  }
0xa: {  	s14 =	sshll.u32 s1, $0x6;
	_ =	strace $0x80000047;
	s8 =	smul.u32 $0x27800, s6  }
0xb: {  	s11 =	ssub.s32 $0x2, s6;
	s6 =	sshll.u32 s6, $0x4;
	s7 =	sadd.s32 s24, s5  }
0xc: {  	s28 =	sshrl.u32 s11, $0x1;
	s6 =	sor.u32 s1, s6;
	s29 =	sshrl.u32 s12, $0x2  }
0xd: {  	s13 =	sadd.s32 s8, s5;
	s11 =	ssub.s32 s11, s28;
	s30 =	smul.u32 $0x2800, s6  }
0xe: {  	s12 =	sadd.s32 s29, s2;
	s15 =	smul.u32 $0x500, s6;
	s5 =	sadd.s32 $0x1A1400, s7  }
0xf: {  	s6 =	sor.u32 $0x1C03, s14;
	s25 =	sadd.s32 $0x1C8C00, s13;
	s11 =	smax.u32 s11, $0x1  }
0x10: {  	s12 =	sshrl.u32 s12, $0x3;
	s13 =	simm.s32 $0x3;
	s31 =	sshrl.u32 s30, $0x3  }
0x11: {  	s7 =	sadd.s32 s9, s15;
	s8 =	sadd.s32 s10, s15;
	s15 =	simm.s32 $0x15000  }
0x12: {  	s24 =	sadd.s32 s24, s25;
	s25 =	simm.s32 $0x0;
	s14 =	sadd.s32 $0x280, s31  }
0x13: {  	s9 =	sadd.s32 s9, s14;
	s10 =	sadd.s32 s10, s14;
	s14 =	simm.s32 $0x13C00  }
.LBB2_1:
0x14: {  	[spmem:s12], [sflag:s6] =	dma.local [hbm:s5], $0x2780  }
0x15: {  	_ =	swait.ge [sflag:s13], $0x2780  }
0x16: {  	[sflag:s13] =	ssyncset.done $0x0  }
0x17: {  	[sflag:s13] =	ssyncadd.s32 $0xFFFFD880  }
0x18: {  	[bflag:$0x0] =	sbarrier.arrive $0xFFFF  }
0x19: {  	[tilespmem:s14], [sflag:$0x3] =	stream.linear.gather [hbm4b:s7+s3], $0x1400, $0x38;
	[tilespmem:$0x1E400] =	vst v63  }
0x1a: {  	_ =	swait.ge [sflag:s13], $0x1400  }
0x1b: {  	[sflag:s13] =	ssyncset.done $0x0  }
0x1c: {  	[sflag:s13] =	ssyncadd.s32 $0xFFFFEC00  }
0x1d: {  	[tilespmem:s15], [sflag:$0x3] =	stream.linear.gather [hbm4b:s8+s3], $0x1400, $0x38;
	[tilespmem:$0x1E400] =	vst v63  }
0x1e: {  	_ =	swait.ge [sflag:s13], $0x1400  }
0x1f: {  	[sflag:s13] =	ssyncset.done $0x0  }
0x20: {  	[sflag:s13] =	ssyncadd.s32 $0xFFFFEC00  }
0x21: {  	[tilespmem:s17], [sflag:$0x1] =	stream.indirect.gather [hbm4b:s4+s16], $0x80, s14, s16, $0xb8;
	[tilespmem:$0x1E400] =	vst v63  }
0x22: {  	s26 =	simm.s32 $0x13C80  }
0x23: {  	[tilespmem:s18], [sflag:$0x2] =	stream.indirect.gather [hbm4b:s4+s16], $0x80, s26, s16, $0xb8;
	[tilespmem:$0x1E400] =	vst v63  }
0x24: {  	_ =	swait.ge [sflag:s19], $0x4000  }
0x25: {  	[sflag:s19] =	ssyncset.done $0x0  }
0x26: {  	s29 =	simm.s32 $0x15000;
	[sflag:s19] =	ssyncadd.s32 $0xFFFFC000  }
0x27: {  	[spmem:s2] =	stream.indirect.scatter.add.f32 [tilespmem:s17], [sflag:$0x3], $0x80, s29, s16, $0xb8;
	[tilespmem:$0x1E400] =	vst v63  }
0x28: {  	_ =	swait.ge [sflag:s13], $0x4000  }
0x29: {  	[sflag:s13] =	ssyncset.done $0x0  }
0x2a: {  	s30 =	simm.s32 $0x13D00;
	[sflag:s13] =	ssyncadd.s32 $0xFFFFC000  }
0x2b: {  	[tilespmem:s17], [sflag:$0x1] =	stream.indirect.gather [hbm4b:s4+s16], $0x80, s30, s16, $0xb8;
	[tilespmem:$0x1E400] =	vst v63  }
0x2c: {  	_ =	swait.ge [sflag:s20], $0x4000  }
0x2d: {  	[sflag:s20] =	ssyncset.done $0x0  }
0x2e: {  	s31 =	simm.s32 $0x15080;
	[sflag:s20] =	ssyncadd.s32 $0xFFFFC000  }
0x2f: {  	[spmem:s2] =	stream.indirect.scatter.add.f32 [tilespmem:s18], [sflag:$0x3], $0x80, s31, s16, $0xb8;
	[tilespmem:$0x1E400] =	vst v63  }
0x30: {  	_ =	swait.ge [sflag:s13], $0x4000  }
0x31: {  	s28 =	simm.s32 $0x800;
	s26 =	simm.s32 $0x100;
	[sflag:s13] =	ssyncset.done $0x0  }
.LBB2_2:
0x32: {  	s29 =	sadd.s32 $0x13C80, s26  }
0x33: {  	[sflag:s13] =	ssyncadd.s32 $0xFFFFC000;
	s30 =	smov.u32 s28;
	s31 =	sadd.s32 $0x400, s28  }
0x34: {  	[tilespmem:s18], [sflag:$0x2] =	stream.indirect.gather [hbm4b:s4+s16], $0x80, s29, s16, $0xb8;
	[tilespmem:$0x1E400] =	vst v63  }
0x35: {  	p0 =	sne.s32 s28, $0x4800;
	_ =	swait.ge [sflag:s19], $0x4000  }
0x36: {  	[sflag:s19] =	ssyncset.done $0x0  }
0x37: {  	s28 =	sadd.s32 $0x15000, s26;
	[sflag:s19] =	ssyncadd.s32 $0xFFFFC000  }
0x38: {  	[spmem:s2] =	stream.indirect.scatter.add.f32 [tilespmem:s17], [sflag:$0x3], $0x80, s28, s16, $0xb8;
	[tilespmem:$0x1E400] =	vst v63  }
0x39: {  	_ =	swait.ge [sflag:s13], $0x4000  }
0x3a: {  	[sflag:s13] =	ssyncset.done $0x0  }
0x3b: {  	s28 =	sadd.s32 $0x13D00, s26;
	[sflag:s13] =	ssyncadd.s32 $0xFFFFC000  }
0x3c: {  	[tilespmem:s17], [sflag:$0x1] =	stream.indirect.gather [hbm4b:s4+s16], $0x80, s28, s16, $0xb8;
	[tilespmem:$0x1E400] =	vst v63  }
0x3d: {  	_ =	swait.ge [sflag:s20], $0x4000  }
.Ltmp0:
0x3e: {  	[sflag:s20] =	ssyncset.done $0x0;
	(pc) =	sbr.rel @p0 .LBB2_2-.Ltmp0, $4  }
0x3f: {  	s26 =	sadd.s32 $0x15080, s26;
	[sflag:s20] =	ssyncadd.s32 $0xFFFFC000  }
0x40: {  	[spmem:s2] =	stream.indirect.scatter.add.f32 [tilespmem:s18], [sflag:$0x3], $0x80, s26, s16, $0xb8;
	[tilespmem:$0x1E400] =	vst v63  }
0x41: {  	_ =	swait.ge [sflag:s13], $0x4000  }
0x42: {  	s28 =	smov.u32 s31;
	s26 =	sshra.s32 s30, $0x2;
	[sflag:s13] =	ssyncset.done $0x0  }
0x43: {  	s28 =	sadd.s32 $0x13C80, s26;
	[sflag:s13] =	ssyncadd.s32 $0xFFFFC000  }
0x44: {  	[tilespmem:s18], [sflag:$0x2] =	stream.indirect.gather [hbm4b:s4+s16], $0x80, s28, s16, $0xb8;
	[tilespmem:$0x1E400] =	vst v63  }
0x45: {  	_ =	swait.ge [sflag:s19], $0x4000  }
0x46: {  	[sflag:s19] =	ssyncset.done $0x0  }
0x47: {  	s28 =	sadd.s32 $0x15000, s26;
	[sflag:s19] =	ssyncadd.s32 $0xFFFFC000  }
0x48: {  	[spmem:s2] =	stream.indirect.scatter.add.f32 [tilespmem:s17], [sflag:$0x3], $0x80, s28, s16, $0xb8;
	[tilespmem:$0x1E400] =	vst v63  }
0x49: {  	_ =	swait.ge [sflag:s13], $0x4000  }
0x4a: {  	[sflag:s13] =	ssyncset.done $0x0  }
0x4b: {  	s28 =	sadd.s32 $0x13D00, s26;
	[sflag:s13] =	ssyncadd.s32 $0xFFFFC000  }
0x4c: {  	[tilespmem:s17], [sflag:$0x1] =	stream.indirect.gather [hbm4b:s4+s16], $0x80, s28, s16, $0xb8;
	[tilespmem:$0x1E400] =	vst v63  }
0x4d: {  	_ =	swait.ge [sflag:s20], $0x4000  }
0x4e: {  	[sflag:s20] =	ssyncset.done $0x0  }
0x4f: {  	s29 =	sadd.s32 $0x15080, s26;
	[sflag:s20] =	ssyncadd.s32 $0xFFFFC000  }
0x50: {  	[spmem:s2] =	stream.indirect.scatter.add.f32 [tilespmem:s18], [sflag:$0x3], $0x80, s29, s16, $0xb8;
	[tilespmem:$0x1E400] =	vst v63  }
0x51: {  	_ =	swait.ge [sflag:s13], $0x4000  }
0x52: {  	[sflag:s13] =	ssyncset.done $0x0  }
0x53: {  	[sflag:s13] =	ssyncadd.s32 $0xFFFFC000  }
0x54: {  	[tilespmem:s18], [sflag:$0x2] =	stream.indirect.gather [hbm4b:s4+s16], $0x80, s21, s16, $0xb8;
	[tilespmem:$0x1E400] =	vst v63  }
0x55: {  	_ =	swait.ge [sflag:s19], $0x4000  }
0x56: {  	[sflag:s19] =	ssyncset.done $0x0  }
0x57: {  	[sflag:s19] =	ssyncadd.s32 $0xFFFFC000  }
0x58: {  	[spmem:s2] =	stream.indirect.scatter.add.f32 [tilespmem:s17], [sflag:$0x3], $0x80, s22, s16, $0xb8;
	[tilespmem:$0x1E400] =	vst v63  }
0x59: {  	_ =	swait.ge [sflag:s13], $0x4000  }
0x5a: {  	[sflag:s13] =	ssyncset.done $0x0  }
0x5b: {  	[sflag:s13] =	ssyncadd.s32 $0xFFFFC000  }
0x5c: {  	_ =	swait.ge [sflag:s20], $0x4000  }
0x5d: {  	[sflag:s20] =	ssyncset.done $0x0  }
0x5e: {  	[sflag:s20] =	ssyncadd.s32 $0xFFFFC000  }
0x5f: {  	[spmem:s2] =	stream.indirect.scatter.add.f32 [tilespmem:s18], [sflag:$0x3], $0x80, s23, s16, $0xb8;
	[tilespmem:$0x1E400] =	vst v63  }
0x60: {  	_ =	swait.ge [sflag:s13], $0x4000  }
0x61: {  	[sflag:s13] =	ssyncset.done $0x0  }
0x62: {  	s30 =	simm.s32 $0x0;
	[sflag:s13] =	ssyncadd.s32 $0xFFFFC000  }
0x63: {  	[tilespmem:s14], [sflag:$0x3] =	stream.linear.gather [hbm4b:s9+s30], $0x1400, $0x38;
	[tilespmem:$0x1E400] =	vst v63  }
0x64: {  	_ =	swait.ge [sflag:s13], $0x1400  }
0x65: {  	[sflag:s13] =	ssyncset.done $0x0  }
0x66: {  	[sflag:s13] =	ssyncadd.s32 $0xFFFFEC00  }
0x67: {  	[tilespmem:s15], [sflag:$0x3] =	stream.linear.gather [hbm4b:s10+s30], $0x1400, $0x38;
	[tilespmem:$0x1E400] =	vst v63  }
0x68: {  	_ =	swait.ge [sflag:s13], $0x1400  }
0x69: {  	[sflag:s13] =	ssyncset.done $0x0  }
0x6a: {  	[sflag:s13] =	ssyncadd.s32 $0xFFFFEC00  }
0x6b: {  	[tilespmem:s17], [sflag:$0x1] =	stream.indirect.gather [hbm4b:s4+s16], $0x80, s14, s16, $0xb8;
	[tilespmem:$0x1E400] =	vst v63  }
0x6c: {  	s31 =	simm.s32 $0x13C80  }
0x6d: {  	[tilespmem:s18], [sflag:$0x2] =	stream.indirect.gather [hbm4b:s4+s16], $0x80, s31, s16, $0xb8;
	[tilespmem:$0x1E400] =	vst v63  }
0x6e: {  	_ =	swait.ge [sflag:s19], $0x4000  }
0x6f: {  	[sflag:s19] =	ssyncset.done $0x0  }
0x70: {  	s29 =	simm.s32 $0x15000;
	[sflag:s19] =	ssyncadd.s32 $0xFFFFC000  }
0x71: {  	[spmem:s2] =	stream.indirect.scatter.add.f32 [tilespmem:s17], [sflag:$0x3], $0x80, s29, s16, $0xb8;
	[tilespmem:$0x1E400] =	vst v63  }
0x72: {  	_ =	swait.ge [sflag:s13], $0x4000  }
0x73: {  	[sflag:s13] =	ssyncset.done $0x0  }
0x74: {  	s30 =	simm.s32 $0x13D00;
	[sflag:s13] =	ssyncadd.s32 $0xFFFFC000  }
0x75: {  	[tilespmem:s17], [sflag:$0x1] =	stream.indirect.gather [hbm4b:s4+s16], $0x80, s30, s16, $0xb8;
	[tilespmem:$0x1E400] =	vst v63  }
0x76: {  	_ =	swait.ge [sflag:s20], $0x4000  }
0x77: {  	[sflag:s20] =	ssyncset.done $0x0  }
0x78: {  	s31 =	simm.s32 $0x15080;
	[sflag:s20] =	ssyncadd.s32 $0xFFFFC000  }
0x79: {  	[spmem:s2] =	stream.indirect.scatter.add.f32 [tilespmem:s18], [sflag:$0x3], $0x80, s31, s16, $0xb8;
	[tilespmem:$0x1E400] =	vst v63  }
0x7a: {  	_ =	swait.ge [sflag:s13], $0x4000  }
0x7b: {  	s26 =	simm.s32 $0x100;
	s28 =	simm.s32 $0x800;
	[sflag:s13] =	ssyncset.done $0x0  }
.LBB2_4:
0x7c: {  	s29 =	sadd.s32 $0x13C80, s26  }
0x7d: {  	[sflag:s13] =	ssyncadd.s32 $0xFFFFC000;
	s30 =	smov.u32 s28;
	s31 =	sadd.s32 $0x400, s28  }
0x7e: {  	[tilespmem:s18], [sflag:$0x2] =	stream.indirect.gather [hbm4b:s4+s16], $0x80, s29, s16, $0xb8;
	[tilespmem:$0x1E400] =	vst v63  }
0x7f: {  	p0 =	sne.s32 s28, $0x4800;
	_ =	swait.ge [sflag:s19], $0x4000  }
0x80: {  	[sflag:s19] =	ssyncset.done $0x0  }
0x81: {  	s28 =	sadd.s32 $0x15000, s26;
	[sflag:s19] =	ssyncadd.s32 $0xFFFFC000  }
0x82: {  	[spmem:s2] =	stream.indirect.scatter.add.f32 [tilespmem:s17], [sflag:$0x3], $0x80, s28, s16, $0xb8;
	[tilespmem:$0x1E400] =	vst v63  }
0x83: {  	_ =	swait.ge [sflag:s13], $0x4000  }
0x84: {  	[sflag:s13] =	ssyncset.done $0x0  }
0x85: {  	s28 =	sadd.s32 $0x13D00, s26;
	[sflag:s13] =	ssyncadd.s32 $0xFFFFC000  }
0x86: {  	[tilespmem:s17], [sflag:$0x1] =	stream.indirect.gather [hbm4b:s4+s16], $0x80, s28, s16, $0xb8;
	[tilespmem:$0x1E400] =	vst v63  }
0x87: {  	_ =	swait.ge [sflag:s20], $0x4000  }
.Ltmp1:
0x88: {  	[sflag:s20] =	ssyncset.done $0x0;
	(pc) =	sbr.rel @p0 .LBB2_4-.Ltmp1, $4  }
0x89: {  	s26 =	sadd.s32 $0x15080, s26;
	[sflag:s20] =	ssyncadd.s32 $0xFFFFC000  }
0x8a: {  	[spmem:s2] =	stream.indirect.scatter.add.f32 [tilespmem:s18], [sflag:$0x3], $0x80, s26, s16, $0xb8;
	[tilespmem:$0x1E400] =	vst v63  }
0x8b: {  	_ =	swait.ge [sflag:s13], $0x4000  }
0x8c: {  	s28 =	smov.u32 s31;
	s26 =	sshra.s32 s30, $0x2;
	[sflag:s13] =	ssyncset.done $0x0  }
0x8d: {  	s28 =	sadd.s32 $0x13C80, s26;
	[sflag:s13] =	ssyncadd.s32 $0xFFFFC000  }
0x8e: {  	[tilespmem:s18], [sflag:$0x2] =	stream.indirect.gather [hbm4b:s4+s16], $0x80, s28, s16, $0xb8;
	[tilespmem:$0x1E400] =	vst v63  }
0x8f: {  	_ =	swait.ge [sflag:s19], $0x4000  }
0x90: {  	[sflag:s19] =	ssyncset.done $0x0  }
0x91: {  	s29 =	sadd.s32 $0x15000, s26;
	[sflag:s19] =	ssyncadd.s32 $0xFFFFC000  }
0x92: {  	[spmem:s2] =	stream.indirect.scatter.add.f32 [tilespmem:s17], [sflag:$0x3], $0x80, s29, s16, $0xb8;
	[tilespmem:$0x1E400] =	vst v63  }
0x93: {  	_ =	swait.ge [sflag:s13], $0x4000  }
0x94: {  	[sflag:s13] =	ssyncset.done $0x0  }
0x95: {  	s30 =	sadd.s32 $0x13D00, s26;
	[sflag:s13] =	ssyncadd.s32 $0xFFFFC000  }
0x96: {  	[tilespmem:s17], [sflag:$0x1] =	stream.indirect.gather [hbm4b:s4+s16], $0x80, s30, s16, $0xb8;
	[tilespmem:$0x1E400] =	vst v63  }
0x97: {  	_ =	swait.ge [sflag:s20], $0x4000  }
0x98: {  	[sflag:s20] =	ssyncset.done $0x0  }
0x99: {  	s31 =	sadd.s32 $0x15080, s26;
	[sflag:s20] =	ssyncadd.s32 $0xFFFFC000  }
0x9a: {  	[spmem:s2] =	stream.indirect.scatter.add.f32 [tilespmem:s18], [sflag:$0x3], $0x80, s31, s16, $0xb8;
	[tilespmem:$0x1E400] =	vst v63  }
0x9b: {  	_ =	swait.ge [sflag:s13], $0x4000  }
0x9c: {  	[sflag:s13] =	ssyncset.done $0x0  }
0x9d: {  	[sflag:s13] =	ssyncadd.s32 $0xFFFFC000  }
0x9e: {  	[tilespmem:s18], [sflag:$0x2] =	stream.indirect.gather [hbm4b:s4+s16], $0x80, s21, s16, $0xb8;
	[tilespmem:$0x1E400] =	vst v63  }
0x9f: {  	_ =	swait.ge [sflag:s19], $0x4000  }
0xa0: {  	[sflag:s19] =	ssyncset.done $0x0  }
0xa1: {  	[sflag:s19] =	ssyncadd.s32 $0xFFFFC000  }
0xa2: {  	[spmem:s2] =	stream.indirect.scatter.add.f32 [tilespmem:s17], [sflag:$0x3], $0x80, s22, s16, $0xb8;
	[tilespmem:$0x1E400] =	vst v63  }
0xa3: {  	_ =	swait.ge [sflag:s13], $0x4000  }
0xa4: {  	[sflag:s13] =	ssyncset.done $0x0  }
0xa5: {  	[sflag:s13] =	ssyncadd.s32 $0xFFFFC000  }
0xa6: {  	_ =	swait.ge [sflag:s20], $0x4000  }
0xa7: {  	[sflag:s20] =	ssyncset.done $0x0  }
0xa8: {  	[sflag:s20] =	ssyncadd.s32 $0xFFFFC000  }
0xa9: {  	[spmem:s2] =	stream.indirect.scatter.add.f32 [tilespmem:s18], [sflag:$0x3], $0x80, s23, s16, $0xb8;
	[tilespmem:$0x1E400] =	vst v63  }
0xaa: {  	_ =	swait.ge [sflag:s13], $0x4000  }
0xab: {  	s25 =	sadd.s32 $0x1, s25;
	[sflag:s13] =	ssyncset.done $0x0  }
0xac: {  	p0 =	sne.s32 s25, s11;
	[sflag:s13] =	ssyncadd.s32 $0xFFFFC000  }
.Ltmp2:
0xad: {  	[bflag:$0x0] =	sbarrier.arrive $0xFFFF;
	(pc) =	sbr.rel @p0 .LBB2_1-.Ltmp2, $4  }
0xae: {  	[hbm:s24], [sflag:s6] =	dma.local [spmem:s12], $0x2780  }
0xaf: {  	_ =	swait.ge [sflag:s13], $0x2780  }
0xb0: {  	[sflag:s13] =	ssyncset.done $0x0  }
0xb1: {  	[sflag:s13] =	ssyncadd.s32 $0xFFFFD880  }
0xb2: {  	_ =	sfence.sel $0x180000  }
0xb3: {  	[bflag:$0x0] =	sbarrier.arrive $0xFFFF  }
0xb4: {  	p0 =	sne.s32 s1, $0x0;
	_ =	strace $0x90000047  }
0xb5: {  	s0 =	sadd.s32 @!p0 $0x100000, s0;
	[bflag:$0x2] =	sbarrier.arrive $0xFFFF  }
0xb6: {  	[sflag:s0] =	ssyncadd.tile.s32 @!p0 $0x1;
	_ =	shalt  }
.Lfunc_end2:
_tile_overlayer_lowered:
.L_overlay_start_2:
0xb7: {  	(tag) =	ssettag $0x2  }
0xb8: {  	s0 =	rddreg [dreg:$0x0];
	s2 =	stileid.u32  }
0xb9: {  	s1 =	rddreg [dreg:$0x1];
	p0 =	sne.s32 s2, $0x0  }
0xba: {  	s3 =	rddreg [dreg:$0x2];
	[bflag:$0x3] =	sbarrier.arrive $0xFFFF;
	s2 =	simm.s32 @!p0 $0x1C03  }
0xbb: {  	[timem:s3], [sflag:s2] =	dma.local @!p0 [hbm:s0], s1  }
0xbc: {  	s0 =	simm.s32 @!p0 $0x3  }
0xbd: {  	_ =	swait.ge @!p0 [sflag:s0], s1  }
0xbe: {  	s1 =	ssub.s32 @!p0 $0x0, s1;
	[sflag:s0] =	ssyncset.done @!p0 $0x0  }
0xbf: {  	[sflag:s0] =	ssyncadd.s32 @!p0 s1  }
0xc0: {  	[bflag:$0x3] =	sbarrier.arrive $0xFFFF  }
0xc1: {  	_ =	shalt  }

// kernel: kernel.15.cloned.1.call-start
scs
__scs_entry_jumppad:
0x0: {  	(pc) =	sbr.rel $0x88, $3  }
0x1: {  	(tag) =	ssettag $0x0;
	lr =	simm.s32 $0x1  }
0x2: {  	[smem:$0x3F86] =	sst lr;
	_ =	strace $0xD0000000  }
0x3: {  	_ = 	snop  }
0x4: {  	_ = 	snop  }
0x5: {  	_ = 	snop  }
0x6: {  	_ = 	snop  }
0x7: {  	_ = 	snop  }
__scs_overlays_trampoline_lowered:
0x8: {  	[smem:$0x3F95] =	sst s0  }
0x9: {  	[smem:$0x3F96] =	sst s1  }
0xa: {  	[smem:$0x3F97] =	sst s2  }
0xb: {  	[smem:$0x3F98] =	sst s3  }
0xc: {  	[smem:$0x3F99] =	sst s4  }
0xd: {  	[smem:$0x3F9A] =	sst s5  }
0xe: {  	[smem:$0x3F9B] =	sst s6  }
0xf: {  	[smem:$0x3F9C] =	sst s7  }
0x10: {  	[smem:$0x3F9D] =	sst s8  }
0x11: {  	[smem:$0x3F9E] =	sst s9;
	s0 =	simm.s32 @!p0 $0x0  }
0x12: {  	s1 =	sld [smem:$0x3F84];
	s0 =	simm.s32 @p0 $0x1  }
0x13: {  	[smem:$0x3F9F] =	sst s0;
	s0 =	simm.s32 @!p1 $0x0  }
0x14: {  	s2 =	sld [smem:$0x3F83];
	s0 =	simm.s32 @p1 $0x1  }
0x15: {  	[smem:$0x3FA0] =	sst s0;
	s0 =	simm.s32 @!p2 $0x0  }
0x16: {  	s3 =	sld [smem:$0x3FDB];
	s0 =	simm.s32 @p2 $0x1  }
0x17: {  	s4 =	simm.s32 $0x1BF5;
	[smem:$0x3FA2] =	sst s0  }
0x18: {  	s0 =	sld [smem:$0x3F85];
	_ =	swait.ge [sflag:s4], $0x0  }
0x19: {  	s7 =	sld [smem:$0x3F86]  }
0x1a: {  	s8 =	sadd.s32 $0xFFFFE003, lr  }
0x1b: {  	s9 =	sadd.s32 $0xFFFFFEF7, lr;
	s5 =	simm.s32 $0xFFFFFFFF;
	p2 =	slt.u32 s8, $0xFFFFF086  }
0x1c: {  	p1 =	slt.u32 s9, $0xF7A;
	s5 =	simm.s32 @!p2 $0x0  }
0x1d: {  	s5 =	simm.s32 @p1 $0x1;
	p0 =	seq.s32 s7, s2  }
0x1e: {  	s7 =	smul.u32 @!p0 $0xF7A, s2;
	p2 =	seq.s32 @!p0 s5, $0x0  }
0x1f: {  	s9 =	smul.u32 $0xF7A, s1;
	s8 =	simm.s32 @!p0 $0x1BF5;
	p2 =	por !p2, p0  }
0x20: {  	[sflag:s8] =	ssyncset.s32 @!p0 $0xFFFFF086;
	s6 =	sadd.s32 @!p0 s3, s7;
	s7 =	simm.s32 @!p0 $0x108  }
0x21: {  	s3 =	sadd.s32 s3, s9;
	s6 =	sadd.s32 @!p0 $0x88, s6;
	s7 =	simm.s32 @p2 $0x1082  }
0x22: {  	[simem:s7], [sflag:s8] =	dma.local @!p0 [hbm:s6], $0xF7A  }
0x23: {  	s9 =	sor.u32 $0xD0000000, s2;
	s6 =	simm.s32 $0x108;
	_ =	swait.ge @!p0 [sflag:s8], $0x0  }
0x24: {  	s3 =	sadd.s32 $0x88, s3;
	s6 =	simm.s32 @!p1 $0x1082;
	[sflag:s4] =	ssyncset.s32 $0xFFFFF086  }
0x25: {  	[simem:s6], [sflag:s4] =	dma.local [hbm:s3], $0xF7A  }
0x26: {  	[smem:$0x3F86] =	sst s1;
	(tag) =	ssettag s2;
	_ =	strace s9  }
0x27: {  	s1 =	sld [smem:$0x3F96]  }
0x28: {  	s2 =	sld [smem:$0x3F97]  }
0x29: {  	s4 =	sld [smem:$0x3F99]  }
0x2a: {  	p0 =	seq.s32 s5, $0x0;
	s5 =	sld [smem:$0x3F9A]  }
0x2b: {  	s6 =	sld [smem:$0x3F9B]  }
0x2c: {  	s7 =	sld [smem:$0x3F9C]  }
0x2d: {  	s3 =	simm.s32 $0x108;
	s8 =	sld [smem:$0x3F9D]  }
0x2e: {  	s3 =	simm.s32 @!p0 $0x1082;
	s9 =	sld [smem:$0x3F9E]  }
0x2f: {  	lr =	sadd.s32 s0, s3;
	s0 =	sld [smem:$0x3F95]  }
0x30: {  	s3 =	sld [smem:$0x3F98]  }
0x31: {  	[smem:$0x3FA1] =	sst s10  }
0x32: {  	s10 =	sld [smem:$0x3F9F];
	_ =	sdelay $0x3  }
0x33: {  	p0 =	seq.s32 s10, $0x1;
	s10 =	sld [smem:$0x3FA1];
	_ =	sdelay $0x3  }
0x34: {  	[smem:$0x3FA1] =	sst s10  }
0x35: {  	s10 =	sld [smem:$0x3FA0];
	_ =	sdelay $0x3  }
0x36: {  	p1 =	seq.s32 s10, $0x1;
	s10 =	sld [smem:$0x3FA1];
	_ =	sdelay $0x3  }
0x37: {  	[smem:$0x3FA1] =	sst s10  }
0x38: {  	s10 =	sld [smem:$0x3FA2]  }
0x39: {  	_ = 	snop;
	(pc) =	sbr.ind lr, $3  }
0x3a: {  	_ = 	snop  }
0x3b: {  	_ = 	snop  }
0x3c: {  	p2 =	seq.s32 s10, $0x1;
	s10 =	sld [smem:$0x3FA1]  }
0x3d: {  	_ =	shalt  }
0x3e: {  	_ =	shalt  }
0x3f: {  	_ =	shalt  }
0x40: {  	_ =	shalt  }
0x41: {  	_ =	shalt  }
0x42: {  	_ =	shalt  }
0x43: {  	_ =	shalt  }
0x44: {  	_ =	shalt  }
0x45: {  	_ =	shalt  }
0x46: {  	_ =	shalt  }
0x47: {  	_ =	shalt  }
0x48: {  	_ =	shalt  }
0x49: {  	_ =	shalt  }
0x4a: {  	_ =	shalt  }
0x4b: {  	_ =	shalt  }
0x4c: {  	_ =	shalt  }
0x4d: {  	_ =	shalt  }
0x4e: {  	_ =	shalt  }
0x4f: {  	_ =	shalt  }
0x50: {  	_ =	shalt  }
0x51: {  	_ =	shalt  }
0x52: {  	_ =	shalt  }
0x53: {  	_ =	shalt  }
0x54: {  	_ =	shalt  }
0x55: {  	_ =	shalt  }
0x56: {  	_ =	shalt  }
0x57: {  	_ =	shalt  }
0x58: {  	_ =	shalt  }
0x59: {  	_ =	shalt  }
0x5a: {  	_ =	shalt  }
0x5b: {  	_ =	shalt  }
0x5c: {  	_ =	shalt  }
0x5d: {  	_ =	shalt  }
0x5e: {  	_ =	shalt  }
0x5f: {  	_ =	shalt  }
0x60: {  	_ =	shalt  }
0x61: {  	_ =	shalt  }
0x62: {  	_ =	shalt  }
0x63: {  	_ =	shalt  }
0x64: {  	_ =	shalt  }
0x65: {  	_ =	shalt  }
0x66: {  	_ =	shalt  }
0x67: {  	_ =	shalt  }
0x68: {  	_ =	shalt  }
0x69: {  	_ =	shalt  }
0x6a: {  	_ =	shalt  }
0x6b: {  	_ =	shalt  }
0x6c: {  	_ =	shalt  }
0x6d: {  	_ =	shalt  }
0x6e: {  	_ =	shalt  }
0x6f: {  	_ =	shalt  }
0x70: {  	_ =	shalt  }
0x71: {  	_ =	shalt  }
0x72: {  	_ =	shalt  }
0x73: {  	_ =	shalt  }
0x74: {  	_ =	shalt  }
0x75: {  	_ =	shalt  }
0x76: {  	_ =	shalt  }
0x77: {  	_ =	shalt  }
0x78: {  	_ =	shalt  }
0x79: {  	_ =	shalt  }
0x7a: {  	_ =	shalt  }
0x7b: {  	_ =	shalt  }
0x7c: {  	_ =	shalt  }
0x7d: {  	_ =	shalt  }
0x7e: {  	_ =	shalt  }
0x7f: {  	_ =	shalt  }
0x80: {  	_ =	shalt  }
0x81: {  	_ =	shalt  }
0x82: {  	_ =	shalt  }
0x83: {  	_ =	shalt  }
0x84: {  	_ =	shalt  }
0x85: {  	_ =	shalt  }
0x86: {  	_ =	shalt  }
0x87: {  	_ =	shalt  }
.Lfunc_end0:
.L_simem_size_0:
called_computation.1_lowered:
.L_overlay_start_0:
0x88: {  	s2 =	sld [smem:$0x3FD9]  }
0x89: {  	s3 =	sld [smem:$0x3FFE];
	_ =	sdelay $0x1  }
0x8a: {  	s1 =	srdreg.scid  }
0x8b: {  	s0 =	sand.u32 $0x1, s1  }
0x8c: {  	s16 =	sshll.u32 s0, $0xA;
	s2 =	sadd.s32 s3, s2  }
0x8d: {  	s2 =	sadd.s32 s2, s16  }
0x8e: {  	[smem:$0x3FAD] =	sst s2  }
0x8f: {  	_ = 	snop  }
0x90: {  	(tm) =	ssettm $0x1  }
0x91: {  	s17 =	sld [smem:$0x3FFB];
	_ =	sdelay $0x3  }
0x92: {  	_ =	strace s17  }
0x93: {  	s2 =	sld [smem:$0x3FFC];
	_ =	sdelay $0x3  }
0x94: {  	_ =	strace s2  }
0x95: {  	s2 =	sld [smem:$0x3FFD];
	_ =	sdelay $0x3  }
0x96: {  	_ =	strace s2  }
0x97: {  	_ =	strace $0x8FFFFFFF  }
0x98: {  	s18 =	sld [smem:$0x3FDB];
	_ =	sdelay $0x1  }
0x99: {  	s19 =	simm.s32 $_scs_section_size  }
0x9a: {  	s4 =	simm.s32 $_size__tile_overlayer_lowered;
	s5 =	simm.s32 $_tile_overlayer_lowered  }
0x9b: {  	s22 =	simm.s32 $0x1BFF;
	s21 =	sshll.u32 s5, $0x1;
	s2 =	sadd.s32 s19, s18  }
0x9c: {  	s6 =	simm.s32 $0x0;
	s20 =	sshll.u32 s4, $0x1;
	s4 =	sadd.s32 s21, s2  }
0x9d: {  	[timem:s6], [sflag:s22] =	dma.local [hbm:s4], s20  }
0x9e: {  	_ =	swait.ge [sflag:s22], s20  }
0x9f: {  	s3 =	ssub.s32 $0x0, s20;
	[sflag:s22] =	ssyncset.done $0x0  }
0xa0: {  	[sflag:s22] =	ssyncadd.s32 s3;
	_ =	sdelay $0x1  }
0xa1: {  	s23 =	simm.s32 $0x1B8B  }
0xa2: {  	_ =	swait.ge [sflag:s23], $0x1  }
0xa3: {  	[sflag:s23] =	ssyncset.done $0x0  }
0xa4: {  	s25 =	simm.s32 $0x1B8E;
	s24 =	sld [smem:$0x3FFE];
	[sflag:s23] =	ssyncadd.s32 $0xFFFFFFFF  }
0xa5: {  	s26 =	simm.s32 $execute0_lowered;
	[smem:$0x3FD2] =	sst s25  }
0xa6: {  	s4 =	sshll.u32 s26, $0x1;
	_ =	strace $0x80000049;
	[dreg:$0x1] =	wrdreg $0xFFFFFFFF  }
0xa7: {  	s28 =	simm.s32 $_size_execute0_lowered;
	s2 =	sadd.s32 s2, s4;
	[dreg:$0x0] =	wrdreg $0x0  }
0xa8: {  	s4 =	sshll.u32 s28, $0x1;
	[dreg:$0x2] =	wrdreg s2  }
0xa9: {  	[dreg:$0x3] =	wrdreg s4  }
0xaa: {  	[dreg:$0x4] =	wrdreg $0xC0  }
0xab: {  	_ =	task [dreg:s6], $0x5FFFF  }
0xac: {  	[dreg:$0x1] =	wrdreg $0xFFFFFFFF  }
0xad: {  	[dreg:$0x0] =	wrdreg $0x60  }
0xae: {  	[dreg:$0x2] =	wrdreg s24  }
0xaf: {  	[dreg:$0x3] =	wrdreg $0x0  }
0xb0: {  	[dreg:$0x4] =	wrdreg $0x9  }
0xb1: {  	_ =	task.clear_ibuf [dreg:s6], $0x5FFFF;
	_ =	strace $0x90000049  }
0xb2: {  	s29 =	simm.s32 $0x9;
	_ =	strace $0x8000004B  }
0xb3: {  	_ =	swait.ge [sflag:s29], $0x1  }
0xb4: {  	[sflag:s29] =	ssyncadd.s32 $0xFFFFFFFF  }
0xb5: {  	_ =	strace $0x9000004B  }
0xb6: {  	_ =	sfence  }
0xb7: {  	s30 =	sld [smem:$0x0];
	_ =	sdelay $0x2  }
0xb8: {  	s31 =	sshll.u32 s1, $0xD;
	s1 =	sshrl.u32 s1, $0x2  }
0xb9: {  	s3 =	sand.u32 $0x4000, s31;
	s1 =	sadd.s32 s1, s30  }
0xba: {  	s0 =	sor.u32 s3, s0;
	s1 =	sshll.u32 s1, $0x11  }
0xbb: {  	s0 =	sor.u32 s1, s0  }
0xbc: {  	s0 =	sadd.s32 $0x8F2B, s0  }
0xbd: {  	[sflag:s0] =	ssyncadd.remote.s32 $0x1  }
0xbe: {  	_ =	sfence.sel $0xFFFF  }
0xbf: {  	[dreg:$0x0] =	wrdreg $0xFFFFFFFF;
	(pc) =	sbr.abs _section_cstart, $3  }
0xc0: {  	[dreg:$0x1] =	wrdreg $0xFFFFFFFF  }
0xc1: {  	_ =	task.clear_ibuf [dreg:s6], $0x2FFFF;
	_ =	strace $0x9FFFFFFF  }
0xc2: {  	(tm) =	ssettm $0x7FFFFFFF  }
0xc3: {  	_ =	shalt  }
tec
execute0_lowered:
.L_overlay_start_1:
0x0: {  	(tag) =	ssettag $0x1  }
0x1: {  	s5 =	rddreg [dreg:$0x0]  }
0x2: {  	s2 =	rddreg [dreg:$0x1]  }
0x3: {  	s0 =	rddreg [dreg:$0x2]  }
0x4: {  	s3 =	simm.s32 $0x0;
	s1 =	stileid.u32;
	s6 =	srdreg.scid  }
0x5: {  	s16 =	simm.s32 $0x80;
	s17 =	simm.s32 $0x16400;
	s18 =	simm.s32 $0x1A400  }
0x6: {  	s19 =	simm.s32 $0x1;
	s20 =	simm.s32 $0x2;
	s21 =	simm.s32 $0x14F80  }
0x7: {  	s22 =	simm.s32 $0x16300;
	s23 =	simm.s32 $0x16380;
	[smem:$0x7FF] =	sst s3  }
0x8: {  	s24 =	smul.u32 $0x2780, s1;
	s4 =	sadd.s32 $0x1AA00, s5;
	s9 =	sadd.s32 $0x10A00, s5  }
0x9: {  	s6 =	sand.u32 $0x1, s6;
	s10 =	sadd.s32 $0x6A00, s5;
	s12 =	smul.u32 $0x4F000, s1  }
0xa: {  	s14 =	sshll.u32 s1, $0x6;
	_ =	strace $0x8000004A;
	s8 =	smul.u32 $0x27800, s6  }
0xb: {  	s11 =	ssub.s32 $0x2, s6;
	s6 =	sshll.u32 s6, $0x4;
	s7 =	sadd.s32 s24, s5  }
0xc: {  	s28 =	sshrl.u32 s11, $0x1;
	s6 =	sor.u32 s1, s6;
	s29 =	sshrl.u32 s12, $0x2  }
0xd: {  	s13 =	sadd.s32 s8, s5;
	s11 =	ssub.s32 s11, s28;
	s30 =	smul.u32 $0x2800, s6  }
0xe: {  	s12 =	sadd.s32 s29, s2;
	s15 =	smul.u32 $0x500, s6;
	s5 =	sadd.s32 $0x1A1400, s7  }
0xf: {  	s6 =	sor.u32 $0x1C03, s14;
	s25 =	sadd.s32 $0x1C8C00, s13;
	s11 =	smax.u32 s11, $0x1  }
0x10: {  	s12 =	sshrl.u32 s12, $0x3;
	s13 =	simm.s32 $0x3;
	s31 =	sshrl.u32 s30, $0x3  }
0x11: {  	s7 =	sadd.s32 s9, s15;
	s8 =	sadd.s32 s10, s15;
	s15 =	simm.s32 $0x15000  }
0x12: {  	s24 =	sadd.s32 s24, s25;
	s25 =	simm.s32 $0x0;
	s14 =	sadd.s32 $0x280, s31  }
0x13: {  	s9 =	sadd.s32 s9, s14;
	s10 =	sadd.s32 s10, s14;
	s14 =	simm.s32 $0x13C00  }
.LBB2_1:
0x14: {  	[spmem:s12], [sflag:s6] =	dma.local [hbm:s5], $0x2780  }
0x15: {  	_ =	swait.ge [sflag:s13], $0x2780  }
0x16: {  	[sflag:s13] =	ssyncset.done $0x0  }
0x17: {  	[sflag:s13] =	ssyncadd.s32 $0xFFFFD880  }
0x18: {  	[bflag:$0x0] =	sbarrier.arrive $0xFFFF  }
0x19: {  	[tilespmem:s14], [sflag:$0x3] =	stream.linear.gather [hbm4b:s7+s3], $0x1400, $0x38;
	[tilespmem:$0x1E400] =	vst v63  }
0x1a: {  	_ =	swait.ge [sflag:s13], $0x1400  }
0x1b: {  	[sflag:s13] =	ssyncset.done $0x0  }
0x1c: {  	[sflag:s13] =	ssyncadd.s32 $0xFFFFEC00  }
0x1d: {  	[tilespmem:s15], [sflag:$0x3] =	stream.linear.gather [hbm4b:s8+s3], $0x1400, $0x38;
	[tilespmem:$0x1E400] =	vst v63  }
0x1e: {  	_ =	swait.ge [sflag:s13], $0x1400  }
0x1f: {  	[sflag:s13] =	ssyncset.done $0x0  }
0x20: {  	[sflag:s13] =	ssyncadd.s32 $0xFFFFEC00  }
0x21: {  	[tilespmem:s17], [sflag:$0x1] =	stream.indirect.gather [hbm4b:s4+s16], $0x80, s14, s16, $0xb8;
	[tilespmem:$0x1E400] =	vst v63  }
0x22: {  	s26 =	simm.s32 $0x13C80  }
0x23: {  	[tilespmem:s18], [sflag:$0x2] =	stream.indirect.gather [hbm4b:s4+s16], $0x80, s26, s16, $0xb8;
	[tilespmem:$0x1E400] =	vst v63  }
0x24: {  	_ =	swait.ge [sflag:s19], $0x4000  }
0x25: {  	[sflag:s19] =	ssyncset.done $0x0  }
0x26: {  	s29 =	simm.s32 $0x15000;
	[sflag:s19] =	ssyncadd.s32 $0xFFFFC000  }
0x27: {  	[spmem:s2] =	stream.indirect.scatter.add.f32 [tilespmem:s17], [sflag:$0x3], $0x80, s29, s16, $0xb8;
	[tilespmem:$0x1E400] =	vst v63  }
0x28: {  	_ =	swait.ge [sflag:s13], $0x4000  }
0x29: {  	[sflag:s13] =	ssyncset.done $0x0  }
0x2a: {  	s30 =	simm.s32 $0x13D00;
	[sflag:s13] =	ssyncadd.s32 $0xFFFFC000  }
0x2b: {  	[tilespmem:s17], [sflag:$0x1] =	stream.indirect.gather [hbm4b:s4+s16], $0x80, s30, s16, $0xb8;
	[tilespmem:$0x1E400] =	vst v63  }
0x2c: {  	_ =	swait.ge [sflag:s20], $0x4000  }
0x2d: {  	[sflag:s20] =	ssyncset.done $0x0  }
0x2e: {  	s31 =	simm.s32 $0x15080;
	[sflag:s20] =	ssyncadd.s32 $0xFFFFC000  }
0x2f: {  	[spmem:s2] =	stream.indirect.scatter.add.f32 [tilespmem:s18], [sflag:$0x3], $0x80, s31, s16, $0xb8;
	[tilespmem:$0x1E400] =	vst v63  }
0x30: {  	_ =	swait.ge [sflag:s13], $0x4000  }
0x31: {  	s28 =	simm.s32 $0x800;
	s26 =	simm.s32 $0x100;
	[sflag:s13] =	ssyncset.done $0x0  }
.LBB2_2:
0x32: {  	s29 =	sadd.s32 $0x13C80, s26  }
0x33: {  	[sflag:s13] =	ssyncadd.s32 $0xFFFFC000;
	s30 =	smov.u32 s28;
	s31 =	sadd.s32 $0x400, s28  }
0x34: {  	[tilespmem:s18], [sflag:$0x2] =	stream.indirect.gather [hbm4b:s4+s16], $0x80, s29, s16, $0xb8;
	[tilespmem:$0x1E400] =	vst v63  }
0x35: {  	p0 =	sne.s32 s28, $0x4800;
	_ =	swait.ge [sflag:s19], $0x4000  }
0x36: {  	[sflag:s19] =	ssyncset.done $0x0  }
0x37: {  	s28 =	sadd.s32 $0x15000, s26;
	[sflag:s19] =	ssyncadd.s32 $0xFFFFC000  }
0x38: {  	[spmem:s2] =	stream.indirect.scatter.add.f32 [tilespmem:s17], [sflag:$0x3], $0x80, s28, s16, $0xb8;
	[tilespmem:$0x1E400] =	vst v63  }
0x39: {  	_ =	swait.ge [sflag:s13], $0x4000  }
0x3a: {  	[sflag:s13] =	ssyncset.done $0x0  }
0x3b: {  	s28 =	sadd.s32 $0x13D00, s26;
	[sflag:s13] =	ssyncadd.s32 $0xFFFFC000  }
0x3c: {  	[tilespmem:s17], [sflag:$0x1] =	stream.indirect.gather [hbm4b:s4+s16], $0x80, s28, s16, $0xb8;
	[tilespmem:$0x1E400] =	vst v63  }
0x3d: {  	_ =	swait.ge [sflag:s20], $0x4000  }
.Ltmp0:
0x3e: {  	[sflag:s20] =	ssyncset.done $0x0;
	(pc) =	sbr.rel @p0 .LBB2_2-.Ltmp0, $4  }
0x3f: {  	s26 =	sadd.s32 $0x15080, s26;
	[sflag:s20] =	ssyncadd.s32 $0xFFFFC000  }
0x40: {  	[spmem:s2] =	stream.indirect.scatter.add.f32 [tilespmem:s18], [sflag:$0x3], $0x80, s26, s16, $0xb8;
	[tilespmem:$0x1E400] =	vst v63  }
0x41: {  	_ =	swait.ge [sflag:s13], $0x4000  }
0x42: {  	s28 =	smov.u32 s31;
	s26 =	sshra.s32 s30, $0x2;
	[sflag:s13] =	ssyncset.done $0x0  }
0x43: {  	s28 =	sadd.s32 $0x13C80, s26;
	[sflag:s13] =	ssyncadd.s32 $0xFFFFC000  }
0x44: {  	[tilespmem:s18], [sflag:$0x2] =	stream.indirect.gather [hbm4b:s4+s16], $0x80, s28, s16, $0xb8;
	[tilespmem:$0x1E400] =	vst v63  }
0x45: {  	_ =	swait.ge [sflag:s19], $0x4000  }
0x46: {  	[sflag:s19] =	ssyncset.done $0x0  }
0x47: {  	s28 =	sadd.s32 $0x15000, s26;
	[sflag:s19] =	ssyncadd.s32 $0xFFFFC000  }
0x48: {  	[spmem:s2] =	stream.indirect.scatter.add.f32 [tilespmem:s17], [sflag:$0x3], $0x80, s28, s16, $0xb8;
	[tilespmem:$0x1E400] =	vst v63  }
0x49: {  	_ =	swait.ge [sflag:s13], $0x4000  }
0x4a: {  	[sflag:s13] =	ssyncset.done $0x0  }
0x4b: {  	s28 =	sadd.s32 $0x13D00, s26;
	[sflag:s13] =	ssyncadd.s32 $0xFFFFC000  }
0x4c: {  	[tilespmem:s17], [sflag:$0x1] =	stream.indirect.gather [hbm4b:s4+s16], $0x80, s28, s16, $0xb8;
	[tilespmem:$0x1E400] =	vst v63  }
0x4d: {  	_ =	swait.ge [sflag:s20], $0x4000  }
0x4e: {  	[sflag:s20] =	ssyncset.done $0x0  }
0x4f: {  	s29 =	sadd.s32 $0x15080, s26;
	[sflag:s20] =	ssyncadd.s32 $0xFFFFC000  }
0x50: {  	[spmem:s2] =	stream.indirect.scatter.add.f32 [tilespmem:s18], [sflag:$0x3], $0x80, s29, s16, $0xb8;
	[tilespmem:$0x1E400] =	vst v63  }
0x51: {  	_ =	swait.ge [sflag:s13], $0x4000  }
0x52: {  	[sflag:s13] =	ssyncset.done $0x0  }
0x53: {  	[sflag:s13] =	ssyncadd.s32 $0xFFFFC000  }
0x54: {  	[tilespmem:s18], [sflag:$0x2] =	stream.indirect.gather [hbm4b:s4+s16], $0x80, s21, s16, $0xb8;
	[tilespmem:$0x1E400] =	vst v63  }
0x55: {  	_ =	swait.ge [sflag:s19], $0x4000  }
0x56: {  	[sflag:s19] =	ssyncset.done $0x0  }
0x57: {  	[sflag:s19] =	ssyncadd.s32 $0xFFFFC000  }
0x58: {  	[spmem:s2] =	stream.indirect.scatter.add.f32 [tilespmem:s17], [sflag:$0x3], $0x80, s22, s16, $0xb8;
	[tilespmem:$0x1E400] =	vst v63  }
0x59: {  	_ =	swait.ge [sflag:s13], $0x4000  }
0x5a: {  	[sflag:s13] =	ssyncset.done $0x0  }
0x5b: {  	[sflag:s13] =	ssyncadd.s32 $0xFFFFC000  }
0x5c: {  	_ =	swait.ge [sflag:s20], $0x4000  }
0x5d: {  	[sflag:s20] =	ssyncset.done $0x0  }
0x5e: {  	[sflag:s20] =	ssyncadd.s32 $0xFFFFC000  }
0x5f: {  	[spmem:s2] =	stream.indirect.scatter.add.f32 [tilespmem:s18], [sflag:$0x3], $0x80, s23, s16, $0xb8;
	[tilespmem:$0x1E400] =	vst v63  }
0x60: {  	_ =	swait.ge [sflag:s13], $0x4000  }
0x61: {  	[sflag:s13] =	ssyncset.done $0x0  }
0x62: {  	s30 =	simm.s32 $0x0;
	[sflag:s13] =	ssyncadd.s32 $0xFFFFC000  }
0x63: {  	[tilespmem:s14], [sflag:$0x3] =	stream.linear.gather [hbm4b:s9+s30], $0x1400, $0x38;
	[tilespmem:$0x1E400] =	vst v63  }
0x64: {  	_ =	swait.ge [sflag:s13], $0x1400  }
0x65: {  	[sflag:s13] =	ssyncset.done $0x0  }
0x66: {  	[sflag:s13] =	ssyncadd.s32 $0xFFFFEC00  }
0x67: {  	[tilespmem:s15], [sflag:$0x3] =	stream.linear.gather [hbm4b:s10+s30], $0x1400, $0x38;
	[tilespmem:$0x1E400] =	vst v63  }
0x68: {  	_ =	swait.ge [sflag:s13], $0x1400  }
0x69: {  	[sflag:s13] =	ssyncset.done $0x0  }
0x6a: {  	[sflag:s13] =	ssyncadd.s32 $0xFFFFEC00  }
0x6b: {  	[tilespmem:s17], [sflag:$0x1] =	stream.indirect.gather [hbm4b:s4+s16], $0x80, s14, s16, $0xb8;
	[tilespmem:$0x1E400] =	vst v63  }
0x6c: {  	s31 =	simm.s32 $0x13C80  }
0x6d: {  	[tilespmem:s18], [sflag:$0x2] =	stream.indirect.gather [hbm4b:s4+s16], $0x80, s31, s16, $0xb8;
	[tilespmem:$0x1E400] =	vst v63  }
0x6e: {  	_ =	swait.ge [sflag:s19], $0x4000  }
0x6f: {  	[sflag:s19] =	ssyncset.done $0x0  }
0x70: {  	s29 =	simm.s32 $0x15000;
	[sflag:s19] =	ssyncadd.s32 $0xFFFFC000  }
0x71: {  	[spmem:s2] =	stream.indirect.scatter.add.f32 [tilespmem:s17], [sflag:$0x3], $0x80, s29, s16, $0xb8;
	[tilespmem:$0x1E400] =	vst v63  }
0x72: {  	_ =	swait.ge [sflag:s13], $0x4000  }
0x73: {  	[sflag:s13] =	ssyncset.done $0x0  }
0x74: {  	s30 =	simm.s32 $0x13D00;
	[sflag:s13] =	ssyncadd.s32 $0xFFFFC000  }
0x75: {  	[tilespmem:s17], [sflag:$0x1] =	stream.indirect.gather [hbm4b:s4+s16], $0x80, s30, s16, $0xb8;
	[tilespmem:$0x1E400] =	vst v63  }
0x76: {  	_ =	swait.ge [sflag:s20], $0x4000  }
0x77: {  	[sflag:s20] =	ssyncset.done $0x0  }
0x78: {  	s31 =	simm.s32 $0x15080;
	[sflag:s20] =	ssyncadd.s32 $0xFFFFC000  }
0x79: {  	[spmem:s2] =	stream.indirect.scatter.add.f32 [tilespmem:s18], [sflag:$0x3], $0x80, s31, s16, $0xb8;
	[tilespmem:$0x1E400] =	vst v63  }
0x7a: {  	_ =	swait.ge [sflag:s13], $0x4000  }
0x7b: {  	s26 =	simm.s32 $0x100;
	s28 =	simm.s32 $0x800;
	[sflag:s13] =	ssyncset.done $0x0  }
.LBB2_4:
0x7c: {  	s29 =	sadd.s32 $0x13C80, s26  }
0x7d: {  	[sflag:s13] =	ssyncadd.s32 $0xFFFFC000;
	s30 =	smov.u32 s28;
	s31 =	sadd.s32 $0x400, s28  }
0x7e: {  	[tilespmem:s18], [sflag:$0x2] =	stream.indirect.gather [hbm4b:s4+s16], $0x80, s29, s16, $0xb8;
	[tilespmem:$0x1E400] =	vst v63  }
0x7f: {  	p0 =	sne.s32 s28, $0x4800;
	_ =	swait.ge [sflag:s19], $0x4000  }
0x80: {  	[sflag:s19] =	ssyncset.done $0x0  }
0x81: {  	s28 =	sadd.s32 $0x15000, s26;
	[sflag:s19] =	ssyncadd.s32 $0xFFFFC000  }
0x82: {  	[spmem:s2] =	stream.indirect.scatter.add.f32 [tilespmem:s17], [sflag:$0x3], $0x80, s28, s16, $0xb8;
	[tilespmem:$0x1E400] =	vst v63  }
0x83: {  	_ =	swait.ge [sflag:s13], $0x4000  }
0x84: {  	[sflag:s13] =	ssyncset.done $0x0  }
0x85: {  	s28 =	sadd.s32 $0x13D00, s26;
	[sflag:s13] =	ssyncadd.s32 $0xFFFFC000  }
0x86: {  	[tilespmem:s17], [sflag:$0x1] =	stream.indirect.gather [hbm4b:s4+s16], $0x80, s28, s16, $0xb8;
	[tilespmem:$0x1E400] =	vst v63  }
0x87: {  	_ =	swait.ge [sflag:s20], $0x4000  }
.Ltmp1:
0x88: {  	[sflag:s20] =	ssyncset.done $0x0;
	(pc) =	sbr.rel @p0 .LBB2_4-.Ltmp1, $4  }
0x89: {  	s26 =	sadd.s32 $0x15080, s26;
	[sflag:s20] =	ssyncadd.s32 $0xFFFFC000  }
0x8a: {  	[spmem:s2] =	stream.indirect.scatter.add.f32 [tilespmem:s18], [sflag:$0x3], $0x80, s26, s16, $0xb8;
	[tilespmem:$0x1E400] =	vst v63  }
0x8b: {  	_ =	swait.ge [sflag:s13], $0x4000  }
0x8c: {  	s28 =	smov.u32 s31;
	s26 =	sshra.s32 s30, $0x2;
	[sflag:s13] =	ssyncset.done $0x0  }
0x8d: {  	s28 =	sadd.s32 $0x13C80, s26;
	[sflag:s13] =	ssyncadd.s32 $0xFFFFC000  }
0x8e: {  	[tilespmem:s18], [sflag:$0x2] =	stream.indirect.gather [hbm4b:s4+s16], $0x80, s28, s16, $0xb8;
	[tilespmem:$0x1E400] =	vst v63  }
0x8f: {  	_ =	swait.ge [sflag:s19], $0x4000  }
0x90: {  	[sflag:s19] =	ssyncset.done $0x0  }
0x91: {  	s29 =	sadd.s32 $0x15000, s26;
	[sflag:s19] =	ssyncadd.s32 $0xFFFFC000  }
0x92: {  	[spmem:s2] =	stream.indirect.scatter.add.f32 [tilespmem:s17], [sflag:$0x3], $0x80, s29, s16, $0xb8;
	[tilespmem:$0x1E400] =	vst v63  }
0x93: {  	_ =	swait.ge [sflag:s13], $0x4000  }
0x94: {  	[sflag:s13] =	ssyncset.done $0x0  }
0x95: {  	s30 =	sadd.s32 $0x13D00, s26;
	[sflag:s13] =	ssyncadd.s32 $0xFFFFC000  }
0x96: {  	[tilespmem:s17], [sflag:$0x1] =	stream.indirect.gather [hbm4b:s4+s16], $0x80, s30, s16, $0xb8;
	[tilespmem:$0x1E400] =	vst v63  }
0x97: {  	_ =	swait.ge [sflag:s20], $0x4000  }
0x98: {  	[sflag:s20] =	ssyncset.done $0x0  }
0x99: {  	s31 =	sadd.s32 $0x15080, s26;
	[sflag:s20] =	ssyncadd.s32 $0xFFFFC000  }
0x9a: {  	[spmem:s2] =	stream.indirect.scatter.add.f32 [tilespmem:s18], [sflag:$0x3], $0x80, s31, s16, $0xb8;
	[tilespmem:$0x1E400] =	vst v63  }
0x9b: {  	_ =	swait.ge [sflag:s13], $0x4000  }
0x9c: {  	[sflag:s13] =	ssyncset.done $0x0  }
0x9d: {  	[sflag:s13] =	ssyncadd.s32 $0xFFFFC000  }
0x9e: {  	[tilespmem:s18], [sflag:$0x2] =	stream.indirect.gather [hbm4b:s4+s16], $0x80, s21, s16, $0xb8;
	[tilespmem:$0x1E400] =	vst v63  }
0x9f: {  	_ =	swait.ge [sflag:s19], $0x4000  }
0xa0: {  	[sflag:s19] =	ssyncset.done $0x0  }
0xa1: {  	[sflag:s19] =	ssyncadd.s32 $0xFFFFC000  }
0xa2: {  	[spmem:s2] =	stream.indirect.scatter.add.f32 [tilespmem:s17], [sflag:$0x3], $0x80, s22, s16, $0xb8;
	[tilespmem:$0x1E400] =	vst v63  }
0xa3: {  	_ =	swait.ge [sflag:s13], $0x4000  }
0xa4: {  	[sflag:s13] =	ssyncset.done $0x0  }
0xa5: {  	[sflag:s13] =	ssyncadd.s32 $0xFFFFC000  }
0xa6: {  	_ =	swait.ge [sflag:s20], $0x4000  }
0xa7: {  	[sflag:s20] =	ssyncset.done $0x0  }
0xa8: {  	[sflag:s20] =	ssyncadd.s32 $0xFFFFC000  }
0xa9: {  	[spmem:s2] =	stream.indirect.scatter.add.f32 [tilespmem:s18], [sflag:$0x3], $0x80, s23, s16, $0xb8;
	[tilespmem:$0x1E400] =	vst v63  }
0xaa: {  	_ =	swait.ge [sflag:s13], $0x4000  }
0xab: {  	s25 =	sadd.s32 $0x1, s25;
	[sflag:s13] =	ssyncset.done $0x0  }
0xac: {  	p0 =	sne.s32 s25, s11;
	[sflag:s13] =	ssyncadd.s32 $0xFFFFC000  }
.Ltmp2:
0xad: {  	[bflag:$0x0] =	sbarrier.arrive $0xFFFF;
	(pc) =	sbr.rel @p0 .LBB2_1-.Ltmp2, $4  }
0xae: {  	[hbm:s24], [sflag:s6] =	dma.local [spmem:s12], $0x2780  }
0xaf: {  	_ =	swait.ge [sflag:s13], $0x2780  }
0xb0: {  	[sflag:s13] =	ssyncset.done $0x0  }
0xb1: {  	[sflag:s13] =	ssyncadd.s32 $0xFFFFD880  }
0xb2: {  	_ =	sfence.sel $0x180000  }
0xb3: {  	[bflag:$0x0] =	sbarrier.arrive $0xFFFF  }
0xb4: {  	p0 =	sne.s32 s1, $0x0;
	_ =	strace $0x9000004A  }
0xb5: {  	s0 =	sadd.s32 @!p0 $0x100000, s0;
	[bflag:$0x2] =	sbarrier.arrive $0xFFFF  }
0xb6: {  	[sflag:s0] =	ssyncadd.tile.s32 @!p0 $0x1;
	_ =	shalt  }
.Lfunc_end2:
_tile_overlayer_lowered:
.L_overlay_start_2:
0xb7: {  	(tag) =	ssettag $0x2  }
0xb8: {  	s0 =	rddreg [dreg:$0x0];
	s2 =	stileid.u32  }
0xb9: {  	s1 =	rddreg [dreg:$0x1];
	p0 =	sne.s32 s2, $0x0  }
0xba: {  	s3 =	rddreg [dreg:$0x2];
	[bflag:$0x3] =	sbarrier.arrive $0xFFFF;
	s2 =	simm.s32 @!p0 $0x1C03  }
0xbb: {  	[timem:s3], [sflag:s2] =	dma.local @!p0 [hbm:s0], s1  }
0xbc: {  	s0 =	simm.s32 @!p0 $0x3  }
0xbd: {  	_ =	swait.ge @!p0 [sflag:s0], s1  }
0xbe: {  	s1 =	ssub.s32 @!p0 $0x0, s1;
	[sflag:s0] =	ssyncset.done @!p0 $0x0  }
0xbf: {  	[sflag:s0] =	ssyncadd.s32 @!p0 s1  }
0xc0: {  	[bflag:$0x3] =	sbarrier.arrive $0xFFFF  }
0xc1: {  	_ =	shalt  }

// kernel: kernel.18.cloned.1.call-start
scs
__scs_entry_jumppad:
0x0: {  	(pc) =	sbr.rel $0x88, $3  }
0x1: {  	(tag) =	ssettag $0x0;
	lr =	simm.s32 $0x1  }
0x2: {  	[smem:$0x3F86] =	sst lr;
	_ =	strace $0xD0000000  }
0x3: {  	_ = 	snop  }
0x4: {  	_ = 	snop  }
0x5: {  	_ = 	snop  }
0x6: {  	_ = 	snop  }
0x7: {  	_ = 	snop  }
__scs_overlays_trampoline_lowered:
0x8: {  	[smem:$0x3F95] =	sst s0  }
0x9: {  	[smem:$0x3F96] =	sst s1  }
0xa: {  	[smem:$0x3F97] =	sst s2  }
0xb: {  	[smem:$0x3F98] =	sst s3  }
0xc: {  	[smem:$0x3F99] =	sst s4  }
0xd: {  	[smem:$0x3F9A] =	sst s5  }
0xe: {  	[smem:$0x3F9B] =	sst s6  }
0xf: {  	[smem:$0x3F9C] =	sst s7  }
0x10: {  	[smem:$0x3F9D] =	sst s8  }
0x11: {  	[smem:$0x3F9E] =	sst s9;
	s0 =	simm.s32 @!p0 $0x0  }
0x12: {  	s1 =	sld [smem:$0x3F84];
	s0 =	simm.s32 @p0 $0x1  }
0x13: {  	[smem:$0x3F9F] =	sst s0;
	s0 =	simm.s32 @!p1 $0x0  }
0x14: {  	s2 =	sld [smem:$0x3F83];
	s0 =	simm.s32 @p1 $0x1  }
0x15: {  	[smem:$0x3FA0] =	sst s0;
	s0 =	simm.s32 @!p2 $0x0  }
0x16: {  	s3 =	sld [smem:$0x3FDB];
	s0 =	simm.s32 @p2 $0x1  }
0x17: {  	s4 =	simm.s32 $0x1BF5;
	[smem:$0x3FA2] =	sst s0  }
0x18: {  	s0 =	sld [smem:$0x3F85];
	_ =	swait.ge [sflag:s4], $0x0  }
0x19: {  	s7 =	sld [smem:$0x3F86]  }
0x1a: {  	s8 =	sadd.s32 $0xFFFFE003, lr  }
0x1b: {  	s9 =	sadd.s32 $0xFFFFFEF7, lr;
	s5 =	simm.s32 $0xFFFFFFFF;
	p2 =	slt.u32 s8, $0xFFFFF086  }
0x1c: {  	p1 =	slt.u32 s9, $0xF7A;
	s5 =	simm.s32 @!p2 $0x0  }
0x1d: {  	s5 =	simm.s32 @p1 $0x1;
	p0 =	seq.s32 s7, s2  }
0x1e: {  	s7 =	smul.u32 @!p0 $0xF7A, s2;
	p2 =	seq.s32 @!p0 s5, $0x0  }
0x1f: {  	s9 =	smul.u32 $0xF7A, s1;
	s8 =	simm.s32 @!p0 $0x1BF5;
	p2 =	por !p2, p0  }
0x20: {  	[sflag:s8] =	ssyncset.s32 @!p0 $0xFFFFF086;
	s6 =	sadd.s32 @!p0 s3, s7;
	s7 =	simm.s32 @!p0 $0x108  }
0x21: {  	s3 =	sadd.s32 s3, s9;
	s6 =	sadd.s32 @!p0 $0x88, s6;
	s7 =	simm.s32 @p2 $0x1082  }
0x22: {  	[simem:s7], [sflag:s8] =	dma.local @!p0 [hbm:s6], $0xF7A  }
0x23: {  	s9 =	sor.u32 $0xD0000000, s2;
	s6 =	simm.s32 $0x108;
	_ =	swait.ge @!p0 [sflag:s8], $0x0  }
0x24: {  	s3 =	sadd.s32 $0x88, s3;
	s6 =	simm.s32 @!p1 $0x1082;
	[sflag:s4] =	ssyncset.s32 $0xFFFFF086  }
0x25: {  	[simem:s6], [sflag:s4] =	dma.local [hbm:s3], $0xF7A  }
0x26: {  	[smem:$0x3F86] =	sst s1;
	(tag) =	ssettag s2;
	_ =	strace s9  }
0x27: {  	s1 =	sld [smem:$0x3F96]  }
0x28: {  	s2 =	sld [smem:$0x3F97]  }
0x29: {  	s4 =	sld [smem:$0x3F99]  }
0x2a: {  	p0 =	seq.s32 s5, $0x0;
	s5 =	sld [smem:$0x3F9A]  }
0x2b: {  	s6 =	sld [smem:$0x3F9B]  }
0x2c: {  	s7 =	sld [smem:$0x3F9C]  }
0x2d: {  	s3 =	simm.s32 $0x108;
	s8 =	sld [smem:$0x3F9D]  }
0x2e: {  	s3 =	simm.s32 @!p0 $0x1082;
	s9 =	sld [smem:$0x3F9E]  }
0x2f: {  	lr =	sadd.s32 s0, s3;
	s0 =	sld [smem:$0x3F95]  }
0x30: {  	s3 =	sld [smem:$0x3F98]  }
0x31: {  	[smem:$0x3FA1] =	sst s10  }
0x32: {  	s10 =	sld [smem:$0x3F9F];
	_ =	sdelay $0x3  }
0x33: {  	p0 =	seq.s32 s10, $0x1;
	s10 =	sld [smem:$0x3FA1];
	_ =	sdelay $0x3  }
0x34: {  	[smem:$0x3FA1] =	sst s10  }
0x35: {  	s10 =	sld [smem:$0x3FA0];
	_ =	sdelay $0x3  }
0x36: {  	p1 =	seq.s32 s10, $0x1;
	s10 =	sld [smem:$0x3FA1];
	_ =	sdelay $0x3  }
0x37: {  	[smem:$0x3FA1] =	sst s10  }
0x38: {  	s10 =	sld [smem:$0x3FA2]  }
0x39: {  	_ = 	snop;
	(pc) =	sbr.ind lr, $3  }
0x3a: {  	_ = 	snop  }
0x3b: {  	_ = 	snop  }
0x3c: {  	p2 =	seq.s32 s10, $0x1;
	s10 =	sld [smem:$0x3FA1]  }
0x3d: {  	_ =	shalt  }
0x3e: {  	_ =	shalt  }
0x3f: {  	_ =	shalt  }
0x40: {  	_ =	shalt  }
0x41: {  	_ =	shalt  }
0x42: {  	_ =	shalt  }
0x43: {  	_ =	shalt  }
0x44: {  	_ =	shalt  }
0x45: {  	_ =	shalt  }
0x46: {  	_ =	shalt  }
0x47: {  	_ =	shalt  }
0x48: {  	_ =	shalt  }
0x49: {  	_ =	shalt  }
0x4a: {  	_ =	shalt  }
0x4b: {  	_ =	shalt  }
0x4c: {  	_ =	shalt  }
0x4d: {  	_ =	shalt  }
0x4e: {  	_ =	shalt  }
0x4f: {  	_ =	shalt  }
0x50: {  	_ =	shalt  }
0x51: {  	_ =	shalt  }
0x52: {  	_ =	shalt  }
0x53: {  	_ =	shalt  }
0x54: {  	_ =	shalt  }
0x55: {  	_ =	shalt  }
0x56: {  	_ =	shalt  }
0x57: {  	_ =	shalt  }
0x58: {  	_ =	shalt  }
0x59: {  	_ =	shalt  }
0x5a: {  	_ =	shalt  }
0x5b: {  	_ =	shalt  }
0x5c: {  	_ =	shalt  }
0x5d: {  	_ =	shalt  }
0x5e: {  	_ =	shalt  }
0x5f: {  	_ =	shalt  }
0x60: {  	_ =	shalt  }
0x61: {  	_ =	shalt  }
0x62: {  	_ =	shalt  }
0x63: {  	_ =	shalt  }
0x64: {  	_ =	shalt  }
0x65: {  	_ =	shalt  }
0x66: {  	_ =	shalt  }
0x67: {  	_ =	shalt  }
0x68: {  	_ =	shalt  }
0x69: {  	_ =	shalt  }
0x6a: {  	_ =	shalt  }
0x6b: {  	_ =	shalt  }
0x6c: {  	_ =	shalt  }
0x6d: {  	_ =	shalt  }
0x6e: {  	_ =	shalt  }
0x6f: {  	_ =	shalt  }
0x70: {  	_ =	shalt  }
0x71: {  	_ =	shalt  }
0x72: {  	_ =	shalt  }
0x73: {  	_ =	shalt  }
0x74: {  	_ =	shalt  }
0x75: {  	_ =	shalt  }
0x76: {  	_ =	shalt  }
0x77: {  	_ =	shalt  }
0x78: {  	_ =	shalt  }
0x79: {  	_ =	shalt  }
0x7a: {  	_ =	shalt  }
0x7b: {  	_ =	shalt  }
0x7c: {  	_ =	shalt  }
0x7d: {  	_ =	shalt  }
0x7e: {  	_ =	shalt  }
0x7f: {  	_ =	shalt  }
0x80: {  	_ =	shalt  }
0x81: {  	_ =	shalt  }
0x82: {  	_ =	shalt  }
0x83: {  	_ =	shalt  }
0x84: {  	_ =	shalt  }
0x85: {  	_ =	shalt  }
0x86: {  	_ =	shalt  }
0x87: {  	_ =	shalt  }
.Lfunc_end0:
.L_simem_size_0:
called_computation.2_lowered:
.L_overlay_start_0:
0x88: {  	s2 =	sld [smem:$0x3FD9]  }
0x89: {  	s3 =	sld [smem:$0x3FFE];
	_ =	sdelay $0x1  }
0x8a: {  	s1 =	srdreg.scid  }
0x8b: {  	s0 =	sand.u32 $0x1, s1  }
0x8c: {  	s16 =	sshll.u32 s0, $0xA;
	s2 =	sadd.s32 s3, s2  }
0x8d: {  	s2 =	sadd.s32 s2, s16  }
0x8e: {  	[smem:$0x3FAD] =	sst s2  }
0x8f: {  	_ = 	snop  }
0x90: {  	(tm) =	ssettm $0x1  }
0x91: {  	s17 =	sld [smem:$0x3FFB];
	_ =	sdelay $0x3  }
0x92: {  	_ =	strace s17  }
0x93: {  	s2 =	sld [smem:$0x3FFC];
	_ =	sdelay $0x3  }
0x94: {  	_ =	strace s2  }
0x95: {  	s2 =	sld [smem:$0x3FFD];
	_ =	sdelay $0x3  }
0x96: {  	_ =	strace s2  }
0x97: {  	_ =	strace $0x8FFFFFFF  }
0x98: {  	s18 =	sld [smem:$0x3FDB];
	_ =	sdelay $0x1  }
0x99: {  	s19 =	simm.s32 $_scs_section_size  }
0x9a: {  	s4 =	simm.s32 $_size__tile_overlayer_lowered;
	s5 =	simm.s32 $_tile_overlayer_lowered  }
0x9b: {  	s22 =	simm.s32 $0x1BFF;
	s21 =	sshll.u32 s5, $0x1;
	s2 =	sadd.s32 s19, s18  }
0x9c: {  	s6 =	simm.s32 $0x0;
	s20 =	sshll.u32 s4, $0x1;
	s4 =	sadd.s32 s21, s2  }
0x9d: {  	[timem:s6], [sflag:s22] =	dma.local [hbm:s4], s20  }
0x9e: {  	_ =	swait.ge [sflag:s22], s20  }
0x9f: {  	s3 =	ssub.s32 $0x0, s20;
	[sflag:s22] =	ssyncset.done $0x0  }
0xa0: {  	[sflag:s22] =	ssyncadd.s32 s3;
	_ =	sdelay $0x1  }
0xa1: {  	s23 =	simm.s32 $0x1B8B  }
0xa2: {  	_ =	swait.ge [sflag:s23], $0x1  }
0xa3: {  	[sflag:s23] =	ssyncset.done $0x0  }
0xa4: {  	s25 =	simm.s32 $0x1B8E;
	s24 =	sld [smem:$0x3FFE];
	[sflag:s23] =	ssyncadd.s32 $0xFFFFFFFF  }
0xa5: {  	s26 =	simm.s32 $execute0_lowered;
	[smem:$0x3FD2] =	sst s25  }
0xa6: {  	s4 =	sshll.u32 s26, $0x1;
	_ =	strace $0x8000004C;
	[dreg:$0x1] =	wrdreg $0xFFFFFFFF  }
0xa7: {  	s28 =	simm.s32 $_size_execute0_lowered;
	s2 =	sadd.s32 s2, s4;
	[dreg:$0x0] =	wrdreg $0x0  }
0xa8: {  	s4 =	sshll.u32 s28, $0x1;
	[dreg:$0x2] =	wrdreg s2  }
0xa9: {  	[dreg:$0x3] =	wrdreg s4  }
0xaa: {  	[dreg:$0x4] =	wrdreg $0xC0  }
0xab: {  	_ =	task [dreg:s6], $0x5FFFF  }
0xac: {  	[dreg:$0x1] =	wrdreg $0xFFFFFFFF  }
0xad: {  	[dreg:$0x0] =	wrdreg $0x60  }
0xae: {  	[dreg:$0x2] =	wrdreg s24  }
0xaf: {  	[dreg:$0x3] =	wrdreg $0x0  }
0xb0: {  	[dreg:$0x4] =	wrdreg $0x9  }
0xb1: {  	_ =	task.clear_ibuf [dreg:s6], $0x5FFFF;
	_ =	strace $0x9000004C  }
0xb2: {  	s29 =	simm.s32 $0x9;
	_ =	strace $0x8000004E  }
0xb3: {  	_ =	swait.ge [sflag:s29], $0x1  }
0xb4: {  	[sflag:s29] =	ssyncadd.s32 $0xFFFFFFFF  }
0xb5: {  	_ =	strace $0x9000004E  }
0xb6: {  	_ =	sfence  }
0xb7: {  	s30 =	sld [smem:$0x0];
	_ =	sdelay $0x2  }
0xb8: {  	s31 =	sshll.u32 s1, $0xD;
	s1 =	sshrl.u32 s1, $0x2  }
0xb9: {  	s3 =	sand.u32 $0x4000, s31;
	s1 =	sadd.s32 s1, s30  }
0xba: {  	s0 =	sor.u32 s3, s0;
	s1 =	sshll.u32 s1, $0x11  }
0xbb: {  	s0 =	sor.u32 s1, s0  }
0xbc: {  	s0 =	sadd.s32 $0x8F2B, s0  }
0xbd: {  	[sflag:s0] =	ssyncadd.remote.s32 $0x1  }
0xbe: {  	_ =	sfence.sel $0xFFFF  }
0xbf: {  	[dreg:$0x0] =	wrdreg $0xFFFFFFFF;
	(pc) =	sbr.abs _section_cstart, $3  }
0xc0: {  	[dreg:$0x1] =	wrdreg $0xFFFFFFFF  }
0xc1: {  	_ =	task.clear_ibuf [dreg:s6], $0x2FFFF;
	_ =	strace $0x9FFFFFFF  }
0xc2: {  	(tm) =	ssettm $0x7FFFFFFF  }
0xc3: {  	_ =	shalt  }
tec
execute0_lowered:
.L_overlay_start_1:
0x0: {  	(tag) =	ssettag $0x1  }
0x1: {  	s5 =	rddreg [dreg:$0x0]  }
0x2: {  	s2 =	rddreg [dreg:$0x1]  }
0x3: {  	s0 =	rddreg [dreg:$0x2]  }
0x4: {  	s3 =	simm.s32 $0x0;
	s1 =	stileid.u32;
	s6 =	srdreg.scid  }
0x5: {  	s16 =	simm.s32 $0x80;
	s17 =	simm.s32 $0x16400;
	s18 =	simm.s32 $0x1A400  }
0x6: {  	s19 =	simm.s32 $0x1;
	s20 =	simm.s32 $0x2;
	s21 =	simm.s32 $0x14F80  }
0x7: {  	s22 =	simm.s32 $0x16300;
	s23 =	simm.s32 $0x16380;
	[smem:$0x7FF] =	sst s3  }
0x8: {  	s24 =	smul.u32 $0x2780, s1;
	s4 =	sadd.s32 $0x1AA00, s5;
	s9 =	sadd.s32 $0x10A00, s5  }
0x9: {  	s6 =	sand.u32 $0x1, s6;
	s10 =	sadd.s32 $0x6A00, s5;
	s12 =	smul.u32 $0x4F000, s1  }
0xa: {  	s14 =	sshll.u32 s1, $0x6;
	_ =	strace $0x8000004D;
	s8 =	smul.u32 $0x27800, s6  }
0xb: {  	s11 =	ssub.s32 $0x2, s6;
	s6 =	sshll.u32 s6, $0x4;
	s7 =	sadd.s32 s24, s5  }
0xc: {  	s28 =	sshrl.u32 s11, $0x1;
	s6 =	sor.u32 s1, s6;
	s29 =	sshrl.u32 s12, $0x2  }
0xd: {  	s13 =	sadd.s32 s8, s5;
	s11 =	ssub.s32 s11, s28;
	s30 =	smul.u32 $0x2800, s6  }
0xe: {  	s12 =	sadd.s32 s29, s2;
	s15 =	smul.u32 $0x500, s6;
	s5 =	sadd.s32 $0x1A1400, s7  }
0xf: {  	s6 =	sor.u32 $0x1C03, s14;
	s25 =	sadd.s32 $0x1C8C00, s13;
	s11 =	smax.u32 s11, $0x1  }
0x10: {  	s12 =	sshrl.u32 s12, $0x3;
	s13 =	simm.s32 $0x3;
	s31 =	sshrl.u32 s30, $0x3  }
0x11: {  	s7 =	sadd.s32 s9, s15;
	s8 =	sadd.s32 s10, s15;
	s15 =	simm.s32 $0x15000  }
0x12: {  	s24 =	sadd.s32 s24, s25;
	s25 =	simm.s32 $0x0;
	s14 =	sadd.s32 $0x280, s31  }
0x13: {  	s9 =	sadd.s32 s9, s14;
	s10 =	sadd.s32 s10, s14;
	s14 =	simm.s32 $0x13C00  }
.LBB2_1:
0x14: {  	[spmem:s12], [sflag:s6] =	dma.local [hbm:s5], $0x2780  }
0x15: {  	_ =	swait.ge [sflag:s13], $0x2780  }
0x16: {  	[sflag:s13] =	ssyncset.done $0x0  }
0x17: {  	[sflag:s13] =	ssyncadd.s32 $0xFFFFD880  }
0x18: {  	[bflag:$0x0] =	sbarrier.arrive $0xFFFF  }
0x19: {  	[tilespmem:s14], [sflag:$0x3] =	stream.linear.gather [hbm4b:s7+s3], $0x1400, $0x38;
	[tilespmem:$0x1E400] =	vst v63  }
0x1a: {  	_ =	swait.ge [sflag:s13], $0x1400  }
0x1b: {  	[sflag:s13] =	ssyncset.done $0x0  }
0x1c: {  	[sflag:s13] =	ssyncadd.s32 $0xFFFFEC00  }
0x1d: {  	[tilespmem:s15], [sflag:$0x3] =	stream.linear.gather [hbm4b:s8+s3], $0x1400, $0x38;
	[tilespmem:$0x1E400] =	vst v63  }
0x1e: {  	_ =	swait.ge [sflag:s13], $0x1400  }
0x1f: {  	[sflag:s13] =	ssyncset.done $0x0  }
0x20: {  	[sflag:s13] =	ssyncadd.s32 $0xFFFFEC00  }
0x21: {  	[tilespmem:s17], [sflag:$0x1] =	stream.indirect.gather [hbm4b:s4+s16], $0x80, s14, s16, $0xb8;
	[tilespmem:$0x1E400] =	vst v63  }
0x22: {  	s26 =	simm.s32 $0x13C80  }
0x23: {  	[tilespmem:s18], [sflag:$0x2] =	stream.indirect.gather [hbm4b:s4+s16], $0x80, s26, s16, $0xb8;
	[tilespmem:$0x1E400] =	vst v63  }
0x24: {  	_ =	swait.ge [sflag:s19], $0x4000  }
0x25: {  	[sflag:s19] =	ssyncset.done $0x0  }
0x26: {  	s29 =	simm.s32 $0x15000;
	[sflag:s19] =	ssyncadd.s32 $0xFFFFC000  }
0x27: {  	[spmem:s2] =	stream.indirect.scatter.add.f32 [tilespmem:s17], [sflag:$0x3], $0x80, s29, s16, $0xb8;
	[tilespmem:$0x1E400] =	vst v63  }
0x28: {  	_ =	swait.ge [sflag:s13], $0x4000  }
0x29: {  	[sflag:s13] =	ssyncset.done $0x0  }
0x2a: {  	s30 =	simm.s32 $0x13D00;
	[sflag:s13] =	ssyncadd.s32 $0xFFFFC000  }
0x2b: {  	[tilespmem:s17], [sflag:$0x1] =	stream.indirect.gather [hbm4b:s4+s16], $0x80, s30, s16, $0xb8;
	[tilespmem:$0x1E400] =	vst v63  }
0x2c: {  	_ =	swait.ge [sflag:s20], $0x4000  }
0x2d: {  	[sflag:s20] =	ssyncset.done $0x0  }
0x2e: {  	s31 =	simm.s32 $0x15080;
	[sflag:s20] =	ssyncadd.s32 $0xFFFFC000  }
0x2f: {  	[spmem:s2] =	stream.indirect.scatter.add.f32 [tilespmem:s18], [sflag:$0x3], $0x80, s31, s16, $0xb8;
	[tilespmem:$0x1E400] =	vst v63  }
0x30: {  	_ =	swait.ge [sflag:s13], $0x4000  }
0x31: {  	s28 =	simm.s32 $0x800;
	s26 =	simm.s32 $0x100;
	[sflag:s13] =	ssyncset.done $0x0  }
.LBB2_2:
0x32: {  	s29 =	sadd.s32 $0x13C80, s26  }
0x33: {  	[sflag:s13] =	ssyncadd.s32 $0xFFFFC000;
	s30 =	smov.u32 s28;
	s31 =	sadd.s32 $0x400, s28  }
0x34: {  	[tilespmem:s18], [sflag:$0x2] =	stream.indirect.gather [hbm4b:s4+s16], $0x80, s29, s16, $0xb8;
	[tilespmem:$0x1E400] =	vst v63  }
0x35: {  	p0 =	sne.s32 s28, $0x4800;
	_ =	swait.ge [sflag:s19], $0x4000  }
0x36: {  	[sflag:s19] =	ssyncset.done $0x0  }
0x37: {  	s28 =	sadd.s32 $0x15000, s26;
	[sflag:s19] =	ssyncadd.s32 $0xFFFFC000  }
0x38: {  	[spmem:s2] =	stream.indirect.scatter.add.f32 [tilespmem:s17], [sflag:$0x3], $0x80, s28, s16, $0xb8;
	[tilespmem:$0x1E400] =	vst v63  }
0x39: {  	_ =	swait.ge [sflag:s13], $0x4000  }
0x3a: {  	[sflag:s13] =	ssyncset.done $0x0  }
0x3b: {  	s28 =	sadd.s32 $0x13D00, s26;
	[sflag:s13] =	ssyncadd.s32 $0xFFFFC000  }
0x3c: {  	[tilespmem:s17], [sflag:$0x1] =	stream.indirect.gather [hbm4b:s4+s16], $0x80, s28, s16, $0xb8;
	[tilespmem:$0x1E400] =	vst v63  }
0x3d: {  	_ =	swait.ge [sflag:s20], $0x4000  }
.Ltmp0:
0x3e: {  	[sflag:s20] =	ssyncset.done $0x0;
	(pc) =	sbr.rel @p0 .LBB2_2-.Ltmp0, $4  }
0x3f: {  	s26 =	sadd.s32 $0x15080, s26;
	[sflag:s20] =	ssyncadd.s32 $0xFFFFC000  }
0x40: {  	[spmem:s2] =	stream.indirect.scatter.add.f32 [tilespmem:s18], [sflag:$0x3], $0x80, s26, s16, $0xb8;
	[tilespmem:$0x1E400] =	vst v63  }
0x41: {  	_ =	swait.ge [sflag:s13], $0x4000  }
0x42: {  	s28 =	smov.u32 s31;
	s26 =	sshra.s32 s30, $0x2;
	[sflag:s13] =	ssyncset.done $0x0  }
0x43: {  	s28 =	sadd.s32 $0x13C80, s26;
	[sflag:s13] =	ssyncadd.s32 $0xFFFFC000  }
0x44: {  	[tilespmem:s18], [sflag:$0x2] =	stream.indirect.gather [hbm4b:s4+s16], $0x80, s28, s16, $0xb8;
	[tilespmem:$0x1E400] =	vst v63  }
0x45: {  	_ =	swait.ge [sflag:s19], $0x4000  }
0x46: {  	[sflag:s19] =	ssyncset.done $0x0  }
0x47: {  	s28 =	sadd.s32 $0x15000, s26;
	[sflag:s19] =	ssyncadd.s32 $0xFFFFC000  }
0x48: {  	[spmem:s2] =	stream.indirect.scatter.add.f32 [tilespmem:s17], [sflag:$0x3], $0x80, s28, s16, $0xb8;
	[tilespmem:$0x1E400] =	vst v63  }
0x49: {  	_ =	swait.ge [sflag:s13], $0x4000  }
0x4a: {  	[sflag:s13] =	ssyncset.done $0x0  }
0x4b: {  	s28 =	sadd.s32 $0x13D00, s26;
	[sflag:s13] =	ssyncadd.s32 $0xFFFFC000  }
0x4c: {  	[tilespmem:s17], [sflag:$0x1] =	stream.indirect.gather [hbm4b:s4+s16], $0x80, s28, s16, $0xb8;
	[tilespmem:$0x1E400] =	vst v63  }
0x4d: {  	_ =	swait.ge [sflag:s20], $0x4000  }
0x4e: {  	[sflag:s20] =	ssyncset.done $0x0  }
0x4f: {  	s29 =	sadd.s32 $0x15080, s26;
	[sflag:s20] =	ssyncadd.s32 $0xFFFFC000  }
0x50: {  	[spmem:s2] =	stream.indirect.scatter.add.f32 [tilespmem:s18], [sflag:$0x3], $0x80, s29, s16, $0xb8;
	[tilespmem:$0x1E400] =	vst v63  }
0x51: {  	_ =	swait.ge [sflag:s13], $0x4000  }
0x52: {  	[sflag:s13] =	ssyncset.done $0x0  }
0x53: {  	[sflag:s13] =	ssyncadd.s32 $0xFFFFC000  }
0x54: {  	[tilespmem:s18], [sflag:$0x2] =	stream.indirect.gather [hbm4b:s4+s16], $0x80, s21, s16, $0xb8;
	[tilespmem:$0x1E400] =	vst v63  }
0x55: {  	_ =	swait.ge [sflag:s19], $0x4000  }
0x56: {  	[sflag:s19] =	ssyncset.done $0x0  }
0x57: {  	[sflag:s19] =	ssyncadd.s32 $0xFFFFC000  }
0x58: {  	[spmem:s2] =	stream.indirect.scatter.add.f32 [tilespmem:s17], [sflag:$0x3], $0x80, s22, s16, $0xb8;
	[tilespmem:$0x1E400] =	vst v63  }
0x59: {  	_ =	swait.ge [sflag:s13], $0x4000  }
0x5a: {  	[sflag:s13] =	ssyncset.done $0x0  }
0x5b: {  	[sflag:s13] =	ssyncadd.s32 $0xFFFFC000  }
0x5c: {  	_ =	swait.ge [sflag:s20], $0x4000  }
0x5d: {  	[sflag:s20] =	ssyncset.done $0x0  }
0x5e: {  	[sflag:s20] =	ssyncadd.s32 $0xFFFFC000  }
0x5f: {  	[spmem:s2] =	stream.indirect.scatter.add.f32 [tilespmem:s18], [sflag:$0x3], $0x80, s23, s16, $0xb8;
	[tilespmem:$0x1E400] =	vst v63  }
0x60: {  	_ =	swait.ge [sflag:s13], $0x4000  }
0x61: {  	[sflag:s13] =	ssyncset.done $0x0  }
0x62: {  	s30 =	simm.s32 $0x0;
	[sflag:s13] =	ssyncadd.s32 $0xFFFFC000  }
0x63: {  	[tilespmem:s14], [sflag:$0x3] =	stream.linear.gather [hbm4b:s9+s30], $0x1400, $0x38;
	[tilespmem:$0x1E400] =	vst v63  }
0x64: {  	_ =	swait.ge [sflag:s13], $0x1400  }
0x65: {  	[sflag:s13] =	ssyncset.done $0x0  }
0x66: {  	[sflag:s13] =	ssyncadd.s32 $0xFFFFEC00  }
0x67: {  	[tilespmem:s15], [sflag:$0x3] =	stream.linear.gather [hbm4b:s10+s30], $0x1400, $0x38;
	[tilespmem:$0x1E400] =	vst v63  }
0x68: {  	_ =	swait.ge [sflag:s13], $0x1400  }
0x69: {  	[sflag:s13] =	ssyncset.done $0x0  }
0x6a: {  	[sflag:s13] =	ssyncadd.s32 $0xFFFFEC00  }
0x6b: {  	[tilespmem:s17], [sflag:$0x1] =	stream.indirect.gather [hbm4b:s4+s16], $0x80, s14, s16, $0xb8;
	[tilespmem:$0x1E400] =	vst v63  }
0x6c: {  	s31 =	simm.s32 $0x13C80  }
0x6d: {  	[tilespmem:s18], [sflag:$0x2] =	stream.indirect.gather [hbm4b:s4+s16], $0x80, s31, s16, $0xb8;
	[tilespmem:$0x1E400] =	vst v63  }
0x6e: {  	_ =	swait.ge [sflag:s19], $0x4000  }
0x6f: {  	[sflag:s19] =	ssyncset.done $0x0  }
0x70: {  	s29 =	simm.s32 $0x15000;
	[sflag:s19] =	ssyncadd.s32 $0xFFFFC000  }
0x71: {  	[spmem:s2] =	stream.indirect.scatter.add.f32 [tilespmem:s17], [sflag:$0x3], $0x80, s29, s16, $0xb8;
	[tilespmem:$0x1E400] =	vst v63  }
0x72: {  	_ =	swait.ge [sflag:s13], $0x4000  }
0x73: {  	[sflag:s13] =	ssyncset.done $0x0  }
0x74: {  	s30 =	simm.s32 $0x13D00;
	[sflag:s13] =	ssyncadd.s32 $0xFFFFC000  }
0x75: {  	[tilespmem:s17], [sflag:$0x1] =	stream.indirect.gather [hbm4b:s4+s16], $0x80, s30, s16, $0xb8;
	[tilespmem:$0x1E400] =	vst v63  }
0x76: {  	_ =	swait.ge [sflag:s20], $0x4000  }
0x77: {  	[sflag:s20] =	ssyncset.done $0x0  }
0x78: {  	s31 =	simm.s32 $0x15080;
	[sflag:s20] =	ssyncadd.s32 $0xFFFFC000  }
0x79: {  	[spmem:s2] =	stream.indirect.scatter.add.f32 [tilespmem:s18], [sflag:$0x3], $0x80, s31, s16, $0xb8;
	[tilespmem:$0x1E400] =	vst v63  }
0x7a: {  	_ =	swait.ge [sflag:s13], $0x4000  }
0x7b: {  	s26 =	simm.s32 $0x100;
	s28 =	simm.s32 $0x800;
	[sflag:s13] =	ssyncset.done $0x0  }
.LBB2_4:
0x7c: {  	s29 =	sadd.s32 $0x13C80, s26  }
0x7d: {  	[sflag:s13] =	ssyncadd.s32 $0xFFFFC000;
	s30 =	smov.u32 s28;
	s31 =	sadd.s32 $0x400, s28  }
0x7e: {  	[tilespmem:s18], [sflag:$0x2] =	stream.indirect.gather [hbm4b:s4+s16], $0x80, s29, s16, $0xb8;
	[tilespmem:$0x1E400] =	vst v63  }
0x7f: {  	p0 =	sne.s32 s28, $0x4800;
	_ =	swait.ge [sflag:s19], $0x4000  }
0x80: {  	[sflag:s19] =	ssyncset.done $0x0  }
0x81: {  	s28 =	sadd.s32 $0x15000, s26;
	[sflag:s19] =	ssyncadd.s32 $0xFFFFC000  }
0x82: {  	[spmem:s2] =	stream.indirect.scatter.add.f32 [tilespmem:s17], [sflag:$0x3], $0x80, s28, s16, $0xb8;
	[tilespmem:$0x1E400] =	vst v63  }
0x83: {  	_ =	swait.ge [sflag:s13], $0x4000  }
0x84: {  	[sflag:s13] =	ssyncset.done $0x0  }
0x85: {  	s28 =	sadd.s32 $0x13D00, s26;
	[sflag:s13] =	ssyncadd.s32 $0xFFFFC000  }
0x86: {  	[tilespmem:s17], [sflag:$0x1] =	stream.indirect.gather [hbm4b:s4+s16], $0x80, s28, s16, $0xb8;
	[tilespmem:$0x1E400] =	vst v63  }
0x87: {  	_ =	swait.ge [sflag:s20], $0x4000  }
.Ltmp1:
0x88: {  	[sflag:s20] =	ssyncset.done $0x0;
	(pc) =	sbr.rel @p0 .LBB2_4-.Ltmp1, $4  }
0x89: {  	s26 =	sadd.s32 $0x15080, s26;
	[sflag:s20] =	ssyncadd.s32 $0xFFFFC000  }
0x8a: {  	[spmem:s2] =	stream.indirect.scatter.add.f32 [tilespmem:s18], [sflag:$0x3], $0x80, s26, s16, $0xb8;
	[tilespmem:$0x1E400] =	vst v63  }
0x8b: {  	_ =	swait.ge [sflag:s13], $0x4000  }
0x8c: {  	s28 =	smov.u32 s31;
	s26 =	sshra.s32 s30, $0x2;
	[sflag:s13] =	ssyncset.done $0x0  }
0x8d: {  	s28 =	sadd.s32 $0x13C80, s26;
	[sflag:s13] =	ssyncadd.s32 $0xFFFFC000  }
0x8e: {  	[tilespmem:s18], [sflag:$0x2] =	stream.indirect.gather [hbm4b:s4+s16], $0x80, s28, s16, $0xb8;
	[tilespmem:$0x1E400] =	vst v63  }
0x8f: {  	_ =	swait.ge [sflag:s19], $0x4000  }
0x90: {  	[sflag:s19] =	ssyncset.done $0x0  }
0x91: {  	s29 =	sadd.s32 $0x15000, s26;
	[sflag:s19] =	ssyncadd.s32 $0xFFFFC000  }
0x92: {  	[spmem:s2] =	stream.indirect.scatter.add.f32 [tilespmem:s17], [sflag:$0x3], $0x80, s29, s16, $0xb8;
	[tilespmem:$0x1E400] =	vst v63  }
0x93: {  	_ =	swait.ge [sflag:s13], $0x4000  }
0x94: {  	[sflag:s13] =	ssyncset.done $0x0  }
0x95: {  	s30 =	sadd.s32 $0x13D00, s26;
	[sflag:s13] =	ssyncadd.s32 $0xFFFFC000  }
0x96: {  	[tilespmem:s17], [sflag:$0x1] =	stream.indirect.gather [hbm4b:s4+s16], $0x80, s30, s16, $0xb8;
	[tilespmem:$0x1E400] =	vst v63  }
0x97: {  	_ =	swait.ge [sflag:s20], $0x4000  }
0x98: {  	[sflag:s20] =	ssyncset.done $0x0  }
0x99: {  	s31 =	sadd.s32 $0x15080, s26;
	[sflag:s20] =	ssyncadd.s32 $0xFFFFC000  }
0x9a: {  	[spmem:s2] =	stream.indirect.scatter.add.f32 [tilespmem:s18], [sflag:$0x3], $0x80, s31, s16, $0xb8;
	[tilespmem:$0x1E400] =	vst v63  }
0x9b: {  	_ =	swait.ge [sflag:s13], $0x4000  }
0x9c: {  	[sflag:s13] =	ssyncset.done $0x0  }
0x9d: {  	[sflag:s13] =	ssyncadd.s32 $0xFFFFC000  }
0x9e: {  	[tilespmem:s18], [sflag:$0x2] =	stream.indirect.gather [hbm4b:s4+s16], $0x80, s21, s16, $0xb8;
	[tilespmem:$0x1E400] =	vst v63  }
0x9f: {  	_ =	swait.ge [sflag:s19], $0x4000  }
0xa0: {  	[sflag:s19] =	ssyncset.done $0x0  }
0xa1: {  	[sflag:s19] =	ssyncadd.s32 $0xFFFFC000  }
0xa2: {  	[spmem:s2] =	stream.indirect.scatter.add.f32 [tilespmem:s17], [sflag:$0x3], $0x80, s22, s16, $0xb8;
	[tilespmem:$0x1E400] =	vst v63  }
0xa3: {  	_ =	swait.ge [sflag:s13], $0x4000  }
0xa4: {  	[sflag:s13] =	ssyncset.done $0x0  }
0xa5: {  	[sflag:s13] =	ssyncadd.s32 $0xFFFFC000  }
0xa6: {  	_ =	swait.ge [sflag:s20], $0x4000  }
0xa7: {  	[sflag:s20] =	ssyncset.done $0x0  }
0xa8: {  	[sflag:s20] =	ssyncadd.s32 $0xFFFFC000  }
0xa9: {  	[spmem:s2] =	stream.indirect.scatter.add.f32 [tilespmem:s18], [sflag:$0x3], $0x80, s23, s16, $0xb8;
	[tilespmem:$0x1E400] =	vst v63  }
0xaa: {  	_ =	swait.ge [sflag:s13], $0x4000  }
0xab: {  	s25 =	sadd.s32 $0x1, s25;
	[sflag:s13] =	ssyncset.done $0x0  }
0xac: {  	p0 =	sne.s32 s25, s11;
	[sflag:s13] =	ssyncadd.s32 $0xFFFFC000  }
.Ltmp2:
0xad: {  	[bflag:$0x0] =	sbarrier.arrive $0xFFFF;
	(pc) =	sbr.rel @p0 .LBB2_1-.Ltmp2, $4  }
0xae: {  	[hbm:s24], [sflag:s6] =	dma.local [spmem:s12], $0x2780  }
0xaf: {  	_ =	swait.ge [sflag:s13], $0x2780  }
0xb0: {  	[sflag:s13] =	ssyncset.done $0x0  }
0xb1: {  	[sflag:s13] =	ssyncadd.s32 $0xFFFFD880  }
0xb2: {  	_ =	sfence.sel $0x180000  }
0xb3: {  	[bflag:$0x0] =	sbarrier.arrive $0xFFFF  }
0xb4: {  	p0 =	sne.s32 s1, $0x0;
	_ =	strace $0x9000004D  }
0xb5: {  	s0 =	sadd.s32 @!p0 $0x100000, s0;
	[bflag:$0x2] =	sbarrier.arrive $0xFFFF  }
0xb6: {  	[sflag:s0] =	ssyncadd.tile.s32 @!p0 $0x1;
	_ =	shalt  }
.Lfunc_end2:
_tile_overlayer_lowered:
.L_overlay_start_2:
0xb7: {  	(tag) =	ssettag $0x2  }
0xb8: {  	s0 =	rddreg [dreg:$0x0];
	s2 =	stileid.u32  }
0xb9: {  	s1 =	rddreg [dreg:$0x1];
	p0 =	sne.s32 s2, $0x0  }
0xba: {  	s3 =	rddreg [dreg:$0x2];
	[bflag:$0x3] =	sbarrier.arrive $0xFFFF;
	s2 =	simm.s32 @!p0 $0x1C03  }
0xbb: {  	[timem:s3], [sflag:s2] =	dma.local @!p0 [hbm:s0], s1  }
0xbc: {  	s0 =	simm.s32 @!p0 $0x3  }
0xbd: {  	_ =	swait.ge @!p0 [sflag:s0], s1  }
0xbe: {  	s1 =	ssub.s32 @!p0 $0x0, s1;
	[sflag:s0] =	ssyncset.done @!p0 $0x0  }
0xbf: {  	[sflag:s0] =	ssyncadd.s32 @!p0 s1  }
0xc0: {  	[bflag:$0x3] =	sbarrier.arrive $0xFFFF  }
0xc1: {  	_ =	shalt  }

</sc_bundles>
